<compile_context>
chip_gen: v7x
topology: tpu7x:2x2x1
jax: 0.10.2.dev20260603
libtpu: 0.0.44.dev20260713+nightly
codegen_flags: <defaults>
</compile_context>

<pallas_src>
import jax
import jax.numpy as jnp
from jax import lax
from jax.experimental import pallas as pl
from jax.experimental.pallas import tpu as pltpu
from jax.experimental.pallas import tpu_sc as plsc

N_KEYS = 100000
BATCH = 16384
NS = 16
NC = 2
KPT = 6272
NPAD = NS * KPT
QPT = BATCH // (NC * NS)
LOGM = 20
M = 1 << LOGM
HASH_MUL = -1640531527
NEG0 = -2147483648
FILLW = 16384
MAX_ROUNDS = 24


def _slot_of(hbits):
    return lax.shift_right_logical(hbits * HASH_MUL, 32 - LOGM)


def _hash_bits(h):
    return lax.convert_element_type(h * jnp.float32(1048576.0), jnp.int32)


def _scalar_total(vec):
    tot = jnp.int32(0)
    for l in range(16):
        tot = tot + vec[l]
    return tot


def _lookup_body(hk_hbm, hq_hbm, d_hbm, out_hbm,
                 neg1_v, hk_v, j_v, slot_v, won_v, wslot_v, rb_v,
                 cnt_v, cntall_v,
                 qh_v, qslot_v, qsl2_v, qj2_v, qgi2_v, qhg2_v, qbest_v, qout_v,
                 table_sh, cnt_sh):
    s = lax.axis_index("s")
    c = lax.axis_index("c")
    wid = s * NC + c

    def fill_body(i, carry):
        for u in range(8):
            neg1_v[pl.ds(i * 128 + u * 16, 16)] = jnp.full((16,), -1, jnp.int32)
        return carry
    lax.fori_loop(0, FILLW // 128, fill_body, 0)
    stripe = M // NS
    for r in range(stripe // FILLW):
        pltpu.sync_copy(neg1_v, table_sh.at[pl.ds(s * stripe + r * FILLW, FILLW)])

    pltpu.sync_copy(hk_hbm.at[pl.ds(s * KPT, KPT)], hk_v)

    def kinit(i, carry):
        for u in range(8):
            k = i * 8 + u
            ds16 = pl.ds(k * 16, 16)
            lane = lax.iota(jnp.int32, 16)
            j = s * KPT + k * 16 + lane
            sl = _slot_of(_hash_bits(hk_v[ds16]))
            valid = j < N_KEYS
            j_v[ds16] = j
            slot_v[ds16] = jnp.where(valid, sl, jnp.int32(M))
            won_v[ds16] = jnp.where(valid, jnp.int32(0), jnp.int32(1))
        return carry
    lax.fori_loop(0, KPT // 128, kinit, 0)

    plsc.subcore_barrier()

    def round_body(_tot):
        pltpu.sync_copy(table_sh.at[slot_v], rb_v)

        def a_step(i, carry):
            for u in range(8):
                ds16 = pl.ds(i * 128 + u * 16, 16)
                writer = (won_v[ds16] == 1) | (rb_v[ds16] == -1)
                wslot_v[ds16] = jnp.where(writer, slot_v[ds16], jnp.int32(M))
            return carry
        lax.fori_loop(0, KPT // 128, a_step, 0)

        plsc.subcore_barrier()
        pltpu.sync_copy(j_v, table_sh.at[wslot_v])
        plsc.subcore_barrier()
        pltpu.sync_copy(table_sh.at[wslot_v], rb_v)

        def b_step(i, acc):
            for u in range(8):
                ds16 = pl.ds(i * 128 + u * 16, 16)
                sl = slot_v[ds16]
                wn = (won_v[ds16] == 1) | ((wslot_v[ds16] != M) & (rb_v[ds16] == j_v[ds16]))
                nsl = sl + 1
                nsl = jnp.where(nsl >= M, nsl - M, nsl)
                slot_v[ds16] = jnp.where(wn, sl, nsl)
                won_v[ds16] = jnp.where(wn, jnp.int32(1), jnp.int32(0))
                acc = acc + jnp.where(wn, jnp.int32(0), jnp.int32(1))
            return acc
        pend = lax.fori_loop(0, KPT // 128, b_step, jnp.zeros((16,), jnp.int32))

        cnt_v[...] = pend
        pltpu.sync_copy(cnt_v, cnt_sh.at[pl.ds(s * 16, 16)])
        plsc.subcore_barrier()
        pltpu.sync_copy(cnt_sh, cntall_v)
        tot = jnp.zeros((16,), jnp.int32)
        for r in range(NS):
            tot = tot + cntall_v[pl.ds(r * 16, 16)]
        return _scalar_total(tot)

    def round_step(r, t):
        return lax.cond(t > 0, round_body, lambda x: x, t)
    lax.fori_loop(0, MAX_ROUNDS, round_step, jnp.int32(N_KEYS))

    pltpu.sync_copy(hq_hbm.at[pl.ds(wid * QPT, QPT)], qh_v)

    def qinit(k, carry):
        ds16 = pl.ds(k * 16, 16)
        qslot_v[ds16] = _slot_of(_hash_bits(qh_v[ds16]))
        qbest_v[ds16] = jnp.full((16,), 0x7FFFFFFF, jnp.int32)
        return carry
    lax.fori_loop(0, QPT // 16, qinit, 0)

    def probe_body(_n):
        def pi(i, carry):
            for u in range(8):
                ds16 = pl.ds(i * 128 + u * 16, 16)
                ds16b = pl.ds(QPT + i * 128 + u * 16, 16)
                sl = qslot_v[ds16]
                sl1 = sl + 1
                sl1 = jnp.where(sl1 >= M, sl1 - M, sl1)
                qsl2_v[ds16] = sl
                qsl2_v[ds16b] = sl1
            return carry
        lax.fori_loop(0, QPT // 128, pi, 0)
        pltpu.sync_copy(table_sh.at[qsl2_v], qj2_v)

        def pg(i, carry):
            for u in range(8):
                ds16 = pl.ds(i * 128 + u * 16, 16)
                qgi2_v[ds16] = jnp.maximum(qj2_v[ds16], jnp.int32(0))
            return carry
        lax.fori_loop(0, 2 * QPT // 128, pg, 0)
        pltpu.sync_copy(hk_hbm.at[qgi2_v], qhg2_v)

        def pu(i, acc):
            for u in range(8):
                k = i * 8 + u
                ds16 = pl.ds(k * 16, 16)
                ds16b = pl.ds(QPT + k * 16, 16)
                j0 = qj2_v[ds16]
                j1 = qj2_v[ds16b]
                h0 = qhg2_v[ds16]
                h1 = qhg2_v[ds16b]
                hq = qh_v[ds16]
                act = qbest_v[ds16] >= 0
                sl = qslot_v[ds16]
                bst = qbest_v[ds16] & 0x7FFFFFFF
                match0 = act & (j0 != -1) & (h0 == hq)
                bst = jnp.where(match0, jnp.minimum(bst, j0), bst)
                act0 = act & (j0 != -1)
                match1 = act0 & (j1 != -1) & (h1 == hq)
                bst = jnp.where(match1, jnp.minimum(bst, j1), bst)
                act_new = act0 & (j1 != -1)
                qbest_v[ds16] = jnp.where(act_new, bst, bst | jnp.int32(NEG0))
                nsl = sl + 2
                nsl = jnp.where(nsl >= M, nsl - M, nsl)
                qslot_v[ds16] = jnp.where(act_new, nsl, sl)
                acc = acc + jnp.where(act_new, jnp.int32(1), jnp.int32(0))
            return acc
        nact = lax.fori_loop(0, QPT // 128, pu, jnp.zeros((16,), jnp.int32))
        return _scalar_total(nact)

    def probe_step(r, n):
        return lax.cond(n > 0, probe_body, lambda x: x, n)
    lax.fori_loop(0, MAX_ROUNDS, probe_step, jnp.int32(1))

    def f_step(k, carry):
        ds16 = pl.ds(k * 16, 16)
        qbest_v[ds16] = jnp.minimum(qbest_v[ds16] & 0x7FFFFFFF,
                                    jnp.int32(N_KEYS - 1))
        return carry
    lax.fori_loop(0, QPT // 16, f_step, 0)

    pltpu.sync_copy(d_hbm.at[qbest_v], qout_v)
    pltpu.sync_copy(qout_v, out_hbm.at[wid])


@jax.jit
def _sc_lookup(hk_pad, h_in, d_flat):
    mesh = plsc.VectorSubcoreMesh(core_axis_name="c", subcore_axis_name="s")
    f = pl.kernel(
        _lookup_body,
        out_type=jax.ShapeDtypeStruct((NC * NS, QPT), jnp.float32),
        mesh=mesh,
        scratch_types=[
            pltpu.VMEM((FILLW,), jnp.int32),
            pltpu.VMEM((KPT,), jnp.float32),
            pltpu.VMEM((KPT,), jnp.int32),
            pltpu.VMEM((KPT,), jnp.int32),
            pltpu.VMEM((KPT,), jnp.int32),
            pltpu.VMEM((KPT,), jnp.int32),
            pltpu.VMEM((KPT,), jnp.int32),
            pltpu.VMEM((16,), jnp.int32),
            pltpu.VMEM((NS * 16,), jnp.int32),
            pltpu.VMEM((QPT,), jnp.float32),
            pltpu.VMEM((QPT,), jnp.int32),
            pltpu.VMEM((2 * QPT,), jnp.int32),
            pltpu.VMEM((2 * QPT,), jnp.int32),
            pltpu.VMEM((2 * QPT,), jnp.int32),
            pltpu.VMEM((2 * QPT,), jnp.float32),
            pltpu.VMEM((QPT,), jnp.int32),
            pltpu.VMEM((QPT,), jnp.float32),
            pltpu.VMEM_SHARED((M + 128,), jnp.int32),
            pltpu.VMEM_SHARED((NS * 16,), jnp.int32),
        ],
    )
    return f(hk_pad, h_in, d_flat)


def kernel(inputs, keys_mat, distance_estimates, hash_vec):
    h_keys = jnp.sum(jnp.round(keys_mat, 5) * hash_vec, axis=-1)
    h_in = jnp.sum(jnp.round(inputs, 5) * hash_vec, axis=-1)
    hk_pad = jnp.pad(h_keys, (0, NPAD - N_KEYS))
    d_flat = distance_estimates[:, 0]
    out = _sc_lookup(hk_pad, h_in, d_flat)
    return out.reshape(BATCH, 1)

# --- scband reference (transcript-rebuilt; emitter-appended) ---
"""Pipeline reference for scband-float-lookup-layer-73409581024019 (READ-ONLY COPY).

The authoritative reference and input builder live on the scoring server;
editing this copy changes nothing except your own understanding.
"""

import jax, jax.numpy as jnp
import numpy as np

N_PAIRS = 100000   # number of unique observation pairs (lookup table rows)
PAIR_DIM = 16      # prod(all_observation_pairs.shape[1:3]) = 2*8
BATCH = 16384


def setup_inputs(seed: int = 0) -> dict:
    key = jax.random.key(seed)
    k1, k2, k3, k4 = jax.random.split(key, 4)
    # keys_mat plays the role of the unique stringified observation-pair table
    # (random uniform rows are unique w.p. ~1, matching np.unique output size N_PAIRS)
    keys_mat = jax.random.uniform(k1, (N_PAIRS, PAIR_DIM), dtype=jnp.float32)
    # trainable weight: distance_estimates, shape (num_observation_pairs, 1), 'uniform' init
    distance_estimates = jax.random.uniform(k2, (N_PAIRS, 1), dtype=jnp.float32, minval=-0.05, maxval=0.05)
    # deterministic hashing vector used to emulate the exact string-match lookup
    hash_vec = jax.random.normal(k3, (PAIR_DIM,), dtype=jnp.float32)
    # inputs are (flattened) observation pairs drawn from the table, as in the original
    # usage where every query row is one of all_observation_pairs
    sel = jax.random.randint(k4, (BATCH,), 0, N_PAIRS)
    inputs = jnp.take(keys_mat, sel, axis=0)
    return {
        "inputs": inputs,
        "keys_mat": keys_mat,
        "distance_estimates": distance_estimates,
        "hash_vec": hash_vec,
    }


def _round5(x):
    # emulates tf.as_string(..., precision=5): values compared at 5-decimal resolution
    return jnp.round(x, 5)


def _row_hash(x, hash_vec):
    # identical elementwise-multiply + sum for both keys and queries guarantees
    # bit-identical hashes for identical rows (exact string-equality semantics)
    return jnp.sum(_round5(x) * hash_vec, axis=-1)


def reference(inputs, keys_mat, distance_estimates, hash_vec):
    # 1) stringify + index_table lookup  ==>  exact row-match lookup via sorted hash
    h_keys = _row_hash(keys_mat, hash_vec)           # [N]
    h_in = _row_hash(inputs, hash_vec)               # [B]
    order = jnp.argsort(h_keys)                      # sort/argsort -> SparseCore-friendly
    sorted_h = jnp.take(h_keys, order, axis=0)
    pos = jnp.clip(jnp.searchsorted(sorted_h, h_in), 0, N_PAIRS - 1)
    found = jnp.take(sorted_h, pos, axis=0) == h_in
    variable_idx = jnp.where(found, jnp.take(order, pos, axis=0), -1)  # default_value=-1
    # 2) tf.gather(distance_estimates, variable_idx)
    out = jnp.take(distance_estimates, variable_idx, axis=0)           # [B, 1]
    return out

if __name__ == "__main__":
    import jax
    _d = setup_inputs()
    print(jax.jit(kernel)(*tuple(_d.values())))

</pallas_src>

<mosaic_0001>
#map = affine_map<(d0, d1) -> (0)>
#map1 = affine_map<(d0, d1) -> (0, 0)>
module attributes {stable_mosaic.version = 14 : i64} {
  func.func @_lookup_body(%arg0: i32, %arg1: i32, %arg2: memref<100352xf32, #tpu.memory_space<hbm>>, %arg3: memref<16384xf32, #tpu.memory_space<hbm>>, %arg4: memref<100000xf32, #tpu.memory_space<hbm>>, %arg5: memref<32x512xf32, #tpu.memory_space<hbm>>, %arg6: memref<16384xi32, #tpu.memory_space<vmem>>, %arg7: memref<6272xf32, #tpu.memory_space<vmem>>, %arg8: memref<6272xi32, #tpu.memory_space<vmem>>, %arg9: memref<6272xi32, #tpu.memory_space<vmem>>, %arg10: memref<6272xi32, #tpu.memory_space<vmem>>, %arg11: memref<6272xi32, #tpu.memory_space<vmem>>, %arg12: memref<6272xi32, #tpu.memory_space<vmem>>, %arg13: memref<16xi32, #tpu.memory_space<vmem>>, %arg14: memref<256xi32, #tpu.memory_space<vmem>>, %arg15: memref<512xf32, #tpu.memory_space<vmem>>, %arg16: memref<512xi32, #tpu.memory_space<vmem>>, %arg17: memref<1024xi32, #tpu.memory_space<vmem>>, %arg18: memref<1024xi32, #tpu.memory_space<vmem>>, %arg19: memref<1024xi32, #tpu.memory_space<vmem>>, %arg20: memref<1024xf32, #tpu.memory_space<vmem>>, %arg21: memref<512xi32, #tpu.memory_space<vmem>>, %arg22: memref<512xf32, #tpu.memory_space<vmem>>, %arg23: memref<1048704xi32, #tpu.memory_space<vmem_shared>>, %arg24: memref<256xi32, #tpu.memory_space<vmem_shared>>) attributes {dimension_semantics = [#tpu.dimension_semantics<core_parallel>, #tpu.dimension_semantics<subcore_parallel>], iteration_bounds = array<i64: 2, 16>, scalar_prefetch = 0 : i64, scratch_operands = 19 : i64, tpu.core_type = #tpu.core_type<sc_vector_subcore>, window_params = [{transform_indices = #map}, {transform_indices = #map}, {transform_indices = #map}, {transform_indices = #map1}]} {
    %mul3A = arith.constant 2 : i32
    %mul3A_0 = arith.muli %arg1, %mul3A : i32
    %add3A = arith.addi %mul3A_0, %arg0 : i32
    %scan3A = arith.constant 0 : i32
    %scan3A_1 = arith.constant 0 : i32
    %scan3A_2 = arith.constant 128 : i32
    %scan3A_3 = arith.addi %scan3A_1, %scan3A_2 : i32
    %scan3A_4 = arith.constant 1 : i32
    scf.for %scan3A_58 = %scan3A_1 to %scan3A_3 step %scan3A_4  : i32 {
      %broadcast_in_dim3A = arith.constant -1 : i32
      %broadcast_in_dim3A_59 = vector.broadcast %broadcast_in_dim3A : i32 to vector<16xi32>
      %mul3A_60 = arith.constant 128 : i32
      %mul3A_61 = arith.muli %scan3A_58, %mul3A_60 : i32
      %add3A_62 = arith.constant 0 : i32
      %add3A_63 = arith.addi %mul3A_61, %add3A_62 : i32
      %swap3A = arith.index_cast %add3A_63 : i32 to index
      %swap3A_64 = tpu.vector_load %arg6[%swap3A] {strides = array<i32>} : memref<16384xi32, #tpu.memory_space<vmem>>, vector<16xi32>,
      %swap3A_65 = vector.shape_cast %swap3A_64 : vector<16xi32> to vector<16xi32>
      %swap3A_66 = vector.shape_cast %broadcast_in_dim3A_59 : vector<16xi32> to vector<16xi32>
      tpu.vector_store %arg6[%swap3A], %swap3A_66 {strides = array<i32>} : memref<16384xi32, #tpu.memory_space<vmem>>, vector<16xi32>,
      %broadcast_in_dim3A_67 = arith.constant -1 : i32
      %broadcast_in_dim3A_68 = vector.broadcast %broadcast_in_dim3A_67 : i32 to vector<16xi32>
      %mul3A_69 = arith.constant 128 : i32
      %mul3A_70 = arith.muli %scan3A_58, %mul3A_69 : i32
      %add3A_71 = arith.constant 16 : i32
      %add3A_72 = arith.addi %mul3A_70, %add3A_71 : i32
      %swap3A_73 = arith.index_cast %add3A_72 : i32 to index
      %swap3A_74 = tpu.vector_load %arg6[%swap3A_73] {strides = array<i32>} : memref<16384xi32, #tpu.memory_space<vmem>>, vector<16xi32>,
      %swap3A_75 = vector.shape_cast %swap3A_74 : vector<16xi32> to vector<16xi32>
      %swap3A_76 = vector.shape_cast %broadcast_in_dim3A_68 : vector<16xi32> to vector<16xi32>
      tpu.vector_store %arg6[%swap3A_73], %swap3A_76 {strides = array<i32>} : memref<16384xi32, #tpu.memory_space<vmem>>, vector<16xi32>,
      %broadcast_in_dim3A_77 = arith.constant -1 : i32
      %broadcast_in_dim3A_78 = vector.broadcast %broadcast_in_dim3A_77 : i32 to vector<16xi32>
      %mul3A_79 = arith.constant 128 : i32
      %mul3A_80 = arith.muli %scan3A_58, %mul3A_79 : i32
      %add3A_81 = arith.constant 32 : i32
      %add3A_82 = arith.addi %mul3A_80, %add3A_81 : i32
      %swap3A_83 = arith.index_cast %add3A_82 : i32 to index
      %swap3A_84 = tpu.vector_load %arg6[%swap3A_83] {strides = array<i32>} : memref<16384xi32, #tpu.memory_space<vmem>>, vector<16xi32>,
      %swap3A_85 = vector.shape_cast %swap3A_84 : vector<16xi32> to vector<16xi32>
      %swap3A_86 = vector.shape_cast %broadcast_in_dim3A_78 : vector<16xi32> to vector<16xi32>
      tpu.vector_store %arg6[%swap3A_83], %swap3A_86 {strides = array<i32>} : memref<16384xi32, #tpu.memory_space<vmem>>, vector<16xi32>,
      %broadcast_in_dim3A_87 = arith.constant -1 : i32
      %broadcast_in_dim3A_88 = vector.broadcast %broadcast_in_dim3A_87 : i32 to vector<16xi32>
      %mul3A_89 = arith.constant 128 : i32
      %mul3A_90 = arith.muli %scan3A_58, %mul3A_89 : i32
      %add3A_91 = arith.constant 48 : i32
      %add3A_92 = arith.addi %mul3A_90, %add3A_91 : i32
      %swap3A_93 = arith.index_cast %add3A_92 : i32 to index
      %swap3A_94 = tpu.vector_load %arg6[%swap3A_93] {strides = array<i32>} : memref<16384xi32, #tpu.memory_space<vmem>>, vector<16xi32>,
      %swap3A_95 = vector.shape_cast %swap3A_94 : vector<16xi32> to vector<16xi32>
      %swap3A_96 = vector.shape_cast %broadcast_in_dim3A_88 : vector<16xi32> to vector<16xi32>
      tpu.vector_store %arg6[%swap3A_93], %swap3A_96 {strides = array<i32>} : memref<16384xi32, #tpu.memory_space<vmem>>, vector<16xi32>,
      %broadcast_in_dim3A_97 = arith.constant -1 : i32
      %broadcast_in_dim3A_98 = vector.broadcast %broadcast_in_dim3A_97 : i32 to vector<16xi32>
      %mul3A_99 = arith.constant 128 : i32
      %mul3A_100 = arith.muli %scan3A_58, %mul3A_99 : i32
      %add3A_101 = arith.constant 64 : i32
      %add3A_102 = arith.addi %mul3A_100, %add3A_101 : i32
      %swap3A_103 = arith.index_cast %add3A_102 : i32 to index
      %swap3A_104 = tpu.vector_load %arg6[%swap3A_103] {strides = array<i32>} : memref<16384xi32, #tpu.memory_space<vmem>>, vector<16xi32>,
      %swap3A_105 = vector.shape_cast %swap3A_104 : vector<16xi32> to vector<16xi32>
      %swap3A_106 = vector.shape_cast %broadcast_in_dim3A_98 : vector<16xi32> to vector<16xi32>
      tpu.vector_store %arg6[%swap3A_103], %swap3A_106 {strides = array<i32>} : memref<16384xi32, #tpu.memory_space<vmem>>, vector<16xi32>,
      %broadcast_in_dim3A_107 = arith.constant -1 : i32
      %broadcast_in_dim3A_108 = vector.broadcast %broadcast_in_dim3A_107 : i32 to vector<16xi32>
      %mul3A_109 = arith.constant 128 : i32
      %mul3A_110 = arith.muli %scan3A_58, %mul3A_109 : i32
      %add3A_111 = arith.constant 80 : i32
      %add3A_112 = arith.addi %mul3A_110, %add3A_111 : i32
      %swap3A_113 = arith.index_cast %add3A_112 : i32 to index
      %swap3A_114 = tpu.vector_load %arg6[%swap3A_113] {strides = array<i32>} : memref<16384xi32, #tpu.memory_space<vmem>>, vector<16xi32>,
      %swap3A_115 = vector.shape_cast %swap3A_114 : vector<16xi32> to vector<16xi32>
      %swap3A_116 = vector.shape_cast %broadcast_in_dim3A_108 : vector<16xi32> to vector<16xi32>
      tpu.vector_store %arg6[%swap3A_113], %swap3A_116 {strides = array<i32>} : memref<16384xi32, #tpu.memory_space<vmem>>, vector<16xi32>,
      %broadcast_in_dim3A_117 = arith.constant -1 : i32
      %broadcast_in_dim3A_118 = vector.broadcast %broadcast_in_dim3A_117 : i32 to vector<16xi32>
      %mul3A_119 = arith.constant 128 : i32
      %mul3A_120 = arith.muli %scan3A_58, %mul3A_119 : i32
      %add3A_121 = arith.constant 96 : i32
      %add3A_122 = arith.addi %mul3A_120, %add3A_121 : i32
      %swap3A_123 = arith.index_cast %add3A_122 : i32 to index
      %swap3A_124 = tpu.vector_load %arg6[%swap3A_123] {strides = array<i32>} : memref<16384xi32, #tpu.memory_space<vmem>>, vector<16xi32>,
      %swap3A_125 = vector.shape_cast %swap3A_124 : vector<16xi32> to vector<16xi32>
      %swap3A_126 = vector.shape_cast %broadcast_in_dim3A_118 : vector<16xi32> to vector<16xi32>
      tpu.vector_store %arg6[%swap3A_123], %swap3A_126 {strides = array<i32>} : memref<16384xi32, #tpu.memory_space<vmem>>, vector<16xi32>,
      %broadcast_in_dim3A_127 = arith.constant -1 : i32
      %broadcast_in_dim3A_128 = vector.broadcast %broadcast_in_dim3A_127 : i32 to vector<16xi32>
      %mul3A_129 = arith.constant 128 : i32
      %mul3A_130 = arith.muli %scan3A_58, %mul3A_129 : i32
      %add3A_131 = arith.constant 112 : i32
      %add3A_132 = arith.addi %mul3A_130, %add3A_131 : i32
      %swap3A_133 = arith.index_cast %add3A_132 : i32 to index
      %swap3A_134 = tpu.vector_load %arg6[%swap3A_133] {strides = array<i32>} : memref<16384xi32, #tpu.memory_space<vmem>>, vector<16xi32>,
      %swap3A_135 = vector.shape_cast %swap3A_134 : vector<16xi32> to vector<16xi32>
      %swap3A_136 = vector.shape_cast %broadcast_in_dim3A_128 : vector<16xi32> to vector<16xi32>
      tpu.vector_store %arg6[%swap3A_133], %swap3A_136 {strides = array<i32>} : memref<16384xi32, #tpu.memory_space<vmem>>, vector<16xi32>,
    }
    %scan3A_5 = arith.constant 128 : i32
    %mul3A_6 = arith.constant 65536 : i32
    %mul3A_7 = arith.muli %arg1, %mul3A_6 : i32
    %add3A_8 = arith.constant 0 : i32
    %add3A_9 = arith.addi %mul3A_7, %add3A_8 : i32
    "tpu.region"() ({
      %run_scoped3A = tpu.sem_alloc : memref<!tpu.dma_semaphore, #tpu.memory_space<semaphore_mem>>
      %dma_start3A = tpu.memref_slice %arg23[%add3A_9] : memref<1048704xi32, #tpu.memory_space<vmem_shared>> -> memref<16384xi32, #tpu.memory_space<vmem_shared>>
      %dma_start3A_58 = tpu.memref_slice %arg23[%add3A_9] : memref<1048704xi32, #tpu.memory_space<vmem_shared>> -> memref<16384xi32, #tpu.memory_space<vmem_shared>>
      tpu.enqueue_dma source(%arg6 : memref<16384xi32, #tpu.memory_space<vmem>>) target(%dma_start3A_58 : memref<16384xi32, #tpu.memory_space<vmem_shared>>) target_semaphore(%run_scoped3A : memref<!tpu.dma_semaphore, #tpu.memory_space<semaphore_mem>>)
      %dma_wait3A = tpu.memref_slice %arg23[%add3A_9] : memref<1048704xi32, #tpu.memory_space<vmem_shared>> -> memref<16384xi32, #tpu.memory_space<vmem_shared>>
      %dma_wait3A_59 = tpu.memref_slice %arg23[%add3A_9] : memref<1048704xi32, #tpu.memory_space<vmem_shared>> -> memref<16384xi32, #tpu.memory_space<vmem_shared>>
      tpu.wait_dma2 semaphore(%run_scoped3A : memref<!tpu.dma_semaphore, #tpu.memory_space<semaphore_mem>>) src(%arg6 : memref<16384xi32, #tpu.memory_space<vmem>>) dst(%dma_wait3A_59 : memref<16384xi32, #tpu.memory_space<vmem_shared>>)
      tpu.yield
    }) : () -> ()
    %mul3A_10 = arith.constant 65536 : i32
    %mul3A_11 = arith.muli %arg1, %mul3A_10 : i32
    %add3A_12 = arith.constant 16384 : i32
    %add3A_13 = arith.addi %mul3A_11, %add3A_12 : i32
    "tpu.region"() ({
      %run_scoped3A = tpu.sem_alloc : memref<!tpu.dma_semaphore, #tpu.memory_space<semaphore_mem>>
      %dma_start3A = tpu.memref_slice %arg23[%add3A_13] : memref<1048704xi32, #tpu.memory_space<vmem_shared>> -> memref<16384xi32, #tpu.memory_space<vmem_shared>>
      %dma_start3A_58 = tpu.memref_slice %arg23[%add3A_13] : memref<1048704xi32, #tpu.memory_space<vmem_shared>> -> memref<16384xi32, #tpu.memory_space<vmem_shared>>
      tpu.enqueue_dma source(%arg6 : memref<16384xi32, #tpu.memory_space<vmem>>) target(%dma_start3A_58 : memref<16384xi32, #tpu.memory_space<vmem_shared>>) target_semaphore(%run_scoped3A : memref<!tpu.dma_semaphore, #tpu.memory_space<semaphore_mem>>)
      %dma_wait3A = tpu.memref_slice %arg23[%add3A_13] : memref<1048704xi32, #tpu.memory_space<vmem_shared>> -> memref<16384xi32, #tpu.memory_space<vmem_shared>>
      %dma_wait3A_59 = tpu.memref_slice %arg23[%add3A_13] : memref<1048704xi32, #tpu.memory_space<vmem_shared>> -> memref<16384xi32, #tpu.memory_space<vmem_shared>>
      tpu.wait_dma2 semaphore(%run_scoped3A : memref<!tpu.dma_semaphore, #tpu.memory_space<semaphore_mem>>) src(%arg6 : memref<16384xi32, #tpu.memory_space<vmem>>) dst(%dma_wait3A_59 : memref<16384xi32, #tpu.memory_space<vmem_shared>>)
      tpu.yield
    }) : () -> ()
    %mul3A_14 = arith.constant 65536 : i32
    %mul3A_15 = arith.muli %arg1, %mul3A_14 : i32
    %add3A_16 = arith.constant 32768 : i32
    %add3A_17 = arith.addi %mul3A_15, %add3A_16 : i32
    "tpu.region"() ({
      %run_scoped3A = tpu.sem_alloc : memref<!tpu.dma_semaphore, #tpu.memory_space<semaphore_mem>>
      %dma_start3A = tpu.memref_slice %arg23[%add3A_17] : memref<1048704xi32, #tpu.memory_space<vmem_shared>> -> memref<16384xi32, #tpu.memory_space<vmem_shared>>
      %dma_start3A_58 = tpu.memref_slice %arg23[%add3A_17] : memref<1048704xi32, #tpu.memory_space<vmem_shared>> -> memref<16384xi32, #tpu.memory_space<vmem_shared>>
      tpu.enqueue_dma source(%arg6 : memref<16384xi32, #tpu.memory_space<vmem>>) target(%dma_start3A_58 : memref<16384xi32, #tpu.memory_space<vmem_shared>>) target_semaphore(%run_scoped3A : memref<!tpu.dma_semaphore, #tpu.memory_space<semaphore_mem>>)
      %dma_wait3A = tpu.memref_slice %arg23[%add3A_17] : memref<1048704xi32, #tpu.memory_space<vmem_shared>> -> memref<16384xi32, #tpu.memory_space<vmem_shared>>
      %dma_wait3A_59 = tpu.memref_slice %arg23[%add3A_17] : memref<1048704xi32, #tpu.memory_space<vmem_shared>> -> memref<16384xi32, #tpu.memory_space<vmem_shared>>
      tpu.wait_dma2 semaphore(%run_scoped3A : memref<!tpu.dma_semaphore, #tpu.memory_space<semaphore_mem>>) src(%arg6 : memref<16384xi32, #tpu.memory_space<vmem>>) dst(%dma_wait3A_59 : memref<16384xi32, #tpu.memory_space<vmem_shared>>)
      tpu.yield
    }) : () -> ()
    %mul3A_18 = arith.constant 65536 : i32
    %mul3A_19 = arith.muli %arg1, %mul3A_18 : i32
    %add3A_20 = arith.constant 49152 : i32
    %add3A_21 = arith.addi %mul3A_19, %add3A_20 : i32
    "tpu.region"() ({
      %run_scoped3A = tpu.sem_alloc : memref<!tpu.dma_semaphore, #tpu.memory_space<semaphore_mem>>
      %dma_start3A = tpu.memref_slice %arg23[%add3A_21] : memref<1048704xi32, #tpu.memory_space<vmem_shared>> -> memref<16384xi32, #tpu.memory_space<vmem_shared>>
      %dma_start3A_58 = tpu.memref_slice %arg23[%add3A_21] : memref<1048704xi32, #tpu.memory_space<vmem_shared>> -> memref<16384xi32, #tpu.memory_space<vmem_shared>>
      tpu.enqueue_dma source(%arg6 : memref<16384xi32, #tpu.memory_space<vmem>>) target(%dma_start3A_58 : memref<16384xi32, #tpu.memory_space<vmem_shared>>) target_semaphore(%run_scoped3A : memref<!tpu.dma_semaphore, #tpu.memory_space<semaphore_mem>>)
      %dma_wait3A = tpu.memref_slice %arg23[%add3A_21] : memref<1048704xi32, #tpu.memory_space<vmem_shared>> -> memref<16384xi32, #tpu.memory_space<vmem_shared>>
      %dma_wait3A_59 = tpu.memref_slice %arg23[%add3A_21] : memref<1048704xi32, #tpu.memory_space<vmem_shared>> -> memref<16384xi32, #tpu.memory_space<vmem_shared>>
      tpu.wait_dma2 semaphore(%run_scoped3A : memref<!tpu.dma_semaphore, #tpu.memory_space<semaphore_mem>>) src(%arg6 : memref<16384xi32, #tpu.memory_space<vmem>>) dst(%dma_wait3A_59 : memref<16384xi32, #tpu.memory_space<vmem_shared>>)
      tpu.yield
    }) : () -> ()
    %mul3A_22 = arith.constant 6272 : i32
    %mul3A_23 = arith.muli %arg1, %mul3A_22 : i32
    "tpu.region"() ({
      %run_scoped3A = tpu.sem_alloc : memref<!tpu.dma_semaphore, #tpu.memory_space<semaphore_mem>>
      %dma_start3A = tpu.memref_slice %arg2[%mul3A_23] : memref<100352xf32, #tpu.memory_space<hbm>> -> memref<6272xf32, #tpu.memory_space<hbm>>
      %dma_start3A_58 = tpu.memref_slice %arg2[%mul3A_23] : memref<100352xf32, #tpu.memory_space<hbm>> -> memref<6272xf32, #tpu.memory_space<hbm>>
      tpu.enqueue_dma source(%dma_start3A_58 : memref<6272xf32, #tpu.memory_space<hbm>>) target(%arg7 : memref<6272xf32, #tpu.memory_space<vmem>>) target_semaphore(%run_scoped3A : memref<!tpu.dma_semaphore, #tpu.memory_space<semaphore_mem>>)
      %dma_wait3A = tpu.memref_slice %arg2[%mul3A_23] : memref<100352xf32, #tpu.memory_space<hbm>> -> memref<6272xf32, #tpu.memory_space<hbm>>
      %dma_wait3A_59 = tpu.memref_slice %arg2[%mul3A_23] : memref<100352xf32, #tpu.memory_space<hbm>> -> memref<6272xf32, #tpu.memory_space<hbm>>
      tpu.wait_dma2 semaphore(%run_scoped3A : memref<!tpu.dma_semaphore, #tpu.memory_space<semaphore_mem>>) src(%dma_wait3A_59 : memref<6272xf32, #tpu.memory_space<hbm>>) dst(%arg7 : memref<6272xf32, #tpu.memory_space<vmem>>)
      tpu.yield
    }) : () -> ()
    %scan3A_24 = arith.constant 0 : i32
    %scan3A_25 = arith.constant 0 : i32
    %scan3A_26 = arith.constant 49 : i32
    %scan3A_27 = arith.addi %scan3A_25, %scan3A_26 : i32
    %scan3A_28 = arith.constant 1 : i32
    scf.for %scan3A_58 = %scan3A_25 to %scan3A_27 step %scan3A_28  : i32 {
      %mul3A_59 = arith.constant 8 : i32
      %mul3A_60 = arith.muli %scan3A_58, %mul3A_59 : i32
      %add3A_61 = arith.constant 0 : i32
      %add3A_62 = arith.addi %mul3A_60, %add3A_61 : i32
      %mul3A_63 = arith.constant 16 : i32
      %mul3A_64 = arith.muli %add3A_62, %mul3A_63 : i32
      %iota3A = tpu.iota {dimensions = array<i32: 0>} : vector<16xi32>
      %mul3A_65 = arith.constant 6272 : i32
      %mul3A_66 = arith.muli %arg1, %mul3A_65 : i32
      %mul3A_67 = arith.constant 16 : i32
      %mul3A_68 = arith.muli %add3A_62, %mul3A_67 : i32
      %add3A_69 = arith.addi %mul3A_66, %mul3A_68 : i32
      %add3A_70 = vector.broadcast %add3A_69 : i32 to vector<16xi32>
      %add3A_71 = arith.addi %add3A_70, %iota3A : vector<16xi32>
      %get3A = arith.index_cast %mul3A_64 : i32 to index
      %get3A_72 = tpu.vector_load %arg7[%get3A] {strides = array<i32>} : memref<6272xf32, #tpu.memory_space<vmem>>, vector<16xf32>,
      %get3A_73 = vector.shape_cast %get3A_72 : vector<16xf32> to vector<16xf32>
      %mul3A_74 = arith.constant 0x49800000 : f32
      %mul3A_75 = vector.broadcast %mul3A_74 : f32 to vector<16xf32>
      %mul3A_76 = arith.mulf %get3A_73, %mul3A_75 : vector<16xf32>
      %convert_element_type3A = arith.fptosi %mul3A_76 : vector<16xf32> to vector<16xi32>
      %mul3A_77 = arith.constant -1640531527 : i32
      %mul3A_78 = vector.broadcast %mul3A_77 : i32 to vector<16xi32>
      %mul3A_79 = arith.muli %convert_element_type3A, %mul3A_78 : vector<16xi32>
      %shift_right_logical3A = arith.constant 12 : i32
      %shift_right_logical3A_80 = vector.broadcast %shift_right_logical3A : i32 to vector<16xi32>
      %shift_right_logical3A_81 = arith.shrui %mul3A_79, %shift_right_logical3A_80 : vector<16xi32>
      %lt3A = arith.constant 100000 : i32
      %lt3A_82 = vector.broadcast %lt3A : i32 to vector<16xi32>
      %lt3A_83 = arith.cmpi slt, %add3A_71, %lt3A_82 : vector<16xi32>
      %swap3A = arith.index_cast %mul3A_64 : i32 to index
      %swap3A_84 = tpu.vector_load %arg8[%swap3A] {strides = array<i32>} : memref<6272xi32, #tpu.memory_space<vmem>>, vector<16xi32>,
      %swap3A_85 = vector.shape_cast %swap3A_84 : vector<16xi32> to vector<16xi32>
      %swap3A_86 = vector.shape_cast %add3A_71 : vector<16xi32> to vector<16xi32>
      tpu.vector_store %arg8[%swap3A], %swap3A_86 {strides = array<i32>} : memref<6272xi32, #tpu.memory_space<vmem>>, vector<16xi32>,
      %jit3A = arith.constant 1048576 : i32
      %broadcast_in_dim3A = vector.broadcast %jit3A : i32 to vector<16xi32>
      %select_n3A = arith.select %lt3A_83, %shift_right_logical3A_81, %broadcast_in_dim3A : vector<16xi1>, vector<16xi32>
      %swap3A_87 = arith.index_cast %mul3A_64 : i32 to index
      %swap3A_88 = tpu.vector_load %arg9[%swap3A_87] {strides = array<i32>} : memref<6272xi32, #tpu.memory_space<vmem>>, vector<16xi32>,
      %swap3A_89 = vector.shape_cast %swap3A_88 : vector<16xi32> to vector<16xi32>
      %swap3A_90 = vector.shape_cast %select_n3A : vector<16xi32> to vector<16xi32>
      tpu.vector_store %arg9[%swap3A_87], %swap3A_90 {strides = array<i32>} : memref<6272xi32, #tpu.memory_space<vmem>>, vector<16xi32>,
      %jit3A_91 = arith.constant 0 : i32
      %jit3A_92 = arith.constant 1 : i32
      %broadcast_in_dim3A_93 = vector.broadcast %jit3A_91 : i32 to vector<16xi32>
      %broadcast_in_dim3A_94 = vector.broadcast %jit3A_92 : i32 to vector<16xi32>
      %select_n3A_95 = arith.select %lt3A_83, %broadcast_in_dim3A_93, %broadcast_in_dim3A_94 : vector<16xi1>, vector<16xi32>
      %swap3A_96 = arith.index_cast %mul3A_64 : i32 to index
      %swap3A_97 = tpu.vector_load %arg10[%swap3A_96] {strides = array<i32>} : memref<6272xi32, #tpu.memory_space<vmem>>, vector<16xi32>,
      %swap3A_98 = vector.shape_cast %swap3A_97 : vector<16xi32> to vector<16xi32>
      %swap3A_99 = vector.shape_cast %select_n3A_95 : vector<16xi32> to vector<16xi32>
      tpu.vector_store %arg10[%swap3A_96], %swap3A_99 {strides = array<i32>} : memref<6272xi32, #tpu.memory_space<vmem>>, vector<16xi32>,
      %mul3A_100 = arith.constant 8 : i32
      %mul3A_101 = arith.muli %scan3A_58, %mul3A_100 : i32
      %add3A_102 = arith.constant 1 : i32
      %add3A_103 = arith.addi %mul3A_101, %add3A_102 : i32
      %mul3A_104 = arith.constant 16 : i32
      %mul3A_105 = arith.muli %add3A_103, %mul3A_104 : i32
      %iota3A_106 = tpu.iota {dimensions = array<i32: 0>} : vector<16xi32>
      %mul3A_107 = arith.constant 6272 : i32
      %mul3A_108 = arith.muli %arg1, %mul3A_107 : i32
      %mul3A_109 = arith.constant 16 : i32
      %mul3A_110 = arith.muli %add3A_103, %mul3A_109 : i32
      %add3A_111 = arith.addi %mul3A_108, %mul3A_110 : i32
      %add3A_112 = vector.broadcast %add3A_111 : i32 to vector<16xi32>
      %add3A_113 = arith.addi %add3A_112, %iota3A_106 : vector<16xi32>
      %get3A_114 = arith.index_cast %mul3A_105 : i32 to index
      %get3A_115 = tpu.vector_load %arg7[%get3A_114] {strides = array<i32>} : memref<6272xf32, #tpu.memory_space<vmem>>, vector<16xf32>,
      %get3A_116 = vector.shape_cast %get3A_115 : vector<16xf32> to vector<16xf32>
      %mul3A_117 = arith.constant 0x49800000 : f32
      %mul3A_118 = vector.broadcast %mul3A_117 : f32 to vector<16xf32>
      %mul3A_119 = arith.mulf %get3A_116, %mul3A_118 : vector<16xf32>
      %convert_element_type3A_120 = arith.fptosi %mul3A_119 : vector<16xf32> to vector<16xi32>
      %mul3A_121 = arith.constant -1640531527 : i32
      %mul3A_122 = vector.broadcast %mul3A_121 : i32 to vector<16xi32>
      %mul3A_123 = arith.muli %convert_element_type3A_120, %mul3A_122 : vector<16xi32>
      %shift_right_logical3A_124 = arith.constant 12 : i32
      %shift_right_logical3A_125 = vector.broadcast %shift_right_logical3A_124 : i32 to vector<16xi32>
      %shift_right_logical3A_126 = arith.shrui %mul3A_123, %shift_right_logical3A_125 : vector<16xi32>
      %lt3A_127 = arith.constant 100000 : i32
      %lt3A_128 = vector.broadcast %lt3A_127 : i32 to vector<16xi32>
      %lt3A_129 = arith.cmpi slt, %add3A_113, %lt3A_128 : vector<16xi32>
      %swap3A_130 = arith.index_cast %mul3A_105 : i32 to index
      %swap3A_131 = tpu.vector_load %arg8[%swap3A_130] {strides = array<i32>} : memref<6272xi32, #tpu.memory_space<vmem>>, vector<16xi32>,
      %swap3A_132 = vector.shape_cast %swap3A_131 : vector<16xi32> to vector<16xi32>
      %swap3A_133 = vector.shape_cast %add3A_113 : vector<16xi32> to vector<16xi32>
      tpu.vector_store %arg8[%swap3A_130], %swap3A_133 {strides = array<i32>} : memref<6272xi32, #tpu.memory_space<vmem>>, vector<16xi32>,
      %jit3A_134 = arith.constant 1048576 : i32
      %broadcast_in_dim3A_135 = vector.broadcast %jit3A_134 : i32 to vector<16xi32>
      %select_n3A_136 = arith.select %lt3A_129, %shift_right_logical3A_126, %broadcast_in_dim3A_135 : vector<16xi1>, vector<16xi32>
      %swap3A_137 = arith.index_cast %mul3A_105 : i32 to index
      %swap3A_138 = tpu.vector_load %arg9[%swap3A_137] {strides = array<i32>} : memref<6272xi32, #tpu.memory_space<vmem>>, vector<16xi32>,
      %swap3A_139 = vector.shape_cast %swap3A_138 : vector<16xi32> to vector<16xi32>
      %swap3A_140 = vector.shape_cast %select_n3A_136 : vector<16xi32> to vector<16xi32>
      tpu.vector_store %arg9[%swap3A_137], %swap3A_140 {strides = array<i32>} : memref<6272xi32, #tpu.memory_space<vmem>>, vector<16xi32>,
      %jit3A_141 = arith.constant 0 : i32
      %jit3A_142 = arith.constant 1 : i32
      %broadcast_in_dim3A_143 = vector.broadcast %jit3A_141 : i32 to vector<16xi32>
      %broadcast_in_dim3A_144 = vector.broadcast %jit3A_142 : i32 to vector<16xi32>
      %select_n3A_145 = arith.select %lt3A_129, %broadcast_in_dim3A_143, %broadcast_in_dim3A_144 : vector<16xi1>, vector<16xi32>
      %swap3A_146 = arith.index_cast %mul3A_105 : i32 to index
      %swap3A_147 = tpu.vector_load %arg10[%swap3A_146] {strides = array<i32>} : memref<6272xi32, #tpu.memory_space<vmem>>, vector<16xi32>,
      %swap3A_148 = vector.shape_cast %swap3A_147 : vector<16xi32> to vector<16xi32>
      %swap3A_149 = vector.shape_cast %select_n3A_145 : vector<16xi32> to vector<16xi32>
      tpu.vector_store %arg10[%swap3A_146], %swap3A_149 {strides = array<i32>} : memref<6272xi32, #tpu.memory_space<vmem>>, vector<16xi32>,
      %mul3A_150 = arith.constant 8 : i32
      %mul3A_151 = arith.muli %scan3A_58, %mul3A_150 : i32
      %add3A_152 = arith.constant 2 : i32
      %add3A_153 = arith.addi %mul3A_151, %add3A_152 : i32
      %mul3A_154 = arith.constant 16 : i32
      %mul3A_155 = arith.muli %add3A_153, %mul3A_154 : i32
      %iota3A_156 = tpu.iota {dimensions = array<i32: 0>} : vector<16xi32>
      %mul3A_157 = arith.constant 6272 : i32
      %mul3A_158 = arith.muli %arg1, %mul3A_157 : i32
      %mul3A_159 = arith.constant 16 : i32
      %mul3A_160 = arith.muli %add3A_153, %mul3A_159 : i32
      %add3A_161 = arith.addi %mul3A_158, %mul3A_160 : i32
      %add3A_162 = vector.broadcast %add3A_161 : i32 to vector<16xi32>
      %add3A_163 = arith.addi %add3A_162, %iota3A_156 : vector<16xi32>
      %get3A_164 = arith.index_cast %mul3A_155 : i32 to index
      %get3A_165 = tpu.vector_load %arg7[%get3A_164] {strides = array<i32>} : memref<6272xf32, #tpu.memory_space<vmem>>, vector<16xf32>,
      %get3A_166 = vector.shape_cast %get3A_165 : vector<16xf32> to vector<16xf32>
      %mul3A_167 = arith.constant 0x49800000 : f32
      %mul3A_168 = vector.broadcast %mul3A_167 : f32 to vector<16xf32>
      %mul3A_169 = arith.mulf %get3A_166, %mul3A_168 : vector<16xf32>
      %convert_element_type3A_170 = arith.fptosi %mul3A_169 : vector<16xf32> to vector<16xi32>
      %mul3A_171 = arith.constant -1640531527 : i32
      %mul3A_172 = vector.broadcast %mul3A_171 : i32 to vector<16xi32>
      %mul3A_173 = arith.muli %convert_element_type3A_170, %mul3A_172 : vector<16xi32>
      %shift_right_logical3A_174 = arith.constant 12 : i32
      %shift_right_logical3A_175 = vector.broadcast %shift_right_logical3A_174 : i32 to vector<16xi32>
      %shift_right_logical3A_176 = arith.shrui %mul3A_173, %shift_right_logical3A_175 : vector<16xi32>
      %lt3A_177 = arith.constant 100000 : i32
      %lt3A_178 = vector.broadcast %lt3A_177 : i32 to vector<16xi32>
      %lt3A_179 = arith.cmpi slt, %add3A_163, %lt3A_178 : vector<16xi32>
      %swap3A_180 = arith.index_cast %mul3A_155 : i32 to index
      %swap3A_181 = tpu.vector_load %arg8[%swap3A_180] {strides = array<i32>} : memref<6272xi32, #tpu.memory_space<vmem>>, vector<16xi32>,
      %swap3A_182 = vector.shape_cast %swap3A_181 : vector<16xi32> to vector<16xi32>
      %swap3A_183 = vector.shape_cast %add3A_163 : vector<16xi32> to vector<16xi32>
      tpu.vector_store %arg8[%swap3A_180], %swap3A_183 {strides = array<i32>} : memref<6272xi32, #tpu.memory_space<vmem>>, vector<16xi32>,
      %jit3A_184 = arith.constant 1048576 : i32
      %broadcast_in_dim3A_185 = vector.broadcast %jit3A_184 : i32 to vector<16xi32>
      %select_n3A_186 = arith.select %lt3A_179, %shift_right_logical3A_176, %broadcast_in_dim3A_185 : vector<16xi1>, vector<16xi32>
      %swap3A_187 = arith.index_cast %mul3A_155 : i32 to index
      %swap3A_188 = tpu.vector_load %arg9[%swap3A_187] {strides = array<i32>} : memref<6272xi32, #tpu.memory_space<vmem>>, vector<16xi32>,
      %swap3A_189 = vector.shape_cast %swap3A_188 : vector<16xi32> to vector<16xi32>
      %swap3A_190 = vector.shape_cast %select_n3A_186 : vector<16xi32> to vector<16xi32>
      tpu.vector_store %arg9[%swap3A_187], %swap3A_190 {strides = array<i32>} : memref<6272xi32, #tpu.memory_space<vmem>>, vector<16xi32>,
      %jit3A_191 = arith.constant 0 : i32
      %jit3A_192 = arith.constant 1 : i32
      %broadcast_in_dim3A_193 = vector.broadcast %jit3A_191 : i32 to vector<16xi32>
      %broadcast_in_dim3A_194 = vector.broadcast %jit3A_192 : i32 to vector<16xi32>
      %select_n3A_195 = arith.select %lt3A_179, %broadcast_in_dim3A_193, %broadcast_in_dim3A_194 : vector<16xi1>, vector<16xi32>
      %swap3A_196 = arith.index_cast %mul3A_155 : i32 to index
      %swap3A_197 = tpu.vector_load %arg10[%swap3A_196] {strides = array<i32>} : memref<6272xi32, #tpu.memory_space<vmem>>, vector<16xi32>,
      %swap3A_198 = vector.shape_cast %swap3A_197 : vector<16xi32> to vector<16xi32>
      %swap3A_199 = vector.shape_cast %select_n3A_195 : vector<16xi32> to vector<16xi32>
      tpu.vector_store %arg10[%swap3A_196], %swap3A_199 {strides = array<i32>} : memref<6272xi32, #tpu.memory_space<vmem>>, vector<16xi32>,
      %mul3A_200 = arith.constant 8 : i32
      %mul3A_201 = arith.muli %scan3A_58, %mul3A_200 : i32
      %add3A_202 = arith.constant 3 : i32
      %add3A_203 = arith.addi %mul3A_201, %add3A_202 : i32
      %mul3A_204 = arith.constant 16 : i32
      %mul3A_205 = arith.muli %add3A_203, %mul3A_204 : i32
      %iota3A_206 = tpu.iota {dimensions = array<i32: 0>} : vector<16xi32>
      %mul3A_207 = arith.constant 6272 : i32
      %mul3A_208 = arith.muli %arg1, %mul3A_207 : i32
      %mul3A_209 = arith.constant 16 : i32
      %mul3A_210 = arith.muli %add3A_203, %mul3A_209 : i32
      %add3A_211 = arith.addi %mul3A_208, %mul3A_210 : i32
      %add3A_212 = vector.broadcast %add3A_211 : i32 to vector<16xi32>
      %add3A_213 = arith.addi %add3A_212, %iota3A_206 : vector<16xi32>
      %get3A_214 = arith.index_cast %mul3A_205 : i32 to index
      %get3A_215 = tpu.vector_load %arg7[%get3A_214] {strides = array<i32>} : memref<6272xf32, #tpu.memory_space<vmem>>, vector<16xf32>,
      %get3A_216 = vector.shape_cast %get3A_215 : vector<16xf32> to vector<16xf32>
      %mul3A_217 = arith.constant 0x49800000 : f32
      %mul3A_218 = vector.broadcast %mul3A_217 : f32 to vector<16xf32>
      %mul3A_219 = arith.mulf %get3A_216, %mul3A_218 : vector<16xf32>
      %convert_element_type3A_220 = arith.fptosi %mul3A_219 : vector<16xf32> to vector<16xi32>
      %mul3A_221 = arith.constant -1640531527 : i32
      %mul3A_222 = vector.broadcast %mul3A_221 : i32 to vector<16xi32>
      %mul3A_223 = arith.muli %convert_element_type3A_220, %mul3A_222 : vector<16xi32>
      %shift_right_logical3A_224 = arith.constant 12 : i32
      %shift_right_logical3A_225 = vector.broadcast %shift_right_logical3A_224 : i32 to vector<16xi32>
      %shift_right_logical3A_226 = arith.shrui %mul3A_223, %shift_right_logical3A_225 : vector<16xi32>
      %lt3A_227 = arith.constant 100000 : i32
      %lt3A_228 = vector.broadcast %lt3A_227 : i32 to vector<16xi32>
      %lt3A_229 = arith.cmpi slt, %add3A_213, %lt3A_228 : vector<16xi32>
      %swap3A_230 = arith.index_cast %mul3A_205 : i32 to index
      %swap3A_231 = tpu.vector_load %arg8[%swap3A_230] {strides = array<i32>} : memref<6272xi32, #tpu.memory_space<vmem>>, vector<16xi32>,
      %swap3A_232 = vector.shape_cast %swap3A_231 : vector<16xi32> to vector<16xi32>
      %swap3A_233 = vector.shape_cast %add3A_213 : vector<16xi32> to vector<16xi32>
      tpu.vector_store %arg8[%swap3A_230], %swap3A_233 {strides = array<i32>} : memref<6272xi32, #tpu.memory_space<vmem>>, vector<16xi32>,
      %jit3A_234 = arith.constant 1048576 : i32
      %broadcast_in_dim3A_235 = vector.broadcast %jit3A_234 : i32 to vector<16xi32>
      %select_n3A_236 = arith.select %lt3A_229, %shift_right_logical3A_226, %broadcast_in_dim3A_235 : vector<16xi1>, vector<16xi32>
      %swap3A_237 = arith.index_cast %mul3A_205 : i32 to index
      %swap3A_238 = tpu.vector_load %arg9[%swap3A_237] {strides = array<i32>} : memref<6272xi32, #tpu.memory_space<vmem>>, vector<16xi32>,
      %swap3A_239 = vector.shape_cast %swap3A_238 : vector<16xi32> to vector<16xi32>
      %swap3A_240 = vector.shape_cast %select_n3A_236 : vector<16xi32> to vector<16xi32>
      tpu.vector_store %arg9[%swap3A_237], %swap3A_240 {strides = array<i32>} : memref<6272xi32, #tpu.memory_space<vmem>>, vector<16xi32>,
      %jit3A_241 = arith.constant 0 : i32
      %jit3A_242 = arith.constant 1 : i32
      %broadcast_in_dim3A_243 = vector.broadcast %jit3A_241 : i32 to vector<16xi32>
      %broadcast_in_dim3A_244 = vector.broadcast %jit3A_242 : i32 to vector<16xi32>
      %select_n3A_245 = arith.select %lt3A_229, %broadcast_in_dim3A_243, %broadcast_in_dim3A_244 : vector<16xi1>, vector<16xi32>
      %swap3A_246 = arith.index_cast %mul3A_205 : i32 to index
      %swap3A_247 = tpu.vector_load %arg10[%swap3A_246] {strides = array<i32>} : memref<6272xi32, #tpu.memory_space<vmem>>, vector<16xi32>,
      %swap3A_248 = vector.shape_cast %swap3A_247 : vector<16xi32> to vector<16xi32>
      %swap3A_249 = vector.shape_cast %select_n3A_245 : vector<16xi32> to vector<16xi32>
      tpu.vector_store %arg10[%swap3A_246], %swap3A_249 {strides = array<i32>} : memref<6272xi32, #tpu.memory_space<vmem>>, vector<16xi32>,
      %mul3A_250 = arith.constant 8 : i32
      %mul3A_251 = arith.muli %scan3A_58, %mul3A_250 : i32
      %add3A_252 = arith.constant 4 : i32
      %add3A_253 = arith.addi %mul3A_251, %add3A_252 : i32
      %mul3A_254 = arith.constant 16 : i32
      %mul3A_255 = arith.muli %add3A_253, %mul3A_254 : i32
      %iota3A_256 = tpu.iota {dimensions = array<i32: 0>} : vector<16xi32>
      %mul3A_257 = arith.constant 6272 : i32
      %mul3A_258 = arith.muli %arg1, %mul3A_257 : i32
      %mul3A_259 = arith.constant 16 : i32
      %mul3A_260 = arith.muli %add3A_253, %mul3A_259 : i32
      %add3A_261 = arith.addi %mul3A_258, %mul3A_260 : i32
      %add3A_262 = vector.broadcast %add3A_261 : i32 to vector<16xi32>
      %add3A_263 = arith.addi %add3A_262, %iota3A_256 : vector<16xi32>
      %get3A_264 = arith.index_cast %mul3A_255 : i32 to index
      %get3A_265 = tpu.vector_load %arg7[%get3A_264] {strides = array<i32>} : memref<6272xf32, #tpu.memory_space<vmem>>, vector<16xf32>,
      %get3A_266 = vector.shape_cast %get3A_265 : vector<16xf32> to vector<16xf32>
      %mul3A_267 = arith.constant 0x49800000 : f32
      %mul3A_268 = vector.broadcast %mul3A_267 : f32 to vector<16xf32>
      %mul3A_269 = arith.mulf %get3A_266, %mul3A_268 : vector<16xf32>
      %convert_element_type3A_270 = arith.fptosi %mul3A_269 : vector<16xf32> to vector<16xi32>
      %mul3A_271 = arith.constant -1640531527 : i32
      %mul3A_272 = vector.broadcast %mul3A_271 : i32 to vector<16xi32>
      %mul3A_273 = arith.muli %convert_element_type3A_270, %mul3A_272 : vector<16xi32>
      %shift_right_logical3A_274 = arith.constant 12 : i32
      %shift_right_logical3A_275 = vector.broadcast %shift_right_logical3A_274 : i32 to vector<16xi32>
      %shift_right_logical3A_276 = arith.shrui %mul3A_273, %shift_right_logical3A_275 : vector<16xi32>
      %lt3A_277 = arith.constant 100000 : i32
      %lt3A_278 = vector.broadcast %lt3A_277 : i32 to vector<16xi32>
      %lt3A_279 = arith.cmpi slt, %add3A_263, %lt3A_278 : vector<16xi32>
      %swap3A_280 = arith.index_cast %mul3A_255 : i32 to index
      %swap3A_281 = tpu.vector_load %arg8[%swap3A_280] {strides = array<i32>} : memref<6272xi32, #tpu.memory_space<vmem>>, vector<16xi32>,
      %swap3A_282 = vector.shape_cast %swap3A_281 : vector<16xi32> to vector<16xi32>
      %swap3A_283 = vector.shape_cast %add3A_263 : vector<16xi32> to vector<16xi32>
      tpu.vector_store %arg8[%swap3A_280], %swap3A_283 {strides = array<i32>} : memref<6272xi32, #tpu.memory_space<vmem>>, vector<16xi32>,
      %jit3A_284 = arith.constant 1048576 : i32
      %broadcast_in_dim3A_285 = vector.broadcast %jit3A_284 : i32 to vector<16xi32>
      %select_n3A_286 = arith.select %lt3A_279, %shift_right_logical3A_276, %broadcast_in_dim3A_285 : vector<16xi1>, vector<16xi32>
      %swap3A_287 = arith.index_cast %mul3A_255 : i32 to index
      %swap3A_288 = tpu.vector_load %arg9[%swap3A_287] {strides = array<i32>} : memref<6272xi32, #tpu.memory_space<vmem>>, vector<16xi32>,
      %swap3A_289 = vector.shape_cast %swap3A_288 : vector<16xi32> to vector<16xi32>
      %swap3A_290 = vector.shape_cast %select_n3A_286 : vector<16xi32> to vector<16xi32>
      tpu.vector_store %arg9[%swap3A_287], %swap3A_290 {strides = array<i32>} : memref<6272xi32, #tpu.memory_space<vmem>>, vector<16xi32>,
      %jit3A_291 = arith.constant 0 : i32
      %jit3A_292 = arith.constant 1 : i32
      %broadcast_in_dim3A_293 = vector.broadcast %jit3A_291 : i32 to vector<16xi32>
      %broadcast_in_dim3A_294 = vector.broadcast %jit3A_292 : i32 to vector<16xi32>
      %select_n3A_295 = arith.select %lt3A_279, %broadcast_in_dim3A_293, %broadcast_in_dim3A_294 : vector<16xi1>, vector<16xi32>
      %swap3A_296 = arith.index_cast %mul3A_255 : i32 to index
      %swap3A_297 = tpu.vector_load %arg10[%swap3A_296] {strides = array<i32>} : memref<6272xi32, #tpu.memory_space<vmem>>, vector<16xi32>,
      %swap3A_298 = vector.shape_cast %swap3A_297 : vector<16xi32> to vector<16xi32>
      %swap3A_299 = vector.shape_cast %select_n3A_295 : vector<16xi32> to vector<16xi32>
      tpu.vector_store %arg10[%swap3A_296], %swap3A_299 {strides = array<i32>} : memref<6272xi32, #tpu.memory_space<vmem>>, vector<16xi32>,
      %mul3A_300 = arith.constant 8 : i32
      %mul3A_301 = arith.muli %scan3A_58, %mul3A_300 : i32
      %add3A_302 = arith.constant 5 : i32
      %add3A_303 = arith.addi %mul3A_301, %add3A_302 : i32
      %mul3A_304 = arith.constant 16 : i32
      %mul3A_305 = arith.muli %add3A_303, %mul3A_304 : i32
      %iota3A_306 = tpu.iota {dimensions = array<i32: 0>} : vector<16xi32>
      %mul3A_307 = arith.constant 6272 : i32
      %mul3A_308 = arith.muli %arg1, %mul3A_307 : i32
      %mul3A_309 = arith.constant 16 : i32
      %mul3A_310 = arith.muli %add3A_303, %mul3A_309 : i32
      %add3A_311 = arith.addi %mul3A_308, %mul3A_310 : i32
      %add3A_312 = vector.broadcast %add3A_311 : i32 to vector<16xi32>
      %add3A_313 = arith.addi %add3A_312, %iota3A_306 : vector<16xi32>
      %get3A_314 = arith.index_cast %mul3A_305 : i32 to index
      %get3A_315 = tpu.vector_load %arg7[%get3A_314] {strides = array<i32>} : memref<6272xf32, #tpu.memory_space<vmem>>, vector<16xf32>,
      %get3A_316 = vector.shape_cast %get3A_315 : vector<16xf32> to vector<16xf32>
      %mul3A_317 = arith.constant 0x49800000 : f32
      %mul3A_318 = vector.broadcast %mul3A_317 : f32 to vector<16xf32>
      %mul3A_319 = arith.mulf %get3A_316, %mul3A_318 : vector<16xf32>
      %convert_element_type3A_320 = arith.fptosi %mul3A_319 : vector<16xf32> to vector<16xi32>
      %mul3A_321 = arith.constant -1640531527 : i32
      %mul3A_322 = vector.broadcast %mul3A_321 : i32 to vector<16xi32>
      %mul3A_323 = arith.muli %convert_element_type3A_320, %mul3A_322 : vector<16xi32>
      %shift_right_logical3A_324 = arith.constant 12 : i32
      %shift_right_logical3A_325 = vector.broadcast %shift_right_logical3A_324 : i32 to vector<16xi32>
      %shift_right_logical3A_326 = arith.shrui %mul3A_323, %shift_right_logical3A_325 : vector<16xi32>
      %lt3A_327 = arith.constant 100000 : i32
      %lt3A_328 = vector.broadcast %lt3A_327 : i32 to vector<16xi32>
      %lt3A_329 = arith.cmpi slt, %add3A_313, %lt3A_328 : vector<16xi32>
      %swap3A_330 = arith.index_cast %mul3A_305 : i32 to index
      %swap3A_331 = tpu.vector_load %arg8[%swap3A_330] {strides = array<i32>} : memref<6272xi32, #tpu.memory_space<vmem>>, vector<16xi32>,
      %swap3A_332 = vector.shape_cast %swap3A_331 : vector<16xi32> to vector<16xi32>
      %swap3A_333 = vector.shape_cast %add3A_313 : vector<16xi32> to vector<16xi32>
      tpu.vector_store %arg8[%swap3A_330], %swap3A_333 {strides = array<i32>} : memref<6272xi32, #tpu.memory_space<vmem>>, vector<16xi32>,
      %jit3A_334 = arith.constant 1048576 : i32
      %broadcast_in_dim3A_335 = vector.broadcast %jit3A_334 : i32 to vector<16xi32>
      %select_n3A_336 = arith.select %lt3A_329, %shift_right_logical3A_326, %broadcast_in_dim3A_335 : vector<16xi1>, vector<16xi32>
      %swap3A_337 = arith.index_cast %mul3A_305 : i32 to index
      %swap3A_338 = tpu.vector_load %arg9[%swap3A_337] {strides = array<i32>} : memref<6272xi32, #tpu.memory_space<vmem>>, vector<16xi32>,
      %swap3A_339 = vector.shape_cast %swap3A_338 : vector<16xi32> to vector<16xi32>
      %swap3A_340 = vector.shape_cast %select_n3A_336 : vector<16xi32> to vector<16xi32>
      tpu.vector_store %arg9[%swap3A_337], %swap3A_340 {strides = array<i32>} : memref<6272xi32, #tpu.memory_space<vmem>>, vector<16xi32>,
      %jit3A_341 = arith.constant 0 : i32
      %jit3A_342 = arith.constant 1 : i32
      %broadcast_in_dim3A_343 = vector.broadcast %jit3A_341 : i32 to vector<16xi32>
      %broadcast_in_dim3A_344 = vector.broadcast %jit3A_342 : i32 to vector<16xi32>
      %select_n3A_345 = arith.select %lt3A_329, %broadcast_in_dim3A_343, %broadcast_in_dim3A_344 : vector<16xi1>, vector<16xi32>
      %swap3A_346 = arith.index_cast %mul3A_305 : i32 to index
      %swap3A_347 = tpu.vector_load %arg10[%swap3A_346] {strides = array<i32>} : memref<6272xi32, #tpu.memory_space<vmem>>, vector<16xi32>,
      %swap3A_348 = vector.shape_cast %swap3A_347 : vector<16xi32> to vector<16xi32>
      %swap3A_349 = vector.shape_cast %select_n3A_345 : vector<16xi32> to vector<16xi32>
      tpu.vector_store %arg10[%swap3A_346], %swap3A_349 {strides = array<i32>} : memref<6272xi32, #tpu.memory_space<vmem>>, vector<16xi32>,
      %mul3A_350 = arith.constant 8 : i32
      %mul3A_351 = arith.muli %scan3A_58, %mul3A_350 : i32
      %add3A_352 = arith.constant 6 : i32
      %add3A_353 = arith.addi %mul3A_351, %add3A_352 : i32
      %mul3A_354 = arith.constant 16 : i32
      %mul3A_355 = arith.muli %add3A_353, %mul3A_354 : i32
      %iota3A_356 = tpu.iota {dimensions = array<i32: 0>} : vector<16xi32>
      %mul3A_357 = arith.constant 6272 : i32
      %mul3A_358 = arith.muli %arg1, %mul3A_357 : i32
      %mul3A_359 = arith.constant 16 : i32
      %mul3A_360 = arith.muli %add3A_353, %mul3A_359 : i32
      %add3A_361 = arith.addi %mul3A_358, %mul3A_360 : i32
      %add3A_362 = vector.broadcast %add3A_361 : i32 to vector<16xi32>
      %add3A_363 = arith.addi %add3A_362, %iota3A_356 : vector<16xi32>
      %get3A_364 = arith.index_cast %mul3A_355 : i32 to index
      %get3A_365 = tpu.vector_load %arg7[%get3A_364] {strides = array<i32>} : memref<6272xf32, #tpu.memory_space<vmem>>, vector<16xf32>,
      %get3A_366 = vector.shape_cast %get3A_365 : vector<16xf32> to vector<16xf32>
      %mul3A_367 = arith.constant 0x49800000 : f32
      %mul3A_368 = vector.broadcast %mul3A_367 : f32 to vector<16xf32>
      %mul3A_369 = arith.mulf %get3A_366, %mul3A_368 : vector<16xf32>
      %convert_element_type3A_370 = arith.fptosi %mul3A_369 : vector<16xf32> to vector<16xi32>
      %mul3A_371 = arith.constant -1640531527 : i32
      %mul3A_372 = vector.broadcast %mul3A_371 : i32 to vector<16xi32>
      %mul3A_373 = arith.muli %convert_element_type3A_370, %mul3A_372 : vector<16xi32>
      %shift_right_logical3A_374 = arith.constant 12 : i32
      %shift_right_logical3A_375 = vector.broadcast %shift_right_logical3A_374 : i32 to vector<16xi32>
      %shift_right_logical3A_376 = arith.shrui %mul3A_373, %shift_right_logical3A_375 : vector<16xi32>
      %lt3A_377 = arith.constant 100000 : i32
      %lt3A_378 = vector.broadcast %lt3A_377 : i32 to vector<16xi32>
      %lt3A_379 = arith.cmpi slt, %add3A_363, %lt3A_378 : vector<16xi32>
      %swap3A_380 = arith.index_cast %mul3A_355 : i32 to index
      %swap3A_381 = tpu.vector_load %arg8[%swap3A_380] {strides = array<i32>} : memref<6272xi32, #tpu.memory_space<vmem>>, vector<16xi32>,
      %swap3A_382 = vector.shape_cast %swap3A_381 : vector<16xi32> to vector<16xi32>
      %swap3A_383 = vector.shape_cast %add3A_363 : vector<16xi32> to vector<16xi32>
      tpu.vector_store %arg8[%swap3A_380], %swap3A_383 {strides = array<i32>} : memref<6272xi32, #tpu.memory_space<vmem>>, vector<16xi32>,
      %jit3A_384 = arith.constant 1048576 : i32
      %broadcast_in_dim3A_385 = vector.broadcast %jit3A_384 : i32 to vector<16xi32>
      %select_n3A_386 = arith.select %lt3A_379, %shift_right_logical3A_376, %broadcast_in_dim3A_385 : vector<16xi1>, vector<16xi32>
      %swap3A_387 = arith.index_cast %mul3A_355 : i32 to index
      %swap3A_388 = tpu.vector_load %arg9[%swap3A_387] {strides = array<i32>} : memref<6272xi32, #tpu.memory_space<vmem>>, vector<16xi32>,
      %swap3A_389 = vector.shape_cast %swap3A_388 : vector<16xi32> to vector<16xi32>
      %swap3A_390 = vector.shape_cast %select_n3A_386 : vector<16xi32> to vector<16xi32>
      tpu.vector_store %arg9[%swap3A_387], %swap3A_390 {strides = array<i32>} : memref<6272xi32, #tpu.memory_space<vmem>>, vector<16xi32>,
      %jit3A_391 = arith.constant 0 : i32
      %jit3A_392 = arith.constant 1 : i32
      %broadcast_in_dim3A_393 = vector.broadcast %jit3A_391 : i32 to vector<16xi32>
      %broadcast_in_dim3A_394 = vector.broadcast %jit3A_392 : i32 to vector<16xi32>
      %select_n3A_395 = arith.select %lt3A_379, %broadcast_in_dim3A_393, %broadcast_in_dim3A_394 : vector<16xi1>, vector<16xi32>
      %swap3A_396 = arith.index_cast %mul3A_355 : i32 to index
      %swap3A_397 = tpu.vector_load %arg10[%swap3A_396] {strides = array<i32>} : memref<6272xi32, #tpu.memory_space<vmem>>, vector<16xi32>,
      %swap3A_398 = vector.shape_cast %swap3A_397 : vector<16xi32> to vector<16xi32>
      %swap3A_399 = vector.shape_cast %select_n3A_395 : vector<16xi32> to vector<16xi32>
      tpu.vector_store %arg10[%swap3A_396], %swap3A_399 {strides = array<i32>} : memref<6272xi32, #tpu.memory_space<vmem>>, vector<16xi32>,
      %mul3A_400 = arith.constant 8 : i32
      %mul3A_401 = arith.muli %scan3A_58, %mul3A_400 : i32
      %add3A_402 = arith.constant 7 : i32
      %add3A_403 = arith.addi %mul3A_401, %add3A_402 : i32
      %mul3A_404 = arith.constant 16 : i32
      %mul3A_405 = arith.muli %add3A_403, %mul3A_404 : i32
      %iota3A_406 = tpu.iota {dimensions = array<i32: 0>} : vector<16xi32>
      %mul3A_407 = arith.constant 6272 : i32
      %mul3A_408 = arith.muli %arg1, %mul3A_407 : i32
      %mul3A_409 = arith.constant 16 : i32
      %mul3A_410 = arith.muli %add3A_403, %mul3A_409 : i32
      %add3A_411 = arith.addi %mul3A_408, %mul3A_410 : i32
      %add3A_412 = vector.broadcast %add3A_411 : i32 to vector<16xi32>
      %add3A_413 = arith.addi %add3A_412, %iota3A_406 : vector<16xi32>
      %get3A_414 = arith.index_cast %mul3A_405 : i32 to index
      %get3A_415 = tpu.vector_load %arg7[%get3A_414] {strides = array<i32>} : memref<6272xf32, #tpu.memory_space<vmem>>, vector<16xf32>,
      %get3A_416 = vector.shape_cast %get3A_415 : vector<16xf32> to vector<16xf32>
      %mul3A_417 = arith.constant 0x49800000 : f32
      %mul3A_418 = vector.broadcast %mul3A_417 : f32 to vector<16xf32>
      %mul3A_419 = arith.mulf %get3A_416, %mul3A_418 : vector<16xf32>
      %convert_element_type3A_420 = arith.fptosi %mul3A_419 : vector<16xf32> to vector<16xi32>
      %mul3A_421 = arith.constant -1640531527 : i32
      %mul3A_422 = vector.broadcast %mul3A_421 : i32 to vector<16xi32>
      %mul3A_423 = arith.muli %convert_element_type3A_420, %mul3A_422 : vector<16xi32>
      %shift_right_logical3A_424 = arith.constant 12 : i32
      %shift_right_logical3A_425 = vector.broadcast %shift_right_logical3A_424 : i32 to vector<16xi32>
      %shift_right_logical3A_426 = arith.shrui %mul3A_423, %shift_right_logical3A_425 : vector<16xi32>
      %lt3A_427 = arith.constant 100000 : i32
      %lt3A_428 = vector.broadcast %lt3A_427 : i32 to vector<16xi32>
      %lt3A_429 = arith.cmpi slt, %add3A_413, %lt3A_428 : vector<16xi32>
      %swap3A_430 = arith.index_cast %mul3A_405 : i32 to index
      %swap3A_431 = tpu.vector_load %arg8[%swap3A_430] {strides = array<i32>} : memref<6272xi32, #tpu.memory_space<vmem>>, vector<16xi32>,
      %swap3A_432 = vector.shape_cast %swap3A_431 : vector<16xi32> to vector<16xi32>
      %swap3A_433 = vector.shape_cast %add3A_413 : vector<16xi32> to vector<16xi32>
      tpu.vector_store %arg8[%swap3A_430], %swap3A_433 {strides = array<i32>} : memref<6272xi32, #tpu.memory_space<vmem>>, vector<16xi32>,
      %jit3A_434 = arith.constant 1048576 : i32
      %broadcast_in_dim3A_435 = vector.broadcast %jit3A_434 : i32 to vector<16xi32>
      %select_n3A_436 = arith.select %lt3A_429, %shift_right_logical3A_426, %broadcast_in_dim3A_435 : vector<16xi1>, vector<16xi32>
      %swap3A_437 = arith.index_cast %mul3A_405 : i32 to index
      %swap3A_438 = tpu.vector_load %arg9[%swap3A_437] {strides = array<i32>} : memref<6272xi32, #tpu.memory_space<vmem>>, vector<16xi32>,
      %swap3A_439 = vector.shape_cast %swap3A_438 : vector<16xi32> to vector<16xi32>
      %swap3A_440 = vector.shape_cast %select_n3A_436 : vector<16xi32> to vector<16xi32>
      tpu.vector_store %arg9[%swap3A_437], %swap3A_440 {strides = array<i32>} : memref<6272xi32, #tpu.memory_space<vmem>>, vector<16xi32>,
      %jit3A_441 = arith.constant 0 : i32
      %jit3A_442 = arith.constant 1 : i32
      %broadcast_in_dim3A_443 = vector.broadcast %jit3A_441 : i32 to vector<16xi32>
      %broadcast_in_dim3A_444 = vector.broadcast %jit3A_442 : i32 to vector<16xi32>
      %select_n3A_445 = arith.select %lt3A_429, %broadcast_in_dim3A_443, %broadcast_in_dim3A_444 : vector<16xi1>, vector<16xi32>
      %swap3A_446 = arith.index_cast %mul3A_405 : i32 to index
      %swap3A_447 = tpu.vector_load %arg10[%swap3A_446] {strides = array<i32>} : memref<6272xi32, #tpu.memory_space<vmem>>, vector<16xi32>,
      %swap3A_448 = vector.shape_cast %swap3A_447 : vector<16xi32> to vector<16xi32>
      %swap3A_449 = vector.shape_cast %select_n3A_445 : vector<16xi32> to vector<16xi32>
      tpu.vector_store %arg10[%swap3A_446], %swap3A_449 {strides = array<i32>} : memref<6272xi32, #tpu.memory_space<vmem>>, vector<16xi32>,
    }
    %scan3A_29 = arith.constant 49 : i32
    %barrier3A = arith.constant 0 : index
    tpu.barrier barrier_id(%barrier3A)
    %scan3A_30 = arith.constant 100000 : i32
    %scan3A_31 = arith.constant 0 : i32
    %scan3A_32 = arith.constant 24 : i32
    %scan3A_33 = arith.addi %scan3A_31, %scan3A_32 : i32
    %scan3A_34 = arith.constant 1 : i32
    %scan3A_35 = scf.for %scan3A_58 = %scan3A_31 to %scan3A_33 step %scan3A_34 iter_args(%scan3A_59 = %scan3A_30) -> (i32)  : i32 {
      %gt3A = arith.constant 0 : i32
      %gt3A_60 = arith.cmpi sgt, %scan3A_59, %gt3A : i32
      %convert_element_type3A = arith.extui %gt3A_60 : i1 to i32
      %cond3A = arith.constant 0 : i32
      %cond3A_61 = arith.cmpi ne, %convert_element_type3A, %cond3A : i32
      %cond3A_62 = scf.if %cond3A_61 -> (i32) {
        "tpu.region"() ({
          %run_scoped3A = tpu.sem_alloc : memref<!tpu.dma_semaphore, #tpu.memory_space<semaphore_mem>>
          %dma_start3A = arith.constant 0 : i32
          %dma_start3A_196 = tpu.memref_slice %arg23[%dma_start3A] : memref<1048704xi32, #tpu.memory_space<vmem_shared>> -> memref<1048704xi32, #tpu.memory_space<vmem_shared>>
          tpu.enqueue_indirect_dma source(%dma_start3A_196 : memref<1048704xi32, #tpu.memory_space<vmem_shared>>) target(%arg12 : memref<6272xi32, #tpu.memory_space<vmem>>) offsets(%arg9 : memref<6272xi32, #tpu.memory_space<vmem>>) semaphore(%run_scoped3A : memref<!tpu.dma_semaphore, #tpu.memory_space<semaphore_mem>>)
          %dma_wait3A = arith.constant 0 : i32
          %dma_wait3A_197 = tpu.memref_slice %arg23[%dma_wait3A] : memref<1048704xi32, #tpu.memory_space<vmem_shared>> -> memref<1048704xi32, #tpu.memory_space<vmem_shared>>
          tpu.wait_indirect_dma semaphore(%run_scoped3A : memref<!tpu.dma_semaphore, #tpu.memory_space<semaphore_mem>>) src(%dma_wait3A_197 : memref<1048704xi32, #tpu.memory_space<vmem_shared>>) dst(%arg12 : memref<6272xi32, #tpu.memory_space<vmem>>)
          tpu.yield
        }) : () -> ()
        %scan3A_63 = arith.constant 0 : i32
        %scan3A_64 = arith.constant 0 : i32
        %scan3A_65 = arith.constant 49 : i32
        %scan3A_66 = arith.addi %scan3A_64, %scan3A_65 : i32
        %scan3A_67 = arith.constant 1 : i32
        scf.for %scan3A_196 = %scan3A_64 to %scan3A_66 step %scan3A_67  : i32 {
          %mul3A_197 = arith.constant 128 : i32
          %mul3A_198 = arith.muli %scan3A_196, %mul3A_197 : i32
          %add3A_199 = arith.constant 0 : i32
          %add3A_200 = arith.addi %mul3A_198, %add3A_199 : i32
          %get3A_201 = arith.index_cast %add3A_200 : i32 to index
          %get3A_202 = tpu.vector_load %arg10[%get3A_201] {strides = array<i32>} : memref<6272xi32, #tpu.memory_space<vmem>>, vector<16xi32>,
          %get3A_203 = vector.shape_cast %get3A_202 : vector<16xi32> to vector<16xi32>
          %eq3A = arith.constant 1 : i32
          %eq3A_204 = vector.broadcast %eq3A : i32 to vector<16xi32>
          %eq3A_205 = arith.cmpi eq, %get3A_203, %eq3A_204 : vector<16xi32>
          %get3A_206 = arith.index_cast %add3A_200 : i32 to index
          %get3A_207 = tpu.vector_load %arg12[%get3A_206] {strides = array<i32>} : memref<6272xi32, #tpu.memory_space<vmem>>, vector<16xi32>,
          %get3A_208 = vector.shape_cast %get3A_207 : vector<16xi32> to vector<16xi32>
          %eq3A_209 = arith.constant -1 : i32
          %eq3A_210 = vector.broadcast %eq3A_209 : i32 to vector<16xi32>
          %eq3A_211 = arith.cmpi eq, %get3A_208, %eq3A_210 : vector<16xi32>
          %or3A = arith.ori %eq3A_205, %eq3A_211 : vector<16xi1>
          %get3A_212 = arith.index_cast %add3A_200 : i32 to index
          %get3A_213 = tpu.vector_load %arg9[%get3A_212] {strides = array<i32>} : memref<6272xi32, #tpu.memory_space<vmem>>, vector<16xi32>,
          %get3A_214 = vector.shape_cast %get3A_213 : vector<16xi32> to vector<16xi32>
          %jit3A = arith.constant 1048576 : i32
          %broadcast_in_dim3A_215 = vector.broadcast %jit3A : i32 to vector<16xi32>
          %select_n3A = arith.select %or3A, %get3A_214, %broadcast_in_dim3A_215 : vector<16xi1>, vector<16xi32>
          %swap3A_216 = arith.index_cast %add3A_200 : i32 to index
          %swap3A_217 = tpu.vector_load %arg11[%swap3A_216] {strides = array<i32>} : memref<6272xi32, #tpu.memory_space<vmem>>, vector<16xi32>,
          %swap3A_218 = vector.shape_cast %swap3A_217 : vector<16xi32> to vector<16xi32>
          %swap3A_219 = vector.shape_cast %select_n3A : vector<16xi32> to vector<16xi32>
          tpu.vector_store %arg11[%swap3A_216], %swap3A_219 {strides = array<i32>} : memref<6272xi32, #tpu.memory_space<vmem>>, vector<16xi32>,
          %mul3A_220 = arith.constant 128 : i32
          %mul3A_221 = arith.muli %scan3A_196, %mul3A_220 : i32
          %add3A_222 = arith.constant 16 : i32
          %add3A_223 = arith.addi %mul3A_221, %add3A_222 : i32
          %get3A_224 = arith.index_cast %add3A_223 : i32 to index
          %get3A_225 = tpu.vector_load %arg10[%get3A_224] {strides = array<i32>} : memref<6272xi32, #tpu.memory_space<vmem>>, vector<16xi32>,
          %get3A_226 = vector.shape_cast %get3A_225 : vector<16xi32> to vector<16xi32>
          %eq3A_227 = arith.constant 1 : i32
          %eq3A_228 = vector.broadcast %eq3A_227 : i32 to vector<16xi32>
          %eq3A_229 = arith.cmpi eq, %get3A_226, %eq3A_228 : vector<16xi32>
          %get3A_230 = arith.index_cast %add3A_223 : i32 to index
          %get3A_231 = tpu.vector_load %arg12[%get3A_230] {strides = array<i32>} : memref<6272xi32, #tpu.memory_space<vmem>>, vector<16xi32>,
          %get3A_232 = vector.shape_cast %get3A_231 : vector<16xi32> to vector<16xi32>
          %eq3A_233 = arith.constant -1 : i32
          %eq3A_234 = vector.broadcast %eq3A_233 : i32 to vector<16xi32>
          %eq3A_235 = arith.cmpi eq, %get3A_232, %eq3A_234 : vector<16xi32>
          %or3A_236 = arith.ori %eq3A_229, %eq3A_235 : vector<16xi1>
          %get3A_237 = arith.index_cast %add3A_223 : i32 to index
          %get3A_238 = tpu.vector_load %arg9[%get3A_237] {strides = array<i32>} : memref<6272xi32, #tpu.memory_space<vmem>>, vector<16xi32>,
          %get3A_239 = vector.shape_cast %get3A_238 : vector<16xi32> to vector<16xi32>
          %jit3A_240 = arith.constant 1048576 : i32
          %broadcast_in_dim3A_241 = vector.broadcast %jit3A_240 : i32 to vector<16xi32>
          %select_n3A_242 = arith.select %or3A_236, %get3A_239, %broadcast_in_dim3A_241 : vector<16xi1>, vector<16xi32>
          %swap3A_243 = arith.index_cast %add3A_223 : i32 to index
          %swap3A_244 = tpu.vector_load %arg11[%swap3A_243] {strides = array<i32>} : memref<6272xi32, #tpu.memory_space<vmem>>, vector<16xi32>,
          %swap3A_245 = vector.shape_cast %swap3A_244 : vector<16xi32> to vector<16xi32>
          %swap3A_246 = vector.shape_cast %select_n3A_242 : vector<16xi32> to vector<16xi32>
          tpu.vector_store %arg11[%swap3A_243], %swap3A_246 {strides = array<i32>} : memref<6272xi32, #tpu.memory_space<vmem>>, vector<16xi32>,
          %mul3A_247 = arith.constant 128 : i32
          %mul3A_248 = arith.muli %scan3A_196, %mul3A_247 : i32
          %add3A_249 = arith.constant 32 : i32
          %add3A_250 = arith.addi %mul3A_248, %add3A_249 : i32
          %get3A_251 = arith.index_cast %add3A_250 : i32 to index
          %get3A_252 = tpu.vector_load %arg10[%get3A_251] {strides = array<i32>} : memref<6272xi32, #tpu.memory_space<vmem>>, vector<16xi32>,
          %get3A_253 = vector.shape_cast %get3A_252 : vector<16xi32> to vector<16xi32>
          %eq3A_254 = arith.constant 1 : i32
          %eq3A_255 = vector.broadcast %eq3A_254 : i32 to vector<16xi32>
          %eq3A_256 = arith.cmpi eq, %get3A_253, %eq3A_255 : vector<16xi32>
          %get3A_257 = arith.index_cast %add3A_250 : i32 to index
          %get3A_258 = tpu.vector_load %arg12[%get3A_257] {strides = array<i32>} : memref<6272xi32, #tpu.memory_space<vmem>>, vector<16xi32>,
          %get3A_259 = vector.shape_cast %get3A_258 : vector<16xi32> to vector<16xi32>
          %eq3A_260 = arith.constant -1 : i32
          %eq3A_261 = vector.broadcast %eq3A_260 : i32 to vector<16xi32>
          %eq3A_262 = arith.cmpi eq, %get3A_259, %eq3A_261 : vector<16xi32>
          %or3A_263 = arith.ori %eq3A_256, %eq3A_262 : vector<16xi1>
          %get3A_264 = arith.index_cast %add3A_250 : i32 to index
          %get3A_265 = tpu.vector_load %arg9[%get3A_264] {strides = array<i32>} : memref<6272xi32, #tpu.memory_space<vmem>>, vector<16xi32>,
          %get3A_266 = vector.shape_cast %get3A_265 : vector<16xi32> to vector<16xi32>
          %jit3A_267 = arith.constant 1048576 : i32
          %broadcast_in_dim3A_268 = vector.broadcast %jit3A_267 : i32 to vector<16xi32>
          %select_n3A_269 = arith.select %or3A_263, %get3A_266, %broadcast_in_dim3A_268 : vector<16xi1>, vector<16xi32>
          %swap3A_270 = arith.index_cast %add3A_250 : i32 to index
          %swap3A_271 = tpu.vector_load %arg11[%swap3A_270] {strides = array<i32>} : memref<6272xi32, #tpu.memory_space<vmem>>, vector<16xi32>,
          %swap3A_272 = vector.shape_cast %swap3A_271 : vector<16xi32> to vector<16xi32>
          %swap3A_273 = vector.shape_cast %select_n3A_269 : vector<16xi32> to vector<16xi32>
          tpu.vector_store %arg11[%swap3A_270], %swap3A_273 {strides = array<i32>} : memref<6272xi32, #tpu.memory_space<vmem>>, vector<16xi32>,
          %mul3A_274 = arith.constant 128 : i32
          %mul3A_275 = arith.muli %scan3A_196, %mul3A_274 : i32
          %add3A_276 = arith.constant 48 : i32
          %add3A_277 = arith.addi %mul3A_275, %add3A_276 : i32
          %get3A_278 = arith.index_cast %add3A_277 : i32 to index
          %get3A_279 = tpu.vector_load %arg10[%get3A_278] {strides = array<i32>} : memref<6272xi32, #tpu.memory_space<vmem>>, vector<16xi32>,
          %get3A_280 = vector.shape_cast %get3A_279 : vector<16xi32> to vector<16xi32>
          %eq3A_281 = arith.constant 1 : i32
          %eq3A_282 = vector.broadcast %eq3A_281 : i32 to vector<16xi32>
          %eq3A_283 = arith.cmpi eq, %get3A_280, %eq3A_282 : vector<16xi32>
          %get3A_284 = arith.index_cast %add3A_277 : i32 to index
          %get3A_285 = tpu.vector_load %arg12[%get3A_284] {strides = array<i32>} : memref<6272xi32, #tpu.memory_space<vmem>>, vector<16xi32>,
          %get3A_286 = vector.shape_cast %get3A_285 : vector<16xi32> to vector<16xi32>
          %eq3A_287 = arith.constant -1 : i32
          %eq3A_288 = vector.broadcast %eq3A_287 : i32 to vector<16xi32>
          %eq3A_289 = arith.cmpi eq, %get3A_286, %eq3A_288 : vector<16xi32>
          %or3A_290 = arith.ori %eq3A_283, %eq3A_289 : vector<16xi1>
          %get3A_291 = arith.index_cast %add3A_277 : i32 to index
          %get3A_292 = tpu.vector_load %arg9[%get3A_291] {strides = array<i32>} : memref<6272xi32, #tpu.memory_space<vmem>>, vector<16xi32>,
          %get3A_293 = vector.shape_cast %get3A_292 : vector<16xi32> to vector<16xi32>
          %jit3A_294 = arith.constant 1048576 : i32
          %broadcast_in_dim3A_295 = vector.broadcast %jit3A_294 : i32 to vector<16xi32>
          %select_n3A_296 = arith.select %or3A_290, %get3A_293, %broadcast_in_dim3A_295 : vector<16xi1>, vector<16xi32>
          %swap3A_297 = arith.index_cast %add3A_277 : i32 to index
          %swap3A_298 = tpu.vector_load %arg11[%swap3A_297] {strides = array<i32>} : memref<6272xi32, #tpu.memory_space<vmem>>, vector<16xi32>,
          %swap3A_299 = vector.shape_cast %swap3A_298 : vector<16xi32> to vector<16xi32>
          %swap3A_300 = vector.shape_cast %select_n3A_296 : vector<16xi32> to vector<16xi32>
          tpu.vector_store %arg11[%swap3A_297], %swap3A_300 {strides = array<i32>} : memref<6272xi32, #tpu.memory_space<vmem>>, vector<16xi32>,
          %mul3A_301 = arith.constant 128 : i32
          %mul3A_302 = arith.muli %scan3A_196, %mul3A_301 : i32
          %add3A_303 = arith.constant 64 : i32
          %add3A_304 = arith.addi %mul3A_302, %add3A_303 : i32
          %get3A_305 = arith.index_cast %add3A_304 : i32 to index
          %get3A_306 = tpu.vector_load %arg10[%get3A_305] {strides = array<i32>} : memref<6272xi32, #tpu.memory_space<vmem>>, vector<16xi32>,
          %get3A_307 = vector.shape_cast %get3A_306 : vector<16xi32> to vector<16xi32>
          %eq3A_308 = arith.constant 1 : i32
          %eq3A_309 = vector.broadcast %eq3A_308 : i32 to vector<16xi32>
          %eq3A_310 = arith.cmpi eq, %get3A_307, %eq3A_309 : vector<16xi32>
          %get3A_311 = arith.index_cast %add3A_304 : i32 to index
          %get3A_312 = tpu.vector_load %arg12[%get3A_311] {strides = array<i32>} : memref<6272xi32, #tpu.memory_space<vmem>>, vector<16xi32>,
          %get3A_313 = vector.shape_cast %get3A_312 : vector<16xi32> to vector<16xi32>
          %eq3A_314 = arith.constant -1 : i32
          %eq3A_315 = vector.broadcast %eq3A_314 : i32 to vector<16xi32>
          %eq3A_316 = arith.cmpi eq, %get3A_313, %eq3A_315 : vector<16xi32>
          %or3A_317 = arith.ori %eq3A_310, %eq3A_316 : vector<16xi1>
          %get3A_318 = arith.index_cast %add3A_304 : i32 to index
          %get3A_319 = tpu.vector_load %arg9[%get3A_318] {strides = array<i32>} : memref<6272xi32, #tpu.memory_space<vmem>>, vector<16xi32>,
          %get3A_320 = vector.shape_cast %get3A_319 : vector<16xi32> to vector<16xi32>
          %jit3A_321 = arith.constant 1048576 : i32
          %broadcast_in_dim3A_322 = vector.broadcast %jit3A_321 : i32 to vector<16xi32>
          %select_n3A_323 = arith.select %or3A_317, %get3A_320, %broadcast_in_dim3A_322 : vector<16xi1>, vector<16xi32>
          %swap3A_324 = arith.index_cast %add3A_304 : i32 to index
          %swap3A_325 = tpu.vector_load %arg11[%swap3A_324] {strides = array<i32>} : memref<6272xi32, #tpu.memory_space<vmem>>, vector<16xi32>,
          %swap3A_326 = vector.shape_cast %swap3A_325 : vector<16xi32> to vector<16xi32>
          %swap3A_327 = vector.shape_cast %select_n3A_323 : vector<16xi32> to vector<16xi32>
          tpu.vector_store %arg11[%swap3A_324], %swap3A_327 {strides = array<i32>} : memref<6272xi32, #tpu.memory_space<vmem>>, vector<16xi32>,
          %mul3A_328 = arith.constant 128 : i32
          %mul3A_329 = arith.muli %scan3A_196, %mul3A_328 : i32
          %add3A_330 = arith.constant 80 : i32
          %add3A_331 = arith.addi %mul3A_329, %add3A_330 : i32
          %get3A_332 = arith.index_cast %add3A_331 : i32 to index
          %get3A_333 = tpu.vector_load %arg10[%get3A_332] {strides = array<i32>} : memref<6272xi32, #tpu.memory_space<vmem>>, vector<16xi32>,
          %get3A_334 = vector.shape_cast %get3A_333 : vector<16xi32> to vector<16xi32>
          %eq3A_335 = arith.constant 1 : i32
          %eq3A_336 = vector.broadcast %eq3A_335 : i32 to vector<16xi32>
          %eq3A_337 = arith.cmpi eq, %get3A_334, %eq3A_336 : vector<16xi32>
          %get3A_338 = arith.index_cast %add3A_331 : i32 to index
          %get3A_339 = tpu.vector_load %arg12[%get3A_338] {strides = array<i32>} : memref<6272xi32, #tpu.memory_space<vmem>>, vector<16xi32>,
          %get3A_340 = vector.shape_cast %get3A_339 : vector<16xi32> to vector<16xi32>
          %eq3A_341 = arith.constant -1 : i32
          %eq3A_342 = vector.broadcast %eq3A_341 : i32 to vector<16xi32>
          %eq3A_343 = arith.cmpi eq, %get3A_340, %eq3A_342 : vector<16xi32>
          %or3A_344 = arith.ori %eq3A_337, %eq3A_343 : vector<16xi1>
          %get3A_345 = arith.index_cast %add3A_331 : i32 to index
          %get3A_346 = tpu.vector_load %arg9[%get3A_345] {strides = array<i32>} : memref<6272xi32, #tpu.memory_space<vmem>>, vector<16xi32>,
          %get3A_347 = vector.shape_cast %get3A_346 : vector<16xi32> to vector<16xi32>
          %jit3A_348 = arith.constant 1048576 : i32
          %broadcast_in_dim3A_349 = vector.broadcast %jit3A_348 : i32 to vector<16xi32>
          %select_n3A_350 = arith.select %or3A_344, %get3A_347, %broadcast_in_dim3A_349 : vector<16xi1>, vector<16xi32>
          %swap3A_351 = arith.index_cast %add3A_331 : i32 to index
          %swap3A_352 = tpu.vector_load %arg11[%swap3A_351] {strides = array<i32>} : memref<6272xi32, #tpu.memory_space<vmem>>, vector<16xi32>,
          %swap3A_353 = vector.shape_cast %swap3A_352 : vector<16xi32> to vector<16xi32>
          %swap3A_354 = vector.shape_cast %select_n3A_350 : vector<16xi32> to vector<16xi32>
          tpu.vector_store %arg11[%swap3A_351], %swap3A_354 {strides = array<i32>} : memref<6272xi32, #tpu.memory_space<vmem>>, vector<16xi32>,
          %mul3A_355 = arith.constant 128 : i32
          %mul3A_356 = arith.muli %scan3A_196, %mul3A_355 : i32
          %add3A_357 = arith.constant 96 : i32
          %add3A_358 = arith.addi %mul3A_356, %add3A_357 : i32
          %get3A_359 = arith.index_cast %add3A_358 : i32 to index
          %get3A_360 = tpu.vector_load %arg10[%get3A_359] {strides = array<i32>} : memref<6272xi32, #tpu.memory_space<vmem>>, vector<16xi32>,
          %get3A_361 = vector.shape_cast %get3A_360 : vector<16xi32> to vector<16xi32>
          %eq3A_362 = arith.constant 1 : i32
          %eq3A_363 = vector.broadcast %eq3A_362 : i32 to vector<16xi32>
          %eq3A_364 = arith.cmpi eq, %get3A_361, %eq3A_363 : vector<16xi32>
          %get3A_365 = arith.index_cast %add3A_358 : i32 to index
          %get3A_366 = tpu.vector_load %arg12[%get3A_365] {strides = array<i32>} : memref<6272xi32, #tpu.memory_space<vmem>>, vector<16xi32>,
          %get3A_367 = vector.shape_cast %get3A_366 : vector<16xi32> to vector<16xi32>
          %eq3A_368 = arith.constant -1 : i32
          %eq3A_369 = vector.broadcast %eq3A_368 : i32 to vector<16xi32>
          %eq3A_370 = arith.cmpi eq, %get3A_367, %eq3A_369 : vector<16xi32>
          %or3A_371 = arith.ori %eq3A_364, %eq3A_370 : vector<16xi1>
          %get3A_372 = arith.index_cast %add3A_358 : i32 to index
          %get3A_373 = tpu.vector_load %arg9[%get3A_372] {strides = array<i32>} : memref<6272xi32, #tpu.memory_space<vmem>>, vector<16xi32>,
          %get3A_374 = vector.shape_cast %get3A_373 : vector<16xi32> to vector<16xi32>
          %jit3A_375 = arith.constant 1048576 : i32
          %broadcast_in_dim3A_376 = vector.broadcast %jit3A_375 : i32 to vector<16xi32>
          %select_n3A_377 = arith.select %or3A_371, %get3A_374, %broadcast_in_dim3A_376 : vector<16xi1>, vector<16xi32>
          %swap3A_378 = arith.index_cast %add3A_358 : i32 to index
          %swap3A_379 = tpu.vector_load %arg11[%swap3A_378] {strides = array<i32>} : memref<6272xi32, #tpu.memory_space<vmem>>, vector<16xi32>,
          %swap3A_380 = vector.shape_cast %swap3A_379 : vector<16xi32> to vector<16xi32>
          %swap3A_381 = vector.shape_cast %select_n3A_377 : vector<16xi32> to vector<16xi32>
          tpu.vector_store %arg11[%swap3A_378], %swap3A_381 {strides = array<i32>} : memref<6272xi32, #tpu.memory_space<vmem>>, vector<16xi32>,
          %mul3A_382 = arith.constant 128 : i32
          %mul3A_383 = arith.muli %scan3A_196, %mul3A_382 : i32
          %add3A_384 = arith.constant 112 : i32
          %add3A_385 = arith.addi %mul3A_383, %add3A_384 : i32
          %get3A_386 = arith.index_cast %add3A_385 : i32 to index
          %get3A_387 = tpu.vector_load %arg10[%get3A_386] {strides = array<i32>} : memref<6272xi32, #tpu.memory_space<vmem>>, vector<16xi32>,
          %get3A_388 = vector.shape_cast %get3A_387 : vector<16xi32> to vector<16xi32>
          %eq3A_389 = arith.constant 1 : i32
          %eq3A_390 = vector.broadcast %eq3A_389 : i32 to vector<16xi32>
          %eq3A_391 = arith.cmpi eq, %get3A_388, %eq3A_390 : vector<16xi32>
          %get3A_392 = arith.index_cast %add3A_385 : i32 to index
          %get3A_393 = tpu.vector_load %arg12[%get3A_392] {strides = array<i32>} : memref<6272xi32, #tpu.memory_space<vmem>>, vector<16xi32>,
          %get3A_394 = vector.shape_cast %get3A_393 : vector<16xi32> to vector<16xi32>
          %eq3A_395 = arith.constant -1 : i32
          %eq3A_396 = vector.broadcast %eq3A_395 : i32 to vector<16xi32>
          %eq3A_397 = arith.cmpi eq, %get3A_394, %eq3A_396 : vector<16xi32>
          %or3A_398 = arith.ori %eq3A_391, %eq3A_397 : vector<16xi1>
          %get3A_399 = arith.index_cast %add3A_385 : i32 to index
          %get3A_400 = tpu.vector_load %arg9[%get3A_399] {strides = array<i32>} : memref<6272xi32, #tpu.memory_space<vmem>>, vector<16xi32>,
          %get3A_401 = vector.shape_cast %get3A_400 : vector<16xi32> to vector<16xi32>
          %jit3A_402 = arith.constant 1048576 : i32
          %broadcast_in_dim3A_403 = vector.broadcast %jit3A_402 : i32 to vector<16xi32>
          %select_n3A_404 = arith.select %or3A_398, %get3A_401, %broadcast_in_dim3A_403 : vector<16xi1>, vector<16xi32>
          %swap3A_405 = arith.index_cast %add3A_385 : i32 to index
          %swap3A_406 = tpu.vector_load %arg11[%swap3A_405] {strides = array<i32>} : memref<6272xi32, #tpu.memory_space<vmem>>, vector<16xi32>,
          %swap3A_407 = vector.shape_cast %swap3A_406 : vector<16xi32> to vector<16xi32>
          %swap3A_408 = vector.shape_cast %select_n3A_404 : vector<16xi32> to vector<16xi32>
          tpu.vector_store %arg11[%swap3A_405], %swap3A_408 {strides = array<i32>} : memref<6272xi32, #tpu.memory_space<vmem>>, vector<16xi32>,
        }
        %scan3A_68 = arith.constant 49 : i32
        %barrier3A_69 = arith.constant 0 : index
        tpu.barrier barrier_id(%barrier3A_69)
        "tpu.region"() ({
          %run_scoped3A = tpu.sem_alloc : memref<!tpu.dma_semaphore, #tpu.memory_space<semaphore_mem>>
          %dma_start3A = arith.constant 0 : i32
          %dma_start3A_196 = tpu.memref_slice %arg23[%dma_start3A] : memref<1048704xi32, #tpu.memory_space<vmem_shared>> -> memref<1048704xi32, #tpu.memory_space<vmem_shared>>
          tpu.enqueue_indirect_dma source(%arg8 : memref<6272xi32, #tpu.memory_space<vmem>>) target(%dma_start3A_196 : memref<1048704xi32, #tpu.memory_space<vmem_shared>>) offsets(%arg11 : memref<6272xi32, #tpu.memory_space<vmem>>) semaphore(%run_scoped3A : memref<!tpu.dma_semaphore, #tpu.memory_space<semaphore_mem>>)
          %dma_wait3A = arith.constant 0 : i32
          %dma_wait3A_197 = tpu.memref_slice %arg23[%dma_wait3A] : memref<1048704xi32, #tpu.memory_space<vmem_shared>> -> memref<1048704xi32, #tpu.memory_space<vmem_shared>>
          tpu.wait_indirect_dma semaphore(%run_scoped3A : memref<!tpu.dma_semaphore, #tpu.memory_space<semaphore_mem>>) src(%arg8 : memref<6272xi32, #tpu.memory_space<vmem>>) dst(%dma_wait3A_197 : memref<1048704xi32, #tpu.memory_space<vmem_shared>>)
          tpu.yield
        }) : () -> ()
        %barrier3A_70 = arith.constant 0 : index
        tpu.barrier barrier_id(%barrier3A_70)
        "tpu.region"() ({
          %run_scoped3A = tpu.sem_alloc : memref<!tpu.dma_semaphore, #tpu.memory_space<semaphore_mem>>
          %dma_start3A = arith.constant 0 : i32
          %dma_start3A_196 = tpu.memref_slice %arg23[%dma_start3A] : memref<1048704xi32, #tpu.memory_space<vmem_shared>> -> memref<1048704xi32, #tpu.memory_space<vmem_shared>>
          tpu.enqueue_indirect_dma source(%dma_start3A_196 : memref<1048704xi32, #tpu.memory_space<vmem_shared>>) target(%arg12 : memref<6272xi32, #tpu.memory_space<vmem>>) offsets(%arg11 : memref<6272xi32, #tpu.memory_space<vmem>>) semaphore(%run_scoped3A : memref<!tpu.dma_semaphore, #tpu.memory_space<semaphore_mem>>)
          %dma_wait3A = arith.constant 0 : i32
          %dma_wait3A_197 = tpu.memref_slice %arg23[%dma_wait3A] : memref<1048704xi32, #tpu.memory_space<vmem_shared>> -> memref<1048704xi32, #tpu.memory_space<vmem_shared>>
          tpu.wait_indirect_dma semaphore(%run_scoped3A : memref<!tpu.dma_semaphore, #tpu.memory_space<semaphore_mem>>) src(%dma_wait3A_197 : memref<1048704xi32, #tpu.memory_space<vmem_shared>>) dst(%arg12 : memref<6272xi32, #tpu.memory_space<vmem>>)
          tpu.yield
        }) : () -> ()
        %broadcast_in_dim3A = arith.constant 0 : i32
        %broadcast_in_dim3A_71 = vector.broadcast %broadcast_in_dim3A : i32 to vector<16xi32>
        %scan3A_72 = arith.constant 0 : i32
        %scan3A_73 = arith.constant 49 : i32
        %scan3A_74 = arith.addi %scan3A_72, %scan3A_73 : i32
        %scan3A_75 = arith.constant 1 : i32
        %scan3A_76 = scf.for %scan3A_196 = %scan3A_72 to %scan3A_74 step %scan3A_75 iter_args(%scan3A_197 = %broadcast_in_dim3A_71) -> (vector<16xi32>)  : i32 {
          %mul3A_198 = arith.constant 128 : i32
          %mul3A_199 = arith.muli %scan3A_196, %mul3A_198 : i32
          %add3A_200 = arith.constant 0 : i32
          %add3A_201 = arith.addi %mul3A_199, %add3A_200 : i32
          %get3A_202 = arith.index_cast %add3A_201 : i32 to index
          %get3A_203 = tpu.vector_load %arg9[%get3A_202] {strides = array<i32>} : memref<6272xi32, #tpu.memory_space<vmem>>, vector<16xi32>,
          %get3A_204 = vector.shape_cast %get3A_203 : vector<16xi32> to vector<16xi32>
          %get3A_205 = arith.index_cast %add3A_201 : i32 to index
          %get3A_206 = tpu.vector_load %arg10[%get3A_205] {strides = array<i32>} : memref<6272xi32, #tpu.memory_space<vmem>>, vector<16xi32>,
          %get3A_207 = vector.shape_cast %get3A_206 : vector<16xi32> to vector<16xi32>
          %eq3A = arith.constant 1 : i32
          %eq3A_208 = vector.broadcast %eq3A : i32 to vector<16xi32>
          %eq3A_209 = arith.cmpi eq, %get3A_207, %eq3A_208 : vector<16xi32>
          %get3A_210 = arith.index_cast %add3A_201 : i32 to index
          %get3A_211 = tpu.vector_load %arg11[%get3A_210] {strides = array<i32>} : memref<6272xi32, #tpu.memory_space<vmem>>, vector<16xi32>,
          %get3A_212 = vector.shape_cast %get3A_211 : vector<16xi32> to vector<16xi32>
          %ne3A = arith.constant 1048576 : i32
          %ne3A_213 = vector.broadcast %ne3A : i32 to vector<16xi32>
          %ne3A_214 = arith.cmpi ne, %get3A_212, %ne3A_213 : vector<16xi32>
          %get3A_215 = arith.index_cast %add3A_201 : i32 to index
          %get3A_216 = tpu.vector_load %arg12[%get3A_215] {strides = array<i32>} : memref<6272xi32, #tpu.memory_space<vmem>>, vector<16xi32>,
          %get3A_217 = vector.shape_cast %get3A_216 : vector<16xi32> to vector<16xi32>
          %get3A_218 = arith.index_cast %add3A_201 : i32 to index
          %get3A_219 = tpu.vector_load %arg8[%get3A_218] {strides = array<i32>} : memref<6272xi32, #tpu.memory_space<vmem>>, vector<16xi32>,
          %get3A_220 = vector.shape_cast %get3A_219 : vector<16xi32> to vector<16xi32>
          %eq3A_221 = arith.cmpi eq, %get3A_217, %get3A_220 : vector<16xi32>
          %and3A = arith.andi %ne3A_214, %eq3A_221 : vector<16xi1>
          %or3A = arith.ori %eq3A_209, %and3A : vector<16xi1>
          %add3A_222 = arith.constant 1 : i32
          %add3A_223 = vector.broadcast %add3A_222 : i32 to vector<16xi32>
          %add3A_224 = arith.addi %get3A_204, %add3A_223 : vector<16xi32>
          %ge3A = arith.constant 1048576 : i32
          %ge3A_225 = vector.broadcast %ge3A : i32 to vector<16xi32>
          %ge3A_226 = arith.cmpi sge, %add3A_224, %ge3A_225 : vector<16xi32>
          %sub3A = arith.constant 1048576 : i32
          %sub3A_227 = vector.broadcast %sub3A : i32 to vector<16xi32>
          %sub3A_228 = arith.subi %add3A_224, %sub3A_227 : vector<16xi32>
          %select_n3A = arith.select %ge3A_226, %sub3A_228, %add3A_224 : vector<16xi1>, vector<16xi32>
          %select_n3A_229 = arith.select %or3A, %get3A_204, %select_n3A : vector<16xi1>, vector<16xi32>
          %swap3A_230 = arith.index_cast %add3A_201 : i32 to index
          %swap3A_231 = tpu.vector_load %arg9[%swap3A_230] {strides = array<i32>} : memref<6272xi32, #tpu.memory_space<vmem>>, vector<16xi32>,
          %swap3A_232 = vector.shape_cast %swap3A_231 : vector<16xi32> to vector<16xi32>
          %swap3A_233 = vector.shape_cast %select_n3A_229 : vector<16xi32> to vector<16xi32>
          tpu.vector_store %arg9[%swap3A_230], %swap3A_233 {strides = array<i32>} : memref<6272xi32, #tpu.memory_space<vmem>>, vector<16xi32>,
          %jit3A = arith.constant 1 : i32
          %jit3A_234 = arith.constant 0 : i32
          %broadcast_in_dim3A_235 = vector.broadcast %jit3A : i32 to vector<16xi32>
          %broadcast_in_dim3A_236 = vector.broadcast %jit3A_234 : i32 to vector<16xi32>
          %select_n3A_237 = arith.select %or3A, %broadcast_in_dim3A_235, %broadcast_in_dim3A_236 : vector<16xi1>, vector<16xi32>
          %swap3A_238 = arith.index_cast %add3A_201 : i32 to index
          %swap3A_239 = tpu.vector_load %arg10[%swap3A_238] {strides = array<i32>} : memref<6272xi32, #tpu.memory_space<vmem>>, vector<16xi32>,
          %swap3A_240 = vector.shape_cast %swap3A_239 : vector<16xi32> to vector<16xi32>
          %swap3A_241 = vector.shape_cast %select_n3A_237 : vector<16xi32> to vector<16xi32>
          tpu.vector_store %arg10[%swap3A_238], %swap3A_241 {strides = array<i32>} : memref<6272xi32, #tpu.memory_space<vmem>>, vector<16xi32>,
          %jit3A_242 = arith.constant 0 : i32
          %jit3A_243 = arith.constant 1 : i32
          %broadcast_in_dim3A_244 = vector.broadcast %jit3A_242 : i32 to vector<16xi32>
          %broadcast_in_dim3A_245 = vector.broadcast %jit3A_243 : i32 to vector<16xi32>
          %select_n3A_246 = arith.select %or3A, %broadcast_in_dim3A_244, %broadcast_in_dim3A_245 : vector<16xi1>, vector<16xi32>
          %add3A_247 = arith.addi %scan3A_197, %select_n3A_246 : vector<16xi32>
          %mul3A_248 = arith.constant 128 : i32
          %mul3A_249 = arith.muli %scan3A_196, %mul3A_248 : i32
          %add3A_250 = arith.constant 16 : i32
          %add3A_251 = arith.addi %mul3A_249, %add3A_250 : i32
          %get3A_252 = arith.index_cast %add3A_251 : i32 to index
          %get3A_253 = tpu.vector_load %arg9[%get3A_252] {strides = array<i32>} : memref<6272xi32, #tpu.memory_space<vmem>>, vector<16xi32>,
          %get3A_254 = vector.shape_cast %get3A_253 : vector<16xi32> to vector<16xi32>
          %get3A_255 = arith.index_cast %add3A_251 : i32 to index
          %get3A_256 = tpu.vector_load %arg10[%get3A_255] {strides = array<i32>} : memref<6272xi32, #tpu.memory_space<vmem>>, vector<16xi32>,
          %get3A_257 = vector.shape_cast %get3A_256 : vector<16xi32> to vector<16xi32>
          %eq3A_258 = arith.constant 1 : i32
          %eq3A_259 = vector.broadcast %eq3A_258 : i32 to vector<16xi32>
          %eq3A_260 = arith.cmpi eq, %get3A_257, %eq3A_259 : vector<16xi32>
          %get3A_261 = arith.index_cast %add3A_251 : i32 to index
          %get3A_262 = tpu.vector_load %arg11[%get3A_261] {strides = array<i32>} : memref<6272xi32, #tpu.memory_space<vmem>>, vector<16xi32>,
          %get3A_263 = vector.shape_cast %get3A_262 : vector<16xi32> to vector<16xi32>
          %ne3A_264 = arith.constant 1048576 : i32
          %ne3A_265 = vector.broadcast %ne3A_264 : i32 to vector<16xi32>
          %ne3A_266 = arith.cmpi ne, %get3A_263, %ne3A_265 : vector<16xi32>
          %get3A_267 = arith.index_cast %add3A_251 : i32 to index
          %get3A_268 = tpu.vector_load %arg12[%get3A_267] {strides = array<i32>} : memref<6272xi32, #tpu.memory_space<vmem>>, vector<16xi32>,
          %get3A_269 = vector.shape_cast %get3A_268 : vector<16xi32> to vector<16xi32>
          %get3A_270 = arith.index_cast %add3A_251 : i32 to index
          %get3A_271 = tpu.vector_load %arg8[%get3A_270] {strides = array<i32>} : memref<6272xi32, #tpu.memory_space<vmem>>, vector<16xi32>,
          %get3A_272 = vector.shape_cast %get3A_271 : vector<16xi32> to vector<16xi32>
          %eq3A_273 = arith.cmpi eq, %get3A_269, %get3A_272 : vector<16xi32>
          %and3A_274 = arith.andi %ne3A_266, %eq3A_273 : vector<16xi1>
          %or3A_275 = arith.ori %eq3A_260, %and3A_274 : vector<16xi1>
          %add3A_276 = arith.constant 1 : i32
          %add3A_277 = vector.broadcast %add3A_276 : i32 to vector<16xi32>
          %add3A_278 = arith.addi %get3A_254, %add3A_277 : vector<16xi32>
          %ge3A_279 = arith.constant 1048576 : i32
          %ge3A_280 = vector.broadcast %ge3A_279 : i32 to vector<16xi32>
          %ge3A_281 = arith.cmpi sge, %add3A_278, %ge3A_280 : vector<16xi32>
          %sub3A_282 = arith.constant 1048576 : i32
          %sub3A_283 = vector.broadcast %sub3A_282 : i32 to vector<16xi32>
          %sub3A_284 = arith.subi %add3A_278, %sub3A_283 : vector<16xi32>
          %select_n3A_285 = arith.select %ge3A_281, %sub3A_284, %add3A_278 : vector<16xi1>, vector<16xi32>
          %select_n3A_286 = arith.select %or3A_275, %get3A_254, %select_n3A_285 : vector<16xi1>, vector<16xi32>
          %swap3A_287 = arith.index_cast %add3A_251 : i32 to index
          %swap3A_288 = tpu.vector_load %arg9[%swap3A_287] {strides = array<i32>} : memref<6272xi32, #tpu.memory_space<vmem>>, vector<16xi32>,
          %swap3A_289 = vector.shape_cast %swap3A_288 : vector<16xi32> to vector<16xi32>
          %swap3A_290 = vector.shape_cast %select_n3A_286 : vector<16xi32> to vector<16xi32>
          tpu.vector_store %arg9[%swap3A_287], %swap3A_290 {strides = array<i32>} : memref<6272xi32, #tpu.memory_space<vmem>>, vector<16xi32>,
          %jit3A_291 = arith.constant 1 : i32
          %jit3A_292 = arith.constant 0 : i32
          %broadcast_in_dim3A_293 = vector.broadcast %jit3A_291 : i32 to vector<16xi32>
          %broadcast_in_dim3A_294 = vector.broadcast %jit3A_292 : i32 to vector<16xi32>
          %select_n3A_295 = arith.select %or3A_275, %broadcast_in_dim3A_293, %broadcast_in_dim3A_294 : vector<16xi1>, vector<16xi32>
          %swap3A_296 = arith.index_cast %add3A_251 : i32 to index
          %swap3A_297 = tpu.vector_load %arg10[%swap3A_296] {strides = array<i32>} : memref<6272xi32, #tpu.memory_space<vmem>>, vector<16xi32>,
          %swap3A_298 = vector.shape_cast %swap3A_297 : vector<16xi32> to vector<16xi32>
          %swap3A_299 = vector.shape_cast %select_n3A_295 : vector<16xi32> to vector<16xi32>
          tpu.vector_store %arg10[%swap3A_296], %swap3A_299 {strides = array<i32>} : memref<6272xi32, #tpu.memory_space<vmem>>, vector<16xi32>,
          %jit3A_300 = arith.constant 0 : i32
          %jit3A_301 = arith.constant 1 : i32
          %broadcast_in_dim3A_302 = vector.broadcast %jit3A_300 : i32 to vector<16xi32>
          %broadcast_in_dim3A_303 = vector.broadcast %jit3A_301 : i32 to vector<16xi32>
          %select_n3A_304 = arith.select %or3A_275, %broadcast_in_dim3A_302, %broadcast_in_dim3A_303 : vector<16xi1>, vector<16xi32>
          %add3A_305 = arith.addi %add3A_247, %select_n3A_304 : vector<16xi32>
          %mul3A_306 = arith.constant 128 : i32
          %mul3A_307 = arith.muli %scan3A_196, %mul3A_306 : i32
          %add3A_308 = arith.constant 32 : i32
          %add3A_309 = arith.addi %mul3A_307, %add3A_308 : i32
          %get3A_310 = arith.index_cast %add3A_309 : i32 to index
          %get3A_311 = tpu.vector_load %arg9[%get3A_310] {strides = array<i32>} : memref<6272xi32, #tpu.memory_space<vmem>>, vector<16xi32>,
          %get3A_312 = vector.shape_cast %get3A_311 : vector<16xi32> to vector<16xi32>
          %get3A_313 = arith.index_cast %add3A_309 : i32 to index
          %get3A_314 = tpu.vector_load %arg10[%get3A_313] {strides = array<i32>} : memref<6272xi32, #tpu.memory_space<vmem>>, vector<16xi32>,
          %get3A_315 = vector.shape_cast %get3A_314 : vector<16xi32> to vector<16xi32>
          %eq3A_316 = arith.constant 1 : i32
          %eq3A_317 = vector.broadcast %eq3A_316 : i32 to vector<16xi32>
          %eq3A_318 = arith.cmpi eq, %get3A_315, %eq3A_317 : vector<16xi32>
          %get3A_319 = arith.index_cast %add3A_309 : i32 to index
          %get3A_320 = tpu.vector_load %arg11[%get3A_319] {strides = array<i32>} : memref<6272xi32, #tpu.memory_space<vmem>>, vector<16xi32>,
          %get3A_321 = vector.shape_cast %get3A_320 : vector<16xi32> to vector<16xi32>
          %ne3A_322 = arith.constant 1048576 : i32
          %ne3A_323 = vector.broadcast %ne3A_322 : i32 to vector<16xi32>
          %ne3A_324 = arith.cmpi ne, %get3A_321, %ne3A_323 : vector<16xi32>
          %get3A_325 = arith.index_cast %add3A_309 : i32 to index
          %get3A_326 = tpu.vector_load %arg12[%get3A_325] {strides = array<i32>} : memref<6272xi32, #tpu.memory_space<vmem>>, vector<16xi32>,
          %get3A_327 = vector.shape_cast %get3A_326 : vector<16xi32> to vector<16xi32>
          %get3A_328 = arith.index_cast %add3A_309 : i32 to index
          %get3A_329 = tpu.vector_load %arg8[%get3A_328] {strides = array<i32>} : memref<6272xi32, #tpu.memory_space<vmem>>, vector<16xi32>,
          %get3A_330 = vector.shape_cast %get3A_329 : vector<16xi32> to vector<16xi32>
          %eq3A_331 = arith.cmpi eq, %get3A_327, %get3A_330 : vector<16xi32>
          %and3A_332 = arith.andi %ne3A_324, %eq3A_331 : vector<16xi1>
          %or3A_333 = arith.ori %eq3A_318, %and3A_332 : vector<16xi1>
          %add3A_334 = arith.constant 1 : i32
          %add3A_335 = vector.broadcast %add3A_334 : i32 to vector<16xi32>
          %add3A_336 = arith.addi %get3A_312, %add3A_335 : vector<16xi32>
          %ge3A_337 = arith.constant 1048576 : i32
          %ge3A_338 = vector.broadcast %ge3A_337 : i32 to vector<16xi32>
          %ge3A_339 = arith.cmpi sge, %add3A_336, %ge3A_338 : vector<16xi32>
          %sub3A_340 = arith.constant 1048576 : i32
          %sub3A_341 = vector.broadcast %sub3A_340 : i32 to vector<16xi32>
          %sub3A_342 = arith.subi %add3A_336, %sub3A_341 : vector<16xi32>
          %select_n3A_343 = arith.select %ge3A_339, %sub3A_342, %add3A_336 : vector<16xi1>, vector<16xi32>
          %select_n3A_344 = arith.select %or3A_333, %get3A_312, %select_n3A_343 : vector<16xi1>, vector<16xi32>
          %swap3A_345 = arith.index_cast %add3A_309 : i32 to index
          %swap3A_346 = tpu.vector_load %arg9[%swap3A_345] {strides = array<i32>} : memref<6272xi32, #tpu.memory_space<vmem>>, vector<16xi32>,
          %swap3A_347 = vector.shape_cast %swap3A_346 : vector<16xi32> to vector<16xi32>
          %swap3A_348 = vector.shape_cast %select_n3A_344 : vector<16xi32> to vector<16xi32>
          tpu.vector_store %arg9[%swap3A_345], %swap3A_348 {strides = array<i32>} : memref<6272xi32, #tpu.memory_space<vmem>>, vector<16xi32>,
          %jit3A_349 = arith.constant 1 : i32
          %jit3A_350 = arith.constant 0 : i32
          %broadcast_in_dim3A_351 = vector.broadcast %jit3A_349 : i32 to vector<16xi32>
          %broadcast_in_dim3A_352 = vector.broadcast %jit3A_350 : i32 to vector<16xi32>
          %select_n3A_353 = arith.select %or3A_333, %broadcast_in_dim3A_351, %broadcast_in_dim3A_352 : vector<16xi1>, vector<16xi32>
          %swap3A_354 = arith.index_cast %add3A_309 : i32 to index
          %swap3A_355 = tpu.vector_load %arg10[%swap3A_354] {strides = array<i32>} : memref<6272xi32, #tpu.memory_space<vmem>>, vector<16xi32>,
          %swap3A_356 = vector.shape_cast %swap3A_355 : vector<16xi32> to vector<16xi32>
          %swap3A_357 = vector.shape_cast %select_n3A_353 : vector<16xi32> to vector<16xi32>
          tpu.vector_store %arg10[%swap3A_354], %swap3A_357 {strides = array<i32>} : memref<6272xi32, #tpu.memory_space<vmem>>, vector<16xi32>,
          %jit3A_358 = arith.constant 0 : i32
          %jit3A_359 = arith.constant 1 : i32
          %broadcast_in_dim3A_360 = vector.broadcast %jit3A_358 : i32 to vector<16xi32>
          %broadcast_in_dim3A_361 = vector.broadcast %jit3A_359 : i32 to vector<16xi32>
          %select_n3A_362 = arith.select %or3A_333, %broadcast_in_dim3A_360, %broadcast_in_dim3A_361 : vector<16xi1>, vector<16xi32>
          %add3A_363 = arith.addi %add3A_305, %select_n3A_362 : vector<16xi32>
          %mul3A_364 = arith.constant 128 : i32
          %mul3A_365 = arith.muli %scan3A_196, %mul3A_364 : i32
          %add3A_366 = arith.constant 48 : i32
          %add3A_367 = arith.addi %mul3A_365, %add3A_366 : i32
          %get3A_368 = arith.index_cast %add3A_367 : i32 to index
          %get3A_369 = tpu.vector_load %arg9[%get3A_368] {strides = array<i32>} : memref<6272xi32, #tpu.memory_space<vmem>>, vector<16xi32>,
          %get3A_370 = vector.shape_cast %get3A_369 : vector<16xi32> to vector<16xi32>
          %get3A_371 = arith.index_cast %add3A_367 : i32 to index
          %get3A_372 = tpu.vector_load %arg10[%get3A_371] {strides = array<i32>} : memref<6272xi32, #tpu.memory_space<vmem>>, vector<16xi32>,
          %get3A_373 = vector.shape_cast %get3A_372 : vector<16xi32> to vector<16xi32>
          %eq3A_374 = arith.constant 1 : i32
          %eq3A_375 = vector.broadcast %eq3A_374 : i32 to vector<16xi32>
          %eq3A_376 = arith.cmpi eq, %get3A_373, %eq3A_375 : vector<16xi32>
          %get3A_377 = arith.index_cast %add3A_367 : i32 to index
          %get3A_378 = tpu.vector_load %arg11[%get3A_377] {strides = array<i32>} : memref<6272xi32, #tpu.memory_space<vmem>>, vector<16xi32>,
          %get3A_379 = vector.shape_cast %get3A_378 : vector<16xi32> to vector<16xi32>
          %ne3A_380 = arith.constant 1048576 : i32
          %ne3A_381 = vector.broadcast %ne3A_380 : i32 to vector<16xi32>
          %ne3A_382 = arith.cmpi ne, %get3A_379, %ne3A_381 : vector<16xi32>
          %get3A_383 = arith.index_cast %add3A_367 : i32 to index
          %get3A_384 = tpu.vector_load %arg12[%get3A_383] {strides = array<i32>} : memref<6272xi32, #tpu.memory_space<vmem>>, vector<16xi32>,
          %get3A_385 = vector.shape_cast %get3A_384 : vector<16xi32> to vector<16xi32>
          %get3A_386 = arith.index_cast %add3A_367 : i32 to index
          %get3A_387 = tpu.vector_load %arg8[%get3A_386] {strides = array<i32>} : memref<6272xi32, #tpu.memory_space<vmem>>, vector<16xi32>,
          %get3A_388 = vector.shape_cast %get3A_387 : vector<16xi32> to vector<16xi32>
          %eq3A_389 = arith.cmpi eq, %get3A_385, %get3A_388 : vector<16xi32>
          %and3A_390 = arith.andi %ne3A_382, %eq3A_389 : vector<16xi1>
          %or3A_391 = arith.ori %eq3A_376, %and3A_390 : vector<16xi1>
          %add3A_392 = arith.constant 1 : i32
          %add3A_393 = vector.broadcast %add3A_392 : i32 to vector<16xi32>
          %add3A_394 = arith.addi %get3A_370, %add3A_393 : vector<16xi32>
          %ge3A_395 = arith.constant 1048576 : i32
          %ge3A_396 = vector.broadcast %ge3A_395 : i32 to vector<16xi32>
          %ge3A_397 = arith.cmpi sge, %add3A_394, %ge3A_396 : vector<16xi32>
          %sub3A_398 = arith.constant 1048576 : i32
          %sub3A_399 = vector.broadcast %sub3A_398 : i32 to vector<16xi32>
          %sub3A_400 = arith.subi %add3A_394, %sub3A_399 : vector<16xi32>
          %select_n3A_401 = arith.select %ge3A_397, %sub3A_400, %add3A_394 : vector<16xi1>, vector<16xi32>
          %select_n3A_402 = arith.select %or3A_391, %get3A_370, %select_n3A_401 : vector<16xi1>, vector<16xi32>
          %swap3A_403 = arith.index_cast %add3A_367 : i32 to index
          %swap3A_404 = tpu.vector_load %arg9[%swap3A_403] {strides = array<i32>} : memref<6272xi32, #tpu.memory_space<vmem>>, vector<16xi32>,
          %swap3A_405 = vector.shape_cast %swap3A_404 : vector<16xi32> to vector<16xi32>
          %swap3A_406 = vector.shape_cast %select_n3A_402 : vector<16xi32> to vector<16xi32>
          tpu.vector_store %arg9[%swap3A_403], %swap3A_406 {strides = array<i32>} : memref<6272xi32, #tpu.memory_space<vmem>>, vector<16xi32>,
          %jit3A_407 = arith.constant 1 : i32
          %jit3A_408 = arith.constant 0 : i32
          %broadcast_in_dim3A_409 = vector.broadcast %jit3A_407 : i32 to vector<16xi32>
          %broadcast_in_dim3A_410 = vector.broadcast %jit3A_408 : i32 to vector<16xi32>
          %select_n3A_411 = arith.select %or3A_391, %broadcast_in_dim3A_409, %broadcast_in_dim3A_410 : vector<16xi1>, vector<16xi32>
          %swap3A_412 = arith.index_cast %add3A_367 : i32 to index
          %swap3A_413 = tpu.vector_load %arg10[%swap3A_412] {strides = array<i32>} : memref<6272xi32, #tpu.memory_space<vmem>>, vector<16xi32>,
          %swap3A_414 = vector.shape_cast %swap3A_413 : vector<16xi32> to vector<16xi32>
          %swap3A_415 = vector.shape_cast %select_n3A_411 : vector<16xi32> to vector<16xi32>
          tpu.vector_store %arg10[%swap3A_412], %swap3A_415 {strides = array<i32>} : memref<6272xi32, #tpu.memory_space<vmem>>, vector<16xi32>,
          %jit3A_416 = arith.constant 0 : i32
          %jit3A_417 = arith.constant 1 : i32
          %broadcast_in_dim3A_418 = vector.broadcast %jit3A_416 : i32 to vector<16xi32>
          %broadcast_in_dim3A_419 = vector.broadcast %jit3A_417 : i32 to vector<16xi32>
          %select_n3A_420 = arith.select %or3A_391, %broadcast_in_dim3A_418, %broadcast_in_dim3A_419 : vector<16xi1>, vector<16xi32>
          %add3A_421 = arith.addi %add3A_363, %select_n3A_420 : vector<16xi32>
          %mul3A_422 = arith.constant 128 : i32
          %mul3A_423 = arith.muli %scan3A_196, %mul3A_422 : i32
          %add3A_424 = arith.constant 64 : i32
          %add3A_425 = arith.addi %mul3A_423, %add3A_424 : i32
          %get3A_426 = arith.index_cast %add3A_425 : i32 to index
          %get3A_427 = tpu.vector_load %arg9[%get3A_426] {strides = array<i32>} : memref<6272xi32, #tpu.memory_space<vmem>>, vector<16xi32>,
          %get3A_428 = vector.shape_cast %get3A_427 : vector<16xi32> to vector<16xi32>
          %get3A_429 = arith.index_cast %add3A_425 : i32 to index
          %get3A_430 = tpu.vector_load %arg10[%get3A_429] {strides = array<i32>} : memref<6272xi32, #tpu.memory_space<vmem>>, vector<16xi32>,
          %get3A_431 = vector.shape_cast %get3A_430 : vector<16xi32> to vector<16xi32>
          %eq3A_432 = arith.constant 1 : i32
          %eq3A_433 = vector.broadcast %eq3A_432 : i32 to vector<16xi32>
          %eq3A_434 = arith.cmpi eq, %get3A_431, %eq3A_433 : vector<16xi32>
          %get3A_435 = arith.index_cast %add3A_425 : i32 to index
          %get3A_436 = tpu.vector_load %arg11[%get3A_435] {strides = array<i32>} : memref<6272xi32, #tpu.memory_space<vmem>>, vector<16xi32>,
          %get3A_437 = vector.shape_cast %get3A_436 : vector<16xi32> to vector<16xi32>
          %ne3A_438 = arith.constant 1048576 : i32
          %ne3A_439 = vector.broadcast %ne3A_438 : i32 to vector<16xi32>
          %ne3A_440 = arith.cmpi ne, %get3A_437, %ne3A_439 : vector<16xi32>
          %get3A_441 = arith.index_cast %add3A_425 : i32 to index
          %get3A_442 = tpu.vector_load %arg12[%get3A_441] {strides = array<i32>} : memref<6272xi32, #tpu.memory_space<vmem>>, vector<16xi32>,
          %get3A_443 = vector.shape_cast %get3A_442 : vector<16xi32> to vector<16xi32>
          %get3A_444 = arith.index_cast %add3A_425 : i32 to index
          %get3A_445 = tpu.vector_load %arg8[%get3A_444] {strides = array<i32>} : memref<6272xi32, #tpu.memory_space<vmem>>, vector<16xi32>,
          %get3A_446 = vector.shape_cast %get3A_445 : vector<16xi32> to vector<16xi32>
          %eq3A_447 = arith.cmpi eq, %get3A_443, %get3A_446 : vector<16xi32>
          %and3A_448 = arith.andi %ne3A_440, %eq3A_447 : vector<16xi1>
          %or3A_449 = arith.ori %eq3A_434, %and3A_448 : vector<16xi1>
          %add3A_450 = arith.constant 1 : i32
          %add3A_451 = vector.broadcast %add3A_450 : i32 to vector<16xi32>
          %add3A_452 = arith.addi %get3A_428, %add3A_451 : vector<16xi32>
          %ge3A_453 = arith.constant 1048576 : i32
          %ge3A_454 = vector.broadcast %ge3A_453 : i32 to vector<16xi32>
          %ge3A_455 = arith.cmpi sge, %add3A_452, %ge3A_454 : vector<16xi32>
          %sub3A_456 = arith.constant 1048576 : i32
          %sub3A_457 = vector.broadcast %sub3A_456 : i32 to vector<16xi32>
          %sub3A_458 = arith.subi %add3A_452, %sub3A_457 : vector<16xi32>
          %select_n3A_459 = arith.select %ge3A_455, %sub3A_458, %add3A_452 : vector<16xi1>, vector<16xi32>
          %select_n3A_460 = arith.select %or3A_449, %get3A_428, %select_n3A_459 : vector<16xi1>, vector<16xi32>
          %swap3A_461 = arith.index_cast %add3A_425 : i32 to index
          %swap3A_462 = tpu.vector_load %arg9[%swap3A_461] {strides = array<i32>} : memref<6272xi32, #tpu.memory_space<vmem>>, vector<16xi32>,
          %swap3A_463 = vector.shape_cast %swap3A_462 : vector<16xi32> to vector<16xi32>
          %swap3A_464 = vector.shape_cast %select_n3A_460 : vector<16xi32> to vector<16xi32>
          tpu.vector_store %arg9[%swap3A_461], %swap3A_464 {strides = array<i32>} : memref<6272xi32, #tpu.memory_space<vmem>>, vector<16xi32>,
          %jit3A_465 = arith.constant 1 : i32
          %jit3A_466 = arith.constant 0 : i32
          %broadcast_in_dim3A_467 = vector.broadcast %jit3A_465 : i32 to vector<16xi32>
          %broadcast_in_dim3A_468 = vector.broadcast %jit3A_466 : i32 to vector<16xi32>
          %select_n3A_469 = arith.select %or3A_449, %broadcast_in_dim3A_467, %broadcast_in_dim3A_468 : vector<16xi1>, vector<16xi32>
          %swap3A_470 = arith.index_cast %add3A_425 : i32 to index
          %swap3A_471 = tpu.vector_load %arg10[%swap3A_470] {strides = array<i32>} : memref<6272xi32, #tpu.memory_space<vmem>>, vector<16xi32>,
          %swap3A_472 = vector.shape_cast %swap3A_471 : vector<16xi32> to vector<16xi32>
          %swap3A_473 = vector.shape_cast %select_n3A_469 : vector<16xi32> to vector<16xi32>
          tpu.vector_store %arg10[%swap3A_470], %swap3A_473 {strides = array<i32>} : memref<6272xi32, #tpu.memory_space<vmem>>, vector<16xi32>,
          %jit3A_474 = arith.constant 0 : i32
          %jit3A_475 = arith.constant 1 : i32
          %broadcast_in_dim3A_476 = vector.broadcast %jit3A_474 : i32 to vector<16xi32>
          %broadcast_in_dim3A_477 = vector.broadcast %jit3A_475 : i32 to vector<16xi32>
          %select_n3A_478 = arith.select %or3A_449, %broadcast_in_dim3A_476, %broadcast_in_dim3A_477 : vector<16xi1>, vector<16xi32>
          %add3A_479 = arith.addi %add3A_421, %select_n3A_478 : vector<16xi32>
          %mul3A_480 = arith.constant 128 : i32
          %mul3A_481 = arith.muli %scan3A_196, %mul3A_480 : i32
          %add3A_482 = arith.constant 80 : i32
          %add3A_483 = arith.addi %mul3A_481, %add3A_482 : i32
          %get3A_484 = arith.index_cast %add3A_483 : i32 to index
          %get3A_485 = tpu.vector_load %arg9[%get3A_484] {strides = array<i32>} : memref<6272xi32, #tpu.memory_space<vmem>>, vector<16xi32>,
          %get3A_486 = vector.shape_cast %get3A_485 : vector<16xi32> to vector<16xi32>
          %get3A_487 = arith.index_cast %add3A_483 : i32 to index
          %get3A_488 = tpu.vector_load %arg10[%get3A_487] {strides = array<i32>} : memref<6272xi32, #tpu.memory_space<vmem>>, vector<16xi32>,
          %get3A_489 = vector.shape_cast %get3A_488 : vector<16xi32> to vector<16xi32>
          %eq3A_490 = arith.constant 1 : i32
          %eq3A_491 = vector.broadcast %eq3A_490 : i32 to vector<16xi32>
          %eq3A_492 = arith.cmpi eq, %get3A_489, %eq3A_491 : vector<16xi32>
          %get3A_493 = arith.index_cast %add3A_483 : i32 to index
          %get3A_494 = tpu.vector_load %arg11[%get3A_493] {strides = array<i32>} : memref<6272xi32, #tpu.memory_space<vmem>>, vector<16xi32>,
          %get3A_495 = vector.shape_cast %get3A_494 : vector<16xi32> to vector<16xi32>
          %ne3A_496 = arith.constant 1048576 : i32
          %ne3A_497 = vector.broadcast %ne3A_496 : i32 to vector<16xi32>
          %ne3A_498 = arith.cmpi ne, %get3A_495, %ne3A_497 : vector<16xi32>
          %get3A_499 = arith.index_cast %add3A_483 : i32 to index
          %get3A_500 = tpu.vector_load %arg12[%get3A_499] {strides = array<i32>} : memref<6272xi32, #tpu.memory_space<vmem>>, vector<16xi32>,
          %get3A_501 = vector.shape_cast %get3A_500 : vector<16xi32> to vector<16xi32>
          %get3A_502 = arith.index_cast %add3A_483 : i32 to index
          %get3A_503 = tpu.vector_load %arg8[%get3A_502] {strides = array<i32>} : memref<6272xi32, #tpu.memory_space<vmem>>, vector<16xi32>,
          %get3A_504 = vector.shape_cast %get3A_503 : vector<16xi32> to vector<16xi32>
          %eq3A_505 = arith.cmpi eq, %get3A_501, %get3A_504 : vector<16xi32>
          %and3A_506 = arith.andi %ne3A_498, %eq3A_505 : vector<16xi1>
          %or3A_507 = arith.ori %eq3A_492, %and3A_506 : vector<16xi1>
          %add3A_508 = arith.constant 1 : i32
          %add3A_509 = vector.broadcast %add3A_508 : i32 to vector<16xi32>
          %add3A_510 = arith.addi %get3A_486, %add3A_509 : vector<16xi32>
          %ge3A_511 = arith.constant 1048576 : i32
          %ge3A_512 = vector.broadcast %ge3A_511 : i32 to vector<16xi32>
          %ge3A_513 = arith.cmpi sge, %add3A_510, %ge3A_512 : vector<16xi32>
          %sub3A_514 = arith.constant 1048576 : i32
          %sub3A_515 = vector.broadcast %sub3A_514 : i32 to vector<16xi32>
          %sub3A_516 = arith.subi %add3A_510, %sub3A_515 : vector<16xi32>
          %select_n3A_517 = arith.select %ge3A_513, %sub3A_516, %add3A_510 : vector<16xi1>, vector<16xi32>
          %select_n3A_518 = arith.select %or3A_507, %get3A_486, %select_n3A_517 : vector<16xi1>, vector<16xi32>
          %swap3A_519 = arith.index_cast %add3A_483 : i32 to index
          %swap3A_520 = tpu.vector_load %arg9[%swap3A_519] {strides = array<i32>} : memref<6272xi32, #tpu.memory_space<vmem>>, vector<16xi32>,
          %swap3A_521 = vector.shape_cast %swap3A_520 : vector<16xi32> to vector<16xi32>
          %swap3A_522 = vector.shape_cast %select_n3A_518 : vector<16xi32> to vector<16xi32>
          tpu.vector_store %arg9[%swap3A_519], %swap3A_522 {strides = array<i32>} : memref<6272xi32, #tpu.memory_space<vmem>>, vector<16xi32>,
          %jit3A_523 = arith.constant 1 : i32
          %jit3A_524 = arith.constant 0 : i32
          %broadcast_in_dim3A_525 = vector.broadcast %jit3A_523 : i32 to vector<16xi32>
          %broadcast_in_dim3A_526 = vector.broadcast %jit3A_524 : i32 to vector<16xi32>
          %select_n3A_527 = arith.select %or3A_507, %broadcast_in_dim3A_525, %broadcast_in_dim3A_526 : vector<16xi1>, vector<16xi32>
          %swap3A_528 = arith.index_cast %add3A_483 : i32 to index
          %swap3A_529 = tpu.vector_load %arg10[%swap3A_528] {strides = array<i32>} : memref<6272xi32, #tpu.memory_space<vmem>>, vector<16xi32>,
          %swap3A_530 = vector.shape_cast %swap3A_529 : vector<16xi32> to vector<16xi32>
          %swap3A_531 = vector.shape_cast %select_n3A_527 : vector<16xi32> to vector<16xi32>
          tpu.vector_store %arg10[%swap3A_528], %swap3A_531 {strides = array<i32>} : memref<6272xi32, #tpu.memory_space<vmem>>, vector<16xi32>,
          %jit3A_532 = arith.constant 0 : i32
          %jit3A_533 = arith.constant 1 : i32
          %broadcast_in_dim3A_534 = vector.broadcast %jit3A_532 : i32 to vector<16xi32>
          %broadcast_in_dim3A_535 = vector.broadcast %jit3A_533 : i32 to vector<16xi32>
          %select_n3A_536 = arith.select %or3A_507, %broadcast_in_dim3A_534, %broadcast_in_dim3A_535 : vector<16xi1>, vector<16xi32>
          %add3A_537 = arith.addi %add3A_479, %select_n3A_536 : vector<16xi32>
          %mul3A_538 = arith.constant 128 : i32
          %mul3A_539 = arith.muli %scan3A_196, %mul3A_538 : i32
          %add3A_540 = arith.constant 96 : i32
          %add3A_541 = arith.addi %mul3A_539, %add3A_540 : i32
          %get3A_542 = arith.index_cast %add3A_541 : i32 to index
          %get3A_543 = tpu.vector_load %arg9[%get3A_542] {strides = array<i32>} : memref<6272xi32, #tpu.memory_space<vmem>>, vector<16xi32>,
          %get3A_544 = vector.shape_cast %get3A_543 : vector<16xi32> to vector<16xi32>
          %get3A_545 = arith.index_cast %add3A_541 : i32 to index
          %get3A_546 = tpu.vector_load %arg10[%get3A_545] {strides = array<i32>} : memref<6272xi32, #tpu.memory_space<vmem>>, vector<16xi32>,
          %get3A_547 = vector.shape_cast %get3A_546 : vector<16xi32> to vector<16xi32>
          %eq3A_548 = arith.constant 1 : i32
          %eq3A_549 = vector.broadcast %eq3A_548 : i32 to vector<16xi32>
          %eq3A_550 = arith.cmpi eq, %get3A_547, %eq3A_549 : vector<16xi32>
          %get3A_551 = arith.index_cast %add3A_541 : i32 to index
          %get3A_552 = tpu.vector_load %arg11[%get3A_551] {strides = array<i32>} : memref<6272xi32, #tpu.memory_space<vmem>>, vector<16xi32>,
          %get3A_553 = vector.shape_cast %get3A_552 : vector<16xi32> to vector<16xi32>
          %ne3A_554 = arith.constant 1048576 : i32
          %ne3A_555 = vector.broadcast %ne3A_554 : i32 to vector<16xi32>
          %ne3A_556 = arith.cmpi ne, %get3A_553, %ne3A_555 : vector<16xi32>
          %get3A_557 = arith.index_cast %add3A_541 : i32 to index
          %get3A_558 = tpu.vector_load %arg12[%get3A_557] {strides = array<i32>} : memref<6272xi32, #tpu.memory_space<vmem>>, vector<16xi32>,
          %get3A_559 = vector.shape_cast %get3A_558 : vector<16xi32> to vector<16xi32>
          %get3A_560 = arith.index_cast %add3A_541 : i32 to index
          %get3A_561 = tpu.vector_load %arg8[%get3A_560] {strides = array<i32>} : memref<6272xi32, #tpu.memory_space<vmem>>, vector<16xi32>,
          %get3A_562 = vector.shape_cast %get3A_561 : vector<16xi32> to vector<16xi32>
          %eq3A_563 = arith.cmpi eq, %get3A_559, %get3A_562 : vector<16xi32>
          %and3A_564 = arith.andi %ne3A_556, %eq3A_563 : vector<16xi1>
          %or3A_565 = arith.ori %eq3A_550, %and3A_564 : vector<16xi1>
          %add3A_566 = arith.constant 1 : i32
          %add3A_567 = vector.broadcast %add3A_566 : i32 to vector<16xi32>
          %add3A_568 = arith.addi %get3A_544, %add3A_567 : vector<16xi32>
          %ge3A_569 = arith.constant 1048576 : i32
          %ge3A_570 = vector.broadcast %ge3A_569 : i32 to vector<16xi32>
          %ge3A_571 = arith.cmpi sge, %add3A_568, %ge3A_570 : vector<16xi32>
          %sub3A_572 = arith.constant 1048576 : i32
          %sub3A_573 = vector.broadcast %sub3A_572 : i32 to vector<16xi32>
          %sub3A_574 = arith.subi %add3A_568, %sub3A_573 : vector<16xi32>
          %select_n3A_575 = arith.select %ge3A_571, %sub3A_574, %add3A_568 : vector<16xi1>, vector<16xi32>
          %select_n3A_576 = arith.select %or3A_565, %get3A_544, %select_n3A_575 : vector<16xi1>, vector<16xi32>
          %swap3A_577 = arith.index_cast %add3A_541 : i32 to index
          %swap3A_578 = tpu.vector_load %arg9[%swap3A_577] {strides = array<i32>} : memref<6272xi32, #tpu.memory_space<vmem>>, vector<16xi32>,
          %swap3A_579 = vector.shape_cast %swap3A_578 : vector<16xi32> to vector<16xi32>
          %swap3A_580 = vector.shape_cast %select_n3A_576 : vector<16xi32> to vector<16xi32>
          tpu.vector_store %arg9[%swap3A_577], %swap3A_580 {strides = array<i32>} : memref<6272xi32, #tpu.memory_space<vmem>>, vector<16xi32>,
          %jit3A_581 = arith.constant 1 : i32
          %jit3A_582 = arith.constant 0 : i32
          %broadcast_in_dim3A_583 = vector.broadcast %jit3A_581 : i32 to vector<16xi32>
          %broadcast_in_dim3A_584 = vector.broadcast %jit3A_582 : i32 to vector<16xi32>
          %select_n3A_585 = arith.select %or3A_565, %broadcast_in_dim3A_583, %broadcast_in_dim3A_584 : vector<16xi1>, vector<16xi32>
          %swap3A_586 = arith.index_cast %add3A_541 : i32 to index
          %swap3A_587 = tpu.vector_load %arg10[%swap3A_586] {strides = array<i32>} : memref<6272xi32, #tpu.memory_space<vmem>>, vector<16xi32>,
          %swap3A_588 = vector.shape_cast %swap3A_587 : vector<16xi32> to vector<16xi32>
          %swap3A_589 = vector.shape_cast %select_n3A_585 : vector<16xi32> to vector<16xi32>
          tpu.vector_store %arg10[%swap3A_586], %swap3A_589 {strides = array<i32>} : memref<6272xi32, #tpu.memory_space<vmem>>, vector<16xi32>,
          %jit3A_590 = arith.constant 0 : i32
          %jit3A_591 = arith.constant 1 : i32
          %broadcast_in_dim3A_592 = vector.broadcast %jit3A_590 : i32 to vector<16xi32>
          %broadcast_in_dim3A_593 = vector.broadcast %jit3A_591 : i32 to vector<16xi32>
          %select_n3A_594 = arith.select %or3A_565, %broadcast_in_dim3A_592, %broadcast_in_dim3A_593 : vector<16xi1>, vector<16xi32>
          %add3A_595 = arith.addi %add3A_537, %select_n3A_594 : vector<16xi32>
          %mul3A_596 = arith.constant 128 : i32
          %mul3A_597 = arith.muli %scan3A_196, %mul3A_596 : i32
          %add3A_598 = arith.constant 112 : i32
          %add3A_599 = arith.addi %mul3A_597, %add3A_598 : i32
          %get3A_600 = arith.index_cast %add3A_599 : i32 to index
          %get3A_601 = tpu.vector_load %arg9[%get3A_600] {strides = array<i32>} : memref<6272xi32, #tpu.memory_space<vmem>>, vector<16xi32>,
          %get3A_602 = vector.shape_cast %get3A_601 : vector<16xi32> to vector<16xi32>
          %get3A_603 = arith.index_cast %add3A_599 : i32 to index
          %get3A_604 = tpu.vector_load %arg10[%get3A_603] {strides = array<i32>} : memref<6272xi32, #tpu.memory_space<vmem>>, vector<16xi32>,
          %get3A_605 = vector.shape_cast %get3A_604 : vector<16xi32> to vector<16xi32>
          %eq3A_606 = arith.constant 1 : i32
          %eq3A_607 = vector.broadcast %eq3A_606 : i32 to vector<16xi32>
          %eq3A_608 = arith.cmpi eq, %get3A_605, %eq3A_607 : vector<16xi32>
          %get3A_609 = arith.index_cast %add3A_599 : i32 to index
          %get3A_610 = tpu.vector_load %arg11[%get3A_609] {strides = array<i32>} : memref<6272xi32, #tpu.memory_space<vmem>>, vector<16xi32>,
          %get3A_611 = vector.shape_cast %get3A_610 : vector<16xi32> to vector<16xi32>
          %ne3A_612 = arith.constant 1048576 : i32
          %ne3A_613 = vector.broadcast %ne3A_612 : i32 to vector<16xi32>
          %ne3A_614 = arith.cmpi ne, %get3A_611, %ne3A_613 : vector<16xi32>
          %get3A_615 = arith.index_cast %add3A_599 : i32 to index
          %get3A_616 = tpu.vector_load %arg12[%get3A_615] {strides = array<i32>} : memref<6272xi32, #tpu.memory_space<vmem>>, vector<16xi32>,
          %get3A_617 = vector.shape_cast %get3A_616 : vector<16xi32> to vector<16xi32>
          %get3A_618 = arith.index_cast %add3A_599 : i32 to index
          %get3A_619 = tpu.vector_load %arg8[%get3A_618] {strides = array<i32>} : memref<6272xi32, #tpu.memory_space<vmem>>, vector<16xi32>,
          %get3A_620 = vector.shape_cast %get3A_619 : vector<16xi32> to vector<16xi32>
          %eq3A_621 = arith.cmpi eq, %get3A_617, %get3A_620 : vector<16xi32>
          %and3A_622 = arith.andi %ne3A_614, %eq3A_621 : vector<16xi1>
          %or3A_623 = arith.ori %eq3A_608, %and3A_622 : vector<16xi1>
          %add3A_624 = arith.constant 1 : i32
          %add3A_625 = vector.broadcast %add3A_624 : i32 to vector<16xi32>
          %add3A_626 = arith.addi %get3A_602, %add3A_625 : vector<16xi32>
          %ge3A_627 = arith.constant 1048576 : i32
          %ge3A_628 = vector.broadcast %ge3A_627 : i32 to vector<16xi32>
          %ge3A_629 = arith.cmpi sge, %add3A_626, %ge3A_628 : vector<16xi32>
          %sub3A_630 = arith.constant 1048576 : i32
          %sub3A_631 = vector.broadcast %sub3A_630 : i32 to vector<16xi32>
          %sub3A_632 = arith.subi %add3A_626, %sub3A_631 : vector<16xi32>
          %select_n3A_633 = arith.select %ge3A_629, %sub3A_632, %add3A_626 : vector<16xi1>, vector<16xi32>
          %select_n3A_634 = arith.select %or3A_623, %get3A_602, %select_n3A_633 : vector<16xi1>, vector<16xi32>
          %swap3A_635 = arith.index_cast %add3A_599 : i32 to index
          %swap3A_636 = tpu.vector_load %arg9[%swap3A_635] {strides = array<i32>} : memref<6272xi32, #tpu.memory_space<vmem>>, vector<16xi32>,
          %swap3A_637 = vector.shape_cast %swap3A_636 : vector<16xi32> to vector<16xi32>
          %swap3A_638 = vector.shape_cast %select_n3A_634 : vector<16xi32> to vector<16xi32>
          tpu.vector_store %arg9[%swap3A_635], %swap3A_638 {strides = array<i32>} : memref<6272xi32, #tpu.memory_space<vmem>>, vector<16xi32>,
          %jit3A_639 = arith.constant 1 : i32
          %jit3A_640 = arith.constant 0 : i32
          %broadcast_in_dim3A_641 = vector.broadcast %jit3A_639 : i32 to vector<16xi32>
          %broadcast_in_dim3A_642 = vector.broadcast %jit3A_640 : i32 to vector<16xi32>
          %select_n3A_643 = arith.select %or3A_623, %broadcast_in_dim3A_641, %broadcast_in_dim3A_642 : vector<16xi1>, vector<16xi32>
          %swap3A_644 = arith.index_cast %add3A_599 : i32 to index
          %swap3A_645 = tpu.vector_load %arg10[%swap3A_644] {strides = array<i32>} : memref<6272xi32, #tpu.memory_space<vmem>>, vector<16xi32>,
          %swap3A_646 = vector.shape_cast %swap3A_645 : vector<16xi32> to vector<16xi32>
          %swap3A_647 = vector.shape_cast %select_n3A_643 : vector<16xi32> to vector<16xi32>
          tpu.vector_store %arg10[%swap3A_644], %swap3A_647 {strides = array<i32>} : memref<6272xi32, #tpu.memory_space<vmem>>, vector<16xi32>,
          %jit3A_648 = arith.constant 0 : i32
          %jit3A_649 = arith.constant 1 : i32
          %broadcast_in_dim3A_650 = vector.broadcast %jit3A_648 : i32 to vector<16xi32>
          %broadcast_in_dim3A_651 = vector.broadcast %jit3A_649 : i32 to vector<16xi32>
          %select_n3A_652 = arith.select %or3A_623, %broadcast_in_dim3A_650, %broadcast_in_dim3A_651 : vector<16xi1>, vector<16xi32>
          %add3A_653 = arith.addi %add3A_595, %select_n3A_652 : vector<16xi32>
          scf.yield %add3A_653 : vector<16xi32>
        }
        %scan3A_77 = arith.constant 49 : i32
        %swap3A = arith.constant 0 : index
        %swap3A_78 = tpu.vector_load %arg13[%swap3A] {strides = array<i32>} : memref<16xi32, #tpu.memory_space<vmem>>, vector<16xi32>,
        %swap3A_79 = vector.shape_cast %swap3A_78 : vector<16xi32> to vector<16xi32>
        %swap3A_80 = vector.shape_cast %scan3A_76 : vector<16xi32> to vector<16xi32>
        tpu.vector_store %arg13[%swap3A], %swap3A_80 {strides = array<i32>} : memref<16xi32, #tpu.memory_space<vmem>>, vector<16xi32>,
        %mul3A_81 = arith.constant 16 : i32
        %mul3A_82 = arith.muli %arg1, %mul3A_81 : i32
        "tpu.region"() ({
          %run_scoped3A = tpu.sem_alloc : memref<!tpu.dma_semaphore, #tpu.memory_space<semaphore_mem>>
          %dma_start3A = tpu.memref_slice %arg24[%mul3A_82] : memref<256xi32, #tpu.memory_space<vmem_shared>> -> memref<16xi32, #tpu.memory_space<vmem_shared>>
          %dma_start3A_196 = tpu.memref_slice %arg24[%mul3A_82] : memref<256xi32, #tpu.memory_space<vmem_shared>> -> memref<16xi32, #tpu.memory_space<vmem_shared>>
          tpu.enqueue_dma source(%arg13 : memref<16xi32, #tpu.memory_space<vmem>>) target(%dma_start3A_196 : memref<16xi32, #tpu.memory_space<vmem_shared>>) target_semaphore(%run_scoped3A : memref<!tpu.dma_semaphore, #tpu.memory_space<semaphore_mem>>)
          %dma_wait3A = tpu.memref_slice %arg24[%mul3A_82] : memref<256xi32, #tpu.memory_space<vmem_shared>> -> memref<16xi32, #tpu.memory_space<vmem_shared>>
          %dma_wait3A_197 = tpu.memref_slice %arg24[%mul3A_82] : memref<256xi32, #tpu.memory_space<vmem_shared>> -> memref<16xi32, #tpu.memory_space<vmem_shared>>
          tpu.wait_dma2 semaphore(%run_scoped3A : memref<!tpu.dma_semaphore, #tpu.memory_space<semaphore_mem>>) src(%arg13 : memref<16xi32, #tpu.memory_space<vmem>>) dst(%dma_wait3A_197 : memref<16xi32, #tpu.memory_space<vmem_shared>>)
          tpu.yield
        }) : () -> ()
        %barrier3A_83 = arith.constant 0 : index
        tpu.barrier barrier_id(%barrier3A_83)
        "tpu.region"() ({
          %run_scoped3A = tpu.sem_alloc : memref<!tpu.dma_semaphore, #tpu.memory_space<semaphore_mem>>
          tpu.enqueue_dma source(%arg24 : memref<256xi32, #tpu.memory_space<vmem_shared>>) target(%arg14 : memref<256xi32, #tpu.memory_space<vmem>>) target_semaphore(%run_scoped3A : memref<!tpu.dma_semaphore, #tpu.memory_space<semaphore_mem>>)
          tpu.wait_dma2 semaphore(%run_scoped3A : memref<!tpu.dma_semaphore, #tpu.memory_space<semaphore_mem>>) src(%arg24 : memref<256xi32, #tpu.memory_space<vmem_shared>>) dst(%arg14 : memref<256xi32, #tpu.memory_space<vmem>>)
          tpu.yield
        }) : () -> ()
        %broadcast_in_dim3A_84 = arith.constant 0 : i32
        %broadcast_in_dim3A_85 = vector.broadcast %broadcast_in_dim3A_84 : i32 to vector<16xi32>
        %get3A = arith.constant 0 : index
        %get3A_86 = tpu.vector_load %arg14[%get3A] {strides = array<i32>} : memref<256xi32, #tpu.memory_space<vmem>>, vector<16xi32>,
        %get3A_87 = vector.shape_cast %get3A_86 : vector<16xi32> to vector<16xi32>
        %add3A_88 = arith.addi %broadcast_in_dim3A_85, %get3A_87 : vector<16xi32>
        %get3A_89 = arith.constant 16 : index
        %get3A_90 = tpu.vector_load %arg14[%get3A_89] {strides = array<i32>} : memref<256xi32, #tpu.memory_space<vmem>>, vector<16xi32>,
        %get3A_91 = vector.shape_cast %get3A_90 : vector<16xi32> to vector<16xi32>
        %add3A_92 = arith.addi %add3A_88, %get3A_91 : vector<16xi32>
        %get3A_93 = arith.constant 32 : index
        %get3A_94 = tpu.vector_load %arg14[%get3A_93] {strides = array<i32>} : memref<256xi32, #tpu.memory_space<vmem>>, vector<16xi32>,
        %get3A_95 = vector.shape_cast %get3A_94 : vector<16xi32> to vector<16xi32>
        %add3A_96 = arith.addi %add3A_92, %get3A_95 : vector<16xi32>
        %get3A_97 = arith.constant 48 : index
        %get3A_98 = tpu.vector_load %arg14[%get3A_97] {strides = array<i32>} : memref<256xi32, #tpu.memory_space<vmem>>, vector<16xi32>,
        %get3A_99 = vector.shape_cast %get3A_98 : vector<16xi32> to vector<16xi32>
        %add3A_100 = arith.addi %add3A_96, %get3A_99 : vector<16xi32>
        %get3A_101 = arith.constant 64 : index
        %get3A_102 = tpu.vector_load %arg14[%get3A_101] {strides = array<i32>} : memref<256xi32, #tpu.memory_space<vmem>>, vector<16xi32>,
        %get3A_103 = vector.shape_cast %get3A_102 : vector<16xi32> to vector<16xi32>
        %add3A_104 = arith.addi %add3A_100, %get3A_103 : vector<16xi32>
        %get3A_105 = arith.constant 80 : index
        %get3A_106 = tpu.vector_load %arg14[%get3A_105] {strides = array<i32>} : memref<256xi32, #tpu.memory_space<vmem>>, vector<16xi32>,
        %get3A_107 = vector.shape_cast %get3A_106 : vector<16xi32> to vector<16xi32>
        %add3A_108 = arith.addi %add3A_104, %get3A_107 : vector<16xi32>
        %get3A_109 = arith.constant 96 : index
        %get3A_110 = tpu.vector_load %arg14[%get3A_109] {strides = array<i32>} : memref<256xi32, #tpu.memory_space<vmem>>, vector<16xi32>,
        %get3A_111 = vector.shape_cast %get3A_110 : vector<16xi32> to vector<16xi32>
        %add3A_112 = arith.addi %add3A_108, %get3A_111 : vector<16xi32>
        %get3A_113 = arith.constant 112 : index
        %get3A_114 = tpu.vector_load %arg14[%get3A_113] {strides = array<i32>} : memref<256xi32, #tpu.memory_space<vmem>>, vector<16xi32>,
        %get3A_115 = vector.shape_cast %get3A_114 : vector<16xi32> to vector<16xi32>
        %add3A_116 = arith.addi %add3A_112, %get3A_115 : vector<16xi32>
        %get3A_117 = arith.constant 128 : index
        %get3A_118 = tpu.vector_load %arg14[%get3A_117] {strides = array<i32>} : memref<256xi32, #tpu.memory_space<vmem>>, vector<16xi32>,
        %get3A_119 = vector.shape_cast %get3A_118 : vector<16xi32> to vector<16xi32>
        %add3A_120 = arith.addi %add3A_116, %get3A_119 : vector<16xi32>
        %get3A_121 = arith.constant 144 : index
        %get3A_122 = tpu.vector_load %arg14[%get3A_121] {strides = array<i32>} : memref<256xi32, #tpu.memory_space<vmem>>, vector<16xi32>,
        %get3A_123 = vector.shape_cast %get3A_122 : vector<16xi32> to vector<16xi32>
        %add3A_124 = arith.addi %add3A_120, %get3A_123 : vector<16xi32>
        %get3A_125 = arith.constant 160 : index
        %get3A_126 = tpu.vector_load %arg14[%get3A_125] {strides = array<i32>} : memref<256xi32, #tpu.memory_space<vmem>>, vector<16xi32>,
        %get3A_127 = vector.shape_cast %get3A_126 : vector<16xi32> to vector<16xi32>
        %add3A_128 = arith.addi %add3A_124, %get3A_127 : vector<16xi32>
        %get3A_129 = arith.constant 176 : index
        %get3A_130 = tpu.vector_load %arg14[%get3A_129] {strides = array<i32>} : memref<256xi32, #tpu.memory_space<vmem>>, vector<16xi32>,
        %get3A_131 = vector.shape_cast %get3A_130 : vector<16xi32> to vector<16xi32>
        %add3A_132 = arith.addi %add3A_128, %get3A_131 : vector<16xi32>
        %get3A_133 = arith.constant 192 : index
        %get3A_134 = tpu.vector_load %arg14[%get3A_133] {strides = array<i32>} : memref<256xi32, #tpu.memory_space<vmem>>, vector<16xi32>,
        %get3A_135 = vector.shape_cast %get3A_134 : vector<16xi32> to vector<16xi32>
        %add3A_136 = arith.addi %add3A_132, %get3A_135 : vector<16xi32>
        %get3A_137 = arith.constant 208 : index
        %get3A_138 = tpu.vector_load %arg14[%get3A_137] {strides = array<i32>} : memref<256xi32, #tpu.memory_space<vmem>>, vector<16xi32>,
        %get3A_139 = vector.shape_cast %get3A_138 : vector<16xi32> to vector<16xi32>
        %add3A_140 = arith.addi %add3A_136, %get3A_139 : vector<16xi32>
        %get3A_141 = arith.constant 224 : index
        %get3A_142 = tpu.vector_load %arg14[%get3A_141] {strides = array<i32>} : memref<256xi32, #tpu.memory_space<vmem>>, vector<16xi32>,
        %get3A_143 = vector.shape_cast %get3A_142 : vector<16xi32> to vector<16xi32>
        %add3A_144 = arith.addi %add3A_140, %get3A_143 : vector<16xi32>
        %get3A_145 = arith.constant 240 : index
        %get3A_146 = tpu.vector_load %arg14[%get3A_145] {strides = array<i32>} : memref<256xi32, #tpu.memory_space<vmem>>, vector<16xi32>,
        %get3A_147 = vector.shape_cast %get3A_146 : vector<16xi32> to vector<16xi32>
        %add3A_148 = arith.addi %add3A_144, %get3A_147 : vector<16xi32>
        %slice3A = vector.extract_strided_slice %add3A_148 {offsets = [0], sizes = [1], strides = [1]} : vector<16xi32> to vector<1xi32>
        %squeeze3A = vector.extract %slice3A[0] : i32 from vector<1xi32>
        %add3A_149 = arith.constant 0 : i32
        %add3A_150 = arith.addi %add3A_149, %squeeze3A : i32
        %slice3A_151 = vector.extract_strided_slice %add3A_148 {offsets = [1], sizes = [1], strides = [1]} : vector<16xi32> to vector<1xi32>
        %squeeze3A_152 = vector.extract %slice3A_151[0] : i32 from vector<1xi32>
        %add3A_153 = arith.addi %add3A_150, %squeeze3A_152 : i32
        %slice3A_154 = vector.extract_strided_slice %add3A_148 {offsets = [2], sizes = [1], strides = [1]} : vector<16xi32> to vector<1xi32>
        %squeeze3A_155 = vector.extract %slice3A_154[0] : i32 from vector<1xi32>
        %add3A_156 = arith.addi %add3A_153, %squeeze3A_155 : i32
        %slice3A_157 = vector.extract_strided_slice %add3A_148 {offsets = [3], sizes = [1], strides = [1]} : vector<16xi32> to vector<1xi32>
        %squeeze3A_158 = vector.extract %slice3A_157[0] : i32 from vector<1xi32>
        %add3A_159 = arith.addi %add3A_156, %squeeze3A_158 : i32
        %slice3A_160 = vector.extract_strided_slice %add3A_148 {offsets = [4], sizes = [1], strides = [1]} : vector<16xi32> to vector<1xi32>
        %squeeze3A_161 = vector.extract %slice3A_160[0] : i32 from vector<1xi32>
        %add3A_162 = arith.addi %add3A_159, %squeeze3A_161 : i32
        %slice3A_163 = vector.extract_strided_slice %add3A_148 {offsets = [5], sizes = [1], strides = [1]} : vector<16xi32> to vector<1xi32>
        %squeeze3A_164 = vector.extract %slice3A_163[0] : i32 from vector<1xi32>
        %add3A_165 = arith.addi %add3A_162, %squeeze3A_164 : i32
        %slice3A_166 = vector.extract_strided_slice %add3A_148 {offsets = [6], sizes = [1], strides = [1]} : vector<16xi32> to vector<1xi32>
        %squeeze3A_167 = vector.extract %slice3A_166[0] : i32 from vector<1xi32>
        %add3A_168 = arith.addi %add3A_165, %squeeze3A_167 : i32
        %slice3A_169 = vector.extract_strided_slice %add3A_148 {offsets = [7], sizes = [1], strides = [1]} : vector<16xi32> to vector<1xi32>
        %squeeze3A_170 = vector.extract %slice3A_169[0] : i32 from vector<1xi32>
        %add3A_171 = arith.addi %add3A_168, %squeeze3A_170 : i32
        %slice3A_172 = vector.extract_strided_slice %add3A_148 {offsets = [8], sizes = [1], strides = [1]} : vector<16xi32> to vector<1xi32>
        %squeeze3A_173 = vector.extract %slice3A_172[0] : i32 from vector<1xi32>
        %add3A_174 = arith.addi %add3A_171, %squeeze3A_173 : i32
        %slice3A_175 = vector.extract_strided_slice %add3A_148 {offsets = [9], sizes = [1], strides = [1]} : vector<16xi32> to vector<1xi32>
        %squeeze3A_176 = vector.extract %slice3A_175[0] : i32 from vector<1xi32>
        %add3A_177 = arith.addi %add3A_174, %squeeze3A_176 : i32
        %slice3A_178 = vector.extract_strided_slice %add3A_148 {offsets = [10], sizes = [1], strides = [1]} : vector<16xi32> to vector<1xi32>
        %squeeze3A_179 = vector.extract %slice3A_178[0] : i32 from vector<1xi32>
        %add3A_180 = arith.addi %add3A_177, %squeeze3A_179 : i32
        %slice3A_181 = vector.extract_strided_slice %add3A_148 {offsets = [11], sizes = [1], strides = [1]} : vector<16xi32> to vector<1xi32>
        %squeeze3A_182 = vector.extract %slice3A_181[0] : i32 from vector<1xi32>
        %add3A_183 = arith.addi %add3A_180, %squeeze3A_182 : i32
        %slice3A_184 = vector.extract_strided_slice %add3A_148 {offsets = [12], sizes = [1], strides = [1]} : vector<16xi32> to vector<1xi32>
        %squeeze3A_185 = vector.extract %slice3A_184[0] : i32 from vector<1xi32>
        %add3A_186 = arith.addi %add3A_183, %squeeze3A_185 : i32
        %slice3A_187 = vector.extract_strided_slice %add3A_148 {offsets = [13], sizes = [1], strides = [1]} : vector<16xi32> to vector<1xi32>
        %squeeze3A_188 = vector.extract %slice3A_187[0] : i32 from vector<1xi32>
        %add3A_189 = arith.addi %add3A_186, %squeeze3A_188 : i32
        %slice3A_190 = vector.extract_strided_slice %add3A_148 {offsets = [14], sizes = [1], strides = [1]} : vector<16xi32> to vector<1xi32>
        %squeeze3A_191 = vector.extract %slice3A_190[0] : i32 from vector<1xi32>
        %add3A_192 = arith.addi %add3A_189, %squeeze3A_191 : i32
        %slice3A_193 = vector.extract_strided_slice %add3A_148 {offsets = [15], sizes = [1], strides = [1]} : vector<16xi32> to vector<1xi32>
        %squeeze3A_194 = vector.extract %slice3A_193[0] : i32 from vector<1xi32>
        %add3A_195 = arith.addi %add3A_192, %squeeze3A_194 : i32
        scf.yield %add3A_195 : i32
      } else {
        scf.yield %scan3A_59 : i32
      }
      scf.yield %cond3A_62 : i32
    }
    %scan3A_36 = arith.constant 24 : i32
    %mul3A_37 = arith.constant 512 : i32
    %mul3A_38 = arith.muli %add3A, %mul3A_37 : i32
    "tpu.region"() ({
      %run_scoped3A = tpu.sem_alloc : memref<!tpu.dma_semaphore, #tpu.memory_space<semaphore_mem>>
      %dma_start3A = tpu.memref_slice %arg3[%mul3A_38] : memref<16384xf32, #tpu.memory_space<hbm>> -> memref<512xf32, #tpu.memory_space<hbm>>
      %dma_start3A_58 = tpu.memref_slice %arg3[%mul3A_38] : memref<16384xf32, #tpu.memory_space<hbm>> -> memref<512xf32, #tpu.memory_space<hbm>>
      tpu.enqueue_dma source(%dma_start3A_58 : memref<512xf32, #tpu.memory_space<hbm>>) target(%arg15 : memref<512xf32, #tpu.memory_space<vmem>>) target_semaphore(%run_scoped3A : memref<!tpu.dma_semaphore, #tpu.memory_space<semaphore_mem>>)
      %dma_wait3A = tpu.memref_slice %arg3[%mul3A_38] : memref<16384xf32, #tpu.memory_space<hbm>> -> memref<512xf32, #tpu.memory_space<hbm>>
      %dma_wait3A_59 = tpu.memref_slice %arg3[%mul3A_38] : memref<16384xf32, #tpu.memory_space<hbm>> -> memref<512xf32, #tpu.memory_space<hbm>>
      tpu.wait_dma2 semaphore(%run_scoped3A : memref<!tpu.dma_semaphore, #tpu.memory_space<semaphore_mem>>) src(%dma_wait3A_59 : memref<512xf32, #tpu.memory_space<hbm>>) dst(%arg15 : memref<512xf32, #tpu.memory_space<vmem>>)
      tpu.yield
    }) : () -> ()
    %scan3A_39 = arith.constant 0 : i32
    %scan3A_40 = arith.constant 0 : i32
    %scan3A_41 = arith.constant 32 : i32
    %scan3A_42 = arith.addi %scan3A_40, %scan3A_41 : i32
    %scan3A_43 = arith.constant 1 : i32
    scf.for %scan3A_58 = %scan3A_40 to %scan3A_42 step %scan3A_43  : i32 {
      %mul3A_59 = arith.constant 16 : i32
      %mul3A_60 = arith.muli %scan3A_58, %mul3A_59 : i32
      %get3A = arith.index_cast %mul3A_60 : i32 to index
      %get3A_61 = tpu.vector_load %arg15[%get3A] {strides = array<i32>} : memref<512xf32, #tpu.memory_space<vmem>>, vector<16xf32>,
      %get3A_62 = vector.shape_cast %get3A_61 : vector<16xf32> to vector<16xf32>
      %mul3A_63 = arith.constant 0x49800000 : f32
      %mul3A_64 = vector.broadcast %mul3A_63 : f32 to vector<16xf32>
      %mul3A_65 = arith.mulf %get3A_62, %mul3A_64 : vector<16xf32>
      %convert_element_type3A = arith.fptosi %mul3A_65 : vector<16xf32> to vector<16xi32>
      %mul3A_66 = arith.constant -1640531527 : i32
      %mul3A_67 = vector.broadcast %mul3A_66 : i32 to vector<16xi32>
      %mul3A_68 = arith.muli %convert_element_type3A, %mul3A_67 : vector<16xi32>
      %shift_right_logical3A = arith.constant 12 : i32
      %shift_right_logical3A_69 = vector.broadcast %shift_right_logical3A : i32 to vector<16xi32>
      %shift_right_logical3A_70 = arith.shrui %mul3A_68, %shift_right_logical3A_69 : vector<16xi32>
      %swap3A = arith.index_cast %mul3A_60 : i32 to index
      %swap3A_71 = tpu.vector_load %arg16[%swap3A] {strides = array<i32>} : memref<512xi32, #tpu.memory_space<vmem>>, vector<16xi32>,
      %swap3A_72 = vector.shape_cast %swap3A_71 : vector<16xi32> to vector<16xi32>
      %swap3A_73 = vector.shape_cast %shift_right_logical3A_70 : vector<16xi32> to vector<16xi32>
      tpu.vector_store %arg16[%swap3A], %swap3A_73 {strides = array<i32>} : memref<512xi32, #tpu.memory_space<vmem>>, vector<16xi32>,
      %broadcast_in_dim3A = arith.constant 2147483647 : i32
      %broadcast_in_dim3A_74 = vector.broadcast %broadcast_in_dim3A : i32 to vector<16xi32>
      %swap3A_75 = arith.index_cast %mul3A_60 : i32 to index
      %swap3A_76 = tpu.vector_load %arg21[%swap3A_75] {strides = array<i32>} : memref<512xi32, #tpu.memory_space<vmem>>, vector<16xi32>,
      %swap3A_77 = vector.shape_cast %swap3A_76 : vector<16xi32> to vector<16xi32>
      %swap3A_78 = vector.shape_cast %broadcast_in_dim3A_74 : vector<16xi32> to vector<16xi32>
      tpu.vector_store %arg21[%swap3A_75], %swap3A_78 {strides = array<i32>} : memref<512xi32, #tpu.memory_space<vmem>>, vector<16xi32>,
    }
    %scan3A_44 = arith.constant 32 : i32
    %scan3A_45 = arith.constant 1 : i32
    %scan3A_46 = arith.constant 0 : i32
    %scan3A_47 = arith.constant 24 : i32
    %scan3A_48 = arith.addi %scan3A_46, %scan3A_47 : i32
    %scan3A_49 = arith.constant 1 : i32
    %scan3A_50 = scf.for %scan3A_58 = %scan3A_46 to %scan3A_48 step %scan3A_49 iter_args(%scan3A_59 = %scan3A_45) -> (i32)  : i32 {
      %gt3A = arith.constant 0 : i32
      %gt3A_60 = arith.cmpi sgt, %scan3A_59, %gt3A : i32
      %convert_element_type3A = arith.extui %gt3A_60 : i1 to i32
      %cond3A = arith.constant 0 : i32
      %cond3A_61 = arith.cmpi ne, %convert_element_type3A, %cond3A : i32
      %cond3A_62 = scf.if %cond3A_61 -> (i32) {
        %scan3A_63 = arith.constant 0 : i32
        %scan3A_64 = arith.constant 0 : i32
        %scan3A_65 = arith.constant 4 : i32
        %scan3A_66 = arith.addi %scan3A_64, %scan3A_65 : i32
        %scan3A_67 = arith.constant 1 : i32
        scf.for %scan3A_129 = %scan3A_64 to %scan3A_66 step %scan3A_67  : i32 {
          %mul3A_130 = arith.constant 128 : i32
          %mul3A_131 = arith.muli %scan3A_129, %mul3A_130 : i32
          %add3A_132 = arith.constant 0 : i32
          %add3A_133 = arith.addi %mul3A_131, %add3A_132 : i32
          %mul3A_134 = arith.constant 128 : i32
          %mul3A_135 = arith.muli %scan3A_129, %mul3A_134 : i32
          %add3A_136 = arith.constant 512 : i32
          %add3A_137 = arith.addi %add3A_136, %mul3A_135 : i32
          %add3A_138 = arith.constant 0 : i32
          %add3A_139 = arith.addi %add3A_137, %add3A_138 : i32
          %get3A = arith.index_cast %add3A_133 : i32 to index
          %get3A_140 = tpu.vector_load %arg16[%get3A] {strides = array<i32>} : memref<512xi32, #tpu.memory_space<vmem>>, vector<16xi32>,
          %get3A_141 = vector.shape_cast %get3A_140 : vector<16xi32> to vector<16xi32>
          %add3A_142 = arith.constant 1 : i32
          %add3A_143 = vector.broadcast %add3A_142 : i32 to vector<16xi32>
          %add3A_144 = arith.addi %get3A_141, %add3A_143 : vector<16xi32>
          %ge3A = arith.constant 1048576 : i32
          %ge3A_145 = vector.broadcast %ge3A : i32 to vector<16xi32>
          %ge3A_146 = arith.cmpi sge, %add3A_144, %ge3A_145 : vector<16xi32>
          %sub3A = arith.constant 1048576 : i32
          %sub3A_147 = vector.broadcast %sub3A : i32 to vector<16xi32>
          %sub3A_148 = arith.subi %add3A_144, %sub3A_147 : vector<16xi32>
          %select_n3A = arith.select %ge3A_146, %sub3A_148, %add3A_144 : vector<16xi1>, vector<16xi32>
          %swap3A = arith.index_cast %add3A_133 : i32 to index
          %swap3A_149 = tpu.vector_load %arg17[%swap3A] {strides = array<i32>} : memref<1024xi32, #tpu.memory_space<vmem>>, vector<16xi32>,
          %swap3A_150 = vector.shape_cast %swap3A_149 : vector<16xi32> to vector<16xi32>
          %swap3A_151 = vector.shape_cast %get3A_141 : vector<16xi32> to vector<16xi32>
          tpu.vector_store %arg17[%swap3A], %swap3A_151 {strides = array<i32>} : memref<1024xi32, #tpu.memory_space<vmem>>, vector<16xi32>,
          %swap3A_152 = arith.index_cast %add3A_139 : i32 to index
          %swap3A_153 = tpu.vector_load %arg17[%swap3A_152] {strides = array<i32>} : memref<1024xi32, #tpu.memory_space<vmem>>, vector<16xi32>,
          %swap3A_154 = vector.shape_cast %swap3A_153 : vector<16xi32> to vector<16xi32>
          %swap3A_155 = vector.shape_cast %select_n3A : vector<16xi32> to vector<16xi32>
          tpu.vector_store %arg17[%swap3A_152], %swap3A_155 {strides = array<i32>} : memref<1024xi32, #tpu.memory_space<vmem>>, vector<16xi32>,
          %mul3A_156 = arith.constant 128 : i32
          %mul3A_157 = arith.muli %scan3A_129, %mul3A_156 : i32
          %add3A_158 = arith.constant 16 : i32
          %add3A_159 = arith.addi %mul3A_157, %add3A_158 : i32
          %mul3A_160 = arith.constant 128 : i32
          %mul3A_161 = arith.muli %scan3A_129, %mul3A_160 : i32
          %add3A_162 = arith.constant 512 : i32
          %add3A_163 = arith.addi %add3A_162, %mul3A_161 : i32
          %add3A_164 = arith.constant 16 : i32
          %add3A_165 = arith.addi %add3A_163, %add3A_164 : i32
          %get3A_166 = arith.index_cast %add3A_159 : i32 to index
          %get3A_167 = tpu.vector_load %arg16[%get3A_166] {strides = array<i32>} : memref<512xi32, #tpu.memory_space<vmem>>, vector<16xi32>,
          %get3A_168 = vector.shape_cast %get3A_167 : vector<16xi32> to vector<16xi32>
          %add3A_169 = arith.constant 1 : i32
          %add3A_170 = vector.broadcast %add3A_169 : i32 to vector<16xi32>
          %add3A_171 = arith.addi %get3A_168, %add3A_170 : vector<16xi32>
          %ge3A_172 = arith.constant 1048576 : i32
          %ge3A_173 = vector.broadcast %ge3A_172 : i32 to vector<16xi32>
          %ge3A_174 = arith.cmpi sge, %add3A_171, %ge3A_173 : vector<16xi32>
          %sub3A_175 = arith.constant 1048576 : i32
          %sub3A_176 = vector.broadcast %sub3A_175 : i32 to vector<16xi32>
          %sub3A_177 = arith.subi %add3A_171, %sub3A_176 : vector<16xi32>
          %select_n3A_178 = arith.select %ge3A_174, %sub3A_177, %add3A_171 : vector<16xi1>, vector<16xi32>
          %swap3A_179 = arith.index_cast %add3A_159 : i32 to index
          %swap3A_180 = tpu.vector_load %arg17[%swap3A_179] {strides = array<i32>} : memref<1024xi32, #tpu.memory_space<vmem>>, vector<16xi32>,
          %swap3A_181 = vector.shape_cast %swap3A_180 : vector<16xi32> to vector<16xi32>
          %swap3A_182 = vector.shape_cast %get3A_168 : vector<16xi32> to vector<16xi32>
          tpu.vector_store %arg17[%swap3A_179], %swap3A_182 {strides = array<i32>} : memref<1024xi32, #tpu.memory_space<vmem>>, vector<16xi32>,
          %swap3A_183 = arith.index_cast %add3A_165 : i32 to index
          %swap3A_184 = tpu.vector_load %arg17[%swap3A_183] {strides = array<i32>} : memref<1024xi32, #tpu.memory_space<vmem>>, vector<16xi32>,
          %swap3A_185 = vector.shape_cast %swap3A_184 : vector<16xi32> to vector<16xi32>
          %swap3A_186 = vector.shape_cast %select_n3A_178 : vector<16xi32> to vector<16xi32>
          tpu.vector_store %arg17[%swap3A_183], %swap3A_186 {strides = array<i32>} : memref<1024xi32, #tpu.memory_space<vmem>>, vector<16xi32>,
          %mul3A_187 = arith.constant 128 : i32
          %mul3A_188 = arith.muli %scan3A_129, %mul3A_187 : i32
          %add3A_189 = arith.constant 32 : i32
          %add3A_190 = arith.addi %mul3A_188, %add3A_189 : i32
          %mul3A_191 = arith.constant 128 : i32
          %mul3A_192 = arith.muli %scan3A_129, %mul3A_191 : i32
          %add3A_193 = arith.constant 512 : i32
          %add3A_194 = arith.addi %add3A_193, %mul3A_192 : i32
          %add3A_195 = arith.constant 32 : i32
          %add3A_196 = arith.addi %add3A_194, %add3A_195 : i32
          %get3A_197 = arith.index_cast %add3A_190 : i32 to index
          %get3A_198 = tpu.vector_load %arg16[%get3A_197] {strides = array<i32>} : memref<512xi32, #tpu.memory_space<vmem>>, vector<16xi32>,
          %get3A_199 = vector.shape_cast %get3A_198 : vector<16xi32> to vector<16xi32>
          %add3A_200 = arith.constant 1 : i32
          %add3A_201 = vector.broadcast %add3A_200 : i32 to vector<16xi32>
          %add3A_202 = arith.addi %get3A_199, %add3A_201 : vector<16xi32>
          %ge3A_203 = arith.constant 1048576 : i32
          %ge3A_204 = vector.broadcast %ge3A_203 : i32 to vector<16xi32>
          %ge3A_205 = arith.cmpi sge, %add3A_202, %ge3A_204 : vector<16xi32>
          %sub3A_206 = arith.constant 1048576 : i32
          %sub3A_207 = vector.broadcast %sub3A_206 : i32 to vector<16xi32>
          %sub3A_208 = arith.subi %add3A_202, %sub3A_207 : vector<16xi32>
          %select_n3A_209 = arith.select %ge3A_205, %sub3A_208, %add3A_202 : vector<16xi1>, vector<16xi32>
          %swap3A_210 = arith.index_cast %add3A_190 : i32 to index
          %swap3A_211 = tpu.vector_load %arg17[%swap3A_210] {strides = array<i32>} : memref<1024xi32, #tpu.memory_space<vmem>>, vector<16xi32>,
          %swap3A_212 = vector.shape_cast %swap3A_211 : vector<16xi32> to vector<16xi32>
          %swap3A_213 = vector.shape_cast %get3A_199 : vector<16xi32> to vector<16xi32>
          tpu.vector_store %arg17[%swap3A_210], %swap3A_213 {strides = array<i32>} : memref<1024xi32, #tpu.memory_space<vmem>>, vector<16xi32>,
          %swap3A_214 = arith.index_cast %add3A_196 : i32 to index
          %swap3A_215 = tpu.vector_load %arg17[%swap3A_214] {strides = array<i32>} : memref<1024xi32, #tpu.memory_space<vmem>>, vector<16xi32>,
          %swap3A_216 = vector.shape_cast %swap3A_215 : vector<16xi32> to vector<16xi32>
          %swap3A_217 = vector.shape_cast %select_n3A_209 : vector<16xi32> to vector<16xi32>
          tpu.vector_store %arg17[%swap3A_214], %swap3A_217 {strides = array<i32>} : memref<1024xi32, #tpu.memory_space<vmem>>, vector<16xi32>,
          %mul3A_218 = arith.constant 128 : i32
          %mul3A_219 = arith.muli %scan3A_129, %mul3A_218 : i32
          %add3A_220 = arith.constant 48 : i32
          %add3A_221 = arith.addi %mul3A_219, %add3A_220 : i32
          %mul3A_222 = arith.constant 128 : i32
          %mul3A_223 = arith.muli %scan3A_129, %mul3A_222 : i32
          %add3A_224 = arith.constant 512 : i32
          %add3A_225 = arith.addi %add3A_224, %mul3A_223 : i32
          %add3A_226 = arith.constant 48 : i32
          %add3A_227 = arith.addi %add3A_225, %add3A_226 : i32
          %get3A_228 = arith.index_cast %add3A_221 : i32 to index
          %get3A_229 = tpu.vector_load %arg16[%get3A_228] {strides = array<i32>} : memref<512xi32, #tpu.memory_space<vmem>>, vector<16xi32>,
          %get3A_230 = vector.shape_cast %get3A_229 : vector<16xi32> to vector<16xi32>
          %add3A_231 = arith.constant 1 : i32
          %add3A_232 = vector.broadcast %add3A_231 : i32 to vector<16xi32>
          %add3A_233 = arith.addi %get3A_230, %add3A_232 : vector<16xi32>
          %ge3A_234 = arith.constant 1048576 : i32
          %ge3A_235 = vector.broadcast %ge3A_234 : i32 to vector<16xi32>
          %ge3A_236 = arith.cmpi sge, %add3A_233, %ge3A_235 : vector<16xi32>
          %sub3A_237 = arith.constant 1048576 : i32
          %sub3A_238 = vector.broadcast %sub3A_237 : i32 to vector<16xi32>
          %sub3A_239 = arith.subi %add3A_233, %sub3A_238 : vector<16xi32>
          %select_n3A_240 = arith.select %ge3A_236, %sub3A_239, %add3A_233 : vector<16xi1>, vector<16xi32>
          %swap3A_241 = arith.index_cast %add3A_221 : i32 to index
          %swap3A_242 = tpu.vector_load %arg17[%swap3A_241] {strides = array<i32>} : memref<1024xi32, #tpu.memory_space<vmem>>, vector<16xi32>,
          %swap3A_243 = vector.shape_cast %swap3A_242 : vector<16xi32> to vector<16xi32>
          %swap3A_244 = vector.shape_cast %get3A_230 : vector<16xi32> to vector<16xi32>
          tpu.vector_store %arg17[%swap3A_241], %swap3A_244 {strides = array<i32>} : memref<1024xi32, #tpu.memory_space<vmem>>, vector<16xi32>,
          %swap3A_245 = arith.index_cast %add3A_227 : i32 to index
          %swap3A_246 = tpu.vector_load %arg17[%swap3A_245] {strides = array<i32>} : memref<1024xi32, #tpu.memory_space<vmem>>, vector<16xi32>,
          %swap3A_247 = vector.shape_cast %swap3A_246 : vector<16xi32> to vector<16xi32>
          %swap3A_248 = vector.shape_cast %select_n3A_240 : vector<16xi32> to vector<16xi32>
          tpu.vector_store %arg17[%swap3A_245], %swap3A_248 {strides = array<i32>} : memref<1024xi32, #tpu.memory_space<vmem>>, vector<16xi32>,
          %mul3A_249 = arith.constant 128 : i32
          %mul3A_250 = arith.muli %scan3A_129, %mul3A_249 : i32
          %add3A_251 = arith.constant 64 : i32
          %add3A_252 = arith.addi %mul3A_250, %add3A_251 : i32
          %mul3A_253 = arith.constant 128 : i32
          %mul3A_254 = arith.muli %scan3A_129, %mul3A_253 : i32
          %add3A_255 = arith.constant 512 : i32
          %add3A_256 = arith.addi %add3A_255, %mul3A_254 : i32
          %add3A_257 = arith.constant 64 : i32
          %add3A_258 = arith.addi %add3A_256, %add3A_257 : i32
          %get3A_259 = arith.index_cast %add3A_252 : i32 to index
          %get3A_260 = tpu.vector_load %arg16[%get3A_259] {strides = array<i32>} : memref<512xi32, #tpu.memory_space<vmem>>, vector<16xi32>,
          %get3A_261 = vector.shape_cast %get3A_260 : vector<16xi32> to vector<16xi32>
          %add3A_262 = arith.constant 1 : i32
          %add3A_263 = vector.broadcast %add3A_262 : i32 to vector<16xi32>
          %add3A_264 = arith.addi %get3A_261, %add3A_263 : vector<16xi32>
          %ge3A_265 = arith.constant 1048576 : i32
          %ge3A_266 = vector.broadcast %ge3A_265 : i32 to vector<16xi32>
          %ge3A_267 = arith.cmpi sge, %add3A_264, %ge3A_266 : vector<16xi32>
          %sub3A_268 = arith.constant 1048576 : i32
          %sub3A_269 = vector.broadcast %sub3A_268 : i32 to vector<16xi32>
          %sub3A_270 = arith.subi %add3A_264, %sub3A_269 : vector<16xi32>
          %select_n3A_271 = arith.select %ge3A_267, %sub3A_270, %add3A_264 : vector<16xi1>, vector<16xi32>
          %swap3A_272 = arith.index_cast %add3A_252 : i32 to index
          %swap3A_273 = tpu.vector_load %arg17[%swap3A_272] {strides = array<i32>} : memref<1024xi32, #tpu.memory_space<vmem>>, vector<16xi32>,
          %swap3A_274 = vector.shape_cast %swap3A_273 : vector<16xi32> to vector<16xi32>
          %swap3A_275 = vector.shape_cast %get3A_261 : vector<16xi32> to vector<16xi32>
          tpu.vector_store %arg17[%swap3A_272], %swap3A_275 {strides = array<i32>} : memref<1024xi32, #tpu.memory_space<vmem>>, vector<16xi32>,
          %swap3A_276 = arith.index_cast %add3A_258 : i32 to index
          %swap3A_277 = tpu.vector_load %arg17[%swap3A_276] {strides = array<i32>} : memref<1024xi32, #tpu.memory_space<vmem>>, vector<16xi32>,
          %swap3A_278 = vector.shape_cast %swap3A_277 : vector<16xi32> to vector<16xi32>
          %swap3A_279 = vector.shape_cast %select_n3A_271 : vector<16xi32> to vector<16xi32>
          tpu.vector_store %arg17[%swap3A_276], %swap3A_279 {strides = array<i32>} : memref<1024xi32, #tpu.memory_space<vmem>>, vector<16xi32>,
          %mul3A_280 = arith.constant 128 : i32
          %mul3A_281 = arith.muli %scan3A_129, %mul3A_280 : i32
          %add3A_282 = arith.constant 80 : i32
          %add3A_283 = arith.addi %mul3A_281, %add3A_282 : i32
          %mul3A_284 = arith.constant 128 : i32
          %mul3A_285 = arith.muli %scan3A_129, %mul3A_284 : i32
          %add3A_286 = arith.constant 512 : i32
          %add3A_287 = arith.addi %add3A_286, %mul3A_285 : i32
          %add3A_288 = arith.constant 80 : i32
          %add3A_289 = arith.addi %add3A_287, %add3A_288 : i32
          %get3A_290 = arith.index_cast %add3A_283 : i32 to index
          %get3A_291 = tpu.vector_load %arg16[%get3A_290] {strides = array<i32>} : memref<512xi32, #tpu.memory_space<vmem>>, vector<16xi32>,
          %get3A_292 = vector.shape_cast %get3A_291 : vector<16xi32> to vector<16xi32>
          %add3A_293 = arith.constant 1 : i32
          %add3A_294 = vector.broadcast %add3A_293 : i32 to vector<16xi32>
          %add3A_295 = arith.addi %get3A_292, %add3A_294 : vector<16xi32>
          %ge3A_296 = arith.constant 1048576 : i32
          %ge3A_297 = vector.broadcast %ge3A_296 : i32 to vector<16xi32>
          %ge3A_298 = arith.cmpi sge, %add3A_295, %ge3A_297 : vector<16xi32>
          %sub3A_299 = arith.constant 1048576 : i32
          %sub3A_300 = vector.broadcast %sub3A_299 : i32 to vector<16xi32>
          %sub3A_301 = arith.subi %add3A_295, %sub3A_300 : vector<16xi32>
          %select_n3A_302 = arith.select %ge3A_298, %sub3A_301, %add3A_295 : vector<16xi1>, vector<16xi32>
          %swap3A_303 = arith.index_cast %add3A_283 : i32 to index
          %swap3A_304 = tpu.vector_load %arg17[%swap3A_303] {strides = array<i32>} : memref<1024xi32, #tpu.memory_space<vmem>>, vector<16xi32>,
          %swap3A_305 = vector.shape_cast %swap3A_304 : vector<16xi32> to vector<16xi32>
          %swap3A_306 = vector.shape_cast %get3A_292 : vector<16xi32> to vector<16xi32>
          tpu.vector_store %arg17[%swap3A_303], %swap3A_306 {strides = array<i32>} : memref<1024xi32, #tpu.memory_space<vmem>>, vector<16xi32>,
          %swap3A_307 = arith.index_cast %add3A_289 : i32 to index
          %swap3A_308 = tpu.vector_load %arg17[%swap3A_307] {strides = array<i32>} : memref<1024xi32, #tpu.memory_space<vmem>>, vector<16xi32>,
          %swap3A_309 = vector.shape_cast %swap3A_308 : vector<16xi32> to vector<16xi32>
          %swap3A_310 = vector.shape_cast %select_n3A_302 : vector<16xi32> to vector<16xi32>
          tpu.vector_store %arg17[%swap3A_307], %swap3A_310 {strides = array<i32>} : memref<1024xi32, #tpu.memory_space<vmem>>, vector<16xi32>,
          %mul3A_311 = arith.constant 128 : i32
          %mul3A_312 = arith.muli %scan3A_129, %mul3A_311 : i32
          %add3A_313 = arith.constant 96 : i32
          %add3A_314 = arith.addi %mul3A_312, %add3A_313 : i32
          %mul3A_315 = arith.constant 128 : i32
          %mul3A_316 = arith.muli %scan3A_129, %mul3A_315 : i32
          %add3A_317 = arith.constant 512 : i32
          %add3A_318 = arith.addi %add3A_317, %mul3A_316 : i32
          %add3A_319 = arith.constant 96 : i32
          %add3A_320 = arith.addi %add3A_318, %add3A_319 : i32
          %get3A_321 = arith.index_cast %add3A_314 : i32 to index
          %get3A_322 = tpu.vector_load %arg16[%get3A_321] {strides = array<i32>} : memref<512xi32, #tpu.memory_space<vmem>>, vector<16xi32>,
          %get3A_323 = vector.shape_cast %get3A_322 : vector<16xi32> to vector<16xi32>
          %add3A_324 = arith.constant 1 : i32
          %add3A_325 = vector.broadcast %add3A_324 : i32 to vector<16xi32>
          %add3A_326 = arith.addi %get3A_323, %add3A_325 : vector<16xi32>
          %ge3A_327 = arith.constant 1048576 : i32
          %ge3A_328 = vector.broadcast %ge3A_327 : i32 to vector<16xi32>
          %ge3A_329 = arith.cmpi sge, %add3A_326, %ge3A_328 : vector<16xi32>
          %sub3A_330 = arith.constant 1048576 : i32
          %sub3A_331 = vector.broadcast %sub3A_330 : i32 to vector<16xi32>
          %sub3A_332 = arith.subi %add3A_326, %sub3A_331 : vector<16xi32>
          %select_n3A_333 = arith.select %ge3A_329, %sub3A_332, %add3A_326 : vector<16xi1>, vector<16xi32>
          %swap3A_334 = arith.index_cast %add3A_314 : i32 to index
          %swap3A_335 = tpu.vector_load %arg17[%swap3A_334] {strides = array<i32>} : memref<1024xi32, #tpu.memory_space<vmem>>, vector<16xi32>,
          %swap3A_336 = vector.shape_cast %swap3A_335 : vector<16xi32> to vector<16xi32>
          %swap3A_337 = vector.shape_cast %get3A_323 : vector<16xi32> to vector<16xi32>
          tpu.vector_store %arg17[%swap3A_334], %swap3A_337 {strides = array<i32>} : memref<1024xi32, #tpu.memory_space<vmem>>, vector<16xi32>,
          %swap3A_338 = arith.index_cast %add3A_320 : i32 to index
          %swap3A_339 = tpu.vector_load %arg17[%swap3A_338] {strides = array<i32>} : memref<1024xi32, #tpu.memory_space<vmem>>, vector<16xi32>,
          %swap3A_340 = vector.shape_cast %swap3A_339 : vector<16xi32> to vector<16xi32>
          %swap3A_341 = vector.shape_cast %select_n3A_333 : vector<16xi32> to vector<16xi32>
          tpu.vector_store %arg17[%swap3A_338], %swap3A_341 {strides = array<i32>} : memref<1024xi32, #tpu.memory_space<vmem>>, vector<16xi32>,
          %mul3A_342 = arith.constant 128 : i32
          %mul3A_343 = arith.muli %scan3A_129, %mul3A_342 : i32
          %add3A_344 = arith.constant 112 : i32
          %add3A_345 = arith.addi %mul3A_343, %add3A_344 : i32
          %mul3A_346 = arith.constant 128 : i32
          %mul3A_347 = arith.muli %scan3A_129, %mul3A_346 : i32
          %add3A_348 = arith.constant 512 : i32
          %add3A_349 = arith.addi %add3A_348, %mul3A_347 : i32
          %add3A_350 = arith.constant 112 : i32
          %add3A_351 = arith.addi %add3A_349, %add3A_350 : i32
          %get3A_352 = arith.index_cast %add3A_345 : i32 to index
          %get3A_353 = tpu.vector_load %arg16[%get3A_352] {strides = array<i32>} : memref<512xi32, #tpu.memory_space<vmem>>, vector<16xi32>,
          %get3A_354 = vector.shape_cast %get3A_353 : vector<16xi32> to vector<16xi32>
          %add3A_355 = arith.constant 1 : i32
          %add3A_356 = vector.broadcast %add3A_355 : i32 to vector<16xi32>
          %add3A_357 = arith.addi %get3A_354, %add3A_356 : vector<16xi32>
          %ge3A_358 = arith.constant 1048576 : i32
          %ge3A_359 = vector.broadcast %ge3A_358 : i32 to vector<16xi32>
          %ge3A_360 = arith.cmpi sge, %add3A_357, %ge3A_359 : vector<16xi32>
          %sub3A_361 = arith.constant 1048576 : i32
          %sub3A_362 = vector.broadcast %sub3A_361 : i32 to vector<16xi32>
          %sub3A_363 = arith.subi %add3A_357, %sub3A_362 : vector<16xi32>
          %select_n3A_364 = arith.select %ge3A_360, %sub3A_363, %add3A_357 : vector<16xi1>, vector<16xi32>
          %swap3A_365 = arith.index_cast %add3A_345 : i32 to index
          %swap3A_366 = tpu.vector_load %arg17[%swap3A_365] {strides = array<i32>} : memref<1024xi32, #tpu.memory_space<vmem>>, vector<16xi32>,
          %swap3A_367 = vector.shape_cast %swap3A_366 : vector<16xi32> to vector<16xi32>
          %swap3A_368 = vector.shape_cast %get3A_354 : vector<16xi32> to vector<16xi32>
          tpu.vector_store %arg17[%swap3A_365], %swap3A_368 {strides = array<i32>} : memref<1024xi32, #tpu.memory_space<vmem>>, vector<16xi32>,
          %swap3A_369 = arith.index_cast %add3A_351 : i32 to index
          %swap3A_370 = tpu.vector_load %arg17[%swap3A_369] {strides = array<i32>} : memref<1024xi32, #tpu.memory_space<vmem>>, vector<16xi32>,
          %swap3A_371 = vector.shape_cast %swap3A_370 : vector<16xi32> to vector<16xi32>
          %swap3A_372 = vector.shape_cast %select_n3A_364 : vector<16xi32> to vector<16xi32>
          tpu.vector_store %arg17[%swap3A_369], %swap3A_372 {strides = array<i32>} : memref<1024xi32, #tpu.memory_space<vmem>>, vector<16xi32>,
        }
        %scan3A_68 = arith.constant 4 : i32
        "tpu.region"() ({
          %run_scoped3A = tpu.sem_alloc : memref<!tpu.dma_semaphore, #tpu.memory_space<semaphore_mem>>
          %dma_start3A = arith.constant 0 : i32
          %dma_start3A_129 = tpu.memref_slice %arg23[%dma_start3A] : memref<1048704xi32, #tpu.memory_space<vmem_shared>> -> memref<1048704xi32, #tpu.memory_space<vmem_shared>>
          tpu.enqueue_indirect_dma source(%dma_start3A_129 : memref<1048704xi32, #tpu.memory_space<vmem_shared>>) target(%arg18 : memref<1024xi32, #tpu.memory_space<vmem>>) offsets(%arg17 : memref<1024xi32, #tpu.memory_space<vmem>>) semaphore(%run_scoped3A : memref<!tpu.dma_semaphore, #tpu.memory_space<semaphore_mem>>)
          %dma_wait3A = arith.constant 0 : i32
          %dma_wait3A_130 = tpu.memref_slice %arg23[%dma_wait3A] : memref<1048704xi32, #tpu.memory_space<vmem_shared>> -> memref<1048704xi32, #tpu.memory_space<vmem_shared>>
          tpu.wait_indirect_dma semaphore(%run_scoped3A : memref<!tpu.dma_semaphore, #tpu.memory_space<semaphore_mem>>) src(%dma_wait3A_130 : memref<1048704xi32, #tpu.memory_space<vmem_shared>>) dst(%arg18 : memref<1024xi32, #tpu.memory_space<vmem>>)
          tpu.yield
        }) : () -> ()
        %scan3A_69 = arith.constant 0 : i32
        %scan3A_70 = arith.constant 0 : i32
        %scan3A_71 = arith.constant 8 : i32
        %scan3A_72 = arith.addi %scan3A_70, %scan3A_71 : i32
        %scan3A_73 = arith.constant 1 : i32
        scf.for %scan3A_129 = %scan3A_70 to %scan3A_72 step %scan3A_73  : i32 {
          %mul3A_130 = arith.constant 128 : i32
          %mul3A_131 = arith.muli %scan3A_129, %mul3A_130 : i32
          %add3A_132 = arith.constant 0 : i32
          %add3A_133 = arith.addi %mul3A_131, %add3A_132 : i32
          %get3A = arith.index_cast %add3A_133 : i32 to index
          %get3A_134 = tpu.vector_load %arg18[%get3A] {strides = array<i32>} : memref<1024xi32, #tpu.memory_space<vmem>>, vector<16xi32>,
          %get3A_135 = vector.shape_cast %get3A_134 : vector<16xi32> to vector<16xi32>
          %max3A = arith.constant 0 : i32
          %max3A_136 = vector.broadcast %max3A : i32 to vector<16xi32>
          %max3A_137 = arith.maxsi %get3A_135, %max3A_136 : vector<16xi32>
          %swap3A = arith.index_cast %add3A_133 : i32 to index
          %swap3A_138 = tpu.vector_load %arg19[%swap3A] {strides = array<i32>} : memref<1024xi32, #tpu.memory_space<vmem>>, vector<16xi32>,
          %swap3A_139 = vector.shape_cast %swap3A_138 : vector<16xi32> to vector<16xi32>
          %swap3A_140 = vector.shape_cast %max3A_137 : vector<16xi32> to vector<16xi32>
          tpu.vector_store %arg19[%swap3A], %swap3A_140 {strides = array<i32>} : memref<1024xi32, #tpu.memory_space<vmem>>, vector<16xi32>,
          %mul3A_141 = arith.constant 128 : i32
          %mul3A_142 = arith.muli %scan3A_129, %mul3A_141 : i32
          %add3A_143 = arith.constant 16 : i32
          %add3A_144 = arith.addi %mul3A_142, %add3A_143 : i32
          %get3A_145 = arith.index_cast %add3A_144 : i32 to index
          %get3A_146 = tpu.vector_load %arg18[%get3A_145] {strides = array<i32>} : memref<1024xi32, #tpu.memory_space<vmem>>, vector<16xi32>,
          %get3A_147 = vector.shape_cast %get3A_146 : vector<16xi32> to vector<16xi32>
          %max3A_148 = arith.constant 0 : i32
          %max3A_149 = vector.broadcast %max3A_148 : i32 to vector<16xi32>
          %max3A_150 = arith.maxsi %get3A_147, %max3A_149 : vector<16xi32>
          %swap3A_151 = arith.index_cast %add3A_144 : i32 to index
          %swap3A_152 = tpu.vector_load %arg19[%swap3A_151] {strides = array<i32>} : memref<1024xi32, #tpu.memory_space<vmem>>, vector<16xi32>,
          %swap3A_153 = vector.shape_cast %swap3A_152 : vector<16xi32> to vector<16xi32>
          %swap3A_154 = vector.shape_cast %max3A_150 : vector<16xi32> to vector<16xi32>
          tpu.vector_store %arg19[%swap3A_151], %swap3A_154 {strides = array<i32>} : memref<1024xi32, #tpu.memory_space<vmem>>, vector<16xi32>,
          %mul3A_155 = arith.constant 128 : i32
          %mul3A_156 = arith.muli %scan3A_129, %mul3A_155 : i32
          %add3A_157 = arith.constant 32 : i32
          %add3A_158 = arith.addi %mul3A_156, %add3A_157 : i32
          %get3A_159 = arith.index_cast %add3A_158 : i32 to index
          %get3A_160 = tpu.vector_load %arg18[%get3A_159] {strides = array<i32>} : memref<1024xi32, #tpu.memory_space<vmem>>, vector<16xi32>,
          %get3A_161 = vector.shape_cast %get3A_160 : vector<16xi32> to vector<16xi32>
          %max3A_162 = arith.constant 0 : i32
          %max3A_163 = vector.broadcast %max3A_162 : i32 to vector<16xi32>
          %max3A_164 = arith.maxsi %get3A_161, %max3A_163 : vector<16xi32>
          %swap3A_165 = arith.index_cast %add3A_158 : i32 to index
          %swap3A_166 = tpu.vector_load %arg19[%swap3A_165] {strides = array<i32>} : memref<1024xi32, #tpu.memory_space<vmem>>, vector<16xi32>,
          %swap3A_167 = vector.shape_cast %swap3A_166 : vector<16xi32> to vector<16xi32>
          %swap3A_168 = vector.shape_cast %max3A_164 : vector<16xi32> to vector<16xi32>
          tpu.vector_store %arg19[%swap3A_165], %swap3A_168 {strides = array<i32>} : memref<1024xi32, #tpu.memory_space<vmem>>, vector<16xi32>,
          %mul3A_169 = arith.constant 128 : i32
          %mul3A_170 = arith.muli %scan3A_129, %mul3A_169 : i32
          %add3A_171 = arith.constant 48 : i32
          %add3A_172 = arith.addi %mul3A_170, %add3A_171 : i32
          %get3A_173 = arith.index_cast %add3A_172 : i32 to index
          %get3A_174 = tpu.vector_load %arg18[%get3A_173] {strides = array<i32>} : memref<1024xi32, #tpu.memory_space<vmem>>, vector<16xi32>,
          %get3A_175 = vector.shape_cast %get3A_174 : vector<16xi32> to vector<16xi32>
          %max3A_176 = arith.constant 0 : i32
          %max3A_177 = vector.broadcast %max3A_176 : i32 to vector<16xi32>
          %max3A_178 = arith.maxsi %get3A_175, %max3A_177 : vector<16xi32>
          %swap3A_179 = arith.index_cast %add3A_172 : i32 to index
          %swap3A_180 = tpu.vector_load %arg19[%swap3A_179] {strides = array<i32>} : memref<1024xi32, #tpu.memory_space<vmem>>, vector<16xi32>,
          %swap3A_181 = vector.shape_cast %swap3A_180 : vector<16xi32> to vector<16xi32>
          %swap3A_182 = vector.shape_cast %max3A_178 : vector<16xi32> to vector<16xi32>
          tpu.vector_store %arg19[%swap3A_179], %swap3A_182 {strides = array<i32>} : memref<1024xi32, #tpu.memory_space<vmem>>, vector<16xi32>,
          %mul3A_183 = arith.constant 128 : i32
          %mul3A_184 = arith.muli %scan3A_129, %mul3A_183 : i32
          %add3A_185 = arith.constant 64 : i32
          %add3A_186 = arith.addi %mul3A_184, %add3A_185 : i32
          %get3A_187 = arith.index_cast %add3A_186 : i32 to index
          %get3A_188 = tpu.vector_load %arg18[%get3A_187] {strides = array<i32>} : memref<1024xi32, #tpu.memory_space<vmem>>, vector<16xi32>,
          %get3A_189 = vector.shape_cast %get3A_188 : vector<16xi32> to vector<16xi32>
          %max3A_190 = arith.constant 0 : i32
          %max3A_191 = vector.broadcast %max3A_190 : i32 to vector<16xi32>
          %max3A_192 = arith.maxsi %get3A_189, %max3A_191 : vector<16xi32>
          %swap3A_193 = arith.index_cast %add3A_186 : i32 to index
          %swap3A_194 = tpu.vector_load %arg19[%swap3A_193] {strides = array<i32>} : memref<1024xi32, #tpu.memory_space<vmem>>, vector<16xi32>,
          %swap3A_195 = vector.shape_cast %swap3A_194 : vector<16xi32> to vector<16xi32>
          %swap3A_196 = vector.shape_cast %max3A_192 : vector<16xi32> to vector<16xi32>
          tpu.vector_store %arg19[%swap3A_193], %swap3A_196 {strides = array<i32>} : memref<1024xi32, #tpu.memory_space<vmem>>, vector<16xi32>,
          %mul3A_197 = arith.constant 128 : i32
          %mul3A_198 = arith.muli %scan3A_129, %mul3A_197 : i32
          %add3A_199 = arith.constant 80 : i32
          %add3A_200 = arith.addi %mul3A_198, %add3A_199 : i32
          %get3A_201 = arith.index_cast %add3A_200 : i32 to index
          %get3A_202 = tpu.vector_load %arg18[%get3A_201] {strides = array<i32>} : memref<1024xi32, #tpu.memory_space<vmem>>, vector<16xi32>,
          %get3A_203 = vector.shape_cast %get3A_202 : vector<16xi32> to vector<16xi32>
          %max3A_204 = arith.constant 0 : i32
          %max3A_205 = vector.broadcast %max3A_204 : i32 to vector<16xi32>
          %max3A_206 = arith.maxsi %get3A_203, %max3A_205 : vector<16xi32>
          %swap3A_207 = arith.index_cast %add3A_200 : i32 to index
          %swap3A_208 = tpu.vector_load %arg19[%swap3A_207] {strides = array<i32>} : memref<1024xi32, #tpu.memory_space<vmem>>, vector<16xi32>,
          %swap3A_209 = vector.shape_cast %swap3A_208 : vector<16xi32> to vector<16xi32>
          %swap3A_210 = vector.shape_cast %max3A_206 : vector<16xi32> to vector<16xi32>
          tpu.vector_store %arg19[%swap3A_207], %swap3A_210 {strides = array<i32>} : memref<1024xi32, #tpu.memory_space<vmem>>, vector<16xi32>,
          %mul3A_211 = arith.constant 128 : i32
          %mul3A_212 = arith.muli %scan3A_129, %mul3A_211 : i32
          %add3A_213 = arith.constant 96 : i32
          %add3A_214 = arith.addi %mul3A_212, %add3A_213 : i32
          %get3A_215 = arith.index_cast %add3A_214 : i32 to index
          %get3A_216 = tpu.vector_load %arg18[%get3A_215] {strides = array<i32>} : memref<1024xi32, #tpu.memory_space<vmem>>, vector<16xi32>,
          %get3A_217 = vector.shape_cast %get3A_216 : vector<16xi32> to vector<16xi32>
          %max3A_218 = arith.constant 0 : i32
          %max3A_219 = vector.broadcast %max3A_218 : i32 to vector<16xi32>
          %max3A_220 = arith.maxsi %get3A_217, %max3A_219 : vector<16xi32>
          %swap3A_221 = arith.index_cast %add3A_214 : i32 to index
          %swap3A_222 = tpu.vector_load %arg19[%swap3A_221] {strides = array<i32>} : memref<1024xi32, #tpu.memory_space<vmem>>, vector<16xi32>,
          %swap3A_223 = vector.shape_cast %swap3A_222 : vector<16xi32> to vector<16xi32>
          %swap3A_224 = vector.shape_cast %max3A_220 : vector<16xi32> to vector<16xi32>
          tpu.vector_store %arg19[%swap3A_221], %swap3A_224 {strides = array<i32>} : memref<1024xi32, #tpu.memory_space<vmem>>, vector<16xi32>,
          %mul3A_225 = arith.constant 128 : i32
          %mul3A_226 = arith.muli %scan3A_129, %mul3A_225 : i32
          %add3A_227 = arith.constant 112 : i32
          %add3A_228 = arith.addi %mul3A_226, %add3A_227 : i32
          %get3A_229 = arith.index_cast %add3A_228 : i32 to index
          %get3A_230 = tpu.vector_load %arg18[%get3A_229] {strides = array<i32>} : memref<1024xi32, #tpu.memory_space<vmem>>, vector<16xi32>,
          %get3A_231 = vector.shape_cast %get3A_230 : vector<16xi32> to vector<16xi32>
          %max3A_232 = arith.constant 0 : i32
          %max3A_233 = vector.broadcast %max3A_232 : i32 to vector<16xi32>
          %max3A_234 = arith.maxsi %get3A_231, %max3A_233 : vector<16xi32>
          %swap3A_235 = arith.index_cast %add3A_228 : i32 to index
          %swap3A_236 = tpu.vector_load %arg19[%swap3A_235] {strides = array<i32>} : memref<1024xi32, #tpu.memory_space<vmem>>, vector<16xi32>,
          %swap3A_237 = vector.shape_cast %swap3A_236 : vector<16xi32> to vector<16xi32>
          %swap3A_238 = vector.shape_cast %max3A_234 : vector<16xi32> to vector<16xi32>
          tpu.vector_store %arg19[%swap3A_235], %swap3A_238 {strides = array<i32>} : memref<1024xi32, #tpu.memory_space<vmem>>, vector<16xi32>,
        }
        %scan3A_74 = arith.constant 8 : i32
        "tpu.region"() ({
          %run_scoped3A = tpu.sem_alloc : memref<!tpu.dma_semaphore, #tpu.memory_space<semaphore_mem>>
          %dma_start3A = arith.constant 0 : i32
          %dma_start3A_129 = tpu.memref_slice %arg2[%dma_start3A] : memref<100352xf32, #tpu.memory_space<hbm>> -> memref<100352xf32, #tpu.memory_space<hbm>>
          tpu.enqueue_indirect_dma source(%dma_start3A_129 : memref<100352xf32, #tpu.memory_space<hbm>>) target(%arg20 : memref<1024xf32, #tpu.memory_space<vmem>>) offsets(%arg19 : memref<1024xi32, #tpu.memory_space<vmem>>) semaphore(%run_scoped3A : memref<!tpu.dma_semaphore, #tpu.memory_space<semaphore_mem>>)
          %dma_wait3A = arith.constant 0 : i32
          %dma_wait3A_130 = tpu.memref_slice %arg2[%dma_wait3A] : memref<100352xf32, #tpu.memory_space<hbm>> -> memref<100352xf32, #tpu.memory_space<hbm>>
          tpu.wait_indirect_dma semaphore(%run_scoped3A : memref<!tpu.dma_semaphore, #tpu.memory_space<semaphore_mem>>) src(%dma_wait3A_130 : memref<100352xf32, #tpu.memory_space<hbm>>) dst(%arg20 : memref<1024xf32, #tpu.memory_space<vmem>>)
          tpu.yield
        }) : () -> ()
        %broadcast_in_dim3A = arith.constant 0 : i32
        %broadcast_in_dim3A_75 = vector.broadcast %broadcast_in_dim3A : i32 to vector<16xi32>
        %scan3A_76 = arith.constant 0 : i32
        %scan3A_77 = arith.constant 4 : i32
        %scan3A_78 = arith.addi %scan3A_76, %scan3A_77 : i32
        %scan3A_79 = arith.constant 1 : i32
        %scan3A_80 = scf.for %scan3A_129 = %scan3A_76 to %scan3A_78 step %scan3A_79 iter_args(%scan3A_130 = %broadcast_in_dim3A_75) -> (vector<16xi32>)  : i32 {
          %mul3A_131 = arith.constant 8 : i32
          %mul3A_132 = arith.muli %scan3A_129, %mul3A_131 : i32
          %add3A_133 = arith.constant 0 : i32
          %add3A_134 = arith.addi %mul3A_132, %add3A_133 : i32
          %mul3A_135 = arith.constant 16 : i32
          %mul3A_136 = arith.muli %add3A_134, %mul3A_135 : i32
          %mul3A_137 = arith.constant 16 : i32
          %mul3A_138 = arith.muli %add3A_134, %mul3A_137 : i32
          %add3A_139 = arith.constant 512 : i32
          %add3A_140 = arith.addi %add3A_139, %mul3A_138 : i32
          %get3A = arith.index_cast %mul3A_136 : i32 to index
          %get3A_141 = tpu.vector_load %arg18[%get3A] {strides = array<i32>} : memref<1024xi32, #tpu.memory_space<vmem>>, vector<16xi32>,
          %get3A_142 = vector.shape_cast %get3A_141 : vector<16xi32> to vector<16xi32>
          %get3A_143 = arith.index_cast %add3A_140 : i32 to index
          %get3A_144 = tpu.vector_load %arg18[%get3A_143] {strides = array<i32>} : memref<1024xi32, #tpu.memory_space<vmem>>, vector<16xi32>,
          %get3A_145 = vector.shape_cast %get3A_144 : vector<16xi32> to vector<16xi32>
          %get3A_146 = arith.index_cast %mul3A_136 : i32 to index
          %get3A_147 = tpu.vector_load %arg20[%get3A_146] {strides = array<i32>} : memref<1024xf32, #tpu.memory_space<vmem>>, vector<16xf32>,
          %get3A_148 = vector.shape_cast %get3A_147 : vector<16xf32> to vector<16xf32>
          %get3A_149 = arith.index_cast %add3A_140 : i32 to index
          %get3A_150 = tpu.vector_load %arg20[%get3A_149] {strides = array<i32>} : memref<1024xf32, #tpu.memory_space<vmem>>, vector<16xf32>,
          %get3A_151 = vector.shape_cast %get3A_150 : vector<16xf32> to vector<16xf32>
          %get3A_152 = arith.index_cast %mul3A_136 : i32 to index
          %get3A_153 = tpu.vector_load %arg15[%get3A_152] {strides = array<i32>} : memref<512xf32, #tpu.memory_space<vmem>>, vector<16xf32>,
          %get3A_154 = vector.shape_cast %get3A_153 : vector<16xf32> to vector<16xf32>
          %get3A_155 = arith.index_cast %mul3A_136 : i32 to index
          %get3A_156 = tpu.vector_load %arg21[%get3A_155] {strides = array<i32>} : memref<512xi32, #tpu.memory_space<vmem>>, vector<16xi32>,
          %get3A_157 = vector.shape_cast %get3A_156 : vector<16xi32> to vector<16xi32>
          %ge3A = arith.constant 0 : i32
          %ge3A_158 = vector.broadcast %ge3A : i32 to vector<16xi32>
          %ge3A_159 = arith.cmpi sge, %get3A_157, %ge3A_158 : vector<16xi32>
          %get3A_160 = arith.index_cast %mul3A_136 : i32 to index
          %get3A_161 = tpu.vector_load %arg16[%get3A_160] {strides = array<i32>} : memref<512xi32, #tpu.memory_space<vmem>>, vector<16xi32>,
          %get3A_162 = vector.shape_cast %get3A_161 : vector<16xi32> to vector<16xi32>
          %get3A_163 = arith.index_cast %mul3A_136 : i32 to index
          %get3A_164 = tpu.vector_load %arg21[%get3A_163] {strides = array<i32>} : memref<512xi32, #tpu.memory_space<vmem>>, vector<16xi32>,
          %get3A_165 = vector.shape_cast %get3A_164 : vector<16xi32> to vector<16xi32>
          %and3A = arith.constant 2147483647 : i32
          %and3A_166 = vector.broadcast %and3A : i32 to vector<16xi32>
          %and3A_167 = arith.andi %get3A_165, %and3A_166 : vector<16xi32>
          %ne3A = arith.constant -1 : i32
          %ne3A_168 = vector.broadcast %ne3A : i32 to vector<16xi32>
          %ne3A_169 = arith.cmpi ne, %get3A_142, %ne3A_168 : vector<16xi32>
          %and3A_170 = arith.andi %ge3A_159, %ne3A_169 : vector<16xi1>
          %eq3A = arith.cmpf oeq, %get3A_148, %get3A_154 : vector<16xf32>
          %and3A_171 = arith.andi %and3A_170, %eq3A : vector<16xi1>
          %min3A = arith.minsi %and3A_167, %get3A_142 : vector<16xi32>
          %select_n3A = arith.select %and3A_171, %min3A, %and3A_167 : vector<16xi1>, vector<16xi32>
          %ne3A_172 = arith.constant -1 : i32
          %ne3A_173 = vector.broadcast %ne3A_172 : i32 to vector<16xi32>
          %ne3A_174 = arith.cmpi ne, %get3A_142, %ne3A_173 : vector<16xi32>
          %and3A_175 = arith.andi %ge3A_159, %ne3A_174 : vector<16xi1>
          %ne3A_176 = arith.constant -1 : i32
          %ne3A_177 = vector.broadcast %ne3A_176 : i32 to vector<16xi32>
          %ne3A_178 = arith.cmpi ne, %get3A_145, %ne3A_177 : vector<16xi32>
          %and3A_179 = arith.andi %and3A_175, %ne3A_178 : vector<16xi1>
          %eq3A_180 = arith.cmpf oeq, %get3A_151, %get3A_154 : vector<16xf32>
          %and3A_181 = arith.andi %and3A_179, %eq3A_180 : vector<16xi1>
          %min3A_182 = arith.minsi %select_n3A, %get3A_145 : vector<16xi32>
          %select_n3A_183 = arith.select %and3A_181, %min3A_182, %select_n3A : vector<16xi1>, vector<16xi32>
          %ne3A_184 = arith.constant -1 : i32
          %ne3A_185 = vector.broadcast %ne3A_184 : i32 to vector<16xi32>
          %ne3A_186 = arith.cmpi ne, %get3A_145, %ne3A_185 : vector<16xi32>
          %and3A_187 = arith.andi %and3A_175, %ne3A_186 : vector<16xi1>
          %or3A = arith.constant -2147483648 : i32
          %or3A_188 = vector.broadcast %or3A : i32 to vector<16xi32>
          %or3A_189 = arith.ori %select_n3A_183, %or3A_188 : vector<16xi32>
          %select_n3A_190 = arith.select %and3A_187, %select_n3A_183, %or3A_189 : vector<16xi1>, vector<16xi32>
          %swap3A = arith.index_cast %mul3A_136 : i32 to index
          %swap3A_191 = tpu.vector_load %arg21[%swap3A] {strides = array<i32>} : memref<512xi32, #tpu.memory_space<vmem>>, vector<16xi32>,
          %swap3A_192 = vector.shape_cast %swap3A_191 : vector<16xi32> to vector<16xi32>
          %swap3A_193 = vector.shape_cast %select_n3A_190 : vector<16xi32> to vector<16xi32>
          tpu.vector_store %arg21[%swap3A], %swap3A_193 {strides = array<i32>} : memref<512xi32, #tpu.memory_space<vmem>>, vector<16xi32>,
          %add3A_194 = arith.constant 2 : i32
          %add3A_195 = vector.broadcast %add3A_194 : i32 to vector<16xi32>
          %add3A_196 = arith.addi %get3A_162, %add3A_195 : vector<16xi32>
          %ge3A_197 = arith.constant 1048576 : i32
          %ge3A_198 = vector.broadcast %ge3A_197 : i32 to vector<16xi32>
          %ge3A_199 = arith.cmpi sge, %add3A_196, %ge3A_198 : vector<16xi32>
          %sub3A = arith.constant 1048576 : i32
          %sub3A_200 = vector.broadcast %sub3A : i32 to vector<16xi32>
          %sub3A_201 = arith.subi %add3A_196, %sub3A_200 : vector<16xi32>
          %select_n3A_202 = arith.select %ge3A_199, %sub3A_201, %add3A_196 : vector<16xi1>, vector<16xi32>
          %select_n3A_203 = arith.select %and3A_187, %select_n3A_202, %get3A_162 : vector<16xi1>, vector<16xi32>
          %swap3A_204 = arith.index_cast %mul3A_136 : i32 to index
          %swap3A_205 = tpu.vector_load %arg16[%swap3A_204] {strides = array<i32>} : memref<512xi32, #tpu.memory_space<vmem>>, vector<16xi32>,
          %swap3A_206 = vector.shape_cast %swap3A_205 : vector<16xi32> to vector<16xi32>
          %swap3A_207 = vector.shape_cast %select_n3A_203 : vector<16xi32> to vector<16xi32>
          tpu.vector_store %arg16[%swap3A_204], %swap3A_207 {strides = array<i32>} : memref<512xi32, #tpu.memory_space<vmem>>, vector<16xi32>,
          %jit3A = arith.constant 1 : i32
          %jit3A_208 = arith.constant 0 : i32
          %broadcast_in_dim3A_209 = vector.broadcast %jit3A : i32 to vector<16xi32>
          %broadcast_in_dim3A_210 = vector.broadcast %jit3A_208 : i32 to vector<16xi32>
          %select_n3A_211 = arith.select %and3A_187, %broadcast_in_dim3A_209, %broadcast_in_dim3A_210 : vector<16xi1>, vector<16xi32>
          %add3A_212 = arith.addi %scan3A_130, %select_n3A_211 : vector<16xi32>
          %mul3A_213 = arith.constant 8 : i32
          %mul3A_214 = arith.muli %scan3A_129, %mul3A_213 : i32
          %add3A_215 = arith.constant 1 : i32
          %add3A_216 = arith.addi %mul3A_214, %add3A_215 : i32
          %mul3A_217 = arith.constant 16 : i32
          %mul3A_218 = arith.muli %add3A_216, %mul3A_217 : i32
          %mul3A_219 = arith.constant 16 : i32
          %mul3A_220 = arith.muli %add3A_216, %mul3A_219 : i32
          %add3A_221 = arith.constant 512 : i32
          %add3A_222 = arith.addi %add3A_221, %mul3A_220 : i32
          %get3A_223 = arith.index_cast %mul3A_218 : i32 to index
          %get3A_224 = tpu.vector_load %arg18[%get3A_223] {strides = array<i32>} : memref<1024xi32, #tpu.memory_space<vmem>>, vector<16xi32>,
          %get3A_225 = vector.shape_cast %get3A_224 : vector<16xi32> to vector<16xi32>
          %get3A_226 = arith.index_cast %add3A_222 : i32 to index
          %get3A_227 = tpu.vector_load %arg18[%get3A_226] {strides = array<i32>} : memref<1024xi32, #tpu.memory_space<vmem>>, vector<16xi32>,
          %get3A_228 = vector.shape_cast %get3A_227 : vector<16xi32> to vector<16xi32>
          %get3A_229 = arith.index_cast %mul3A_218 : i32 to index
          %get3A_230 = tpu.vector_load %arg20[%get3A_229] {strides = array<i32>} : memref<1024xf32, #tpu.memory_space<vmem>>, vector<16xf32>,
          %get3A_231 = vector.shape_cast %get3A_230 : vector<16xf32> to vector<16xf32>
          %get3A_232 = arith.index_cast %add3A_222 : i32 to index
          %get3A_233 = tpu.vector_load %arg20[%get3A_232] {strides = array<i32>} : memref<1024xf32, #tpu.memory_space<vmem>>, vector<16xf32>,
          %get3A_234 = vector.shape_cast %get3A_233 : vector<16xf32> to vector<16xf32>
          %get3A_235 = arith.index_cast %mul3A_218 : i32 to index
          %get3A_236 = tpu.vector_load %arg15[%get3A_235] {strides = array<i32>} : memref<512xf32, #tpu.memory_space<vmem>>, vector<16xf32>,
          %get3A_237 = vector.shape_cast %get3A_236 : vector<16xf32> to vector<16xf32>
          %get3A_238 = arith.index_cast %mul3A_218 : i32 to index
          %get3A_239 = tpu.vector_load %arg21[%get3A_238] {strides = array<i32>} : memref<512xi32, #tpu.memory_space<vmem>>, vector<16xi32>,
          %get3A_240 = vector.shape_cast %get3A_239 : vector<16xi32> to vector<16xi32>
          %ge3A_241 = arith.constant 0 : i32
          %ge3A_242 = vector.broadcast %ge3A_241 : i32 to vector<16xi32>
          %ge3A_243 = arith.cmpi sge, %get3A_240, %ge3A_242 : vector<16xi32>
          %get3A_244 = arith.index_cast %mul3A_218 : i32 to index
          %get3A_245 = tpu.vector_load %arg16[%get3A_244] {strides = array<i32>} : memref<512xi32, #tpu.memory_space<vmem>>, vector<16xi32>,
          %get3A_246 = vector.shape_cast %get3A_245 : vector<16xi32> to vector<16xi32>
          %get3A_247 = arith.index_cast %mul3A_218 : i32 to index
          %get3A_248 = tpu.vector_load %arg21[%get3A_247] {strides = array<i32>} : memref<512xi32, #tpu.memory_space<vmem>>, vector<16xi32>,
          %get3A_249 = vector.shape_cast %get3A_248 : vector<16xi32> to vector<16xi32>
          %and3A_250 = arith.constant 2147483647 : i32
          %and3A_251 = vector.broadcast %and3A_250 : i32 to vector<16xi32>
          %and3A_252 = arith.andi %get3A_249, %and3A_251 : vector<16xi32>
          %ne3A_253 = arith.constant -1 : i32
          %ne3A_254 = vector.broadcast %ne3A_253 : i32 to vector<16xi32>
          %ne3A_255 = arith.cmpi ne, %get3A_225, %ne3A_254 : vector<16xi32>
          %and3A_256 = arith.andi %ge3A_243, %ne3A_255 : vector<16xi1>
          %eq3A_257 = arith.cmpf oeq, %get3A_231, %get3A_237 : vector<16xf32>
          %and3A_258 = arith.andi %and3A_256, %eq3A_257 : vector<16xi1>
          %min3A_259 = arith.minsi %and3A_252, %get3A_225 : vector<16xi32>
          %select_n3A_260 = arith.select %and3A_258, %min3A_259, %and3A_252 : vector<16xi1>, vector<16xi32>
          %ne3A_261 = arith.constant -1 : i32
          %ne3A_262 = vector.broadcast %ne3A_261 : i32 to vector<16xi32>
          %ne3A_263 = arith.cmpi ne, %get3A_225, %ne3A_262 : vector<16xi32>
          %and3A_264 = arith.andi %ge3A_243, %ne3A_263 : vector<16xi1>
          %ne3A_265 = arith.constant -1 : i32
          %ne3A_266 = vector.broadcast %ne3A_265 : i32 to vector<16xi32>
          %ne3A_267 = arith.cmpi ne, %get3A_228, %ne3A_266 : vector<16xi32>
          %and3A_268 = arith.andi %and3A_264, %ne3A_267 : vector<16xi1>
          %eq3A_269 = arith.cmpf oeq, %get3A_234, %get3A_237 : vector<16xf32>
          %and3A_270 = arith.andi %and3A_268, %eq3A_269 : vector<16xi1>
          %min3A_271 = arith.minsi %select_n3A_260, %get3A_228 : vector<16xi32>
          %select_n3A_272 = arith.select %and3A_270, %min3A_271, %select_n3A_260 : vector<16xi1>, vector<16xi32>
          %ne3A_273 = arith.constant -1 : i32
          %ne3A_274 = vector.broadcast %ne3A_273 : i32 to vector<16xi32>
          %ne3A_275 = arith.cmpi ne, %get3A_228, %ne3A_274 : vector<16xi32>
          %and3A_276 = arith.andi %and3A_264, %ne3A_275 : vector<16xi1>
          %or3A_277 = arith.constant -2147483648 : i32
          %or3A_278 = vector.broadcast %or3A_277 : i32 to vector<16xi32>
          %or3A_279 = arith.ori %select_n3A_272, %or3A_278 : vector<16xi32>
          %select_n3A_280 = arith.select %and3A_276, %select_n3A_272, %or3A_279 : vector<16xi1>, vector<16xi32>
          %swap3A_281 = arith.index_cast %mul3A_218 : i32 to index
          %swap3A_282 = tpu.vector_load %arg21[%swap3A_281] {strides = array<i32>} : memref<512xi32, #tpu.memory_space<vmem>>, vector<16xi32>,
          %swap3A_283 = vector.shape_cast %swap3A_282 : vector<16xi32> to vector<16xi32>
          %swap3A_284 = vector.shape_cast %select_n3A_280 : vector<16xi32> to vector<16xi32>
          tpu.vector_store %arg21[%swap3A_281], %swap3A_284 {strides = array<i32>} : memref<512xi32, #tpu.memory_space<vmem>>, vector<16xi32>,
          %add3A_285 = arith.constant 2 : i32
          %add3A_286 = vector.broadcast %add3A_285 : i32 to vector<16xi32>
          %add3A_287 = arith.addi %get3A_246, %add3A_286 : vector<16xi32>
          %ge3A_288 = arith.constant 1048576 : i32
          %ge3A_289 = vector.broadcast %ge3A_288 : i32 to vector<16xi32>
          %ge3A_290 = arith.cmpi sge, %add3A_287, %ge3A_289 : vector<16xi32>
          %sub3A_291 = arith.constant 1048576 : i32
          %sub3A_292 = vector.broadcast %sub3A_291 : i32 to vector<16xi32>
          %sub3A_293 = arith.subi %add3A_287, %sub3A_292 : vector<16xi32>
          %select_n3A_294 = arith.select %ge3A_290, %sub3A_293, %add3A_287 : vector<16xi1>, vector<16xi32>
          %select_n3A_295 = arith.select %and3A_276, %select_n3A_294, %get3A_246 : vector<16xi1>, vector<16xi32>
          %swap3A_296 = arith.index_cast %mul3A_218 : i32 to index
          %swap3A_297 = tpu.vector_load %arg16[%swap3A_296] {strides = array<i32>} : memref<512xi32, #tpu.memory_space<vmem>>, vector<16xi32>,
          %swap3A_298 = vector.shape_cast %swap3A_297 : vector<16xi32> to vector<16xi32>
          %swap3A_299 = vector.shape_cast %select_n3A_295 : vector<16xi32> to vector<16xi32>
          tpu.vector_store %arg16[%swap3A_296], %swap3A_299 {strides = array<i32>} : memref<512xi32, #tpu.memory_space<vmem>>, vector<16xi32>,
          %jit3A_300 = arith.constant 1 : i32
          %jit3A_301 = arith.constant 0 : i32
          %broadcast_in_dim3A_302 = vector.broadcast %jit3A_300 : i32 to vector<16xi32>
          %broadcast_in_dim3A_303 = vector.broadcast %jit3A_301 : i32 to vector<16xi32>
          %select_n3A_304 = arith.select %and3A_276, %broadcast_in_dim3A_302, %broadcast_in_dim3A_303 : vector<16xi1>, vector<16xi32>
          %add3A_305 = arith.addi %add3A_212, %select_n3A_304 : vector<16xi32>
          %mul3A_306 = arith.constant 8 : i32
          %mul3A_307 = arith.muli %scan3A_129, %mul3A_306 : i32
          %add3A_308 = arith.constant 2 : i32
          %add3A_309 = arith.addi %mul3A_307, %add3A_308 : i32
          %mul3A_310 = arith.constant 16 : i32
          %mul3A_311 = arith.muli %add3A_309, %mul3A_310 : i32
          %mul3A_312 = arith.constant 16 : i32
          %mul3A_313 = arith.muli %add3A_309, %mul3A_312 : i32
          %add3A_314 = arith.constant 512 : i32
          %add3A_315 = arith.addi %add3A_314, %mul3A_313 : i32
          %get3A_316 = arith.index_cast %mul3A_311 : i32 to index
          %get3A_317 = tpu.vector_load %arg18[%get3A_316] {strides = array<i32>} : memref<1024xi32, #tpu.memory_space<vmem>>, vector<16xi32>,
          %get3A_318 = vector.shape_cast %get3A_317 : vector<16xi32> to vector<16xi32>
          %get3A_319 = arith.index_cast %add3A_315 : i32 to index
          %get3A_320 = tpu.vector_load %arg18[%get3A_319] {strides = array<i32>} : memref<1024xi32, #tpu.memory_space<vmem>>, vector<16xi32>,
          %get3A_321 = vector.shape_cast %get3A_320 : vector<16xi32> to vector<16xi32>
          %get3A_322 = arith.index_cast %mul3A_311 : i32 to index
          %get3A_323 = tpu.vector_load %arg20[%get3A_322] {strides = array<i32>} : memref<1024xf32, #tpu.memory_space<vmem>>, vector<16xf32>,
          %get3A_324 = vector.shape_cast %get3A_323 : vector<16xf32> to vector<16xf32>
          %get3A_325 = arith.index_cast %add3A_315 : i32 to index
          %get3A_326 = tpu.vector_load %arg20[%get3A_325] {strides = array<i32>} : memref<1024xf32, #tpu.memory_space<vmem>>, vector<16xf32>,
          %get3A_327 = vector.shape_cast %get3A_326 : vector<16xf32> to vector<16xf32>
          %get3A_328 = arith.index_cast %mul3A_311 : i32 to index
          %get3A_329 = tpu.vector_load %arg15[%get3A_328] {strides = array<i32>} : memref<512xf32, #tpu.memory_space<vmem>>, vector<16xf32>,
          %get3A_330 = vector.shape_cast %get3A_329 : vector<16xf32> to vector<16xf32>
          %get3A_331 = arith.index_cast %mul3A_311 : i32 to index
          %get3A_332 = tpu.vector_load %arg21[%get3A_331] {strides = array<i32>} : memref<512xi32, #tpu.memory_space<vmem>>, vector<16xi32>,
          %get3A_333 = vector.shape_cast %get3A_332 : vector<16xi32> to vector<16xi32>
          %ge3A_334 = arith.constant 0 : i32
          %ge3A_335 = vector.broadcast %ge3A_334 : i32 to vector<16xi32>
          %ge3A_336 = arith.cmpi sge, %get3A_333, %ge3A_335 : vector<16xi32>
          %get3A_337 = arith.index_cast %mul3A_311 : i32 to index
          %get3A_338 = tpu.vector_load %arg16[%get3A_337] {strides = array<i32>} : memref<512xi32, #tpu.memory_space<vmem>>, vector<16xi32>,
          %get3A_339 = vector.shape_cast %get3A_338 : vector<16xi32> to vector<16xi32>
          %get3A_340 = arith.index_cast %mul3A_311 : i32 to index
          %get3A_341 = tpu.vector_load %arg21[%get3A_340] {strides = array<i32>} : memref<512xi32, #tpu.memory_space<vmem>>, vector<16xi32>,
          %get3A_342 = vector.shape_cast %get3A_341 : vector<16xi32> to vector<16xi32>
          %and3A_343 = arith.constant 2147483647 : i32
          %and3A_344 = vector.broadcast %and3A_343 : i32 to vector<16xi32>
          %and3A_345 = arith.andi %get3A_342, %and3A_344 : vector<16xi32>
          %ne3A_346 = arith.constant -1 : i32
          %ne3A_347 = vector.broadcast %ne3A_346 : i32 to vector<16xi32>
          %ne3A_348 = arith.cmpi ne, %get3A_318, %ne3A_347 : vector<16xi32>
          %and3A_349 = arith.andi %ge3A_336, %ne3A_348 : vector<16xi1>
          %eq3A_350 = arith.cmpf oeq, %get3A_324, %get3A_330 : vector<16xf32>
          %and3A_351 = arith.andi %and3A_349, %eq3A_350 : vector<16xi1>
          %min3A_352 = arith.minsi %and3A_345, %get3A_318 : vector<16xi32>
          %select_n3A_353 = arith.select %and3A_351, %min3A_352, %and3A_345 : vector<16xi1>, vector<16xi32>
          %ne3A_354 = arith.constant -1 : i32
          %ne3A_355 = vector.broadcast %ne3A_354 : i32 to vector<16xi32>
          %ne3A_356 = arith.cmpi ne, %get3A_318, %ne3A_355 : vector<16xi32>
          %and3A_357 = arith.andi %ge3A_336, %ne3A_356 : vector<16xi1>
          %ne3A_358 = arith.constant -1 : i32
          %ne3A_359 = vector.broadcast %ne3A_358 : i32 to vector<16xi32>
          %ne3A_360 = arith.cmpi ne, %get3A_321, %ne3A_359 : vector<16xi32>
          %and3A_361 = arith.andi %and3A_357, %ne3A_360 : vector<16xi1>
          %eq3A_362 = arith.cmpf oeq, %get3A_327, %get3A_330 : vector<16xf32>
          %and3A_363 = arith.andi %and3A_361, %eq3A_362 : vector<16xi1>
          %min3A_364 = arith.minsi %select_n3A_353, %get3A_321 : vector<16xi32>
          %select_n3A_365 = arith.select %and3A_363, %min3A_364, %select_n3A_353 : vector<16xi1>, vector<16xi32>
          %ne3A_366 = arith.constant -1 : i32
          %ne3A_367 = vector.broadcast %ne3A_366 : i32 to vector<16xi32>
          %ne3A_368 = arith.cmpi ne, %get3A_321, %ne3A_367 : vector<16xi32>
          %and3A_369 = arith.andi %and3A_357, %ne3A_368 : vector<16xi1>
          %or3A_370 = arith.constant -2147483648 : i32
          %or3A_371 = vector.broadcast %or3A_370 : i32 to vector<16xi32>
          %or3A_372 = arith.ori %select_n3A_365, %or3A_371 : vector<16xi32>
          %select_n3A_373 = arith.select %and3A_369, %select_n3A_365, %or3A_372 : vector<16xi1>, vector<16xi32>
          %swap3A_374 = arith.index_cast %mul3A_311 : i32 to index
          %swap3A_375 = tpu.vector_load %arg21[%swap3A_374] {strides = array<i32>} : memref<512xi32, #tpu.memory_space<vmem>>, vector<16xi32>,
          %swap3A_376 = vector.shape_cast %swap3A_375 : vector<16xi32> to vector<16xi32>
          %swap3A_377 = vector.shape_cast %select_n3A_373 : vector<16xi32> to vector<16xi32>
          tpu.vector_store %arg21[%swap3A_374], %swap3A_377 {strides = array<i32>} : memref<512xi32, #tpu.memory_space<vmem>>, vector<16xi32>,
          %add3A_378 = arith.constant 2 : i32
          %add3A_379 = vector.broadcast %add3A_378 : i32 to vector<16xi32>
          %add3A_380 = arith.addi %get3A_339, %add3A_379 : vector<16xi32>
          %ge3A_381 = arith.constant 1048576 : i32
          %ge3A_382 = vector.broadcast %ge3A_381 : i32 to vector<16xi32>
          %ge3A_383 = arith.cmpi sge, %add3A_380, %ge3A_382 : vector<16xi32>
          %sub3A_384 = arith.constant 1048576 : i32
          %sub3A_385 = vector.broadcast %sub3A_384 : i32 to vector<16xi32>
          %sub3A_386 = arith.subi %add3A_380, %sub3A_385 : vector<16xi32>
          %select_n3A_387 = arith.select %ge3A_383, %sub3A_386, %add3A_380 : vector<16xi1>, vector<16xi32>
          %select_n3A_388 = arith.select %and3A_369, %select_n3A_387, %get3A_339 : vector<16xi1>, vector<16xi32>
          %swap3A_389 = arith.index_cast %mul3A_311 : i32 to index
          %swap3A_390 = tpu.vector_load %arg16[%swap3A_389] {strides = array<i32>} : memref<512xi32, #tpu.memory_space<vmem>>, vector<16xi32>,
          %swap3A_391 = vector.shape_cast %swap3A_390 : vector<16xi32> to vector<16xi32>
          %swap3A_392 = vector.shape_cast %select_n3A_388 : vector<16xi32> to vector<16xi32>
          tpu.vector_store %arg16[%swap3A_389], %swap3A_392 {strides = array<i32>} : memref<512xi32, #tpu.memory_space<vmem>>, vector<16xi32>,
          %jit3A_393 = arith.constant 1 : i32
          %jit3A_394 = arith.constant 0 : i32
          %broadcast_in_dim3A_395 = vector.broadcast %jit3A_393 : i32 to vector<16xi32>
          %broadcast_in_dim3A_396 = vector.broadcast %jit3A_394 : i32 to vector<16xi32>
          %select_n3A_397 = arith.select %and3A_369, %broadcast_in_dim3A_395, %broadcast_in_dim3A_396 : vector<16xi1>, vector<16xi32>
          %add3A_398 = arith.addi %add3A_305, %select_n3A_397 : vector<16xi32>
          %mul3A_399 = arith.constant 8 : i32
          %mul3A_400 = arith.muli %scan3A_129, %mul3A_399 : i32
          %add3A_401 = arith.constant 3 : i32
          %add3A_402 = arith.addi %mul3A_400, %add3A_401 : i32
          %mul3A_403 = arith.constant 16 : i32
          %mul3A_404 = arith.muli %add3A_402, %mul3A_403 : i32
          %mul3A_405 = arith.constant 16 : i32
          %mul3A_406 = arith.muli %add3A_402, %mul3A_405 : i32
          %add3A_407 = arith.constant 512 : i32
          %add3A_408 = arith.addi %add3A_407, %mul3A_406 : i32
          %get3A_409 = arith.index_cast %mul3A_404 : i32 to index
          %get3A_410 = tpu.vector_load %arg18[%get3A_409] {strides = array<i32>} : memref<1024xi32, #tpu.memory_space<vmem>>, vector<16xi32>,
          %get3A_411 = vector.shape_cast %get3A_410 : vector<16xi32> to vector<16xi32>
          %get3A_412 = arith.index_cast %add3A_408 : i32 to index
          %get3A_413 = tpu.vector_load %arg18[%get3A_412] {strides = array<i32>} : memref<1024xi32, #tpu.memory_space<vmem>>, vector<16xi32>,
          %get3A_414 = vector.shape_cast %get3A_413 : vector<16xi32> to vector<16xi32>
          %get3A_415 = arith.index_cast %mul3A_404 : i32 to index
          %get3A_416 = tpu.vector_load %arg20[%get3A_415] {strides = array<i32>} : memref<1024xf32, #tpu.memory_space<vmem>>, vector<16xf32>,
          %get3A_417 = vector.shape_cast %get3A_416 : vector<16xf32> to vector<16xf32>
          %get3A_418 = arith.index_cast %add3A_408 : i32 to index
          %get3A_419 = tpu.vector_load %arg20[%get3A_418] {strides = array<i32>} : memref<1024xf32, #tpu.memory_space<vmem>>, vector<16xf32>,
          %get3A_420 = vector.shape_cast %get3A_419 : vector<16xf32> to vector<16xf32>
          %get3A_421 = arith.index_cast %mul3A_404 : i32 to index
          %get3A_422 = tpu.vector_load %arg15[%get3A_421] {strides = array<i32>} : memref<512xf32, #tpu.memory_space<vmem>>, vector<16xf32>,
          %get3A_423 = vector.shape_cast %get3A_422 : vector<16xf32> to vector<16xf32>
          %get3A_424 = arith.index_cast %mul3A_404 : i32 to index
          %get3A_425 = tpu.vector_load %arg21[%get3A_424] {strides = array<i32>} : memref<512xi32, #tpu.memory_space<vmem>>, vector<16xi32>,
          %get3A_426 = vector.shape_cast %get3A_425 : vector<16xi32> to vector<16xi32>
          %ge3A_427 = arith.constant 0 : i32
          %ge3A_428 = vector.broadcast %ge3A_427 : i32 to vector<16xi32>
          %ge3A_429 = arith.cmpi sge, %get3A_426, %ge3A_428 : vector<16xi32>
          %get3A_430 = arith.index_cast %mul3A_404 : i32 to index
          %get3A_431 = tpu.vector_load %arg16[%get3A_430] {strides = array<i32>} : memref<512xi32, #tpu.memory_space<vmem>>, vector<16xi32>,
          %get3A_432 = vector.shape_cast %get3A_431 : vector<16xi32> to vector<16xi32>
          %get3A_433 = arith.index_cast %mul3A_404 : i32 to index
          %get3A_434 = tpu.vector_load %arg21[%get3A_433] {strides = array<i32>} : memref<512xi32, #tpu.memory_space<vmem>>, vector<16xi32>,
          %get3A_435 = vector.shape_cast %get3A_434 : vector<16xi32> to vector<16xi32>
          %and3A_436 = arith.constant 2147483647 : i32
          %and3A_437 = vector.broadcast %and3A_436 : i32 to vector<16xi32>
          %and3A_438 = arith.andi %get3A_435, %and3A_437 : vector<16xi32>
          %ne3A_439 = arith.constant -1 : i32
          %ne3A_440 = vector.broadcast %ne3A_439 : i32 to vector<16xi32>
          %ne3A_441 = arith.cmpi ne, %get3A_411, %ne3A_440 : vector<16xi32>
          %and3A_442 = arith.andi %ge3A_429, %ne3A_441 : vector<16xi1>
          %eq3A_443 = arith.cmpf oeq, %get3A_417, %get3A_423 : vector<16xf32>
          %and3A_444 = arith.andi %and3A_442, %eq3A_443 : vector<16xi1>
          %min3A_445 = arith.minsi %and3A_438, %get3A_411 : vector<16xi32>
          %select_n3A_446 = arith.select %and3A_444, %min3A_445, %and3A_438 : vector<16xi1>, vector<16xi32>
          %ne3A_447 = arith.constant -1 : i32
          %ne3A_448 = vector.broadcast %ne3A_447 : i32 to vector<16xi32>
          %ne3A_449 = arith.cmpi ne, %get3A_411, %ne3A_448 : vector<16xi32>
          %and3A_450 = arith.andi %ge3A_429, %ne3A_449 : vector<16xi1>
          %ne3A_451 = arith.constant -1 : i32
          %ne3A_452 = vector.broadcast %ne3A_451 : i32 to vector<16xi32>
          %ne3A_453 = arith.cmpi ne, %get3A_414, %ne3A_452 : vector<16xi32>
          %and3A_454 = arith.andi %and3A_450, %ne3A_453 : vector<16xi1>
          %eq3A_455 = arith.cmpf oeq, %get3A_420, %get3A_423 : vector<16xf32>
          %and3A_456 = arith.andi %and3A_454, %eq3A_455 : vector<16xi1>
          %min3A_457 = arith.minsi %select_n3A_446, %get3A_414 : vector<16xi32>
          %select_n3A_458 = arith.select %and3A_456, %min3A_457, %select_n3A_446 : vector<16xi1>, vector<16xi32>
          %ne3A_459 = arith.constant -1 : i32
          %ne3A_460 = vector.broadcast %ne3A_459 : i32 to vector<16xi32>
          %ne3A_461 = arith.cmpi ne, %get3A_414, %ne3A_460 : vector<16xi32>
          %and3A_462 = arith.andi %and3A_450, %ne3A_461 : vector<16xi1>
          %or3A_463 = arith.constant -2147483648 : i32
          %or3A_464 = vector.broadcast %or3A_463 : i32 to vector<16xi32>
          %or3A_465 = arith.ori %select_n3A_458, %or3A_464 : vector<16xi32>
          %select_n3A_466 = arith.select %and3A_462, %select_n3A_458, %or3A_465 : vector<16xi1>, vector<16xi32>
          %swap3A_467 = arith.index_cast %mul3A_404 : i32 to index
          %swap3A_468 = tpu.vector_load %arg21[%swap3A_467] {strides = array<i32>} : memref<512xi32, #tpu.memory_space<vmem>>, vector<16xi32>,
          %swap3A_469 = vector.shape_cast %swap3A_468 : vector<16xi32> to vector<16xi32>
          %swap3A_470 = vector.shape_cast %select_n3A_466 : vector<16xi32> to vector<16xi32>
          tpu.vector_store %arg21[%swap3A_467], %swap3A_470 {strides = array<i32>} : memref<512xi32, #tpu.memory_space<vmem>>, vector<16xi32>,
          %add3A_471 = arith.constant 2 : i32
          %add3A_472 = vector.broadcast %add3A_471 : i32 to vector<16xi32>
          %add3A_473 = arith.addi %get3A_432, %add3A_472 : vector<16xi32>
          %ge3A_474 = arith.constant 1048576 : i32
          %ge3A_475 = vector.broadcast %ge3A_474 : i32 to vector<16xi32>
          %ge3A_476 = arith.cmpi sge, %add3A_473, %ge3A_475 : vector<16xi32>
          %sub3A_477 = arith.constant 1048576 : i32
          %sub3A_478 = vector.broadcast %sub3A_477 : i32 to vector<16xi32>
          %sub3A_479 = arith.subi %add3A_473, %sub3A_478 : vector<16xi32>
          %select_n3A_480 = arith.select %ge3A_476, %sub3A_479, %add3A_473 : vector<16xi1>, vector<16xi32>
          %select_n3A_481 = arith.select %and3A_462, %select_n3A_480, %get3A_432 : vector<16xi1>, vector<16xi32>
          %swap3A_482 = arith.index_cast %mul3A_404 : i32 to index
          %swap3A_483 = tpu.vector_load %arg16[%swap3A_482] {strides = array<i32>} : memref<512xi32, #tpu.memory_space<vmem>>, vector<16xi32>,
          %swap3A_484 = vector.shape_cast %swap3A_483 : vector<16xi32> to vector<16xi32>
          %swap3A_485 = vector.shape_cast %select_n3A_481 : vector<16xi32> to vector<16xi32>
          tpu.vector_store %arg16[%swap3A_482], %swap3A_485 {strides = array<i32>} : memref<512xi32, #tpu.memory_space<vmem>>, vector<16xi32>,
          %jit3A_486 = arith.constant 1 : i32
          %jit3A_487 = arith.constant 0 : i32
          %broadcast_in_dim3A_488 = vector.broadcast %jit3A_486 : i32 to vector<16xi32>
          %broadcast_in_dim3A_489 = vector.broadcast %jit3A_487 : i32 to vector<16xi32>
          %select_n3A_490 = arith.select %and3A_462, %broadcast_in_dim3A_488, %broadcast_in_dim3A_489 : vector<16xi1>, vector<16xi32>
          %add3A_491 = arith.addi %add3A_398, %select_n3A_490 : vector<16xi32>
          %mul3A_492 = arith.constant 8 : i32
          %mul3A_493 = arith.muli %scan3A_129, %mul3A_492 : i32
          %add3A_494 = arith.constant 4 : i32
          %add3A_495 = arith.addi %mul3A_493, %add3A_494 : i32
          %mul3A_496 = arith.constant 16 : i32
          %mul3A_497 = arith.muli %add3A_495, %mul3A_496 : i32
          %mul3A_498 = arith.constant 16 : i32
          %mul3A_499 = arith.muli %add3A_495, %mul3A_498 : i32
          %add3A_500 = arith.constant 512 : i32
          %add3A_501 = arith.addi %add3A_500, %mul3A_499 : i32
          %get3A_502 = arith.index_cast %mul3A_497 : i32 to index
          %get3A_503 = tpu.vector_load %arg18[%get3A_502] {strides = array<i32>} : memref<1024xi32, #tpu.memory_space<vmem>>, vector<16xi32>,
          %get3A_504 = vector.shape_cast %get3A_503 : vector<16xi32> to vector<16xi32>
          %get3A_505 = arith.index_cast %add3A_501 : i32 to index
          %get3A_506 = tpu.vector_load %arg18[%get3A_505] {strides = array<i32>} : memref<1024xi32, #tpu.memory_space<vmem>>, vector<16xi32>,
          %get3A_507 = vector.shape_cast %get3A_506 : vector<16xi32> to vector<16xi32>
          %get3A_508 = arith.index_cast %mul3A_497 : i32 to index
          %get3A_509 = tpu.vector_load %arg20[%get3A_508] {strides = array<i32>} : memref<1024xf32, #tpu.memory_space<vmem>>, vector<16xf32>,
          %get3A_510 = vector.shape_cast %get3A_509 : vector<16xf32> to vector<16xf32>
          %get3A_511 = arith.index_cast %add3A_501 : i32 to index
          %get3A_512 = tpu.vector_load %arg20[%get3A_511] {strides = array<i32>} : memref<1024xf32, #tpu.memory_space<vmem>>, vector<16xf32>,
          %get3A_513 = vector.shape_cast %get3A_512 : vector<16xf32> to vector<16xf32>
          %get3A_514 = arith.index_cast %mul3A_497 : i32 to index
          %get3A_515 = tpu.vector_load %arg15[%get3A_514] {strides = array<i32>} : memref<512xf32, #tpu.memory_space<vmem>>, vector<16xf32>,
          %get3A_516 = vector.shape_cast %get3A_515 : vector<16xf32> to vector<16xf32>
          %get3A_517 = arith.index_cast %mul3A_497 : i32 to index
          %get3A_518 = tpu.vector_load %arg21[%get3A_517] {strides = array<i32>} : memref<512xi32, #tpu.memory_space<vmem>>, vector<16xi32>,
          %get3A_519 = vector.shape_cast %get3A_518 : vector<16xi32> to vector<16xi32>
          %ge3A_520 = arith.constant 0 : i32
          %ge3A_521 = vector.broadcast %ge3A_520 : i32 to vector<16xi32>
          %ge3A_522 = arith.cmpi sge, %get3A_519, %ge3A_521 : vector<16xi32>
          %get3A_523 = arith.index_cast %mul3A_497 : i32 to index
          %get3A_524 = tpu.vector_load %arg16[%get3A_523] {strides = array<i32>} : memref<512xi32, #tpu.memory_space<vmem>>, vector<16xi32>,
          %get3A_525 = vector.shape_cast %get3A_524 : vector<16xi32> to vector<16xi32>
          %get3A_526 = arith.index_cast %mul3A_497 : i32 to index
          %get3A_527 = tpu.vector_load %arg21[%get3A_526] {strides = array<i32>} : memref<512xi32, #tpu.memory_space<vmem>>, vector<16xi32>,
          %get3A_528 = vector.shape_cast %get3A_527 : vector<16xi32> to vector<16xi32>
          %and3A_529 = arith.constant 2147483647 : i32
          %and3A_530 = vector.broadcast %and3A_529 : i32 to vector<16xi32>
          %and3A_531 = arith.andi %get3A_528, %and3A_530 : vector<16xi32>
          %ne3A_532 = arith.constant -1 : i32
          %ne3A_533 = vector.broadcast %ne3A_532 : i32 to vector<16xi32>
          %ne3A_534 = arith.cmpi ne, %get3A_504, %ne3A_533 : vector<16xi32>
          %and3A_535 = arith.andi %ge3A_522, %ne3A_534 : vector<16xi1>
          %eq3A_536 = arith.cmpf oeq, %get3A_510, %get3A_516 : vector<16xf32>
          %and3A_537 = arith.andi %and3A_535, %eq3A_536 : vector<16xi1>
          %min3A_538 = arith.minsi %and3A_531, %get3A_504 : vector<16xi32>
          %select_n3A_539 = arith.select %and3A_537, %min3A_538, %and3A_531 : vector<16xi1>, vector<16xi32>
          %ne3A_540 = arith.constant -1 : i32
          %ne3A_541 = vector.broadcast %ne3A_540 : i32 to vector<16xi32>
          %ne3A_542 = arith.cmpi ne, %get3A_504, %ne3A_541 : vector<16xi32>
          %and3A_543 = arith.andi %ge3A_522, %ne3A_542 : vector<16xi1>
          %ne3A_544 = arith.constant -1 : i32
          %ne3A_545 = vector.broadcast %ne3A_544 : i32 to vector<16xi32>
          %ne3A_546 = arith.cmpi ne, %get3A_507, %ne3A_545 : vector<16xi32>
          %and3A_547 = arith.andi %and3A_543, %ne3A_546 : vector<16xi1>
          %eq3A_548 = arith.cmpf oeq, %get3A_513, %get3A_516 : vector<16xf32>
          %and3A_549 = arith.andi %and3A_547, %eq3A_548 : vector<16xi1>
          %min3A_550 = arith.minsi %select_n3A_539, %get3A_507 : vector<16xi32>
          %select_n3A_551 = arith.select %and3A_549, %min3A_550, %select_n3A_539 : vector<16xi1>, vector<16xi32>
          %ne3A_552 = arith.constant -1 : i32
          %ne3A_553 = vector.broadcast %ne3A_552 : i32 to vector<16xi32>
          %ne3A_554 = arith.cmpi ne, %get3A_507, %ne3A_553 : vector<16xi32>
          %and3A_555 = arith.andi %and3A_543, %ne3A_554 : vector<16xi1>
          %or3A_556 = arith.constant -2147483648 : i32
          %or3A_557 = vector.broadcast %or3A_556 : i32 to vector<16xi32>
          %or3A_558 = arith.ori %select_n3A_551, %or3A_557 : vector<16xi32>
          %select_n3A_559 = arith.select %and3A_555, %select_n3A_551, %or3A_558 : vector<16xi1>, vector<16xi32>
          %swap3A_560 = arith.index_cast %mul3A_497 : i32 to index
          %swap3A_561 = tpu.vector_load %arg21[%swap3A_560] {strides = array<i32>} : memref<512xi32, #tpu.memory_space<vmem>>, vector<16xi32>,
          %swap3A_562 = vector.shape_cast %swap3A_561 : vector<16xi32> to vector<16xi32>
          %swap3A_563 = vector.shape_cast %select_n3A_559 : vector<16xi32> to vector<16xi32>
          tpu.vector_store %arg21[%swap3A_560], %swap3A_563 {strides = array<i32>} : memref<512xi32, #tpu.memory_space<vmem>>, vector<16xi32>,
          %add3A_564 = arith.constant 2 : i32
          %add3A_565 = vector.broadcast %add3A_564 : i32 to vector<16xi32>
          %add3A_566 = arith.addi %get3A_525, %add3A_565 : vector<16xi32>
          %ge3A_567 = arith.constant 1048576 : i32
          %ge3A_568 = vector.broadcast %ge3A_567 : i32 to vector<16xi32>
          %ge3A_569 = arith.cmpi sge, %add3A_566, %ge3A_568 : vector<16xi32>
          %sub3A_570 = arith.constant 1048576 : i32
          %sub3A_571 = vector.broadcast %sub3A_570 : i32 to vector<16xi32>
          %sub3A_572 = arith.subi %add3A_566, %sub3A_571 : vector<16xi32>
          %select_n3A_573 = arith.select %ge3A_569, %sub3A_572, %add3A_566 : vector<16xi1>, vector<16xi32>
          %select_n3A_574 = arith.select %and3A_555, %select_n3A_573, %get3A_525 : vector<16xi1>, vector<16xi32>
          %swap3A_575 = arith.index_cast %mul3A_497 : i32 to index
          %swap3A_576 = tpu.vector_load %arg16[%swap3A_575] {strides = array<i32>} : memref<512xi32, #tpu.memory_space<vmem>>, vector<16xi32>,
          %swap3A_577 = vector.shape_cast %swap3A_576 : vector<16xi32> to vector<16xi32>
          %swap3A_578 = vector.shape_cast %select_n3A_574 : vector<16xi32> to vector<16xi32>
          tpu.vector_store %arg16[%swap3A_575], %swap3A_578 {strides = array<i32>} : memref<512xi32, #tpu.memory_space<vmem>>, vector<16xi32>,
          %jit3A_579 = arith.constant 1 : i32
          %jit3A_580 = arith.constant 0 : i32
          %broadcast_in_dim3A_581 = vector.broadcast %jit3A_579 : i32 to vector<16xi32>
          %broadcast_in_dim3A_582 = vector.broadcast %jit3A_580 : i32 to vector<16xi32>
          %select_n3A_583 = arith.select %and3A_555, %broadcast_in_dim3A_581, %broadcast_in_dim3A_582 : vector<16xi1>, vector<16xi32>
          %add3A_584 = arith.addi %add3A_491, %select_n3A_583 : vector<16xi32>
          %mul3A_585 = arith.constant 8 : i32
          %mul3A_586 = arith.muli %scan3A_129, %mul3A_585 : i32
          %add3A_587 = arith.constant 5 : i32
          %add3A_588 = arith.addi %mul3A_586, %add3A_587 : i32
          %mul3A_589 = arith.constant 16 : i32
          %mul3A_590 = arith.muli %add3A_588, %mul3A_589 : i32
          %mul3A_591 = arith.constant 16 : i32
          %mul3A_592 = arith.muli %add3A_588, %mul3A_591 : i32
          %add3A_593 = arith.constant 512 : i32
          %add3A_594 = arith.addi %add3A_593, %mul3A_592 : i32
          %get3A_595 = arith.index_cast %mul3A_590 : i32 to index
          %get3A_596 = tpu.vector_load %arg18[%get3A_595] {strides = array<i32>} : memref<1024xi32, #tpu.memory_space<vmem>>, vector<16xi32>,
          %get3A_597 = vector.shape_cast %get3A_596 : vector<16xi32> to vector<16xi32>
          %get3A_598 = arith.index_cast %add3A_594 : i32 to index
          %get3A_599 = tpu.vector_load %arg18[%get3A_598] {strides = array<i32>} : memref<1024xi32, #tpu.memory_space<vmem>>, vector<16xi32>,
          %get3A_600 = vector.shape_cast %get3A_599 : vector<16xi32> to vector<16xi32>
          %get3A_601 = arith.index_cast %mul3A_590 : i32 to index
          %get3A_602 = tpu.vector_load %arg20[%get3A_601] {strides = array<i32>} : memref<1024xf32, #tpu.memory_space<vmem>>, vector<16xf32>,
          %get3A_603 = vector.shape_cast %get3A_602 : vector<16xf32> to vector<16xf32>
          %get3A_604 = arith.index_cast %add3A_594 : i32 to index
          %get3A_605 = tpu.vector_load %arg20[%get3A_604] {strides = array<i32>} : memref<1024xf32, #tpu.memory_space<vmem>>, vector<16xf32>,
          %get3A_606 = vector.shape_cast %get3A_605 : vector<16xf32> to vector<16xf32>
          %get3A_607 = arith.index_cast %mul3A_590 : i32 to index
          %get3A_608 = tpu.vector_load %arg15[%get3A_607] {strides = array<i32>} : memref<512xf32, #tpu.memory_space<vmem>>, vector<16xf32>,
          %get3A_609 = vector.shape_cast %get3A_608 : vector<16xf32> to vector<16xf32>
          %get3A_610 = arith.index_cast %mul3A_590 : i32 to index
          %get3A_611 = tpu.vector_load %arg21[%get3A_610] {strides = array<i32>} : memref<512xi32, #tpu.memory_space<vmem>>, vector<16xi32>,
          %get3A_612 = vector.shape_cast %get3A_611 : vector<16xi32> to vector<16xi32>
          %ge3A_613 = arith.constant 0 : i32
          %ge3A_614 = vector.broadcast %ge3A_613 : i32 to vector<16xi32>
          %ge3A_615 = arith.cmpi sge, %get3A_612, %ge3A_614 : vector<16xi32>
          %get3A_616 = arith.index_cast %mul3A_590 : i32 to index
          %get3A_617 = tpu.vector_load %arg16[%get3A_616] {strides = array<i32>} : memref<512xi32, #tpu.memory_space<vmem>>, vector<16xi32>,
          %get3A_618 = vector.shape_cast %get3A_617 : vector<16xi32> to vector<16xi32>
          %get3A_619 = arith.index_cast %mul3A_590 : i32 to index
          %get3A_620 = tpu.vector_load %arg21[%get3A_619] {strides = array<i32>} : memref<512xi32, #tpu.memory_space<vmem>>, vector<16xi32>,
          %get3A_621 = vector.shape_cast %get3A_620 : vector<16xi32> to vector<16xi32>
          %and3A_622 = arith.constant 2147483647 : i32
          %and3A_623 = vector.broadcast %and3A_622 : i32 to vector<16xi32>
          %and3A_624 = arith.andi %get3A_621, %and3A_623 : vector<16xi32>
          %ne3A_625 = arith.constant -1 : i32
          %ne3A_626 = vector.broadcast %ne3A_625 : i32 to vector<16xi32>
          %ne3A_627 = arith.cmpi ne, %get3A_597, %ne3A_626 : vector<16xi32>
          %and3A_628 = arith.andi %ge3A_615, %ne3A_627 : vector<16xi1>
          %eq3A_629 = arith.cmpf oeq, %get3A_603, %get3A_609 : vector<16xf32>
          %and3A_630 = arith.andi %and3A_628, %eq3A_629 : vector<16xi1>
          %min3A_631 = arith.minsi %and3A_624, %get3A_597 : vector<16xi32>
          %select_n3A_632 = arith.select %and3A_630, %min3A_631, %and3A_624 : vector<16xi1>, vector<16xi32>
          %ne3A_633 = arith.constant -1 : i32
          %ne3A_634 = vector.broadcast %ne3A_633 : i32 to vector<16xi32>
          %ne3A_635 = arith.cmpi ne, %get3A_597, %ne3A_634 : vector<16xi32>
          %and3A_636 = arith.andi %ge3A_615, %ne3A_635 : vector<16xi1>
          %ne3A_637 = arith.constant -1 : i32
          %ne3A_638 = vector.broadcast %ne3A_637 : i32 to vector<16xi32>
          %ne3A_639 = arith.cmpi ne, %get3A_600, %ne3A_638 : vector<16xi32>
          %and3A_640 = arith.andi %and3A_636, %ne3A_639 : vector<16xi1>
          %eq3A_641 = arith.cmpf oeq, %get3A_606, %get3A_609 : vector<16xf32>
          %and3A_642 = arith.andi %and3A_640, %eq3A_641 : vector<16xi1>
          %min3A_643 = arith.minsi %select_n3A_632, %get3A_600 : vector<16xi32>
          %select_n3A_644 = arith.select %and3A_642, %min3A_643, %select_n3A_632 : vector<16xi1>, vector<16xi32>
          %ne3A_645 = arith.constant -1 : i32
          %ne3A_646 = vector.broadcast %ne3A_645 : i32 to vector<16xi32>
          %ne3A_647 = arith.cmpi ne, %get3A_600, %ne3A_646 : vector<16xi32>
          %and3A_648 = arith.andi %and3A_636, %ne3A_647 : vector<16xi1>
          %or3A_649 = arith.constant -2147483648 : i32
          %or3A_650 = vector.broadcast %or3A_649 : i32 to vector<16xi32>
          %or3A_651 = arith.ori %select_n3A_644, %or3A_650 : vector<16xi32>
          %select_n3A_652 = arith.select %and3A_648, %select_n3A_644, %or3A_651 : vector<16xi1>, vector<16xi32>
          %swap3A_653 = arith.index_cast %mul3A_590 : i32 to index
          %swap3A_654 = tpu.vector_load %arg21[%swap3A_653] {strides = array<i32>} : memref<512xi32, #tpu.memory_space<vmem>>, vector<16xi32>,
          %swap3A_655 = vector.shape_cast %swap3A_654 : vector<16xi32> to vector<16xi32>
          %swap3A_656 = vector.shape_cast %select_n3A_652 : vector<16xi32> to vector<16xi32>
          tpu.vector_store %arg21[%swap3A_653], %swap3A_656 {strides = array<i32>} : memref<512xi32, #tpu.memory_space<vmem>>, vector<16xi32>,
          %add3A_657 = arith.constant 2 : i32
          %add3A_658 = vector.broadcast %add3A_657 : i32 to vector<16xi32>
          %add3A_659 = arith.addi %get3A_618, %add3A_658 : vector<16xi32>
          %ge3A_660 = arith.constant 1048576 : i32
          %ge3A_661 = vector.broadcast %ge3A_660 : i32 to vector<16xi32>
          %ge3A_662 = arith.cmpi sge, %add3A_659, %ge3A_661 : vector<16xi32>
          %sub3A_663 = arith.constant 1048576 : i32
          %sub3A_664 = vector.broadcast %sub3A_663 : i32 to vector<16xi32>
          %sub3A_665 = arith.subi %add3A_659, %sub3A_664 : vector<16xi32>
          %select_n3A_666 = arith.select %ge3A_662, %sub3A_665, %add3A_659 : vector<16xi1>, vector<16xi32>
          %select_n3A_667 = arith.select %and3A_648, %select_n3A_666, %get3A_618 : vector<16xi1>, vector<16xi32>
          %swap3A_668 = arith.index_cast %mul3A_590 : i32 to index
          %swap3A_669 = tpu.vector_load %arg16[%swap3A_668] {strides = array<i32>} : memref<512xi32, #tpu.memory_space<vmem>>, vector<16xi32>,
          %swap3A_670 = vector.shape_cast %swap3A_669 : vector<16xi32> to vector<16xi32>
          %swap3A_671 = vector.shape_cast %select_n3A_667 : vector<16xi32> to vector<16xi32>
          tpu.vector_store %arg16[%swap3A_668], %swap3A_671 {strides = array<i32>} : memref<512xi32, #tpu.memory_space<vmem>>, vector<16xi32>,
          %jit3A_672 = arith.constant 1 : i32
          %jit3A_673 = arith.constant 0 : i32
          %broadcast_in_dim3A_674 = vector.broadcast %jit3A_672 : i32 to vector<16xi32>
          %broadcast_in_dim3A_675 = vector.broadcast %jit3A_673 : i32 to vector<16xi32>
          %select_n3A_676 = arith.select %and3A_648, %broadcast_in_dim3A_674, %broadcast_in_dim3A_675 : vector<16xi1>, vector<16xi32>
          %add3A_677 = arith.addi %add3A_584, %select_n3A_676 : vector<16xi32>
          %mul3A_678 = arith.constant 8 : i32
          %mul3A_679 = arith.muli %scan3A_129, %mul3A_678 : i32
          %add3A_680 = arith.constant 6 : i32
          %add3A_681 = arith.addi %mul3A_679, %add3A_680 : i32
          %mul3A_682 = arith.constant 16 : i32
          %mul3A_683 = arith.muli %add3A_681, %mul3A_682 : i32
          %mul3A_684 = arith.constant 16 : i32
          %mul3A_685 = arith.muli %add3A_681, %mul3A_684 : i32
          %add3A_686 = arith.constant 512 : i32
          %add3A_687 = arith.addi %add3A_686, %mul3A_685 : i32
          %get3A_688 = arith.index_cast %mul3A_683 : i32 to index
          %get3A_689 = tpu.vector_load %arg18[%get3A_688] {strides = array<i32>} : memref<1024xi32, #tpu.memory_space<vmem>>, vector<16xi32>,
          %get3A_690 = vector.shape_cast %get3A_689 : vector<16xi32> to vector<16xi32>
          %get3A_691 = arith.index_cast %add3A_687 : i32 to index
          %get3A_692 = tpu.vector_load %arg18[%get3A_691] {strides = array<i32>} : memref<1024xi32, #tpu.memory_space<vmem>>, vector<16xi32>,
          %get3A_693 = vector.shape_cast %get3A_692 : vector<16xi32> to vector<16xi32>
          %get3A_694 = arith.index_cast %mul3A_683 : i32 to index
          %get3A_695 = tpu.vector_load %arg20[%get3A_694] {strides = array<i32>} : memref<1024xf32, #tpu.memory_space<vmem>>, vector<16xf32>,
          %get3A_696 = vector.shape_cast %get3A_695 : vector<16xf32> to vector<16xf32>
          %get3A_697 = arith.index_cast %add3A_687 : i32 to index
          %get3A_698 = tpu.vector_load %arg20[%get3A_697] {strides = array<i32>} : memref<1024xf32, #tpu.memory_space<vmem>>, vector<16xf32>,
          %get3A_699 = vector.shape_cast %get3A_698 : vector<16xf32> to vector<16xf32>
          %get3A_700 = arith.index_cast %mul3A_683 : i32 to index
          %get3A_701 = tpu.vector_load %arg15[%get3A_700] {strides = array<i32>} : memref<512xf32, #tpu.memory_space<vmem>>, vector<16xf32>,
          %get3A_702 = vector.shape_cast %get3A_701 : vector<16xf32> to vector<16xf32>
          %get3A_703 = arith.index_cast %mul3A_683 : i32 to index
          %get3A_704 = tpu.vector_load %arg21[%get3A_703] {strides = array<i32>} : memref<512xi32, #tpu.memory_space<vmem>>, vector<16xi32>,
          %get3A_705 = vector.shape_cast %get3A_704 : vector<16xi32> to vector<16xi32>
          %ge3A_706 = arith.constant 0 : i32
          %ge3A_707 = vector.broadcast %ge3A_706 : i32 to vector<16xi32>
          %ge3A_708 = arith.cmpi sge, %get3A_705, %ge3A_707 : vector<16xi32>
          %get3A_709 = arith.index_cast %mul3A_683 : i32 to index
          %get3A_710 = tpu.vector_load %arg16[%get3A_709] {strides = array<i32>} : memref<512xi32, #tpu.memory_space<vmem>>, vector<16xi32>,
          %get3A_711 = vector.shape_cast %get3A_710 : vector<16xi32> to vector<16xi32>
          %get3A_712 = arith.index_cast %mul3A_683 : i32 to index
          %get3A_713 = tpu.vector_load %arg21[%get3A_712] {strides = array<i32>} : memref<512xi32, #tpu.memory_space<vmem>>, vector<16xi32>,
          %get3A_714 = vector.shape_cast %get3A_713 : vector<16xi32> to vector<16xi32>
          %and3A_715 = arith.constant 2147483647 : i32
          %and3A_716 = vector.broadcast %and3A_715 : i32 to vector<16xi32>
          %and3A_717 = arith.andi %get3A_714, %and3A_716 : vector<16xi32>
          %ne3A_718 = arith.constant -1 : i32
          %ne3A_719 = vector.broadcast %ne3A_718 : i32 to vector<16xi32>
          %ne3A_720 = arith.cmpi ne, %get3A_690, %ne3A_719 : vector<16xi32>
          %and3A_721 = arith.andi %ge3A_708, %ne3A_720 : vector<16xi1>
          %eq3A_722 = arith.cmpf oeq, %get3A_696, %get3A_702 : vector<16xf32>
          %and3A_723 = arith.andi %and3A_721, %eq3A_722 : vector<16xi1>
          %min3A_724 = arith.minsi %and3A_717, %get3A_690 : vector<16xi32>
          %select_n3A_725 = arith.select %and3A_723, %min3A_724, %and3A_717 : vector<16xi1>, vector<16xi32>
          %ne3A_726 = arith.constant -1 : i32
          %ne3A_727 = vector.broadcast %ne3A_726 : i32 to vector<16xi32>
          %ne3A_728 = arith.cmpi ne, %get3A_690, %ne3A_727 : vector<16xi32>
          %and3A_729 = arith.andi %ge3A_708, %ne3A_728 : vector<16xi1>
          %ne3A_730 = arith.constant -1 : i32
          %ne3A_731 = vector.broadcast %ne3A_730 : i32 to vector<16xi32>
          %ne3A_732 = arith.cmpi ne, %get3A_693, %ne3A_731 : vector<16xi32>
          %and3A_733 = arith.andi %and3A_729, %ne3A_732 : vector<16xi1>
          %eq3A_734 = arith.cmpf oeq, %get3A_699, %get3A_702 : vector<16xf32>
          %and3A_735 = arith.andi %and3A_733, %eq3A_734 : vector<16xi1>
          %min3A_736 = arith.minsi %select_n3A_725, %get3A_693 : vector<16xi32>
          %select_n3A_737 = arith.select %and3A_735, %min3A_736, %select_n3A_725 : vector<16xi1>, vector<16xi32>
          %ne3A_738 = arith.constant -1 : i32
          %ne3A_739 = vector.broadcast %ne3A_738 : i32 to vector<16xi32>
          %ne3A_740 = arith.cmpi ne, %get3A_693, %ne3A_739 : vector<16xi32>
          %and3A_741 = arith.andi %and3A_729, %ne3A_740 : vector<16xi1>
          %or3A_742 = arith.constant -2147483648 : i32
          %or3A_743 = vector.broadcast %or3A_742 : i32 to vector<16xi32>
          %or3A_744 = arith.ori %select_n3A_737, %or3A_743 : vector<16xi32>
          %select_n3A_745 = arith.select %and3A_741, %select_n3A_737, %or3A_744 : vector<16xi1>, vector<16xi32>
          %swap3A_746 = arith.index_cast %mul3A_683 : i32 to index
          %swap3A_747 = tpu.vector_load %arg21[%swap3A_746] {strides = array<i32>} : memref<512xi32, #tpu.memory_space<vmem>>, vector<16xi32>,
          %swap3A_748 = vector.shape_cast %swap3A_747 : vector<16xi32> to vector<16xi32>
          %swap3A_749 = vector.shape_cast %select_n3A_745 : vector<16xi32> to vector<16xi32>
          tpu.vector_store %arg21[%swap3A_746], %swap3A_749 {strides = array<i32>} : memref<512xi32, #tpu.memory_space<vmem>>, vector<16xi32>,
          %add3A_750 = arith.constant 2 : i32
          %add3A_751 = vector.broadcast %add3A_750 : i32 to vector<16xi32>
          %add3A_752 = arith.addi %get3A_711, %add3A_751 : vector<16xi32>
          %ge3A_753 = arith.constant 1048576 : i32
          %ge3A_754 = vector.broadcast %ge3A_753 : i32 to vector<16xi32>
          %ge3A_755 = arith.cmpi sge, %add3A_752, %ge3A_754 : vector<16xi32>
          %sub3A_756 = arith.constant 1048576 : i32
          %sub3A_757 = vector.broadcast %sub3A_756 : i32 to vector<16xi32>
          %sub3A_758 = arith.subi %add3A_752, %sub3A_757 : vector<16xi32>
          %select_n3A_759 = arith.select %ge3A_755, %sub3A_758, %add3A_752 : vector<16xi1>, vector<16xi32>
          %select_n3A_760 = arith.select %and3A_741, %select_n3A_759, %get3A_711 : vector<16xi1>, vector<16xi32>
          %swap3A_761 = arith.index_cast %mul3A_683 : i32 to index
          %swap3A_762 = tpu.vector_load %arg16[%swap3A_761] {strides = array<i32>} : memref<512xi32, #tpu.memory_space<vmem>>, vector<16xi32>,
          %swap3A_763 = vector.shape_cast %swap3A_762 : vector<16xi32> to vector<16xi32>
          %swap3A_764 = vector.shape_cast %select_n3A_760 : vector<16xi32> to vector<16xi32>
          tpu.vector_store %arg16[%swap3A_761], %swap3A_764 {strides = array<i32>} : memref<512xi32, #tpu.memory_space<vmem>>, vector<16xi32>,
          %jit3A_765 = arith.constant 1 : i32
          %jit3A_766 = arith.constant 0 : i32
          %broadcast_in_dim3A_767 = vector.broadcast %jit3A_765 : i32 to vector<16xi32>
          %broadcast_in_dim3A_768 = vector.broadcast %jit3A_766 : i32 to vector<16xi32>
          %select_n3A_769 = arith.select %and3A_741, %broadcast_in_dim3A_767, %broadcast_in_dim3A_768 : vector<16xi1>, vector<16xi32>
          %add3A_770 = arith.addi %add3A_677, %select_n3A_769 : vector<16xi32>
          %mul3A_771 = arith.constant 8 : i32
          %mul3A_772 = arith.muli %scan3A_129, %mul3A_771 : i32
          %add3A_773 = arith.constant 7 : i32
          %add3A_774 = arith.addi %mul3A_772, %add3A_773 : i32
          %mul3A_775 = arith.constant 16 : i32
          %mul3A_776 = arith.muli %add3A_774, %mul3A_775 : i32
          %mul3A_777 = arith.constant 16 : i32
          %mul3A_778 = arith.muli %add3A_774, %mul3A_777 : i32
          %add3A_779 = arith.constant 512 : i32
          %add3A_780 = arith.addi %add3A_779, %mul3A_778 : i32
          %get3A_781 = arith.index_cast %mul3A_776 : i32 to index
          %get3A_782 = tpu.vector_load %arg18[%get3A_781] {strides = array<i32>} : memref<1024xi32, #tpu.memory_space<vmem>>, vector<16xi32>,
          %get3A_783 = vector.shape_cast %get3A_782 : vector<16xi32> to vector<16xi32>
          %get3A_784 = arith.index_cast %add3A_780 : i32 to index
          %get3A_785 = tpu.vector_load %arg18[%get3A_784] {strides = array<i32>} : memref<1024xi32, #tpu.memory_space<vmem>>, vector<16xi32>,
          %get3A_786 = vector.shape_cast %get3A_785 : vector<16xi32> to vector<16xi32>
          %get3A_787 = arith.index_cast %mul3A_776 : i32 to index
          %get3A_788 = tpu.vector_load %arg20[%get3A_787] {strides = array<i32>} : memref<1024xf32, #tpu.memory_space<vmem>>, vector<16xf32>,
          %get3A_789 = vector.shape_cast %get3A_788 : vector<16xf32> to vector<16xf32>
          %get3A_790 = arith.index_cast %add3A_780 : i32 to index
          %get3A_791 = tpu.vector_load %arg20[%get3A_790] {strides = array<i32>} : memref<1024xf32, #tpu.memory_space<vmem>>, vector<16xf32>,
          %get3A_792 = vector.shape_cast %get3A_791 : vector<16xf32> to vector<16xf32>
          %get3A_793 = arith.index_cast %mul3A_776 : i32 to index
          %get3A_794 = tpu.vector_load %arg15[%get3A_793] {strides = array<i32>} : memref<512xf32, #tpu.memory_space<vmem>>, vector<16xf32>,
          %get3A_795 = vector.shape_cast %get3A_794 : vector<16xf32> to vector<16xf32>
          %get3A_796 = arith.index_cast %mul3A_776 : i32 to index
          %get3A_797 = tpu.vector_load %arg21[%get3A_796] {strides = array<i32>} : memref<512xi32, #tpu.memory_space<vmem>>, vector<16xi32>,
          %get3A_798 = vector.shape_cast %get3A_797 : vector<16xi32> to vector<16xi32>
          %ge3A_799 = arith.constant 0 : i32
          %ge3A_800 = vector.broadcast %ge3A_799 : i32 to vector<16xi32>
          %ge3A_801 = arith.cmpi sge, %get3A_798, %ge3A_800 : vector<16xi32>
          %get3A_802 = arith.index_cast %mul3A_776 : i32 to index
          %get3A_803 = tpu.vector_load %arg16[%get3A_802] {strides = array<i32>} : memref<512xi32, #tpu.memory_space<vmem>>, vector<16xi32>,
          %get3A_804 = vector.shape_cast %get3A_803 : vector<16xi32> to vector<16xi32>
          %get3A_805 = arith.index_cast %mul3A_776 : i32 to index
          %get3A_806 = tpu.vector_load %arg21[%get3A_805] {strides = array<i32>} : memref<512xi32, #tpu.memory_space<vmem>>, vector<16xi32>,
          %get3A_807 = vector.shape_cast %get3A_806 : vector<16xi32> to vector<16xi32>
          %and3A_808 = arith.constant 2147483647 : i32
          %and3A_809 = vector.broadcast %and3A_808 : i32 to vector<16xi32>
          %and3A_810 = arith.andi %get3A_807, %and3A_809 : vector<16xi32>
          %ne3A_811 = arith.constant -1 : i32
          %ne3A_812 = vector.broadcast %ne3A_811 : i32 to vector<16xi32>
          %ne3A_813 = arith.cmpi ne, %get3A_783, %ne3A_812 : vector<16xi32>
          %and3A_814 = arith.andi %ge3A_801, %ne3A_813 : vector<16xi1>
          %eq3A_815 = arith.cmpf oeq, %get3A_789, %get3A_795 : vector<16xf32>
          %and3A_816 = arith.andi %and3A_814, %eq3A_815 : vector<16xi1>
          %min3A_817 = arith.minsi %and3A_810, %get3A_783 : vector<16xi32>
          %select_n3A_818 = arith.select %and3A_816, %min3A_817, %and3A_810 : vector<16xi1>, vector<16xi32>
          %ne3A_819 = arith.constant -1 : i32
          %ne3A_820 = vector.broadcast %ne3A_819 : i32 to vector<16xi32>
          %ne3A_821 = arith.cmpi ne, %get3A_783, %ne3A_820 : vector<16xi32>
          %and3A_822 = arith.andi %ge3A_801, %ne3A_821 : vector<16xi1>
          %ne3A_823 = arith.constant -1 : i32
          %ne3A_824 = vector.broadcast %ne3A_823 : i32 to vector<16xi32>
          %ne3A_825 = arith.cmpi ne, %get3A_786, %ne3A_824 : vector<16xi32>
          %and3A_826 = arith.andi %and3A_822, %ne3A_825 : vector<16xi1>
          %eq3A_827 = arith.cmpf oeq, %get3A_792, %get3A_795 : vector<16xf32>
          %and3A_828 = arith.andi %and3A_826, %eq3A_827 : vector<16xi1>
          %min3A_829 = arith.minsi %select_n3A_818, %get3A_786 : vector<16xi32>
          %select_n3A_830 = arith.select %and3A_828, %min3A_829, %select_n3A_818 : vector<16xi1>, vector<16xi32>
          %ne3A_831 = arith.constant -1 : i32
          %ne3A_832 = vector.broadcast %ne3A_831 : i32 to vector<16xi32>
          %ne3A_833 = arith.cmpi ne, %get3A_786, %ne3A_832 : vector<16xi32>
          %and3A_834 = arith.andi %and3A_822, %ne3A_833 : vector<16xi1>
          %or3A_835 = arith.constant -2147483648 : i32
          %or3A_836 = vector.broadcast %or3A_835 : i32 to vector<16xi32>
          %or3A_837 = arith.ori %select_n3A_830, %or3A_836 : vector<16xi32>
          %select_n3A_838 = arith.select %and3A_834, %select_n3A_830, %or3A_837 : vector<16xi1>, vector<16xi32>
          %swap3A_839 = arith.index_cast %mul3A_776 : i32 to index
          %swap3A_840 = tpu.vector_load %arg21[%swap3A_839] {strides = array<i32>} : memref<512xi32, #tpu.memory_space<vmem>>, vector<16xi32>,
          %swap3A_841 = vector.shape_cast %swap3A_840 : vector<16xi32> to vector<16xi32>
          %swap3A_842 = vector.shape_cast %select_n3A_838 : vector<16xi32> to vector<16xi32>
          tpu.vector_store %arg21[%swap3A_839], %swap3A_842 {strides = array<i32>} : memref<512xi32, #tpu.memory_space<vmem>>, vector<16xi32>,
          %add3A_843 = arith.constant 2 : i32
          %add3A_844 = vector.broadcast %add3A_843 : i32 to vector<16xi32>
          %add3A_845 = arith.addi %get3A_804, %add3A_844 : vector<16xi32>
          %ge3A_846 = arith.constant 1048576 : i32
          %ge3A_847 = vector.broadcast %ge3A_846 : i32 to vector<16xi32>
          %ge3A_848 = arith.cmpi sge, %add3A_845, %ge3A_847 : vector<16xi32>
          %sub3A_849 = arith.constant 1048576 : i32
          %sub3A_850 = vector.broadcast %sub3A_849 : i32 to vector<16xi32>
          %sub3A_851 = arith.subi %add3A_845, %sub3A_850 : vector<16xi32>
          %select_n3A_852 = arith.select %ge3A_848, %sub3A_851, %add3A_845 : vector<16xi1>, vector<16xi32>
          %select_n3A_853 = arith.select %and3A_834, %select_n3A_852, %get3A_804 : vector<16xi1>, vector<16xi32>
          %swap3A_854 = arith.index_cast %mul3A_776 : i32 to index
          %swap3A_855 = tpu.vector_load %arg16[%swap3A_854] {strides = array<i32>} : memref<512xi32, #tpu.memory_space<vmem>>, vector<16xi32>,
          %swap3A_856 = vector.shape_cast %swap3A_855 : vector<16xi32> to vector<16xi32>
          %swap3A_857 = vector.shape_cast %select_n3A_853 : vector<16xi32> to vector<16xi32>
          tpu.vector_store %arg16[%swap3A_854], %swap3A_857 {strides = array<i32>} : memref<512xi32, #tpu.memory_space<vmem>>, vector<16xi32>,
          %jit3A_858 = arith.constant 1 : i32
          %jit3A_859 = arith.constant 0 : i32
          %broadcast_in_dim3A_860 = vector.broadcast %jit3A_858 : i32 to vector<16xi32>
          %broadcast_in_dim3A_861 = vector.broadcast %jit3A_859 : i32 to vector<16xi32>
          %select_n3A_862 = arith.select %and3A_834, %broadcast_in_dim3A_860, %broadcast_in_dim3A_861 : vector<16xi1>, vector<16xi32>
          %add3A_863 = arith.addi %add3A_770, %select_n3A_862 : vector<16xi32>
          scf.yield %add3A_863 : vector<16xi32>
        }
        %scan3A_81 = arith.constant 4 : i32
        %slice3A = vector.extract_strided_slice %scan3A_80 {offsets = [0], sizes = [1], strides = [1]} : vector<16xi32> to vector<1xi32>
        %squeeze3A = vector.extract %slice3A[0] : i32 from vector<1xi32>
        %add3A_82 = arith.constant 0 : i32
        %add3A_83 = arith.addi %add3A_82, %squeeze3A : i32
        %slice3A_84 = vector.extract_strided_slice %scan3A_80 {offsets = [1], sizes = [1], strides = [1]} : vector<16xi32> to vector<1xi32>
        %squeeze3A_85 = vector.extract %slice3A_84[0] : i32 from vector<1xi32>
        %add3A_86 = arith.addi %add3A_83, %squeeze3A_85 : i32
        %slice3A_87 = vector.extract_strided_slice %scan3A_80 {offsets = [2], sizes = [1], strides = [1]} : vector<16xi32> to vector<1xi32>
        %squeeze3A_88 = vector.extract %slice3A_87[0] : i32 from vector<1xi32>
        %add3A_89 = arith.addi %add3A_86, %squeeze3A_88 : i32
        %slice3A_90 = vector.extract_strided_slice %scan3A_80 {offsets = [3], sizes = [1], strides = [1]} : vector<16xi32> to vector<1xi32>
        %squeeze3A_91 = vector.extract %slice3A_90[0] : i32 from vector<1xi32>
        %add3A_92 = arith.addi %add3A_89, %squeeze3A_91 : i32
        %slice3A_93 = vector.extract_strided_slice %scan3A_80 {offsets = [4], sizes = [1], strides = [1]} : vector<16xi32> to vector<1xi32>
        %squeeze3A_94 = vector.extract %slice3A_93[0] : i32 from vector<1xi32>
        %add3A_95 = arith.addi %add3A_92, %squeeze3A_94 : i32
        %slice3A_96 = vector.extract_strided_slice %scan3A_80 {offsets = [5], sizes = [1], strides = [1]} : vector<16xi32> to vector<1xi32>
        %squeeze3A_97 = vector.extract %slice3A_96[0] : i32 from vector<1xi32>
        %add3A_98 = arith.addi %add3A_95, %squeeze3A_97 : i32
        %slice3A_99 = vector.extract_strided_slice %scan3A_80 {offsets = [6], sizes = [1], strides = [1]} : vector<16xi32> to vector<1xi32>
        %squeeze3A_100 = vector.extract %slice3A_99[0] : i32 from vector<1xi32>
        %add3A_101 = arith.addi %add3A_98, %squeeze3A_100 : i32
        %slice3A_102 = vector.extract_strided_slice %scan3A_80 {offsets = [7], sizes = [1], strides = [1]} : vector<16xi32> to vector<1xi32>
        %squeeze3A_103 = vector.extract %slice3A_102[0] : i32 from vector<1xi32>
        %add3A_104 = arith.addi %add3A_101, %squeeze3A_103 : i32
        %slice3A_105 = vector.extract_strided_slice %scan3A_80 {offsets = [8], sizes = [1], strides = [1]} : vector<16xi32> to vector<1xi32>
        %squeeze3A_106 = vector.extract %slice3A_105[0] : i32 from vector<1xi32>
        %add3A_107 = arith.addi %add3A_104, %squeeze3A_106 : i32
        %slice3A_108 = vector.extract_strided_slice %scan3A_80 {offsets = [9], sizes = [1], strides = [1]} : vector<16xi32> to vector<1xi32>
        %squeeze3A_109 = vector.extract %slice3A_108[0] : i32 from vector<1xi32>
        %add3A_110 = arith.addi %add3A_107, %squeeze3A_109 : i32
        %slice3A_111 = vector.extract_strided_slice %scan3A_80 {offsets = [10], sizes = [1], strides = [1]} : vector<16xi32> to vector<1xi32>
        %squeeze3A_112 = vector.extract %slice3A_111[0] : i32 from vector<1xi32>
        %add3A_113 = arith.addi %add3A_110, %squeeze3A_112 : i32
        %slice3A_114 = vector.extract_strided_slice %scan3A_80 {offsets = [11], sizes = [1], strides = [1]} : vector<16xi32> to vector<1xi32>
        %squeeze3A_115 = vector.extract %slice3A_114[0] : i32 from vector<1xi32>
        %add3A_116 = arith.addi %add3A_113, %squeeze3A_115 : i32
        %slice3A_117 = vector.extract_strided_slice %scan3A_80 {offsets = [12], sizes = [1], strides = [1]} : vector<16xi32> to vector<1xi32>
        %squeeze3A_118 = vector.extract %slice3A_117[0] : i32 from vector<1xi32>
        %add3A_119 = arith.addi %add3A_116, %squeeze3A_118 : i32
        %slice3A_120 = vector.extract_strided_slice %scan3A_80 {offsets = [13], sizes = [1], strides = [1]} : vector<16xi32> to vector<1xi32>
        %squeeze3A_121 = vector.extract %slice3A_120[0] : i32 from vector<1xi32>
        %add3A_122 = arith.addi %add3A_119, %squeeze3A_121 : i32
        %slice3A_123 = vector.extract_strided_slice %scan3A_80 {offsets = [14], sizes = [1], strides = [1]} : vector<16xi32> to vector<1xi32>
        %squeeze3A_124 = vector.extract %slice3A_123[0] : i32 from vector<1xi32>
        %add3A_125 = arith.addi %add3A_122, %squeeze3A_124 : i32
        %slice3A_126 = vector.extract_strided_slice %scan3A_80 {offsets = [15], sizes = [1], strides = [1]} : vector<16xi32> to vector<1xi32>
        %squeeze3A_127 = vector.extract %slice3A_126[0] : i32 from vector<1xi32>
        %add3A_128 = arith.addi %add3A_125, %squeeze3A_127 : i32
        scf.yield %add3A_128 : i32
      } else {
        scf.yield %scan3A_59 : i32
      }
      scf.yield %cond3A_62 : i32
    }
    %scan3A_51 = arith.constant 24 : i32
    %scan3A_52 = arith.constant 0 : i32
    %scan3A_53 = arith.constant 0 : i32
    %scan3A_54 = arith.constant 32 : i32
    %scan3A_55 = arith.addi %scan3A_53, %scan3A_54 : i32
    %scan3A_56 = arith.constant 1 : i32
    scf.for %scan3A_58 = %scan3A_53 to %scan3A_55 step %scan3A_56  : i32 {
      %mul3A_59 = arith.constant 16 : i32
      %mul3A_60 = arith.muli %scan3A_58, %mul3A_59 : i32
      %get3A = arith.index_cast %mul3A_60 : i32 to index
      %get3A_61 = tpu.vector_load %arg21[%get3A] {strides = array<i32>} : memref<512xi32, #tpu.memory_space<vmem>>, vector<16xi32>,
      %get3A_62 = vector.shape_cast %get3A_61 : vector<16xi32> to vector<16xi32>
      %and3A = arith.constant 2147483647 : i32
      %and3A_63 = vector.broadcast %and3A : i32 to vector<16xi32>
      %and3A_64 = arith.andi %get3A_62, %and3A_63 : vector<16xi32>
      %min3A = arith.constant 99999 : i32
      %min3A_65 = vector.broadcast %min3A : i32 to vector<16xi32>
      %min3A_66 = arith.minsi %and3A_64, %min3A_65 : vector<16xi32>
      %swap3A = arith.index_cast %mul3A_60 : i32 to index
      %swap3A_67 = tpu.vector_load %arg21[%swap3A] {strides = array<i32>} : memref<512xi32, #tpu.memory_space<vmem>>, vector<16xi32>,
      %swap3A_68 = vector.shape_cast %swap3A_67 : vector<16xi32> to vector<16xi32>
      %swap3A_69 = vector.shape_cast %min3A_66 : vector<16xi32> to vector<16xi32>
      tpu.vector_store %arg21[%swap3A], %swap3A_69 {strides = array<i32>} : memref<512xi32, #tpu.memory_space<vmem>>, vector<16xi32>,
    }
    %scan3A_57 = arith.constant 32 : i32
    "tpu.region"() ({
      %run_scoped3A = tpu.sem_alloc : memref<!tpu.dma_semaphore, #tpu.memory_space<semaphore_mem>>
      %dma_start3A = arith.constant 0 : i32
      %dma_start3A_58 = tpu.memref_slice %arg4[%dma_start3A] : memref<100000xf32, #tpu.memory_space<hbm>> -> memref<100000xf32, #tpu.memory_space<hbm>>
      tpu.enqueue_indirect_dma source(%dma_start3A_58 : memref<100000xf32, #tpu.memory_space<hbm>>) target(%arg22 : memref<512xf32, #tpu.memory_space<vmem>>) offsets(%arg21 : memref<512xi32, #tpu.memory_space<vmem>>) semaphore(%run_scoped3A : memref<!tpu.dma_semaphore, #tpu.memory_space<semaphore_mem>>)
      %dma_wait3A = arith.constant 0 : i32
      %dma_wait3A_59 = tpu.memref_slice %arg4[%dma_wait3A] : memref<100000xf32, #tpu.memory_space<hbm>> -> memref<100000xf32, #tpu.memory_space<hbm>>
      tpu.wait_indirect_dma semaphore(%run_scoped3A : memref<!tpu.dma_semaphore, #tpu.memory_space<semaphore_mem>>) src(%dma_wait3A_59 : memref<100000xf32, #tpu.memory_space<hbm>>) dst(%arg22 : memref<512xf32, #tpu.memory_space<vmem>>)
      tpu.yield
    }) : () -> ()
    "tpu.region"() ({
      %run_scoped3A = tpu.sem_alloc : memref<!tpu.dma_semaphore, #tpu.memory_space<semaphore_mem>>
      %dma_start3A = arith.constant 0 : i32
      %dma_start3A_58 = tpu.memref_slice %arg5[%add3A, %dma_start3A] : memref<32x512xf32, #tpu.memory_space<hbm>> -> memref<1x512xf32, #tpu.memory_space<hbm>>
      %dma_start3A_59 = tpu.memref_squeeze %dma_start3A_58 : memref<1x512xf32, #tpu.memory_space<hbm>> -> memref<512xf32, #tpu.memory_space<hbm>>
      %dma_start3A_60 = arith.constant 0 : i32
      %dma_start3A_61 = tpu.memref_slice %arg5[%add3A, %dma_start3A_60] : memref<32x512xf32, #tpu.memory_space<hbm>> -> memref<1x512xf32, #tpu.memory_space<hbm>>
      %dma_start3A_62 = tpu.memref_squeeze %dma_start3A_61 : memref<1x512xf32, #tpu.memory_space<hbm>> -> memref<512xf32, #tpu.memory_space<hbm>>
      tpu.enqueue_dma source(%arg22 : memref<512xf32, #tpu.memory_space<vmem>>) target(%dma_start3A_62 : memref<512xf32, #tpu.memory_space<hbm>>) target_semaphore(%run_scoped3A : memref<!tpu.dma_semaphore, #tpu.memory_space<semaphore_mem>>)
      %dma_wait3A = arith.constant 0 : i32
      %dma_wait3A_63 = tpu.memref_slice %arg5[%add3A, %dma_wait3A] : memref<32x512xf32, #tpu.memory_space<hbm>> -> memref<1x512xf32, #tpu.memory_space<hbm>>
      %dma_wait3A_64 = tpu.memref_squeeze %dma_wait3A_63 : memref<1x512xf32, #tpu.memory_space<hbm>> -> memref<512xf32, #tpu.memory_space<hbm>>
      %dma_wait3A_65 = arith.constant 0 : i32
      %dma_wait3A_66 = tpu.memref_slice %arg5[%add3A, %dma_wait3A_65] : memref<32x512xf32, #tpu.memory_space<hbm>> -> memref<1x512xf32, #tpu.memory_space<hbm>>
      %dma_wait3A_67 = tpu.memref_squeeze %dma_wait3A_66 : memref<1x512xf32, #tpu.memory_space<hbm>> -> memref<512xf32, #tpu.memory_space<hbm>>
      tpu.wait_dma2 semaphore(%run_scoped3A : memref<!tpu.dma_semaphore, #tpu.memory_space<semaphore_mem>>) src(%arg22 : memref<512xf32, #tpu.memory_space<vmem>>) dst(%dma_wait3A_67 : memref<512xf32, #tpu.memory_space<hbm>>)
      tpu.yield
    }) : () -> ()
    return
  }
}

</mosaic_0001>

<sc_bundles>
// kernel: _sc_lookup.3.cloned.1.call-start
scs
__scs_entry_jumppad:
0x0: {  	(pc) =	sbr.rel $0x88, $3  }
0x1: {  	(tag) =	ssettag $0x0;
	lr =	simm.s32 $0x1  }
0x2: {  	[smem:$0x3F9E] =	sst lr;
	_ =	strace $0xD0000000  }
0x3: {  	_ = 	snop  }
0x4: {  	_ = 	snop  }
0x5: {  	_ = 	snop  }
0x6: {  	_ = 	snop  }
0x7: {  	_ = 	snop  }
__scs_overlays_trampoline_lowered:
0x8: {  	[smem:$0x3FAD] =	sst s0  }
0x9: {  	[smem:$0x3FAE] =	sst s1  }
0xa: {  	[smem:$0x3FAF] =	sst s2  }
0xb: {  	[smem:$0x3FB0] =	sst s3  }
0xc: {  	[smem:$0x3FB1] =	sst s4  }
0xd: {  	[smem:$0x3FB2] =	sst s5  }
0xe: {  	[smem:$0x3FB3] =	sst s6  }
0xf: {  	[smem:$0x3FB4] =	sst s7  }
0x10: {  	[smem:$0x3FB5] =	sst s8  }
0x11: {  	[smem:$0x3FB6] =	sst s9;
	s0 =	simm.s32 @!p0 $0x0  }
0x12: {  	s1 =	sld [smem:$0x3F9C];
	s0 =	simm.s32 @p0 $0x1  }
0x13: {  	[smem:$0x3FB7] =	sst s0;
	s0 =	simm.s32 @!p1 $0x0  }
0x14: {  	s2 =	sld [smem:$0x3F9B];
	s0 =	simm.s32 @p1 $0x1  }
0x15: {  	[smem:$0x3FB8] =	sst s0;
	s0 =	simm.s32 @!p2 $0x0  }
0x16: {  	s3 =	sld [smem:$0x3FDB];
	s0 =	simm.s32 @p2 $0x1  }
0x17: {  	s4 =	simm.s32 $0x1BF5;
	[smem:$0x3FBA] =	sst s0  }
0x18: {  	s0 =	sld [smem:$0x3F9D];
	_ =	swait.ge [sflag:s4], $0x0  }
0x19: {  	s7 =	sld [smem:$0x3F9E]  }
0x1a: {  	s8 =	sadd.s32 $0xFFFFE003, lr  }
0x1b: {  	s9 =	sadd.s32 $0xFFFFFEF7, lr;
	s5 =	simm.s32 $0xFFFFFFFF;
	p2 =	slt.u32 s8, $0xFFFFF086  }
0x1c: {  	p1 =	slt.u32 s9, $0xF7A;
	s5 =	simm.s32 @!p2 $0x0  }
0x1d: {  	s5 =	simm.s32 @p1 $0x1;
	p0 =	seq.s32 s7, s2  }
0x1e: {  	s7 =	smul.u32 @!p0 $0xF7A, s2;
	p2 =	seq.s32 @!p0 s5, $0x0  }
0x1f: {  	s9 =	smul.u32 $0xF7A, s1;
	s8 =	simm.s32 @!p0 $0x1BF5;
	p2 =	por !p2, p0  }
0x20: {  	[sflag:s8] =	ssyncset.s32 @!p0 $0xFFFFF086;
	s6 =	sadd.s32 @!p0 s3, s7;
	s7 =	simm.s32 @!p0 $0x108  }
0x21: {  	s3 =	sadd.s32 s3, s9;
	s6 =	sadd.s32 @!p0 $0x88, s6;
	s7 =	simm.s32 @p2 $0x1082  }
0x22: {  	[simem:s7], [sflag:s8] =	dma.local @!p0 [hbm:s6], $0xF7A  }
0x23: {  	s9 =	sor.u32 $0xD0000000, s2;
	s6 =	simm.s32 $0x108;
	_ =	swait.ge @!p0 [sflag:s8], $0x0  }
0x24: {  	s3 =	sadd.s32 $0x88, s3;
	s6 =	simm.s32 @!p1 $0x1082;
	[sflag:s4] =	ssyncset.s32 $0xFFFFF086  }
0x25: {  	[simem:s6], [sflag:s4] =	dma.local [hbm:s3], $0xF7A  }
0x26: {  	[smem:$0x3F9E] =	sst s1;
	(tag) =	ssettag s2;
	_ =	strace s9  }
0x27: {  	s1 =	sld [smem:$0x3FAE]  }
0x28: {  	s2 =	sld [smem:$0x3FAF]  }
0x29: {  	s4 =	sld [smem:$0x3FB1]  }
0x2a: {  	p0 =	seq.s32 s5, $0x0;
	s5 =	sld [smem:$0x3FB2]  }
0x2b: {  	s6 =	sld [smem:$0x3FB3]  }
0x2c: {  	s7 =	sld [smem:$0x3FB4]  }
0x2d: {  	s3 =	simm.s32 $0x108;
	s8 =	sld [smem:$0x3FB5]  }
0x2e: {  	s3 =	simm.s32 @!p0 $0x1082;
	s9 =	sld [smem:$0x3FB6]  }
0x2f: {  	lr =	sadd.s32 s0, s3;
	s0 =	sld [smem:$0x3FAD]  }
0x30: {  	s3 =	sld [smem:$0x3FB0]  }
0x31: {  	[smem:$0x3FB9] =	sst s10  }
0x32: {  	s10 =	sld [smem:$0x3FB7];
	_ =	sdelay $0x3  }
0x33: {  	p0 =	seq.s32 s10, $0x1;
	s10 =	sld [smem:$0x3FB9];
	_ =	sdelay $0x3  }
0x34: {  	[smem:$0x3FB9] =	sst s10  }
0x35: {  	s10 =	sld [smem:$0x3FB8];
	_ =	sdelay $0x3  }
0x36: {  	p1 =	seq.s32 s10, $0x1;
	s10 =	sld [smem:$0x3FB9];
	_ =	sdelay $0x3  }
0x37: {  	[smem:$0x3FB9] =	sst s10  }
0x38: {  	s10 =	sld [smem:$0x3FBA]  }
0x39: {  	_ = 	snop;
	(pc) =	sbr.ind lr, $3  }
0x3a: {  	_ = 	snop  }
0x3b: {  	_ = 	snop  }
0x3c: {  	p2 =	seq.s32 s10, $0x1;
	s10 =	sld [smem:$0x3FB9]  }
0x3d: {  	_ =	shalt  }
0x3e: {  	_ =	shalt  }
0x3f: {  	_ =	shalt  }
0x40: {  	_ =	shalt  }
0x41: {  	_ =	shalt  }
0x42: {  	_ =	shalt  }
0x43: {  	_ =	shalt  }
0x44: {  	_ =	shalt  }
0x45: {  	_ =	shalt  }
0x46: {  	_ =	shalt  }
0x47: {  	_ =	shalt  }
0x48: {  	_ =	shalt  }
0x49: {  	_ =	shalt  }
0x4a: {  	_ =	shalt  }
0x4b: {  	_ =	shalt  }
0x4c: {  	_ =	shalt  }
0x4d: {  	_ =	shalt  }
0x4e: {  	_ =	shalt  }
0x4f: {  	_ =	shalt  }
0x50: {  	_ =	shalt  }
0x51: {  	_ =	shalt  }
0x52: {  	_ =	shalt  }
0x53: {  	_ =	shalt  }
0x54: {  	_ =	shalt  }
0x55: {  	_ =	shalt  }
0x56: {  	_ =	shalt  }
0x57: {  	_ =	shalt  }
0x58: {  	_ =	shalt  }
0x59: {  	_ =	shalt  }
0x5a: {  	_ =	shalt  }
0x5b: {  	_ =	shalt  }
0x5c: {  	_ =	shalt  }
0x5d: {  	_ =	shalt  }
0x5e: {  	_ =	shalt  }
0x5f: {  	_ =	shalt  }
0x60: {  	_ =	shalt  }
0x61: {  	_ =	shalt  }
0x62: {  	_ =	shalt  }
0x63: {  	_ =	shalt  }
0x64: {  	_ =	shalt  }
0x65: {  	_ =	shalt  }
0x66: {  	_ =	shalt  }
0x67: {  	_ =	shalt  }
0x68: {  	_ =	shalt  }
0x69: {  	_ =	shalt  }
0x6a: {  	_ =	shalt  }
0x6b: {  	_ =	shalt  }
0x6c: {  	_ =	shalt  }
0x6d: {  	_ =	shalt  }
0x6e: {  	_ =	shalt  }
0x6f: {  	_ =	shalt  }
0x70: {  	_ =	shalt  }
0x71: {  	_ =	shalt  }
0x72: {  	_ =	shalt  }
0x73: {  	_ =	shalt  }
0x74: {  	_ =	shalt  }
0x75: {  	_ =	shalt  }
0x76: {  	_ =	shalt  }
0x77: {  	_ =	shalt  }
0x78: {  	_ =	shalt  }
0x79: {  	_ =	shalt  }
0x7a: {  	_ =	shalt  }
0x7b: {  	_ =	shalt  }
0x7c: {  	_ =	shalt  }
0x7d: {  	_ =	shalt  }
0x7e: {  	_ =	shalt  }
0x7f: {  	_ =	shalt  }
0x80: {  	_ =	shalt  }
0x81: {  	_ =	shalt  }
0x82: {  	_ =	shalt  }
0x83: {  	_ =	shalt  }
0x84: {  	_ =	shalt  }
0x85: {  	_ =	shalt  }
0x86: {  	_ =	shalt  }
0x87: {  	_ =	shalt  }
.Lfunc_end0:
.L_simem_size_0:
called_computation_lowered:
.L_overlay_start_0:
0x88: {  	s2 =	sld [smem:$0x3FD9]  }
0x89: {  	s3 =	sld [smem:$0x3FFE];
	_ =	sdelay $0x1  }
0x8a: {  	s1 =	srdreg.scid  }
0x8b: {  	s0 =	sand.u32 $0x1, s1  }
0x8c: {  	s18 =	sshll.u32 s0, $0xA;
	s2 =	sadd.s32 s3, s2  }
0x8d: {  	s2 =	sadd.s32 s2, s18  }
0x8e: {  	[smem:$0x3FC5] =	sst s2  }
0x8f: {  	_ = 	snop  }
0x90: {  	s2 =	sld [smem:$0x3FC9]  }
0x91: {  	s19 =	sld [smem:$0x3FC8]  }
0x92: {  	s4 =	sld [smem:$0x3FC7]  }
0x93: {  	s5 =	sld [smem:$0x3FD0];
	(tm) =	ssettm $0x1  }
0x94: {  	s6 =	sld [smem:$0x3FFB];
	_ =	sdelay $0x3  }
0x95: {  	_ =	strace s6  }
0x96: {  	s6 =	sld [smem:$0x3FFC];
	_ =	sdelay $0x3  }
0x97: {  	_ =	strace s6  }
0x98: {  	s6 =	sld [smem:$0x3FFD];
	_ =	sdelay $0x3  }
0x99: {  	_ =	strace s6  }
0x9a: {  	_ =	strace $0x8FFFFFFF  }
0x9b: {  	s20 =	sld [smem:$0x3FDB];
	_ =	sdelay $0x1  }
0x9c: {  	s7 =	simm.s32 $_scs_section_size  }
0x9d: {  	s8 =	simm.s32 $_size__tile_overlayer_lowered;
	s9 =	simm.s32 $_tile_overlayer_lowered  }
0x9e: {  	s23 =	simm.s32 $0x1BFF;
	s22 =	sshll.u32 s9, $0x1;
	s6 =	sadd.s32 s7, s20  }
0x9f: {  	s10 =	simm.s32 $0x0;
	s21 =	sshll.u32 s8, $0x1;
	s8 =	sadd.s32 s22, s6  }
0xa0: {  	[timem:s10], [sflag:s23] =	dma.local [hbm:s8], s21  }
0xa1: {  	_ =	swait.ge [sflag:s23], s21  }
0xa2: {  	s7 =	ssub.s32 $0x0, s21;
	[sflag:s23] =	ssyncset.done $0x0  }
0xa3: {  	[sflag:s23] =	ssyncadd.s32 s7;
	_ =	sdelay $0x1  }
0xa4: {  	s24 =	simm.s32 $0x1B8B  }
0xa5: {  	_ =	swait.ge [sflag:s24], $0x1  }
0xa6: {  	[sflag:s24] =	ssyncset.done $0x0  }
0xa7: {  	s25 =	simm.s32 $0x1B8E;
	[sflag:s24] =	ssyncadd.s32 $0xFFFFFFFF  }
0xa8: {  	s26 =	simm.s32 $execute0_lowered;
	[smem:$0x3FD2] =	sst s25  }
0xa9: {  	s7 =	sshll.u32 s26, $0x1;
	_ =	strace $0x80000046;
	[dreg:$0x1] =	wrdreg $0xFFFFFFFF  }
0xaa: {  	s28 =	simm.s32 $_size_execute0_lowered;
	s6 =	sadd.s32 s6, s7;
	[dreg:$0x0] =	wrdreg $0x0  }
0xab: {  	s7 =	sshll.u32 s28, $0x1;
	[dreg:$0x2] =	wrdreg s6  }
0xac: {  	[dreg:$0x3] =	wrdreg s7  }
0xad: {  	[dreg:$0x4] =	wrdreg $0xC0  }
0xae: {  	_ =	task [dreg:s10], $0x5FFFF  }
0xaf: {  	[dreg:$0x1] =	wrdreg $0xFFFFFFFF  }
0xb0: {  	[dreg:$0x0] =	wrdreg $0x60  }
0xb1: {  	[dreg:$0x2] =	wrdreg s2  }
0xb2: {  	[dreg:$0x3] =	wrdreg s19  }
0xb3: {  	[dreg:$0x4] =	wrdreg s4  }
0xb4: {  	[dreg:$0x5] =	wrdreg s5  }
0xb5: {  	[dreg:$0x6] =	wrdreg $0xEC800  }
0xb6: {  	[dreg:$0x7] =	wrdreg $0x1EC880  }
0xb7: {  	[dreg:$0x8] =	wrdreg $0x9  }
0xb8: {  	_ =	task.clear_ibuf [dreg:s10], $0x9FFFF;
	_ =	strace $0x90000046  }
0xb9: {  	s29 =	simm.s32 $0x9;
	_ =	strace $0x80000048  }
0xba: {  	_ =	swait.ge [sflag:s29], $0x1  }
0xbb: {  	[sflag:s29] =	ssyncadd.s32 $0xFFFFFFFF  }
0xbc: {  	_ =	strace $0x90000048  }
0xbd: {  	_ =	sfence  }
0xbe: {  	s30 =	sld [smem:$0x0];
	_ =	sdelay $0x2  }
0xbf: {  	s31 =	sshll.u32 s1, $0xD;
	s1 =	sshrl.u32 s1, $0x2  }
0xc0: {  	s3 =	sand.u32 $0x4000, s31;
	s1 =	sadd.s32 s1, s30  }
0xc1: {  	s0 =	sor.u32 s3, s0;
	s1 =	sshll.u32 s1, $0x11  }
0xc2: {  	s0 =	sor.u32 s1, s0  }
0xc3: {  	s0 =	sadd.s32 $0x8F2B, s0  }
0xc4: {  	[sflag:s0] =	ssyncadd.remote.s32 $0x1  }
0xc5: {  	_ =	sfence.sel $0xFFFF  }
0xc6: {  	[dreg:$0x0] =	wrdreg $0xFFFFFFFF;
	(pc) =	sbr.abs _section_cstart, $3  }
0xc7: {  	[dreg:$0x1] =	wrdreg $0xFFFFFFFF  }
0xc8: {  	_ =	task.clear_ibuf [dreg:s10], $0x2FFFF;
	_ =	strace $0x9FFFFFFF  }
0xc9: {  	(tm) =	ssettm $0x7FFFFFFF  }
tec
execute0_lowered:
.L_overlay_start_1:
0x0: {  	(tag) =	ssettag $0x1  }
0x1: {  	s0 =	rddreg [dreg:$0x0]  }
0x2: {  	s1 =	rddreg [dreg:$0x1]  }
0x3: {  	s2 =	rddreg [dreg:$0x3]  }
0x4: {  	s3 =	rddreg [dreg:$0x4];
	s5 =	srdreg.scid  }
0x5: {  	s4 =	rddreg [dreg:$0x5];
	s6 =	simm.s32 $0x0;
	s12 =	stileid.u32  }
0x6: {  	s17 =	simm.s32 $0x1;
	s28 =	simm.s32 $0x400;
	s29 =	simm.s32 $0xD880  }
0x7: {  	s30 =	simm.s32 $0xDC80;
	s31 =	simm.s32 $0xE080;
	s5 =	sand.u32 $0x1, s5  }
0x8: {  	[smem:$0x7FF] =	sst s6;
	s18 =	sshll.u32 s12, $0x10;
	s10 =	sshll.u32 s12, $0x1  }
0x9: {  	s11 =	sshll.u32 s12, $0x4;
	s23 =	sshll.u32 s12, $0x7;
	s7 =	ssub.s32 $0x2, s5  }
0xa: {  	_ =	strace $0x80000047;
	s5 =	sor.u32 s5, s10;
	s13 =	sadd.s32 s11, s4  }
0xb: {  	s10 =	sand.u32 $0x600, s23;
	s23 =	simm.s32 $0x5880;
	s8 =	sshrl.u32 s7, $0x1  }
0xc: {  	s24 =	sshll.u32 s5, $0x6;
	s9 =	ssub.s32 s7, s8;
	s7 =	sadd.s32 s18, s3  }
0xd: {  	s5 =	sshll.u32 s5, $0x4;
	s1 =	sadd.s32 s1, s24;
	[dreg:$0x7] =	wrdreg s7  }
0xe: {  	s2 =	sadd.s32 s2, s10;
	s19 =	sadd.s32 $0x4000, s7;
	[dreg:$0xc] =	wrdreg s1  }
0xf: {  	s8 =	smul.u32 $0x1880, s12;
	s20 =	sadd.s32 $0x8000, s7;
	[dreg:$0x8] =	wrdreg s19  }
0x10: {  	s25 =	sand.u32 $0x70, s5;
	s7 =	sadd.s32 $0xC000, s7;
	[dreg:$0x9] =	wrdreg s20  }
0x11: {  	s24 =	simm.s32 $0xD300;
	s1 =	sadd.s32 s25, s2;
	[dreg:$0xa] =	wrdreg s7  }
0x12: {  	s26 =	smax.u32 s9, $0x1;
	s25 =	simm.s32 $0xD380;
	[dreg:$0xd] =	wrdreg s1  }
0x13: {  	s21 =	sshrl.u32 s8, $0x3;
	[dreg:$0xe] =	wrdreg s26;
	s19 =	simm.s32 $0x1880  }
0x14: {  	v0 =	vimm.s32 $0xFFFFFFFF;
	s20 =	simm.s32 $0x7100;
	s1 =	simm.s32 $0xE480;
	s22 =	sadd.s32 s0, s21  }
0x15: {  	v1 =	vlaneseq.u32;
	v2 =	vimm.s32 $0x0;
	v3 =	vimm.s32 $0x7FFFFFFF;
	s21 =	simm.s32 $0xBA80;
	[dreg:$0xb] =	wrdreg s22;
	s22 =	simm.s32 $0xA200  }
.LBB2_1:
0x16: {  	s2 =	simm.s32 $0x0;
	s5 =	simm.s32 $0x200  }
.LBB2_2:
0x17: {  	p0 =	sne.s32 s5, $0xFE00;
	[tilespmem:s2+$0x70] =	vst v0  }
0x18: {  	[tilespmem:s2+$0x0] =	vst v0  }
0x19: {  	[tilespmem:s2+$0x10] =	vst v0  }
.Ltmp0:
0x1a: {  	[tilespmem:s2+$0x20] =	vst v0;
	(pc) =	sbr.rel @p0 .LBB2_2-.Ltmp0, $4  }
0x1b: {  	[tilespmem:s2+$0x30] =	vst v0  }
0x1c: {  	[tilespmem:s2+$0x40] =	vst v0  }
0x1d: {  	[tilespmem:s2+$0x50] =	vst v0  }
0x1e: {  	[tilespmem:s2+$0x60] =	vst v0;
	s2 =	sshra.s32 s5, $0x2;
	s5 =	sadd.s32 $0x200, s5  }
0x1f: {  	[tilespmem:s2+$0x70] =	vst v0  }
0x20: {  	[tilespmem:s2+$0x0] =	vst v0  }
0x21: {  	[tilespmem:s2+$0x10] =	vst v0  }
0x22: {  	[tilespmem:s2+$0x20] =	vst v0  }
0x23: {  	[tilespmem:s2+$0x30] =	vst v0  }
0x24: {  	[tilespmem:s2+$0x40] =	vst v0  }
0x25: {  	[tilespmem:s2+$0x50] =	vst v0  }
0x26: {  	[tilespmem:s2+$0x60] =	vst v0;
	s26 =	simm.s32 $0x0;
	s5 =	rddreg [dreg:$0x7]  }
0x27: {  	[spmem:s5] =	stream.linear.scatter [tilespmem:s26], [sflag:$0x1], $0x4000, $0x38;
	[tilespmem:$0x1EC98] =	vst v63  }
0x28: {  	_ =	swait.ge [sflag:s17], $0x4000  }
0x29: {  	[sflag:s17] =	ssyncset.done $0x0  }
0x2a: {  	s7 =	rddreg [dreg:$0x8];
	[sflag:s17] =	ssyncadd.s32 $0xFFFFC000  }
0x2b: {  	[spmem:s7] =	stream.linear.scatter [tilespmem:s26], [sflag:$0x1], $0x4000, $0x38;
	[tilespmem:$0x1EC98] =	vst v63  }
0x2c: {  	_ =	swait.ge [sflag:s17], $0x4000  }
0x2d: {  	[sflag:s17] =	ssyncset.done $0x0  }
0x2e: {  	s9 =	rddreg [dreg:$0x9];
	[sflag:s17] =	ssyncadd.s32 $0xFFFFC000  }
0x2f: {  	[spmem:s9] =	stream.linear.scatter [tilespmem:s26], [sflag:$0x1], $0x4000, $0x38;
	[tilespmem:$0x1EC98] =	vst v63  }
0x30: {  	_ =	swait.ge [sflag:s17], $0x4000  }
0x31: {  	[sflag:s17] =	ssyncset.done $0x0  }
0x32: {  	s10 =	rddreg [dreg:$0xa];
	[sflag:s17] =	ssyncadd.s32 $0xFFFFC000  }
0x33: {  	[spmem:s10] =	stream.linear.scatter [tilespmem:s26], [sflag:$0x1], $0x4000, $0x38;
	[tilespmem:$0x1EC98] =	vst v63  }
0x34: {  	_ =	swait.ge [sflag:s17], $0x4000  }
0x35: {  	[sflag:s17] =	ssyncset.done $0x0  }
0x36: {  	s7 =	simm.s32 $0x4000;
	s11 =	rddreg [dreg:$0xb];
	[sflag:s17] =	ssyncadd.s32 $0xFFFFC000  }
0x37: {  	[tilespmem:s7], [sflag:$0x1] =	stream.linear.gather [hbm4b:s11+s26], $0x1880, $0x38;
	[tilespmem:$0x1EC98] =	vst v63  }
0x38: {  	_ =	swait.ge [sflag:s17], $0x1880  }
0x39: {  	[sflag:s17] =	ssyncset.done $0x0  }
0x3a: {  	s2 =	simm.s32 $0x4040;
	[sflag:s17] =	ssyncadd.s32 $0xFFFFE780  }
0x3b: {  	v4 =	vld [tilespmem:s2+$0xFFFFFFC0];
	_ =	sdelay $0x4  }
0x3c: {  	v4 =	vmul.f32 $1.048576000e+06, v4;
	_ =	sdelay $0x1  }
0x3d: {  	v4 =	vtrunc.f32 v4  }
0x3e: {  	v4 =	vcvt.f32.s32 v4;
	_ =	sdelay $0x1  }
0x3f: {  	s10 =	sadd.s32 $0x0, s8;
	v4 =	vmul.u32 $0x9E3779B9, v4  }
0x40: {  	v5 =	vmov s10  }
0x41: {  	s5 =	simm.s32 $0x58C0;
	v6 =	vor.u32 s10, v1;
	vm0 =	vgt.u32 v5, $0x1869F;
	v4 =	vshrl.u32 v4, $0xC  }
0x42: {  	s9 =	simm.s32 $0x7140;
	[tilespmem:s5+$0xFFFFFFC0] =	vst v6;
	v4 =	vsel vm0, $0x100000, v4  }
0x43: {  	s26 =	simm.s32 $0x89C0;
	[tilespmem:s9+$0xFFFFFFC0] =	vst v4;
	v4 =	vsel vm0, $0x1, v2  }
0x44: {  	[tilespmem:s26+$0xFFFFFFC0] =	vst v4  }
0x45: {  	v4 =	vld [tilespmem:s2+$0xFFFFFFD0];
	_ =	sdelay $0x4  }
0x46: {  	v4 =	vmul.f32 $1.048576000e+06, v4;
	_ =	sdelay $0x1  }
0x47: {  	v4 =	vtrunc.f32 v4  }
0x48: {  	v4 =	vcvt.f32.s32 v4;
	_ =	sdelay $0x1  }
0x49: {  	s11 =	sadd.s32 $0x10, s10;
	v4 =	vmul.u32 $0x9E3779B9, v4  }
0x4a: {  	v5 =	vmov s11  }
0x4b: {  	vm9 =	vgt.u32 v5, $0x1869F;
	v6 =	vor.u32 s11, v1;
	v4 =	vshrl.u32 v4, $0xC  }
0x4c: {  	[tilespmem:s5+$0xFFFFFFD0] =	vst v6;
	v4 =	vsel vm9, $0x100000, v4  }
0x4d: {  	[tilespmem:s9+$0xFFFFFFD0] =	vst v4;
	v4 =	vsel vm9, $0x1, v2  }
0x4e: {  	[tilespmem:s26+$0xFFFFFFD0] =	vst v4  }
0x4f: {  	v4 =	vld [tilespmem:s2+$0xFFFFFFE0];
	_ =	sdelay $0x4  }
0x50: {  	v4 =	vmul.f32 $1.048576000e+06, v4;
	_ =	sdelay $0x1  }
0x51: {  	v4 =	vtrunc.f32 v4  }
0x52: {  	v4 =	vcvt.f32.s32 v4;
	_ =	sdelay $0x1  }
0x53: {  	s12 =	sadd.s32 $0x20, s10;
	v4 =	vmul.u32 $0x9E3779B9, v4  }
0x54: {  	v5 =	vmov s12  }
0x55: {  	vm10 =	vgt.u32 v5, $0x1869F;
	v6 =	vor.u32 s12, v1;
	v4 =	vshrl.u32 v4, $0xC  }
0x56: {  	[tilespmem:s5+$0xFFFFFFE0] =	vst v6;
	v4 =	vsel vm10, $0x100000, v4  }
0x57: {  	[tilespmem:s9+$0xFFFFFFE0] =	vst v4;
	v4 =	vsel vm10, $0x1, v2  }
0x58: {  	[tilespmem:s26+$0xFFFFFFE0] =	vst v4  }
0x59: {  	v4 =	vld [tilespmem:s2+$0xFFFFFFF0];
	_ =	sdelay $0x4  }
0x5a: {  	v4 =	vmul.f32 $1.048576000e+06, v4;
	_ =	sdelay $0x1  }
0x5b: {  	v4 =	vtrunc.f32 v4  }
0x5c: {  	v4 =	vcvt.f32.s32 v4;
	_ =	sdelay $0x1  }
0x5d: {  	s14 =	sadd.s32 $0x30, s10;
	v4 =	vmul.u32 $0x9E3779B9, v4  }
0x5e: {  	v5 =	vmov s14  }
0x5f: {  	vm11 =	vgt.u32 v5, $0x1869F;
	v6 =	vor.u32 s14, v1;
	v4 =	vshrl.u32 v4, $0xC  }
0x60: {  	[tilespmem:s5+$0xFFFFFFF0] =	vst v6;
	v4 =	vsel vm11, $0x100000, v4  }
0x61: {  	[tilespmem:s9+$0xFFFFFFF0] =	vst v4;
	v4 =	vsel vm11, $0x1, v2  }
0x62: {  	[tilespmem:s26+$0xFFFFFFF0] =	vst v4  }
0x63: {  	v4 =	vld [tilespmem:s2+$0x0];
	_ =	sdelay $0x4  }
0x64: {  	v4 =	vmul.f32 $1.048576000e+06, v4;
	_ =	sdelay $0x1  }
0x65: {  	v4 =	vtrunc.f32 v4  }
0x66: {  	v4 =	vcvt.f32.s32 v4;
	_ =	sdelay $0x1  }
0x67: {  	s15 =	sadd.s32 $0x40, s10;
	v4 =	vmul.u32 $0x9E3779B9, v4  }
0x68: {  	v5 =	vmov s15  }
0x69: {  	vm12 =	vgt.u32 v5, $0x1869F;
	v6 =	vor.u32 s15, v1;
	v4 =	vshrl.u32 v4, $0xC  }
0x6a: {  	[tilespmem:s5+$0x0] =	vst v6;
	v4 =	vsel vm12, $0x100000, v4  }
0x6b: {  	[tilespmem:s9+$0x0] =	vst v4;
	v4 =	vsel vm12, $0x1, v2  }
0x6c: {  	[tilespmem:s26+$0x0] =	vst v4  }
0x6d: {  	v4 =	vld [tilespmem:s2+$0x10];
	_ =	sdelay $0x4  }
0x6e: {  	v4 =	vmul.f32 $1.048576000e+06, v4;
	_ =	sdelay $0x1  }
0x6f: {  	v4 =	vtrunc.f32 v4  }
0x70: {  	v4 =	vcvt.f32.s32 v4;
	_ =	sdelay $0x1  }
0x71: {  	s16 =	sadd.s32 $0x50, s10;
	v4 =	vmul.u32 $0x9E3779B9, v4  }
0x72: {  	v5 =	vmov s16  }
0x73: {  	vm13 =	vgt.u32 v5, $0x1869F;
	v6 =	vor.u32 s16, v1;
	v4 =	vshrl.u32 v4, $0xC  }
0x74: {  	[tilespmem:s5+$0x10] =	vst v6;
	v4 =	vsel vm13, $0x100000, v4  }
0x75: {  	[tilespmem:s9+$0x10] =	vst v4;
	v4 =	vsel vm13, $0x1, v2  }
0x76: {  	[tilespmem:s26+$0x10] =	vst v4  }
0x77: {  	v4 =	vld [tilespmem:s2+$0x20];
	_ =	sdelay $0x4  }
0x78: {  	v4 =	vmul.f32 $1.048576000e+06, v4;
	_ =	sdelay $0x1  }
0x79: {  	v4 =	vtrunc.f32 v4  }
0x7a: {  	v4 =	vcvt.f32.s32 v4;
	_ =	sdelay $0x1  }
0x7b: {  	s18 =	sadd.s32 $0x60, s10;
	v4 =	vmul.u32 $0x9E3779B9, v4  }
0x7c: {  	v5 =	vmov s18  }
0x7d: {  	vm14 =	vgt.u32 v5, $0x1869F;
	v6 =	vor.u32 s18, v1;
	v4 =	vshrl.u32 v4, $0xC  }
0x7e: {  	[tilespmem:s5+$0x20] =	vst v6;
	v4 =	vsel vm14, $0x100000, v4  }
0x7f: {  	[tilespmem:s9+$0x20] =	vst v4;
	v4 =	vsel vm14, $0x1, v2  }
0x80: {  	[tilespmem:s26+$0x20] =	vst v4  }
0x81: {  	v4 =	vld [tilespmem:s2+$0x30];
	_ =	sdelay $0x4  }
0x82: {  	v4 =	vmul.f32 $1.048576000e+06, v4;
	_ =	sdelay $0x1  }
0x83: {  	v4 =	vtrunc.f32 v4  }
0x84: {  	v4 =	vcvt.f32.s32 v4;
	_ =	sdelay $0x1  }
0x85: {  	s10 =	sadd.s32 $0x70, s10;
	v4 =	vmul.u32 $0x9E3779B9, v4  }
0x86: {  	v5 =	vmov s10  }
0x87: {  	vm15 =	vgt.u32 v5, $0x1869F;
	v6 =	vor.u32 s10, v1;
	v4 =	vshrl.u32 v4, $0xC  }
0x88: {  	[tilespmem:s5+$0x30] =	vst v6;
	v4 =	vsel vm15, $0x100000, v4  }
0x89: {  	s18 =	simm.s32 $0x80;
	[tilespmem:s9+$0x30] =	vst v4;
	v4 =	vsel vm15, $0x1, v2;
	s9 =	simm.s32 $0x71C0  }
.LBB2_4:
0x8a: {  	[tilespmem:s26+$0x30] =	vst v4;
	s2 =	sadd.s32 $0x80, s2;
	s5 =	sadd.s32 $0x80, s5;
	s26 =	sadd.s32 $0x80, s26  }
0x8b: {  	p0 =	sne.s32 s18, $0x1800;
	s10 =	smov.u32 s18;
	s18 =	sadd.s32 $0x80, s18;
	v4 =	vld [tilespmem:s2+$0xFFFFFFC0]  }
0x8c: {  	_ =	sdelay $0x3  }
0x8d: {  	v4 =	vmul.f32 $1.048576000e+06, v4;
	_ =	sdelay $0x1  }
0x8e: {  	v4 =	vtrunc.f32 v4  }
0x8f: {  	v4 =	vcvt.f32.s32 v4;
	_ =	sdelay $0x1  }
0x90: {  	s10 =	sadd.s32 s10, s8;
	v4 =	vmul.u32 $0x9E3779B9, v4  }
0x91: {  	v5 =	vmov s10;
	v6 =	vor.u32 s10, v1;
	s7 =	sadd.s32 $0x10, s10;
	s16 =	sadd.s32 $0x20, s10;
	s15 =	sadd.s32 $0x30, s10  }
0x92: {  	s14 =	sadd.s32 $0x40, s10;
	s12 =	sadd.s32 $0x50, s10;
	s11 =	sadd.s32 $0x60, s10;
	vm0 =	vgt.u32 v5, $0x1869F;
	v7 =	vmov s7;
	v4 =	vshrl.u32 v4, $0xC  }
0x93: {  	s10 =	sadd.s32 $0x70, s10;
	v8 =	vmov s16;
	v9 =	vmov s15;
	[tilespmem:s5+$0xFFFFFFC0] =	vst v6;
	v4 =	vsel vm0, $0x100000, v4  }
0x94: {  	v10 =	vmov s14;
	v6 =	vmov s12;
	[tilespmem:s9+$0xFFFFFFC0] =	vst v4;
	v4 =	vsel vm0, $0x1, v2  }
0x95: {  	v5 =	vmov s11;
	[tilespmem:s26+$0xFFFFFFC0] =	vst v4;
	v4 =	vmov s10  }
0x96: {  	v11 =	vld [tilespmem:s2+$0xFFFFFFD0];
	_ =	sdelay $0x4  }
0x97: {  	v11 =	vmul.f32 $1.048576000e+06, v11;
	_ =	sdelay $0x1  }
0x98: {  	v11 =	vtrunc.f32 v11  }
0x99: {  	v11 =	vcvt.f32.s32 v11;
	_ =	sdelay $0x1  }
0x9a: {  	v11 =	vmul.u32 $0x9E3779B9, v11;
	_ =	sdelay $0x1  }
0x9b: {  	v12 =	vor.u32 s7, v1;
	vm0 =	vgt.u32 v7, $0x1869F;
	v11 =	vshrl.u32 v11, $0xC  }
0x9c: {  	[tilespmem:s5+$0xFFFFFFD0] =	vst v12;
	v7 =	vsel vm0, $0x100000, v11  }
0x9d: {  	[tilespmem:s9+$0xFFFFFFD0] =	vst v7;
	v7 =	vsel vm0, $0x1, v2  }
0x9e: {  	[tilespmem:s26+$0xFFFFFFD0] =	vst v7  }
0x9f: {  	v7 =	vld [tilespmem:s2+$0xFFFFFFE0];
	_ =	sdelay $0x4  }
0xa0: {  	v7 =	vmul.f32 $1.048576000e+06, v7;
	_ =	sdelay $0x1  }
0xa1: {  	v7 =	vtrunc.f32 v7  }
0xa2: {  	v7 =	vcvt.f32.s32 v7;
	_ =	sdelay $0x1  }
0xa3: {  	v7 =	vmul.u32 $0x9E3779B9, v7;
	_ =	sdelay $0x1  }
0xa4: {  	v11 =	vor.u32 s16, v1;
	vm0 =	vgt.u32 v8, $0x1869F;
	v7 =	vshrl.u32 v7, $0xC  }
0xa5: {  	[tilespmem:s5+$0xFFFFFFE0] =	vst v11;
	v7 =	vsel vm0, $0x100000, v7  }
0xa6: {  	[tilespmem:s9+$0xFFFFFFE0] =	vst v7;
	v7 =	vsel vm0, $0x1, v2  }
0xa7: {  	[tilespmem:s26+$0xFFFFFFE0] =	vst v7  }
0xa8: {  	v7 =	vld [tilespmem:s2+$0xFFFFFFF0];
	_ =	sdelay $0x4  }
0xa9: {  	v7 =	vmul.f32 $1.048576000e+06, v7;
	_ =	sdelay $0x1  }
0xaa: {  	v7 =	vtrunc.f32 v7  }
0xab: {  	v7 =	vcvt.f32.s32 v7;
	_ =	sdelay $0x1  }
0xac: {  	v7 =	vmul.u32 $0x9E3779B9, v7;
	_ =	sdelay $0x1  }
0xad: {  	v8 =	vor.u32 s15, v1;
	vm0 =	vgt.u32 v9, $0x1869F;
	v7 =	vshrl.u32 v7, $0xC  }
0xae: {  	[tilespmem:s5+$0xFFFFFFF0] =	vst v8;
	v7 =	vsel vm0, $0x100000, v7  }
0xaf: {  	[tilespmem:s9+$0xFFFFFFF0] =	vst v7;
	v7 =	vsel vm0, $0x1, v2  }
0xb0: {  	[tilespmem:s26+$0xFFFFFFF0] =	vst v7  }
0xb1: {  	v7 =	vor.u32 s14, v1;
	v8 =	vld [tilespmem:s2+$0x0]  }
0xb2: {  	[tilespmem:s5+$0x0] =	vst v7;
	_ =	sdelay $0x3  }
0xb3: {  	v7 =	vmul.f32 $1.048576000e+06, v8;
	_ =	sdelay $0x1  }
0xb4: {  	v7 =	vtrunc.f32 v7  }
0xb5: {  	v7 =	vcvt.f32.s32 v7;
	_ =	sdelay $0x1  }
0xb6: {  	v7 =	vmul.u32 $0x9E3779B9, v7;
	_ =	sdelay $0x1  }
0xb7: {  	vm0 =	vgt.u32 v10, $0x1869F;
	v7 =	vshrl.u32 v7, $0xC  }
0xb8: {  	v7 =	vsel vm0, $0x100000, v7  }
0xb9: {  	[tilespmem:s9+$0x0] =	vst v7;
	v7 =	vsel vm0, $0x1, v2  }
0xba: {  	[tilespmem:s26+$0x0] =	vst v7  }
0xbb: {  	v7 =	vor.u32 s12, v1;
	v8 =	vld [tilespmem:s2+$0x10]  }
0xbc: {  	[tilespmem:s5+$0x10] =	vst v7;
	_ =	sdelay $0x3  }
0xbd: {  	v7 =	vmul.f32 $1.048576000e+06, v8;
	_ =	sdelay $0x1  }
0xbe: {  	v7 =	vtrunc.f32 v7  }
0xbf: {  	v7 =	vcvt.f32.s32 v7;
	_ =	sdelay $0x1  }
0xc0: {  	v7 =	vmul.u32 $0x9E3779B9, v7;
	_ =	sdelay $0x1  }
0xc1: {  	vm0 =	vgt.u32 v6, $0x1869F;
	v7 =	vshrl.u32 v7, $0xC  }
0xc2: {  	v6 =	vsel vm0, $0x100000, v7  }
0xc3: {  	[tilespmem:s9+$0x10] =	vst v6;
	v6 =	vsel vm0, $0x1, v2  }
0xc4: {  	[tilespmem:s26+$0x10] =	vst v6  }
0xc5: {  	v6 =	vor.u32 s11, v1;
	v7 =	vld [tilespmem:s2+$0x20]  }
0xc6: {  	[tilespmem:s5+$0x20] =	vst v6;
	_ =	sdelay $0x3  }
0xc7: {  	v6 =	vmul.f32 $1.048576000e+06, v7;
	_ =	sdelay $0x1  }
0xc8: {  	v6 =	vtrunc.f32 v6  }
0xc9: {  	v6 =	vcvt.f32.s32 v6;
	_ =	sdelay $0x1  }
0xca: {  	v6 =	vmul.u32 $0x9E3779B9, v6;
	_ =	sdelay $0x1  }
0xcb: {  	vm0 =	vgt.u32 v5, $0x1869F;
	v6 =	vshrl.u32 v6, $0xC  }
0xcc: {  	v5 =	vsel vm0, $0x100000, v6  }
0xcd: {  	[tilespmem:s9+$0x20] =	vst v5;
	v5 =	vsel vm0, $0x1, v2  }
0xce: {  	[tilespmem:s26+$0x20] =	vst v5  }
0xcf: {  	v5 =	vor.u32 s10, v1;
	v6 =	vld [tilespmem:s2+$0x30]  }
0xd0: {  	[tilespmem:s5+$0x30] =	vst v5;
	_ =	sdelay $0x3  }
0xd1: {  	v5 =	vmul.f32 $1.048576000e+06, v6;
	_ =	sdelay $0x1  }
0xd2: {  	v5 =	vtrunc.f32 v5  }
0xd3: {  	v5 =	vcvt.f32.s32 v5;
	_ =	sdelay $0x1  }
.Ltmp1:
0xd4: {  	v5 =	vmul.u32 $0x9E3779B9, v5;
	(pc) =	sbr.rel @p0 .LBB2_4-.Ltmp1, $4  }
0xd5: {  	_ = 	snop  }
0xd6: {  	vm0 =	vgt.u32 v4, $0x1869F;
	v5 =	vshrl.u32 v5, $0xC  }
0xd7: {  	v4 =	vsel vm0, $0x100000, v5  }
0xd8: {  	[tilespmem:s9+$0x30] =	vst v4;
	v4 =	vsel vm0, $0x1, v2;
	s9 =	sadd.s32 $0x80, s9  }
.Ltmp2:
0xd9: {  	(pc) =	sbr.rel .LBB2_6-.Ltmp2, $4  }
0xda: {  	_ = 	snop  }
0xdb: {  	[tilespmem:s26+$0x30] =	vst v4  }
0xdc: {  	[bflag:$0x0] =	sbarrier.arrive $0xFFFF  }
0xdd: {  	s5 =	simm.s32 $0x0;
	s2 =	simm.s32 $0x186A0  }
.LBB2_12:
0xde: {  	s5 =	sadd.s32 $0x1, s5  }
0xdf: {  	p0 =	sne.s32 s5, $0x18  }
.Ltmp3:
0xe0: {  	_ = 	snop;
	(pc) =	sbr.rel @!p0 .LBB2_13-.Ltmp3, $1  }
0xe1: {  	_ =	sdelay $0x3  }
.LBB2_6:
0xe2: {  	p0 =	slt.s32 s2, $0x1  }
.Ltmp4:
0xe3: {  	_ = 	snop;
	(pc) =	sbr.rel @p0 .LBB2_12-.Ltmp4, $1  }
0xe4: {  	_ =	sdelay $0x3  }
0xe5: {  	[tilespmem:s21], [sflag:$0x1] =	stream.indirect.gather [spmem:s3], $0x1, s20, s19, $0xb8;
	[tilespmem:$0x1EC98] =	vst v63  }
0xe6: {  	_ =	swait.ge [sflag:s17], $0x1880  }
0xe7: {  	[sflag:s17] =	ssyncset.done $0x0  }
0xe8: {  	s2 =	simm.s32 $0x0;
	[sflag:s17] =	ssyncadd.s32 $0xFFFFE780  }
0xe9: {  	v4 =	vld [tilespmem:s2+$0x89F0]  }
0xea: {  	v5 =	vld [tilespmem:s2+$0xBAF0]  }
0xeb: {  	v6 =	vld [tilespmem:s2+$0x8980]  }
0xec: {  	v7 =	vld [tilespmem:s2+$0x7170]  }
0xed: {  	v8 =	vld [tilespmem:s2+$0xBA80]  }
0xee: {  	v9 =	vld [tilespmem:s2+$0x8990]  }
0xef: {  	v10 =	vld [tilespmem:s2+$0xBA90]  }
0xf0: {  	v11 =	vld [tilespmem:s2+$0x89B0]  }
0xf1: {  	v12 =	vld [tilespmem:s2+$0x89C0]  }
0xf2: {  	v13 =	vld [tilespmem:s2+$0xBAC0]  }
0xf3: {  	v14 =	vld [tilespmem:s2+$0x89D0]  }
0xf4: {  	v15 =	vld [tilespmem:s2+$0xBAD0]  }
0xf5: {  	v16 =	vld [tilespmem:s2+$0x89E0]  }
0xf6: {  	v17 =	vld [tilespmem:s2+$0xBAE0]  }
0xf7: {  	vm0 =	veq.s32 v4, $0x1;
	vm1 =	veq.s32 v5, $0xFFFFFFFF;
	v4 =	vld [tilespmem:s2+$0x89A0]  }
0xf8: {  	v5 =	vld [tilespmem:s2+$0xBAA0];
	vm0 =	vmor vm0, vm1  }
0xf9: {  	v18 =	vld [tilespmem:s2+$0x7100];
	v7 =	vnsel vm0, $0x100000, v7  }
0xfa: {  	vm2 =	veq.s32 v9, $0x1;
	vm3 =	veq.s32 v10, $0xFFFFFFFF;
	vm6 =	veq.s32 v11, $0x1;
	[tilespmem:s2+$0xA270] =	vst v7;
	v7 =	vld [tilespmem:s2+$0xBAB0]  }
0xfb: {  	v19 =	vld [tilespmem:s2+$0x7110];
	vm7 =	veq.s32 v12, $0x1;
	vm8 =	veq.s32 v13, $0xFFFFFFFF;
	vm14 =	veq.s32 v16, $0x1  }
0xfc: {  	v9 =	vld [tilespmem:s2+$0x7120];
	vm15 =	veq.s32 v17, $0xFFFFFFFF;
	vm1 =	veq.s32 v8, $0xFFFFFFFF;
	vm2 =	vmor vm2, vm3  }
0xfd: {  	vm0 =	veq.s32 v6, $0x1;
	vm4 =	veq.s32 v4, $0x1;
	vm5 =	veq.s32 v5, $0xFFFFFFFF;
	v4 =	vld [tilespmem:s2+$0x7130]  }
0xfe: {  	vm3 =	veq.s32 v14, $0x1;
	vm0 =	vmor vm0, vm1;
	v5 =	vld [tilespmem:s2+$0x7140];
	vm4 =	vmor vm4, vm5  }
0xff: {  	v6 =	vld [tilespmem:s2+$0x7150];
	vm5 =	veq.s32 v15, $0xFFFFFFFF;
	vm1 =	veq.s32 v7, $0xFFFFFFFF;
	v7 =	vnsel vm0, $0x100000, v18  }
0x100: {  	s9 =	simm.s32 $0x80;
	v8 =	vld [tilespmem:s2+$0x7160];
	v10 =	vnsel vm2, $0x100000, v19;
	vm2 =	vmor vm3, vm5;
	vm3 =	vmor vm14, vm15;
	[tilespmem:s2+$0xA200] =	vst v7  }
0x101: {  	s10 =	simm.s32 $0x400;
	v9 =	vnsel vm4, $0x100000, v9;
	vm0 =	vmor vm6, vm1;
	vm1 =	vmor vm7, vm8;
	v7 =	vld [tilespmem:s9+$0x89F0];
	[tilespmem:s2+$0xA210] =	vst v10  }
.LBB2_8:
0x102: {  	p0 =	sne.s32 s10, $0x6000;
	v10 =	vld [tilespmem:s9+$0xBAF0];
	[tilespmem:s2+$0xA220] =	vst v9;
	v4 =	vnsel vm0, $0x100000, v4  }
0x103: {  	v9 =	vld [tilespmem:s9+$0x8980];
	[tilespmem:s2+$0xA230] =	vst v4;
	v4 =	vnsel vm1, $0x100000, v5  }
0x104: {  	v5 =	vld [tilespmem:s9+$0x7170];
	[tilespmem:s2+$0xA240] =	vst v4;
	v4 =	vnsel vm2, $0x100000, v6  }
0x105: {  	v6 =	vld [tilespmem:s9+$0xBA80];
	[tilespmem:s2+$0xA250] =	vst v4;
	v4 =	vnsel vm3, $0x100000, v8  }
0x106: {  	v8 =	vld [tilespmem:s9+$0x8990];
	[tilespmem:s2+$0xA260] =	vst v4;
	s2 =	smov.u32 s9  }
0x107: {  	vm0 =	veq.s32 v7, $0x1;
	v4 =	vld [tilespmem:s2+$0xBA90];
	vm1 =	veq.s32 v10, $0xFFFFFFFF  }
0x108: {  	vm2 =	veq.s32 v9, $0x1;
	v7 =	vld [tilespmem:s2+$0x89A0];
	vm0 =	vmor vm0, vm1  }
0x109: {  	v9 =	vld [tilespmem:s2+$0xBAA0];
	v5 =	vnsel vm0, $0x100000, v5  }
0x10a: {  	vm0 =	veq.s32 v6, $0xFFFFFFFF;
	v6 =	vld [tilespmem:s2+$0x89B0];
	[tilespmem:s2+$0xA270] =	vst v5  }
0x10b: {  	vm3 =	vmor vm2, vm0;
	vm0 =	veq.s32 v8, $0x1;
	v5 =	vld [tilespmem:s2+$0xBAB0]  }
0x10c: {  	vm1 =	veq.s32 v4, $0xFFFFFFFF;
	v4 =	vld [tilespmem:s2+$0x89C0]  }
0x10d: {  	vm4 =	vmor vm0, vm1;
	vm0 =	veq.s32 v7, $0x1;
	v7 =	vld [tilespmem:s2+$0xBAC0]  }
0x10e: {  	vm1 =	veq.s32 v9, $0xFFFFFFFF;
	v8 =	vld [tilespmem:s2+$0x89D0]  }
0x10f: {  	vm5 =	vmor vm0, vm1;
	vm0 =	veq.s32 v6, $0x1;
	v6 =	vld [tilespmem:s2+$0xBAD0]  }
0x110: {  	vm1 =	veq.s32 v5, $0xFFFFFFFF;
	v5 =	vld [tilespmem:s2+$0x89E0]  }
0x111: {  	vm0 =	vmor vm0, vm1;
	vm1 =	veq.s32 v4, $0x1;
	v9 =	vld [tilespmem:s2+$0xBAE0]  }
0x112: {  	v10 =	vld [tilespmem:s2+$0x7100];
	vm2 =	veq.s32 v7, $0xFFFFFFFF  }
0x113: {  	v7 =	vld [tilespmem:s2+$0x7110];
	vm1 =	vmor vm1, vm2;
	vm2 =	veq.s32 v8, $0x1  }
0x114: {  	v11 =	vld [tilespmem:s2+$0x7120];
	vm6 =	veq.s32 v6, $0xFFFFFFFF  }
.Ltmp5:
0x115: {  	v4 =	vld [tilespmem:s2+$0x7130];
	vm2 =	vmor vm2, vm6;
	vm6 =	veq.s32 v5, $0x1;
	(pc) =	sbr.rel @p0 .LBB2_8-.Ltmp5, $4  }
0x116: {  	v5 =	vld [tilespmem:s2+$0x7140];
	vm7 =	veq.s32 v9, $0xFFFFFFFF  }
0x117: {  	v8 =	vnsel vm3, $0x100000, v10;
	v6 =	vld [tilespmem:s2+$0x7150];
	vm3 =	vmor vm6, vm7  }
0x118: {  	s9 =	sshra.s32 s10, $0x2;
	[tilespmem:s2+$0xA200] =	vst v8;
	v9 =	vnsel vm4, $0x100000, v7;
	v8 =	vld [tilespmem:s2+$0x7160]  }
0x119: {  	s10 =	sadd.s32 $0x200, s10;
	v7 =	vld [tilespmem:s9+$0x89F0];
	[tilespmem:s2+$0xA210] =	vst v9;
	v9 =	vnsel vm5, $0x100000, v11  }
0x11a: {  	v10 =	vld [tilespmem:s9+$0xBAF0];
	[tilespmem:s2+$0xA220] =	vst v9;
	v4 =	vnsel vm0, $0x100000, v4  }
0x11b: {  	v9 =	vld [tilespmem:s9+$0x8980];
	[tilespmem:s2+$0xA230] =	vst v4;
	v4 =	vnsel vm1, $0x100000, v5  }
0x11c: {  	v5 =	vld [tilespmem:s9+$0x7170];
	[tilespmem:s2+$0xA240] =	vst v4;
	v4 =	vnsel vm2, $0x100000, v6  }
0x11d: {  	v6 =	vld [tilespmem:s9+$0xBA80];
	[tilespmem:s2+$0xA250] =	vst v4;
	v4 =	vnsel vm3, $0x100000, v8  }
0x11e: {  	v8 =	vld [tilespmem:s9+$0x8990];
	[tilespmem:s2+$0xA260] =	vst v4  }
0x11f: {  	v4 =	vld [tilespmem:s9+$0xBA90]  }
0x120: {  	vm0 =	veq.s32 v7, $0x1;
	v7 =	vld [tilespmem:s9+$0x89A0]  }
0x121: {  	vm1 =	veq.s32 v10, $0xFFFFFFFF;
	v10 =	vld [tilespmem:s9+$0xBAA0]  }
0x122: {  	v11 =	vld [tilespmem:s9+$0x89B0]  }
0x123: {  	v12 =	vld [tilespmem:s9+$0x89C0]  }
0x124: {  	v13 =	vld [tilespmem:s9+$0xBAC0]  }
0x125: {  	v14 =	vld [tilespmem:s9+$0x89D0]  }
0x126: {  	v15 =	vld [tilespmem:s9+$0xBAD0]  }
0x127: {  	v16 =	vld [tilespmem:s9+$0x89E0];
	vm0 =	vmor vm0, vm1  }
0x128: {  	v18 =	vld [tilespmem:s9+$0x7100];
	v5 =	vnsel vm0, $0x100000, v5  }
0x129: {  	[tilespmem:s9+$0xA270] =	vst v5;
	v5 =	vld [tilespmem:s9+$0xBAB0]  }
0x12a: {  	v17 =	vld [tilespmem:s9+$0xBAE0]  }
0x12b: {  	v19 =	vld [tilespmem:s9+$0x7110];
	vm0 =	veq.s32 v9, $0x1;
	vm1 =	veq.s32 v6, $0xFFFFFFFF  }
0x12c: {  	v6 =	vld [tilespmem:s9+$0x7120];
	vm0 =	vmor vm0, vm1;
	vm1 =	veq.s32 v8, $0x1  }
0x12d: {  	v8 =	vld [tilespmem:s9+$0x7130];
	vm2 =	veq.s32 v4, $0xFFFFFFFF;
	vm3 =	veq.s32 v7, $0x1;
	vm4 =	veq.s32 v10, $0xFFFFFFFF  }
0x12e: {  	v4 =	vld [tilespmem:s9+$0x7140];
	vm5 =	veq.s32 v11, $0x1;
	vm6 =	veq.s32 v5, $0xFFFFFFFF;
	v5 =	vnsel vm0, $0x100000, v18  }
0x12f: {  	v7 =	vld [tilespmem:s9+$0x7150];
	vm0 =	vmor vm1, vm2;
	vm1 =	vmor vm3, vm4;
	vm3 =	veq.s32 v12, $0x1  }
0x130: {  	v9 =	vld [tilespmem:s9+$0x7160];
	vm4 =	veq.s32 v13, $0xFFFFFFFF;
	vm2 =	vmor vm5, vm6;
	[tilespmem:s9+$0xA200] =	vst v5;
	v5 =	vnsel vm0, $0x100000, v19  }
0x131: {  	vm0 =	veq.s32 v14, $0x1;
	vm5 =	veq.s32 v15, $0xFFFFFFFF;
	[tilespmem:s9+$0xA210] =	vst v5;
	v5 =	vnsel vm1, $0x100000, v6  }
0x132: {  	vm1 =	vmor vm3, vm4;
	vm0 =	vmor vm0, vm5;
	[tilespmem:s9+$0xA220] =	vst v5;
	v5 =	vnsel vm2, $0x100000, v8  }
0x133: {  	vm3 =	veq.s32 v17, $0xFFFFFFFF;
	vm2 =	veq.s32 v16, $0x1;
	v4 =	vnsel vm1, $0x100000, v4;
	[tilespmem:s9+$0xA230] =	vst v5  }
0x134: {  	vm1 =	vmor vm2, vm3;
	[tilespmem:s9+$0xA240] =	vst v4;
	v4 =	vnsel vm0, $0x100000, v7  }
0x135: {  	[tilespmem:s9+$0xA250] =	vst v4;
	v4 =	vnsel vm1, $0x100000, v9  }
0x136: {  	[tilespmem:s9+$0xA260] =	vst v4  }
0x137: {  	[bflag:$0x0] =	sbarrier.arrive $0xFFFF  }
0x138: {  	[spmem:s3] =	stream.indirect.scatter [tilespmem:s23], [sflag:$0x1], $0x1, s22, s19, $0xb8;
	[tilespmem:$0x1EC98] =	vst v63  }
0x139: {  	_ =	swait.ge [sflag:s17], $0x1880  }
0x13a: {  	[sflag:s17] =	ssyncset.done $0x0  }
0x13b: {  	[sflag:s17] =	ssyncadd.s32 $0xFFFFE780  }
0x13c: {  	[bflag:$0x0] =	sbarrier.arrive $0xFFFF  }
0x13d: {  	[tilespmem:s21], [sflag:$0x1] =	stream.indirect.gather [spmem:s3], $0x1, s22, s19, $0xb8;
	[tilespmem:$0x1EC98] =	vst v63  }
0x13e: {  	_ =	swait.ge [sflag:s17], $0x1880  }
0x13f: {  	[sflag:s17] =	ssyncset.done $0x0  }
0x140: {  	s2 =	simm.s32 $0x0;
	[sflag:s17] =	ssyncadd.s32 $0xFFFFE780  }
0x141: {  	v7 =	vld [tilespmem:s2+$0x89F0]  }
0x142: {  	v8 =	vld [tilespmem:s2+$0x58F0]  }
0x143: {  	v10 =	vld [tilespmem:s2+$0xBAF0]  }
0x144: {  	v11 =	vld [tilespmem:s2+$0xA270]  }
0x145: {  	v20 =	vld [tilespmem:s2+$0x7140]  }
0x146: {  	v16 =	vld [tilespmem:s2+$0xBAC0]  }
0x147: {  	v18 =	vld [tilespmem:s2+$0x89C0]  }
0x148: {  	v21 =	vld [tilespmem:s2+$0x58C0]  }
0x149: {  	v22 =	vld [tilespmem:s2+$0xA240]  }
0x14a: {  	v23 =	vld [tilespmem:s2+$0x7150]  }
0x14b: {  	v5 =	vld [tilespmem:s2+$0x7100]  }
0x14c: {  	v9 =	vld [tilespmem:s2+$0x7120]  }
0x14d: {  	v12 =	vld [tilespmem:s2+$0x58B0]  }
0x14e: {  	v4 =	vld [tilespmem:s2+$0x7160]  }
0x14f: {  	v14 =	vld [tilespmem:s2+$0xBAB0]  }
0x150: {  	v19 =	vld [tilespmem:s2+$0x58A0]  }
0x151: {  	v25 =	vld [tilespmem:s2+$0x58D0]  }
0x152: {  	v27 =	vld [tilespmem:s2+$0xBAA0]  }
0x153: {  	v28 =	vld [tilespmem:s2+$0xBAD0]  }
0x154: {  	v29 =	vld [tilespmem:s2+$0xA220]  }
0x155: {  	v32 =	vld [tilespmem:s2+$0xA250];
	v17 =	vadd.s32 $0x1, v20;
	v30 =	vadd.s32 $0xFFF00001, v20  }
0x156: {  	v6 =	vld [tilespmem:s2+$0x7170];
	vm2 =	veq.s32 v14, v12;
	v12 =	vadd.s32 $0xFFF00001, v23;
	vm3 =	vne.s32 v11, $0x100000  }
0x157: {  	v24 =	vld [tilespmem:s2+$0x89A0];
	vm4 =	veq.s32 v27, v19;
	v14 =	vadd.s32 $0x1, v4;
	vm5 =	veq.s32 v18, $0x1  }
0x158: {  	v26 =	vld [tilespmem:s2+$0xA230];
	vm6 =	vne.s32 v22, $0x100000;
	vm7 =	veq.s32 v16, v21;
	vm8 =	veq.s32 v28, v25  }
0x159: {  	v13 =	vld [tilespmem:s2+$0x5890];
	vm9 =	vne.s32 v29, $0x100000;
	v28 =	vadd.s32 $0x1, v9;
	v22 =	vadd.s32 $0xFFF00001, v4  }
0x15a: {  	v15 =	vld [tilespmem:s2+$0xBA90];
	vm0 =	vgt.s32 v17, $0xFFFFF;
	vm6 =	vmand vm6, vm7;
	vm7 =	vne.s32 v32, $0x100000  }
0x15b: {  	v31 =	vld [tilespmem:s2+$0x89D0];
	vm4 =	vmand vm9, vm4;
	v30 =	vsel vm0, v30, v17;
	v17 =	vadd.s32 $0x1, v5  }
0x15c: {  	v33 =	vld [tilespmem:s2+$0x5880];
	vm0 =	veq.s32 v10, v8;
	v8 =	vadd.s32 $0xFFF00001, v5;
	vm6 =	vmor vm5, vm6  }
0x15d: {  	v34 =	vld [tilespmem:s2+$0xBA80];
	vm1 =	vgt.s32 v17, $0xFFFFF;
	vm0 =	vmand vm3, vm0;
	vm3 =	vne.s32 v26, $0x100000  }
0x15e: {  	v19 =	vld [tilespmem:s2+$0xA210];
	v20 =	vsel vm6, v20, v30;
	v30 =	vadd.s32 $0xFFF00001, v9;
	v10 =	vsel vm1, v8, v17  }
0x15f: {  	v18 =	vld [tilespmem:s2+$0xA260];
	v8 =	vadd.s32 $0x1, v23;
	vm2 =	vmand vm3, vm2;
	vm3 =	veq.s32 v7, $0x1  }
0x160: {  	v21 =	vld [tilespmem:s2+$0xBAE0];
	vm1 =	vgt.s32 v8, $0xFFFFF;
	vm0 =	vmor vm3, vm0;
	vm3 =	veq.s32 v31, $0x1  }
0x161: {  	v16 =	vld [tilespmem:s2+$0x58E0];
	v11 =	vsel vm1, v12, v8;
	v8 =	vimm.s32 $0x0;
	vm5 =	vmneg vm0  }
0x162: {  	[tilespmem:s2+$0x7140] =	vst v20;
	vm1 =	veq.s32 v24, $0x1;
	v12 =	vld [tilespmem:s2+$0x7130];
	v20 =	vsel vm0, $0x1, v2;
	v7 =	vsel vm5, $0x1, v2  }
0x163: {  	v17 =	vld [tilespmem:s2+$0xA200];
	vm5 =	vmand vm7, vm8;
	[tilespmem:s2+$0x89F0] =	vst v20;
	v20 =	vadd.s32 $0xFFF00001, v6;
	vm7 =	vgt.s32 v28, $0xFFFFF  }
0x164: {  	v25 =	vld [tilespmem:s2+$0x89B0];
	vm5 =	vmor vm3, vm5;
	vm3 =	vmor vm1, vm4;
	vm1 =	vmneg vm6  }
0x165: {  	v26 =	vld [tilespmem:s2+$0x8990];
	vm4 =	veq.s32 v34, v33;
	v30 =	vsel vm7, v30, v28;
	v11 =	vsel vm5, v23, v11  }
0x166: {  	v24 =	vld [tilespmem:s2+$0x8980];
	v28 =	vsel vm6, $0x1, v2;
	v23 =	vsel vm3, $0x1, v2;
	[tilespmem:s2+$0x7150] =	vst v11;
	v11 =	vsel vm1, $0x1, v2  }
0x167: {  	s9 =	simm.s32 $0x200;
	[tilespmem:s2+$0x89A0] =	vst v23;
	vm1 =	vmneg vm5;
	v23 =	vld [tilespmem:s2+$0x89E0];
	v27 =	vadd.s32 $0xFFF00001, v12;
	v29 =	vadd.s32 $0x1, v12  }
.LBB2_10:
0x168: {  	s10 =	sshra.s32 s9, $0x2;
	p0 =	sne.s32 s9, $0x6000;
	s9 =	sadd.s32 $0x200, s9;
	vm6 =	vne.s32 v17, $0x100000;
	v31 =	vld [tilespmem:s2+$0x7110];
	vm7 =	veq.s32 v15, v13;
	vm8 =	vgt.s32 v29, $0xFFFFF  }
0x169: {  	v13 =	vsel vm5, $0x1, v2;
	vm5 =	vgt.s32 v14, $0xFFFFF;
	v17 =	vld [tilespmem:s10+$0x89F0];
	vm9 =	veq.s32 v25, $0x1  }
0x16a: {  	v9 =	vsel vm3, v9, v30;
	v25 =	vsel vm8, v27, v29;
	vm8 =	veq.s32 v21, v16;
	v15 =	vld [tilespmem:s10+$0x58F0];
	[tilespmem:s2+$0x89C0] =	vst v28  }
0x16b: {  	vm11 =	vne.s32 v19, $0x100000;
	v14 =	vsel vm5, v22, v14;
	v21 =	vld [tilespmem:s10+$0xBAF0];
	vm10 =	veq.s32 v26, $0x1;
	[tilespmem:s2+$0x7120] =	vst v9  }
0x16c: {  	vm12 =	veq.s32 v24, $0x1;
	vm5 =	vmor vm9, vm2;
	v9 =	vadd.s32 $0x1, v6;
	v19 =	vld [tilespmem:s10+$0xA270];
	[tilespmem:s2+$0x89D0] =	vst v13  }
0x16d: {  	vm2 =	vmand vm11, vm7;
	v13 =	vsel vm5, $0x1, v2;
	vm7 =	vgt.s32 v9, $0xFFFFF;
	v16 =	vld [tilespmem:s10+$0x7140]  }
0x16e: {  	vm3 =	vmneg vm3;
	vm4 =	vmand vm6, vm4;
	vm6 =	vne.s32 v18, $0x100000;
	v22 =	vld [tilespmem:s10+$0xBAC0];
	[tilespmem:s2+$0x89B0] =	vst v13  }
0x16f: {  	v24 =	vsel vm3, $0x1, v2;
	vm6 =	vmand vm6, vm8;
	vm2 =	vmor vm10, vm2;
	v18 =	vld [tilespmem:s10+$0x89C0]  }
0x170: {  	vm3 =	vmor vm12, vm4;
	vm4 =	veq.s32 v23, $0x1;
	v9 =	vsel vm7, v20, v9;
	v26 =	vld [tilespmem:s10+$0x58C0]  }
0x171: {  	v5 =	vsel vm3, v5, v10;
	vm7 =	vmneg vm2;
	v6 =	vsel vm0, v6, v9;
	v20 =	vld [tilespmem:s10+$0xA240]  }
0x172: {  	vm8 =	vmneg vm3;
	v10 =	vadd.s32 $0x1, v31;
	vm0 =	vmor vm4, vm6;
	v23 =	vld [tilespmem:s10+$0x7150];
	[tilespmem:s2+$0x7100] =	vst v5  }
0x173: {  	vm4 =	vgt.s32 v10, $0xFFFFF;
	v13 =	vadd.s32 $0xFFF00001, v31;
	vm6 =	vmneg vm5;
	v5 =	vld [tilespmem:s10+$0x7100];
	[tilespmem:s2+$0x7170] =	vst v6  }
0x174: {  	v12 =	vsel vm5, v12, v25;
	v27 =	vadd.s32 $0x1, v16;
	v28 =	vadd.s32 $0xFFF00001, v16;
	v6 =	vld [tilespmem:s10+$0x7170]  }
0x175: {  	v25 =	vsel vm8, $0x1, v2;
	v10 =	vsel vm4, v13, v10;
	v13 =	vsel vm2, $0x1, v2;
	v9 =	vld [tilespmem:s10+$0x7120];
	[tilespmem:s2+$0x7130] =	vst v12  }
0x176: {  	v29 =	vsel vm7, $0x1, v2;
	v4 =	vsel vm0, v4, v14;
	vm4 =	vgt.s32 v27, $0xFFFFF;
	v12 =	vld [tilespmem:s10+$0x58B0]  }
0x177: {  	v33 =	vsel vm3, $0x1, v2;
	v30 =	vld [tilespmem:s10+$0x89A0];
	v14 =	vadd.s32 $0x1, v23;
	v32 =	vadd.s32 $0xFFF00001, v23;
	[tilespmem:s2+$0x7160] =	vst v4  }
0x178: {  	v27 =	vsel vm4, v28, v27;
	v28 =	vsel vm6, $0x1, v2;
	vm3 =	vgt.s32 v14, $0xFFFFF;
	v4 =	vld [tilespmem:s10+$0x7160];
	[tilespmem:s2+$0x8990] =	vst v13  }
0x179: {  	v13 =	vadd.s32 $0xFFF00001, v5;
	v34 =	vld [tilespmem:s10+$0xBAB0];
	[tilespmem:s2+$0x8980] =	vst v33;
	v33 =	vsel vm1, $0x1, v2;
	vm1 =	vmneg vm0  }
0x17a: {  	v8 =	vadd.s32 v25, v8;
	v10 =	vsel vm2, v31, v10;
	v35 =	vadd.s32 $0x1, v5;
	v36 =	vld [tilespmem:s10+$0x58A0]  }
0x17b: {  	v8 =	vadd.s32 v29, v8;
	vm2 =	vgt.s32 v35, $0xFFFFF;
	v29 =	vsel vm1, $0x1, v2;
	v25 =	vld [tilespmem:s10+$0x58D0];
	[tilespmem:s2+$0x7110] =	vst v10  }
0x17c: {  	v8 =	vadd.s32 v24, v8;
	v24 =	vsel vm0, $0x1, v2;
	v10 =	vsel vm2, v13, v35;
	v13 =	vld [tilespmem:s10+$0x5890]  }
0x17d: {  	v8 =	vadd.s32 v28, v8;
	vm0 =	vne.s32 v19, $0x100000;
	vm1 =	veq.s32 v21, v15;
	v31 =	vld [tilespmem:s10+$0xA230];
	[tilespmem:s2+$0x89E0] =	vst v24;
	s2 =	smov.u32 s10  }
0x17e: {  	v8 =	vadd.s32 v11, v8;
	vm0 =	vmand vm0, vm1;
	v24 =	vsel vm3, v32, v14;
	v19 =	vld [tilespmem:s2+$0xBAA0]  }
0x17f: {  	v8 =	vadd.s32 v33, v8;
	v14 =	vadd.s32 $0x1, v4;
	vm2 =	veq.s32 v34, v12;
	v11 =	vld [tilespmem:s2+$0xBAD0]  }
0x180: {  	v8 =	vadd.s32 v29, v8;
	v12 =	vld [tilespmem:s2+$0xA220]  }
0x181: {  	v8 =	vadd.s32 v7, v8;
	v15 =	vld [tilespmem:s2+$0xBA90]  }
0x182: {  	v7 =	vld [tilespmem:s2+$0x89D0]  }
0x183: {  	vm1 =	veq.s32 v30, $0x1;
	vm4 =	vne.s32 v31, $0x100000;
	vm3 =	veq.s32 v19, v36;
	v21 =	vld [tilespmem:s2+$0xA250]  }
0x184: {  	vm2 =	vmand vm4, vm2;
	vm4 =	veq.s32 v17, $0x1;
	v28 =	vld [tilespmem:s2+$0x5880]  }
0x185: {  	vm5 =	veq.s32 v18, $0x1;
	vm6 =	vne.s32 v20, $0x100000;
	vm7 =	veq.s32 v11, v25;
	v17 =	vld [tilespmem:s2+$0xA200]  }
0x186: {  	vm9 =	veq.s32 v22, v26;
	vm0 =	vmor vm4, vm0;
	vm8 =	vne.s32 v12, $0x100000;
	v29 =	vld [tilespmem:s2+$0xBA80]  }
0x187: {  	vm4 =	vmand vm6, vm9;
	vm9 =	vmneg vm0;
	v19 =	vld [tilespmem:s2+$0xA210];
	vm6 =	veq.s32 v7, $0x1  }
0x188: {  	v30 =	vadd.s32 $0x1, v9;
	v7 =	vsel vm9, $0x1, v2;
	v12 =	vld [tilespmem:s2+$0x7130];
	vm10 =	vne.s32 v21, $0x100000  }
0x189: {  	v31 =	vadd.s32 $0xFFF00001, v9;
	vm3 =	vmand vm8, vm3;
	vm7 =	vmand vm10, vm7;
	v18 =	vld [tilespmem:s2+$0xA260]  }
0x18a: {  	v22 =	vadd.s32 $0xFFF00001, v4;
	vm8 =	vmor vm5, vm4;
	vm5 =	vmor vm6, vm7;
	v21 =	vld [tilespmem:s2+$0xBAE0]  }
.Ltmp6:
0x18b: {  	v20 =	vadd.s32 $0xFFF00001, v6;
	v11 =	vsel vm8, v16, v27;
	v23 =	vsel vm5, v23, v24;
	v16 =	vld [tilespmem:s2+$0x58E0];
	(pc) =	sbr.rel @p0 .LBB2_10-.Ltmp6, $4  }
0x18c: {  	v26 =	vsel vm0, $0x1, v2;
	vm4 =	vmneg vm8;
	vm6 =	vgt.s32 v30, $0xFFFFF;
	v25 =	vld [tilespmem:s2+$0x89B0];
	[tilespmem:s2+$0x7140] =	vst v11  }
0x18d: {  	vm3 =	vmor vm1, vm3;
	v11 =	vsel vm4, $0x1, v2;
	v24 =	vld [tilespmem:s2+$0x8980];
	v27 =	vadd.s32 $0xFFF00001, v12;
	[tilespmem:s2+$0x89F0] =	vst v26  }
0x18e: {  	vm4 =	veq.s32 v29, v28;
	v28 =	vsel vm3, $0x1, v2;
	v29 =	vadd.s32 $0x1, v12;
	v26 =	vld [tilespmem:s2+$0x8990];
	[tilespmem:s2+$0x7150] =	vst v23  }
0x18f: {  	v30 =	vsel vm6, v31, v30;
	vm1 =	vmneg vm5;
	[tilespmem:s2+$0x89A0] =	vst v28;
	v28 =	vsel vm8, $0x1, v2;
	v23 =	vld [tilespmem:s2+$0x89E0]  }
0x190: {  	vm6 =	vne.s32 v17, $0x100000;
	vm7 =	veq.s32 v15, v13;
	vm8 =	vgt.s32 v29, $0xFFFFF  }
0x191: {  	v36 =	vsel vm5, $0x1, v2;
	vm15 =	vgt.s32 v14, $0xFFFFF;
	v9 =	vsel vm3, v9, v30  }
0x192: {  	vm11 =	vne.s32 v19, $0x100000;
	v38 =	vadd.s32 $0x1, v6;
	vm14 =	vmneg vm3  }
0x193: {  	vm9 =	veq.s32 v25, $0x1;
	v37 =	vsel vm8, v27, v29;
	vm8 =	veq.s32 v21, v16  }
0x194: {  	v14 =	vsel vm15, v22, v14;
	vm11 =	vmand vm11, vm7;
	vm13 =	vgt.s32 v38, $0xFFFFF  }
0x195: {  	vm4 =	vmand vm6, vm4;
	vm15 =	vne.s32 v18, $0x100000;
	v41 =	vsel vm14, $0x1, v2  }
0x196: {  	vm12 =	veq.s32 v24, $0x1;
	vm5 =	vmor vm9, vm2;
	vm9 =	vmand vm15, vm8  }
0x197: {  	v39 =	vld [tilespmem:s2+$0x7110];
	v16 =	vsel vm13, v20, v38;
	vm10 =	veq.s32 v26, $0x1;
	v40 =	vsel vm5, $0x1, v2  }
0x198: {  	[tilespmem:s2+$0x89C0] =	vst v28;
	vm4 =	vmor vm12, vm4;
	v42 =	vsel vm0, v6, v16;
	vm14 =	vmneg vm5  }
0x199: {  	[tilespmem:s2+$0x7120] =	vst v9;
	v46 =	vsel vm5, v12, v37;
	vm2 =	vmor vm10, vm11;
	vm10 =	veq.s32 v23, $0x1  }
0x19a: {  	[tilespmem:s2+$0x89D0] =	vst v36;
	v5 =	vsel vm4, v5, v10;
	vm12 =	vmneg vm4;
	v47 =	vsel vm14, $0x1, v2  }
0x19b: {  	[tilespmem:s2+$0x89B0] =	vst v40;
	v49 =	vsel vm4, $0x1, v2;
	vm11 =	vmneg vm2;
	v45 =	vsel vm12, $0x1, v2  }
0x19c: {  	v43 =	vadd.s32 $0x1, v39;
	[tilespmem:s2+$0x7100] =	vst v5;
	v5 =	vsel vm11, $0x1, v2;
	v8 =	vadd.s32 v45, v8  }
0x19d: {  	[tilespmem:s2+$0x7170] =	vst v42;
	vm3 =	vmor vm10, vm9;
	v44 =	vadd.s32 $0xFFF00001, v39;
	v5 =	vadd.s32 v5, v8  }
0x19e: {  	[tilespmem:s2+$0x7130] =	vst v46;
	v48 =	vsel vm2, $0x1, v2;
	v4 =	vsel vm3, v4, v14;
	v5 =	vadd.s32 v41, v5  }
0x19f: {  	vm13 =	vgt.s32 v43, $0xFFFFF;
	vm15 =	vmneg vm3;
	[tilespmem:s2+$0x7160] =	vst v4;
	v4 =	vadd.s32 v47, v5  }
0x1a0: {  	[tilespmem:s2+$0x8980] =	vst v49;
	v9 =	vsel vm13, v44, v43;
	v5 =	vsel vm1, $0x1, v2;
	v4 =	vadd.s32 v11, v4  }
0x1a1: {  	[tilespmem:s2+$0x8990] =	vst v48;
	v51 =	vsel vm15, $0x1, v2;
	v50 =	vsel vm2, v39, v9;
	v4 =	vadd.s32 v5, v4  }
0x1a2: {  	[tilespmem:s2+$0x7110] =	vst v50;
	v5 =	vsel vm3, $0x1, v2;
	v4 =	vadd.s32 v51, v4  }
0x1a3: {  	[tilespmem:s2+$0x89E0] =	vst v5;
	v4 =	vadd.s32 v7, v4  }
0x1a4: {  	[tilespmem:$0xD300] =	vst v4  }
0x1a5: {  	[spmem:s13] =	stream.linear.scatter [tilespmem:s24], [sflag:$0x1], $0x10, $0x38;
	[tilespmem:$0x1EC98] =	vst v63  }
0x1a6: {  	_ =	swait.ge [sflag:s17], $0x10  }
0x1a7: {  	[sflag:s17] =	ssyncset.done $0x0  }
0x1a8: {  	[sflag:s17] =	ssyncadd.s32 $0xFFFFFFF0  }
0x1a9: {  	[bflag:$0x0] =	sbarrier.arrive $0xFFFF  }
0x1aa: {  	[tilespmem:s25], [sflag:$0x1] =	stream.linear.gather [spmem:s4], $0x100, $0x38;
	[tilespmem:$0x1EC98] =	vst v63  }
0x1ab: {  	_ =	swait.ge [sflag:s17], $0x100  }
0x1ac: {  	[sflag:s17] =	ssyncset.done $0x0  }
0x1ad: {  	[sflag:s17] =	ssyncadd.s32 $0xFFFFFF00  }
0x1ae: {  	v4 =	vld [tilespmem:$0xD380]  }
0x1af: {  	v5 =	vld [tilespmem:$0xD390]  }
0x1b0: {  	v52 =	vld [tilespmem:$0xD3A0]  }
0x1b1: {  	v53 =	vld [tilespmem:$0xD3B0]  }
0x1b2: {  	v54 =	vld [tilespmem:$0xD3C0]  }
0x1b3: {  	v55 =	vld [tilespmem:$0xD3D0]  }
0x1b4: {  	v4 =	vadd.s32 v4, v5;
	v5 =	vld [tilespmem:$0xD3E0]  }
0x1b5: {  	v56 =	vld [tilespmem:$0xD3F0];
	v4 =	vadd.s32 v52, v4  }
0x1b6: {  	v57 =	vld [tilespmem:$0xD400];
	v4 =	vadd.s32 v53, v4  }
0x1b7: {  	v58 =	vld [tilespmem:$0xD410];
	v4 =	vadd.s32 v54, v4  }
0x1b8: {  	v59 =	vld [tilespmem:$0xD420];
	v4 =	vadd.s32 v55, v4  }
0x1b9: {  	v4 =	vadd.s32 v5, v4;
	v5 =	vld [tilespmem:$0xD430]  }
0x1ba: {  	v60 =	vld [tilespmem:$0xD440];
	v4 =	vadd.s32 v56, v4  }
0x1bb: {  	v61 =	vld [tilespmem:$0xD450];
	v4 =	vadd.s32 v57, v4  }
0x1bc: {  	v62 =	vld [tilespmem:$0xD460];
	v4 =	vadd.s32 v58, v4  }
0x1bd: {  	v63 =	vld [tilespmem:$0xD470];
	v4 =	vadd.s32 v59, v4  }
0x1be: {  	v4 =	vadd.s32 v5, v4  }
0x1bf: {  	v4 =	vadd.s32 v60, v4  }
0x1c0: {  	v4 =	vadd.s32 v61, v4  }
0x1c1: {  	v4 =	vadd.s32 v62, v4  }
0x1c2: {  	v4 =	vadd.s32 v63, v4  }
0x1c3: {  	(v2sf) =	vpush v4, $0x0  }
0x1c4: {  	(v2sf) =	vpush v4, $0x1  }
0x1c5: {  	(v2sf) =	vpush v4, $0x2  }
0x1c6: {  	(v2sf) =	vpush v4, $0x3  }
0x1c7: {  	(v2sf) =	vpush v4, $0x4  }
0x1c8: {  	(v2sf) =	vpush v4, $0x5  }
0x1c9: {  	(v2sf) =	vpush v4, $0x6  }
0x1ca: {  	(v2sf) =	vpush v4, $0x7  }
0x1cb: {  	(v2sf) =	vpush v4, $0x8  }
0x1cc: {  	(v2sf) =	vpush v4, $0x9  }
0x1cd: {  	(v2sf) =	vpush v4, $0xA  }
0x1ce: {  	(v2sf) =	vpush v4, $0xB  }
0x1cf: {  	(v2sf) =	vpush v4, $0xC  }
0x1d0: {  	(v2sf) =	vpush v4, $0xD  }
0x1d1: {  	(v2sf) =	vpush v4, $0xE  }
0x1d2: {  	s12 =	spop (v2sf);
	(v2sf) =	vpush v4, $0xF  }
0x1d3: {  	s7 =	spop (v2sf)  }
0x1d4: {  	s2 =	sadd.s32 s7, s12;
	s14 =	spop (v2sf)  }
0x1d5: {  	s2 =	sadd.s32 s14, s2;
	s15 =	spop (v2sf)  }
0x1d6: {  	s2 =	sadd.s32 s15, s2;
	s16 =	spop (v2sf)  }
0x1d7: {  	s2 =	sadd.s32 s16, s2;
	s18 =	spop (v2sf)  }
0x1d8: {  	s2 =	sadd.s32 s18, s2;
	s26 =	spop (v2sf)  }
0x1d9: {  	s2 =	sadd.s32 s26, s2;
	s9 =	spop (v2sf)  }
0x1da: {  	s2 =	sadd.s32 s9, s2;
	s10 =	spop (v2sf)  }
0x1db: {  	s2 =	sadd.s32 s10, s2;
	s11 =	spop (v2sf)  }
0x1dc: {  	s2 =	sadd.s32 s11, s2;
	s12 =	spop (v2sf)  }
0x1dd: {  	s2 =	sadd.s32 s12, s2;
	s14 =	spop (v2sf)  }
.Ltmp7:
0x1de: {  	s2 =	sadd.s32 s14, s2;
	s15 =	spop (v2sf);
	(pc) =	sbr.rel .LBB2_12-.Ltmp7, $4  }
0x1df: {  	s2 =	sadd.s32 s15, s2;
	s16 =	spop (v2sf)  }
0x1e0: {  	s2 =	sadd.s32 s16, s2;
	s18 =	spop (v2sf)  }
0x1e1: {  	s2 =	sadd.s32 s18, s2;
	s26 =	spop (v2sf)  }
0x1e2: {  	s2 =	sadd.s32 s26, s2  }
.LBB2_13:
0x1e3: {  	s5 =	simm.s32 $0x0;
	s2 =	rddreg [dreg:$0xc];
	s7 =	simm.s32 $0xD480  }
0x1e4: {  	[tilespmem:s7], [sflag:$0x1] =	stream.linear.gather [hbm4b:s2+s5], $0x200, $0x38;
	[tilespmem:$0x1EC98] =	vst v63  }
0x1e5: {  	_ =	swait.ge [sflag:s17], $0x200  }
0x1e6: {  	[sflag:s17] =	ssyncset.done $0x0  }
0x1e7: {  	s2 =	simm.s32 $0x0;
	[sflag:s17] =	ssyncadd.s32 $0xFFFFFE00  }
0x1e8: {  	v4 =	vld [tilespmem:s2+$0xD480];
	_ =	sdelay $0x4  }
0x1e9: {  	v4 =	vmul.f32 $1.048576000e+06, v4;
	_ =	sdelay $0x1  }
0x1ea: {  	s9 =	simm.s32 $0x10;
	[tilespmem:s2+$0xE880] =	vst v3;
	v4 =	vtrunc.f32 v4  }
0x1eb: {  	v5 =	vcvt.f32.s32 v4;
	v4 =	vld [tilespmem:s9+$0xD480];
	_ =	sdelay $0x3  }
0x1ec: {  	s10 =	simm.s32 $0x80;
	[tilespmem:s9+$0xE880] =	vst v3;
	v5 =	vmul.u32 $0x9E3779B9, v5  }
.LBB2_14:
0x1ed: {  	s7 =	sshra.s32 s10, $0x2;
	p0 =	sne.s32 s10, $0x7C0;
	s10 =	sadd.s32 $0x40, s10;
	v6 =	vmul.f32 $1.048576000e+06, v4  }
.Ltmp8:
0x1ee: {  	v4 =	vld [tilespmem:s7+$0xD480];
	[tilespmem:s7+$0xE880] =	vst v3;
	v5 =	vshrl.u32 v5, $0xC;
	(pc) =	sbr.rel @p0 .LBB2_14-.Ltmp8, $3  }
0x1ef: {  	v6 =	vtrunc.f32 v6;
	[tilespmem:s2+$0xD680] =	vst v5;
	s2 =	smov.u32 s9;
	s9 =	smov.u32 s7  }
0x1f0: {  	v5 =	vcvt.f32.s32 v6;
	_ =	sdelay $0x1  }
0x1f1: {  	v5 =	vmul.u32 $0x9E3779B9, v5  }
0x1f2: {  	v4 =	vmul.f32 $1.048576000e+06, v4;
	_ =	sdelay $0x1  }
0x1f3: {  	v4 =	vtrunc.f32 v4  }
0x1f4: {  	v4 =	vcvt.f32.s32 v4  }
.Ltmp9:
0x1f5: {  	_ = 	snop;
	(pc) =	sbr.rel .LBB2_16-.Ltmp9, $4  }
0x1f6: {  	v4 =	vmul.u32 $0x9E3779B9, v4  }
0x1f7: {  	v5 =	vshrl.u32 v5, $0xC  }
0x1f8: {  	[tilespmem:s2+$0xD680] =	vst v5;
	v4 =	vshrl.u32 v4, $0xC  }
0x1f9: {  	s2 =	simm.s32 $0x1;
	[tilespmem:s9+$0xD680] =	vst v4  }
.LBB2_22:
0x1fa: {  	s5 =	sadd.s32 $0x1, s5  }
0x1fb: {  	p0 =	sne.s32 s5, $0x18  }
.Ltmp10:
0x1fc: {  	_ = 	snop;
	(pc) =	sbr.rel @!p0 .LBB2_23-.Ltmp10, $1  }
0x1fd: {  	_ =	sdelay $0x3  }
.LBB2_16:
0x1fe: {  	p0 =	slt.s32 s2, $0x1  }
.Ltmp11:
0x1ff: {  	_ = 	snop;
	(pc) =	sbr.rel @p0 .LBB2_22-.Ltmp11, $1  }
0x200: {  	_ =	sdelay $0x3  }
0x201: {  	s2 =	simm.s32 $0x0  }
0x202: {  	v7 =	vld [tilespmem:s2+$0xD6F0]  }
0x203: {  	v4 =	vld [tilespmem:s2+$0xD680]  }
0x204: {  	v5 =	vld [tilespmem:s2+$0xD690]  }
0x205: {  	v6 =	vld [tilespmem:s2+$0xD6A0]  }
0x206: {  	v8 =	vld [tilespmem:s2+$0xD6B0]  }
0x207: {  	v9 =	vld [tilespmem:s2+$0xD6C0]  }
0x208: {  	v11 =	vld [tilespmem:s2+$0xD6D0]  }
0x209: {  	v15 =	vld [tilespmem:s2+$0xD6E0]  }
0x20a: {  	v10 =	vadd.s32 $0x1, v7  }
0x20b: {  	[tilespmem:s2+$0xD880] =	vst v4;
	v12 =	vadd.s32 $0x1, v4;
	v13 =	vadd.s32 $0xFFF00001, v7;
	v14 =	vadd.s32 $0x1, v5  }
0x20c: {  	v63 =	vadd.s32 $0xFFF00001, v4;
	v16 =	vadd.s32 $0x1, v6;
	[tilespmem:s2+$0xD8A0] =	vst v6;
	v17 =	vadd.s32 $0x1, v8  }
0x20d: {  	v6 =	vadd.s32 $0xFFF00001, v6;
	[tilespmem:s2+$0xD8B0] =	vst v8;
	v18 =	vadd.s32 $0x1, v9;
	v8 =	vadd.s32 $0xFFF00001, v8  }
0x20e: {  	[tilespmem:s2+$0xD890] =	vst v5;
	v19 =	vadd.s32 $0x1, v11;
	v20 =	vadd.s32 $0xFFF00001, v9;
	v4 =	vadd.s32 $0x1, v15  }
0x20f: {  	[tilespmem:s2+$0xD8D0] =	vst v11;
	v11 =	vadd.s32 $0xFFF00001, v11;
	vm0 =	vgt.s32 v10, $0xFFFFF;
	vm1 =	vgt.s32 v12, $0xFFFFF  }
0x210: {  	[tilespmem:s2+$0xD8C0] =	vst v9;
	vm2 =	vgt.s32 v14, $0xFFFFF;
	vm3 =	vgt.s32 v16, $0xFFFFF;
	vm4 =	vgt.s32 v17, $0xFFFFF  }
0x211: {  	[tilespmem:s2+$0xD8E0] =	vst v15;
	vm5 =	vgt.s32 v18, $0xFFFFF;
	vm6 =	vgt.s32 v19, $0xFFFFF;
	v10 =	vsel vm0, v13, v10  }
0x212: {  	[tilespmem:s2+$0xD8F0] =	vst v7;
	vm0 =	vgt.s32 v4, $0xFFFFF;
	v12 =	vsel vm1, v63, v12;
	v6 =	vsel vm3, v6, v16  }
0x213: {  	v7 =	vsel vm6, v11, v19;
	[tilespmem:s2+$0xDAF0] =	vst v10;
	v10 =	vadd.s32 $0xFFF00001, v5;
	v5 =	vadd.s32 $0xFFF00001, v15  }
0x214: {  	s9 =	simm.s32 $0x80;
	s10 =	simm.s32 $0x400;
	[tilespmem:s2+$0xDA80] =	vst v12;
	v9 =	vsel vm2, v10, v14;
	v10 =	vsel vm4, v8, v17;
	v8 =	vsel vm5, v20, v18  }
.LBB2_18:
0x215: {  	p0 =	sne.s32 s10, $0x600;
	v11 =	vld [tilespmem:s9+$0xD6F0];
	[tilespmem:s2+$0xDA90] =	vst v9;
	v4 =	vsel vm0, v5, v4  }
0x216: {  	v5 =	vld [tilespmem:s9+$0xD680];
	[tilespmem:s2+$0xDAA0] =	vst v6  }
0x217: {  	v6 =	vld [tilespmem:s9+$0xD690];
	[tilespmem:s2+$0xDAB0] =	vst v10  }
0x218: {  	v9 =	vld [tilespmem:s9+$0xD6A0];
	[tilespmem:s2+$0xDAC0] =	vst v8  }
0x219: {  	v8 =	vld [tilespmem:s9+$0xD6B0];
	[tilespmem:s2+$0xDAD0] =	vst v7  }
0x21a: {  	v7 =	vld [tilespmem:s9+$0xD6C0];
	v10 =	vadd.s32 $0x1, v11;
	[tilespmem:s2+$0xDAE0] =	vst v4;
	s2 =	smov.u32 s9  }
0x21b: {  	v4 =	vadd.s32 $0xFFF00001, v11;
	v12 =	vadd.s32 $0x1, v5;
	[tilespmem:s2+$0xD880] =	vst v5;
	v13 =	vld [tilespmem:s2+$0xD6D0];
	vm0 =	vgt.s32 v10, $0xFFFFF  }
0x21c: {  	vm1 =	vgt.s32 v12, $0xFFFFF;
	v14 =	vadd.s32 $0x1, v6;
	[tilespmem:s2+$0xD890] =	vst v6;
	v15 =	vld [tilespmem:s2+$0xD6E0];
	v4 =	vsel vm0, v4, v10  }
0x21d: {  	v10 =	vadd.s32 $0xFFF00001, v5;
	vm2 =	vgt.s32 v14, $0xFFFFF;
	v16 =	vadd.s32 $0x1, v9;
	[tilespmem:s2+$0xDAF0] =	vst v4  }
0x21e: {  	v6 =	vadd.s32 $0xFFF00001, v6;
	vm3 =	vgt.s32 v16, $0xFFFFF;
	[tilespmem:s2+$0xD8A0] =	vst v9;
	v17 =	vadd.s32 $0x1, v8  }
0x21f: {  	v18 =	vadd.s32 $0xFFF00001, v9;
	vm4 =	vgt.s32 v17, $0xFFFFF;
	[tilespmem:s2+$0xD8B0] =	vst v8;
	v19 =	vadd.s32 $0x1, v7  }
.Ltmp12:
0x220: {  	v8 =	vadd.s32 $0xFFF00001, v8;
	vm5 =	vgt.s32 v19, $0xFFFFF;
	[tilespmem:s2+$0xD8C0] =	vst v7;
	v20 =	vadd.s32 $0x1, v13;
	(pc) =	sbr.rel @p0 .LBB2_18-.Ltmp12, $4  }
0x221: {  	v7 =	vadd.s32 $0xFFF00001, v7;
	vm6 =	vgt.s32 v20, $0xFFFFF;
	[tilespmem:s2+$0xD8D0] =	vst v13;
	v4 =	vadd.s32 $0x1, v15  }
0x222: {  	v13 =	vadd.s32 $0xFFF00001, v13;
	v5 =	vadd.s32 $0xFFF00001, v15;
	vm0 =	vgt.s32 v4, $0xFFFFF;
	[tilespmem:s2+$0xD8E0] =	vst v15  }
0x223: {  	v10 =	vsel vm1, v10, v12;
	v9 =	vsel vm2, v6, v14;
	v6 =	vsel vm3, v18, v16;
	[tilespmem:s2+$0xD8F0] =	vst v11  }
0x224: {  	s9 =	sshra.s32 s10, $0x2;
	s10 =	sadd.s32 $0x200, s10;
	[tilespmem:s2+$0xDA80] =	vst v10;
	v10 =	vsel vm4, v8, v17;
	v8 =	vsel vm5, v7, v19;
	v7 =	vsel vm6, v13, v20  }
0x225: {  	v11 =	vld [tilespmem:s9+$0xD6F0];
	[tilespmem:s2+$0xDA90] =	vst v9  }
0x226: {  	v9 =	vld [tilespmem:s9+$0xD680];
	[tilespmem:s2+$0xDAA0] =	vst v6  }
0x227: {  	v6 =	vld [tilespmem:s9+$0xD690];
	[tilespmem:s2+$0xDAB0] =	vst v10  }
0x228: {  	v10 =	vld [tilespmem:s9+$0xD6A0];
	[tilespmem:s2+$0xDAC0] =	vst v8  }
0x229: {  	v4 =	vsel vm0, v5, v4;
	v8 =	vld [tilespmem:s9+$0xD6B0];
	[tilespmem:s2+$0xDAD0] =	vst v7  }
0x22a: {  	v5 =	vld [tilespmem:s9+$0xD6C0];
	[tilespmem:s2+$0xDAE0] =	vst v4  }
0x22b: {  	v4 =	vadd.s32 $0x1, v11;
	[tilespmem:s9+$0xD880] =	vst v9  }
0x22c: {  	v12 =	vadd.s32 $0xFFF00001, v11;
	vm0 =	vgt.s32 v4, $0xFFFFF;
	[tilespmem:s9+$0xD8F0] =	vst v11  }
0x22d: {  	[tilespmem:s9+$0xD890] =	vst v6;
	v4 =	vsel vm0, v12, v4  }
0x22e: {  	v7 =	vld [tilespmem:s9+$0xD6D0];
	[tilespmem:s9+$0xDAF0] =	vst v4  }
0x22f: {  	v13 =	vld [tilespmem:s9+$0xD6E0];
	v12 =	vadd.s32 $0x1, v6;
	[tilespmem:s9+$0xD8A0] =	vst v10  }
0x230: {  	v6 =	vadd.s32 $0xFFF00001, v6;
	vm1 =	vgt.s32 v12, $0xFFFFF;
	[tilespmem:s9+$0xD8B0] =	vst v8  }
0x231: {  	v4 =	vadd.s32 $0x1, v9;
	v9 =	vadd.s32 $0xFFF00001, v9;
	v6 =	vsel vm1, v6, v12;
	[tilespmem:s9+$0xD8C0] =	vst v5  }
0x232: {  	v14 =	vadd.s32 $0x1, v10;
	v10 =	vadd.s32 $0xFFF00001, v10;
	vm0 =	vgt.s32 v4, $0xFFFFF;
	[tilespmem:s9+$0xDA90] =	vst v6  }
0x233: {  	vm2 =	vgt.s32 v14, $0xFFFFF;
	v15 =	vadd.s32 $0x1, v8;
	v8 =	vadd.s32 $0xFFF00001, v8;
	[tilespmem:s9+$0xD8D0] =	vst v7  }
0x234: {  	vm3 =	vgt.s32 v15, $0xFFFFF;
	v4 =	vsel vm0, v9, v4;
	v9 =	vadd.s32 $0x1, v5;
	[tilespmem:s9+$0xD8E0] =	vst v13  }
0x235: {  	v10 =	vsel vm2, v10, v14;
	v5 =	vadd.s32 $0xFFF00001, v5;
	[tilespmem:s9+$0xDA80] =	vst v4;
	vm0 =	vgt.s32 v9, $0xFFFFF  }
0x236: {  	v4 =	vadd.s32 $0x1, v7;
	v6 =	vsel vm3, v8, v15;
	[tilespmem:s9+$0xDAA0] =	vst v10;
	v8 =	vadd.s32 $0x1, v13  }
0x237: {  	v7 =	vadd.s32 $0xFFF00001, v7;
	vm1 =	vgt.s32 v4, $0xFFFFF;
	v5 =	vsel vm0, v5, v9;
	[tilespmem:s9+$0xDAB0] =	vst v6  }
0x238: {  	vm0 =	vgt.s32 v8, $0xFFFFF;
	v6 =	vadd.s32 $0xFFF00001, v13;
	v4 =	vsel vm1, v7, v4;
	[tilespmem:s9+$0xDAC0] =	vst v5  }
0x239: {  	v5 =	vsel vm0, v6, v8;
	[tilespmem:s9+$0xDAD0] =	vst v4  }
0x23a: {  	[tilespmem:s9+$0xDAE0] =	vst v5  }
0x23b: {  	[tilespmem:s30], [sflag:$0x1] =	stream.indirect.gather [spmem:s3], $0x1, s29, s28, $0xb8;
	[tilespmem:$0x1EC98] =	vst v63  }
0x23c: {  	_ =	swait.ge [sflag:s17], $0x400  }
0x23d: {  	[sflag:s17] =	ssyncset.done $0x0  }
0x23e: {  	[sflag:s17] =	ssyncadd.s32 $0xFFFFFC00  }
0x23f: {  	v4 =	vld [tilespmem:$0xDC80]  }
0x240: {  	v5 =	vld [tilespmem:$0xDC90]  }
0x241: {  	v6 =	vld [tilespmem:$0xDCA0]  }
0x242: {  	v7 =	vld [tilespmem:$0xDCB0]  }
0x243: {  	v8 =	vld [tilespmem:$0xDCC0]  }
0x244: {  	v9 =	vld [tilespmem:$0xDCD0];
	vm0 =	vgt.s32 v4, $0x0  }
0x245: {  	v10 =	vld [tilespmem:$0xDCE0];
	v4 =	vnsel vm0, $0x0, v4;
	vm0 =	vgt.s32 v5, $0x0  }
0x246: {  	[tilespmem:$0xE080] =	vst v4;
	v4 =	vnsel vm0, $0x0, v5;
	vm0 =	vgt.s32 v6, $0x0;
	v5 =	vld [tilespmem:$0xDCF0]  }
0x247: {  	[tilespmem:$0xE090] =	vst v4;
	v4 =	vnsel vm0, $0x0, v6;
	vm0 =	vgt.s32 v7, $0x0;
	v6 =	vld [tilespmem:$0xDD00]  }
0x248: {  	[tilespmem:$0xE0A0] =	vst v4;
	v4 =	vnsel vm0, $0x0, v7;
	vm0 =	vgt.s32 v8, $0x0;
	v7 =	vld [tilespmem:$0xDD10]  }
0x249: {  	[tilespmem:$0xE0B0] =	vst v4;
	v4 =	vnsel vm0, $0x0, v8;
	vm0 =	vgt.s32 v9, $0x0;
	v8 =	vld [tilespmem:$0xDD20]  }
0x24a: {  	[tilespmem:$0xE0C0] =	vst v4;
	v4 =	vnsel vm0, $0x0, v9;
	vm0 =	vgt.s32 v10, $0x0;
	v9 =	vld [tilespmem:$0xDD30]  }
0x24b: {  	[tilespmem:$0xE0D0] =	vst v4;
	v4 =	vnsel vm0, $0x0, v10;
	vm0 =	vgt.s32 v5, $0x0;
	v10 =	vld [tilespmem:$0xDD40]  }
0x24c: {  	[tilespmem:$0xE0E0] =	vst v4;
	v4 =	vnsel vm0, $0x0, v5;
	vm0 =	vgt.s32 v6, $0x0;
	v5 =	vld [tilespmem:$0xDD50]  }
0x24d: {  	[tilespmem:$0xE0F0] =	vst v4;
	v4 =	vnsel vm0, $0x0, v6;
	vm0 =	vgt.s32 v7, $0x0;
	v6 =	vld [tilespmem:$0xDD60]  }
0x24e: {  	[tilespmem:$0xE100] =	vst v4;
	v4 =	vnsel vm0, $0x0, v7;
	vm0 =	vgt.s32 v8, $0x0;
	v7 =	vld [tilespmem:$0xDD70]  }
0x24f: {  	[tilespmem:$0xE110] =	vst v4;
	v4 =	vnsel vm0, $0x0, v8;
	vm0 =	vgt.s32 v9, $0x0;
	v8 =	vld [tilespmem:$0xDD80]  }
0x250: {  	[tilespmem:$0xE120] =	vst v4;
	v4 =	vnsel vm0, $0x0, v9;
	vm0 =	vgt.s32 v10, $0x0;
	v9 =	vld [tilespmem:$0xDD90]  }
0x251: {  	[tilespmem:$0xE130] =	vst v4;
	v4 =	vnsel vm0, $0x0, v10;
	vm0 =	vgt.s32 v5, $0x0;
	v10 =	vld [tilespmem:$0xDDA0]  }
0x252: {  	[tilespmem:$0xE140] =	vst v4;
	v4 =	vnsel vm0, $0x0, v5;
	vm0 =	vgt.s32 v6, $0x0;
	v5 =	vld [tilespmem:$0xDDB0]  }
0x253: {  	[tilespmem:$0xE150] =	vst v4;
	v4 =	vnsel vm0, $0x0, v6;
	vm0 =	vgt.s32 v7, $0x0;
	v6 =	vld [tilespmem:$0xDDC0]  }
0x254: {  	[tilespmem:$0xE160] =	vst v4;
	v4 =	vnsel vm0, $0x0, v7;
	vm0 =	vgt.s32 v8, $0x0;
	v7 =	vld [tilespmem:$0xDDD0]  }
0x255: {  	[tilespmem:$0xE170] =	vst v4;
	v4 =	vnsel vm0, $0x0, v8;
	vm0 =	vgt.s32 v9, $0x0;
	v8 =	vld [tilespmem:$0xDDE0]  }
0x256: {  	[tilespmem:$0xE180] =	vst v4;
	v4 =	vnsel vm0, $0x0, v9;
	vm0 =	vgt.s32 v10, $0x0;
	v9 =	vld [tilespmem:$0xDDF0]  }
0x257: {  	[tilespmem:$0xE190] =	vst v4;
	v4 =	vnsel vm0, $0x0, v10;
	vm0 =	vgt.s32 v5, $0x0;
	v10 =	vld [tilespmem:$0xDE00]  }
0x258: {  	[tilespmem:$0xE1A0] =	vst v4;
	v4 =	vnsel vm0, $0x0, v5;
	vm0 =	vgt.s32 v6, $0x0;
	v5 =	vld [tilespmem:$0xDE10]  }
0x259: {  	[tilespmem:$0xE1B0] =	vst v4;
	v4 =	vnsel vm0, $0x0, v6;
	vm0 =	vgt.s32 v7, $0x0;
	v6 =	vld [tilespmem:$0xDE20]  }
0x25a: {  	[tilespmem:$0xE1C0] =	vst v4;
	v4 =	vnsel vm0, $0x0, v7;
	vm0 =	vgt.s32 v8, $0x0;
	v7 =	vld [tilespmem:$0xDE30]  }
0x25b: {  	[tilespmem:$0xE1D0] =	vst v4;
	v4 =	vnsel vm0, $0x0, v8;
	vm0 =	vgt.s32 v9, $0x0;
	v8 =	vld [tilespmem:$0xDE40]  }
0x25c: {  	[tilespmem:$0xE1E0] =	vst v4;
	v4 =	vnsel vm0, $0x0, v9;
	vm0 =	vgt.s32 v10, $0x0;
	v9 =	vld [tilespmem:$0xDE50]  }
0x25d: {  	[tilespmem:$0xE1F0] =	vst v4;
	v4 =	vnsel vm0, $0x0, v10;
	vm0 =	vgt.s32 v5, $0x0;
	v10 =	vld [tilespmem:$0xDE60]  }
0x25e: {  	[tilespmem:$0xE200] =	vst v4;
	v4 =	vnsel vm0, $0x0, v5;
	vm0 =	vgt.s32 v6, $0x0;
	v5 =	vld [tilespmem:$0xDE70]  }
0x25f: {  	[tilespmem:$0xE210] =	vst v4;
	v4 =	vnsel vm0, $0x0, v6;
	vm0 =	vgt.s32 v7, $0x0;
	v6 =	vld [tilespmem:$0xDE80]  }
0x260: {  	[tilespmem:$0xE220] =	vst v4;
	v4 =	vnsel vm0, $0x0, v7;
	vm0 =	vgt.s32 v8, $0x0;
	v7 =	vld [tilespmem:$0xDE90]  }
0x261: {  	[tilespmem:$0xE230] =	vst v4;
	v4 =	vnsel vm0, $0x0, v8;
	vm0 =	vgt.s32 v9, $0x0;
	v8 =	vld [tilespmem:$0xDEA0]  }
0x262: {  	[tilespmem:$0xE240] =	vst v4;
	v4 =	vnsel vm0, $0x0, v9;
	vm0 =	vgt.s32 v10, $0x0;
	v9 =	vld [tilespmem:$0xDEB0]  }
0x263: {  	[tilespmem:$0xE250] =	vst v4;
	v4 =	vnsel vm0, $0x0, v10;
	vm0 =	vgt.s32 v5, $0x0;
	v10 =	vld [tilespmem:$0xDEC0]  }
0x264: {  	[tilespmem:$0xE260] =	vst v4;
	v4 =	vnsel vm0, $0x0, v5;
	vm0 =	vgt.s32 v6, $0x0;
	v5 =	vld [tilespmem:$0xDED0]  }
0x265: {  	[tilespmem:$0xE270] =	vst v4;
	v4 =	vnsel vm0, $0x0, v6;
	vm0 =	vgt.s32 v7, $0x0;
	v6 =	vld [tilespmem:$0xDEE0]  }
0x266: {  	[tilespmem:$0xE280] =	vst v4;
	v4 =	vnsel vm0, $0x0, v7;
	vm0 =	vgt.s32 v8, $0x0;
	v7 =	vld [tilespmem:$0xDEF0]  }
0x267: {  	[tilespmem:$0xE290] =	vst v4;
	v4 =	vnsel vm0, $0x0, v8;
	vm0 =	vgt.s32 v9, $0x0;
	v8 =	vld [tilespmem:$0xDF00]  }
0x268: {  	[tilespmem:$0xE2A0] =	vst v4;
	v4 =	vnsel vm0, $0x0, v9;
	vm0 =	vgt.s32 v10, $0x0;
	v9 =	vld [tilespmem:$0xDF10]  }
0x269: {  	[tilespmem:$0xE2B0] =	vst v4;
	v4 =	vnsel vm0, $0x0, v10;
	vm0 =	vgt.s32 v5, $0x0;
	v10 =	vld [tilespmem:$0xDF20]  }
0x26a: {  	[tilespmem:$0xE2C0] =	vst v4;
	v4 =	vnsel vm0, $0x0, v5;
	vm0 =	vgt.s32 v6, $0x0;
	v5 =	vld [tilespmem:$0xDF30]  }
0x26b: {  	[tilespmem:$0xE2D0] =	vst v4;
	v4 =	vnsel vm0, $0x0, v6;
	vm0 =	vgt.s32 v7, $0x0;
	v6 =	vld [tilespmem:$0xDF40]  }
0x26c: {  	[tilespmem:$0xE2E0] =	vst v4;
	v4 =	vnsel vm0, $0x0, v7;
	vm0 =	vgt.s32 v8, $0x0;
	v7 =	vld [tilespmem:$0xDF50]  }
0x26d: {  	[tilespmem:$0xE2F0] =	vst v4;
	v4 =	vnsel vm0, $0x0, v8;
	vm0 =	vgt.s32 v9, $0x0;
	v8 =	vld [tilespmem:$0xDF60]  }
0x26e: {  	[tilespmem:$0xE300] =	vst v4;
	v4 =	vnsel vm0, $0x0, v9;
	vm0 =	vgt.s32 v10, $0x0;
	v9 =	vld [tilespmem:$0xDF70]  }
0x26f: {  	[tilespmem:$0xE310] =	vst v4;
	v4 =	vnsel vm0, $0x0, v10;
	vm0 =	vgt.s32 v5, $0x0;
	v10 =	vld [tilespmem:$0xDF80]  }
0x270: {  	[tilespmem:$0xE320] =	vst v4;
	v4 =	vnsel vm0, $0x0, v5;
	vm0 =	vgt.s32 v6, $0x0;
	v5 =	vld [tilespmem:$0xDF90]  }
0x271: {  	[tilespmem:$0xE330] =	vst v4;
	v4 =	vnsel vm0, $0x0, v6;
	vm0 =	vgt.s32 v7, $0x0;
	v6 =	vld [tilespmem:$0xDFA0]  }
0x272: {  	[tilespmem:$0xE340] =	vst v4;
	v4 =	vnsel vm0, $0x0, v7;
	vm0 =	vgt.s32 v8, $0x0;
	v7 =	vld [tilespmem:$0xDFB0]  }
0x273: {  	[tilespmem:$0xE350] =	vst v4;
	v4 =	vnsel vm0, $0x0, v8;
	vm0 =	vgt.s32 v9, $0x0;
	v8 =	vld [tilespmem:$0xDFC0]  }
0x274: {  	[tilespmem:$0xE360] =	vst v4;
	v4 =	vnsel vm0, $0x0, v9;
	vm0 =	vgt.s32 v10, $0x0;
	v9 =	vld [tilespmem:$0xDFD0]  }
0x275: {  	[tilespmem:$0xE370] =	vst v4;
	v4 =	vnsel vm0, $0x0, v10;
	vm0 =	vgt.s32 v5, $0x0;
	v10 =	vld [tilespmem:$0xDFE0]  }
0x276: {  	[tilespmem:$0xE380] =	vst v4;
	v4 =	vnsel vm0, $0x0, v5;
	vm0 =	vgt.s32 v6, $0x0;
	v5 =	vld [tilespmem:$0xDFF0]  }
0x277: {  	[tilespmem:$0xE390] =	vst v4;
	v4 =	vnsel vm0, $0x0, v6;
	vm0 =	vgt.s32 v7, $0x0;
	v6 =	vld [tilespmem:$0xE000]  }
0x278: {  	[tilespmem:$0xE3A0] =	vst v4;
	v4 =	vnsel vm0, $0x0, v7;
	vm0 =	vgt.s32 v8, $0x0;
	v7 =	vld [tilespmem:$0xE010]  }
0x279: {  	[tilespmem:$0xE3B0] =	vst v4;
	v4 =	vnsel vm0, $0x0, v8;
	vm0 =	vgt.s32 v9, $0x0;
	v8 =	vld [tilespmem:$0xE020]  }
0x27a: {  	[tilespmem:$0xE3C0] =	vst v4;
	v4 =	vnsel vm0, $0x0, v9;
	vm0 =	vgt.s32 v10, $0x0;
	v9 =	vld [tilespmem:$0xE030]  }
0x27b: {  	[tilespmem:$0xE3D0] =	vst v4;
	v4 =	vnsel vm0, $0x0, v10;
	vm0 =	vgt.s32 v5, $0x0;
	v10 =	vld [tilespmem:$0xE040]  }
0x27c: {  	[tilespmem:$0xE3E0] =	vst v4;
	v4 =	vnsel vm0, $0x0, v5;
	vm0 =	vgt.s32 v6, $0x0;
	v5 =	vld [tilespmem:$0xE050]  }
0x27d: {  	[tilespmem:$0xE3F0] =	vst v4;
	v4 =	vnsel vm0, $0x0, v6;
	vm0 =	vgt.s32 v7, $0x0;
	v6 =	vld [tilespmem:$0xE060]  }
0x27e: {  	[tilespmem:$0xE400] =	vst v4;
	v4 =	vnsel vm0, $0x0, v7;
	vm0 =	vgt.s32 v8, $0x0;
	v7 =	vld [tilespmem:$0xE070]  }
0x27f: {  	[tilespmem:$0xE410] =	vst v4;
	v4 =	vnsel vm0, $0x0, v8;
	vm0 =	vgt.s32 v9, $0x0  }
0x280: {  	[tilespmem:$0xE420] =	vst v4;
	v4 =	vnsel vm0, $0x0, v9;
	vm0 =	vgt.s32 v10, $0x0  }
0x281: {  	[tilespmem:$0xE430] =	vst v4;
	v4 =	vnsel vm0, $0x0, v10;
	vm0 =	vgt.s32 v5, $0x0  }
0x282: {  	[tilespmem:$0xE440] =	vst v4;
	v4 =	vnsel vm0, $0x0, v5;
	vm0 =	vgt.s32 v6, $0x0  }
0x283: {  	[tilespmem:$0xE450] =	vst v4;
	v4 =	vnsel vm0, $0x0, v6;
	vm0 =	vgt.s32 v7, $0x0  }
0x284: {  	[tilespmem:$0xE460] =	vst v4;
	v4 =	vnsel vm0, $0x0, v7  }
0x285: {  	[tilespmem:$0xE470] =	vst v4  }
0x286: {  	[tilespmem:s1], [sflag:$0x1] =	stream.indirect.gather [hbm4b:s0+s28], $0x1, s31, s28, $0xb8;
	[tilespmem:$0x1EC98] =	vst v63  }
0x287: {  	_ =	swait.ge [sflag:s17], $0x400  }
0x288: {  	[sflag:s17] =	ssyncset.done $0x0  }
0x289: {  	s2 =	simm.s32 $0x0;
	[sflag:s17] =	ssyncadd.s32 $0xFFFFFC00  }
0x28a: {  	v5 =	vld [tilespmem:s2+$0xE680]  }
0x28b: {  	v6 =	vld [tilespmem:s2+$0xE690]  }
0x28c: {  	v7 =	vld [tilespmem:s2+$0xE6A0]  }
0x28d: {  	v8 =	vld [tilespmem:s2+$0xE6B0]  }
0x28e: {  	v10 =	vld [tilespmem:s2+$0xE6C0]  }
0x28f: {  	v11 =	vld [tilespmem:s2+$0xE6D0]  }
0x290: {  	v12 =	vld [tilespmem:s2+$0xE6E0]  }
0x291: {  	v13 =	vld [tilespmem:s2+$0xE6F0]  }
0x292: {  	v9 =	vld [tilespmem:s2+$0xDEC0]  }
0x293: {  	v27 =	vld [tilespmem:s2+$0xDED0]  }
0x294: {  	v15 =	vld [tilespmem:s2+$0xD480]  }
0x295: {  	v28 =	vld [tilespmem:s2+$0xD490]  }
0x296: {  	v25 =	vld [tilespmem:s2+$0xD4A0]  }
0x297: {  	v26 =	vld [tilespmem:s2+$0xD4B0]  }
0x298: {  	v29 =	vld [tilespmem:s2+$0xD4C0]  }
0x299: {  	v30 =	vld [tilespmem:s2+$0xD4D0]  }
0x29a: {  	v31 =	vld [tilespmem:s2+$0xD4E0]  }
0x29b: {  	v16 =	vld [tilespmem:s2+$0xE480]  }
0x29c: {  	v32 =	vld [tilespmem:s2+$0xD4F0]  }
0x29d: {  	v4 =	vld [tilespmem:s2+$0xD680]  }
0x29e: {  	v17 =	vld [tilespmem:s2+$0xD6F0];
	vm5 =	veq.f32 v5, v15;
	vm14 =	veq.f32 v6, v28;
	vm0 =	veq.f32 v7, v25  }
0x29f: {  	v5 =	vimm.s32 $0x0;
	v6 =	vimm.s32 $0x0;
	vm8 =	veq.f32 v12, v31;
	v12 =	vld [tilespmem:s2+$0xD6D0]  }
0x2a0: {  	vm2 =	veq.f32 v16, v15;
	v15 =	vld [tilespmem:s2+$0xD6E0];
	v5 =	vsel vm0, $0xFFFFFFFF, v5;
	vm0 =	veq.f32 v8, v26  }
0x2a1: {  	[tilespmem:$0x1FF90] =	vst v5;
	v5 =	vld [tilespmem:s2+$0xD690];
	v6 =	vsel vm0, $0xFFFFFFFF, v6  }
0x2a2: {  	v14 =	vimm.s32 $0x0;
	vm3 =	veq.f32 v11, v30;
	[tilespmem:$0x1FFA0] =	vst v6;
	v6 =	vld [tilespmem:s2+$0xD6A0]  }
0x2a3: {  	vm1 =	vne.s32 v9, $0xFFFFFFFF;
	vm6 =	veq.f32 v13, v32;
	v7 =	vadd.s32 $0x2, v4  }
0x2a4: {  	vm9 =	vne.s32 v27, $0xFFFFFFFF;
	v11 =	vadd.s32 $0xFFF00002, v4;
	v8 =	vld [tilespmem:s2+$0xD6B0];
	vm10 =	vgt.s32 v7, $0xFFFFF  }
0x2a5: {  	v49 =	vadd.s32 $0xFFF00002, v17;
	vm0 =	veq.f32 v10, v29;
	v7 =	vsel vm10, v11, v7  }
0x2a6: {  	v10 =	vld [tilespmem:s2+$0xD6C0];
	v23 =	vadd.s32 $0xFFF00002, v12;
	v35 =	vadd.s32 $0x2, v15;
	v37 =	vadd.s32 $0xFFF00002, v15  }
0x2a7: {  	v11 =	vadd.s32 $0x2, v5;
	v13 =	vadd.s32 $0xFFF00002, v5;
	v16 =	vadd.s32 $0x2, v6  }
0x2a8: {  	v33 =	vld [tilespmem:s2+$0xDC80];
	vm10 =	vgt.s32 v11, $0xFFFFF;
	v18 =	vadd.s32 $0xFFF00002, v6;
	vm11 =	vgt.s32 v16, $0xFFFFF  }
0x2a9: {  	v19 =	vadd.s32 $0x2, v8;
	v11 =	vsel vm10, v13, v11;
	v13 =	vsel vm11, v18, v16;
	v18 =	vld [tilespmem:s2+$0xE880]  }
0x2aa: {  	v21 =	vadd.s32 $0xFFF00002, v8;
	vm12 =	vgt.s32 v35, $0xFFFFF;
	vm10 =	vgt.s32 v19, $0xFFFFF  }
0x2ab: {  	v34 =	vld [tilespmem:s2+$0xDCF0];
	v22 =	vadd.s32 $0x2, v10;
	v16 =	vsel vm10, v21, v19;
	v21 =	vadd.s32 $0x2, v12  }
0x2ac: {  	v36 =	vld [tilespmem:s2+$0xDE80];
	vm10 =	vgt.s32 v22, $0xFFFFF;
	v19 =	vadd.s32 $0xFFF00002, v10;
	vm11 =	vgt.s32 v21, $0xFFFFF  }
0x2ad: {  	v48 =	vld [tilespmem:s2+$0xE8F0];
	v19 =	vsel vm10, v19, v22;
	vm10 =	vne.s32 v33, $0xFFFFFFFF;
	v22 =	vsel vm12, v37, v35  }
0x2ae: {  	v21 =	vsel vm11, v23, v21;
	v23 =	vadd.s32 $0x2, v17;
	vm11 =	vgt.s32 v18, $0xFFFFFFFF  }
0x2af: {  	v38 =	vld [tilespmem:s2+$0xE4F0];
	v39 =	vand.u32 $0x7FFFFFFF, v18;
	vm10 =	vmand vm10, vm11;
	vm11 =	vgt.s32 v23, $0xFFFFF  }
0x2b0: {  	v40 =	vld [tilespmem:s2+$0xE490];
	vm12 =	vne.s32 v34, $0xFFFFFFFF;
	v23 =	vsel vm11, v49, v23;
	vm11 =	vlt.s32 v39, v33  }
0x2b1: {  	v24 =	vld [tilespmem:s2+$0xDEE0];
	vm13 =	vmand vm2, vm10;
	v33 =	vsel vm11, v39, v33;
	vm11 =	vne.s32 v36, $0xFFFFFFFF  }
0x2b2: {  	v20 =	vld [tilespmem:s2+$0xDEF0];
	vm2 =	vmand vm11, vm10;
	v33 =	vsel vm13, v33, v39;
	vm10 =	vgt.s32 v48, $0xFFFFFFFF  }
0x2b3: {  	v35 =	vand.u32 $0x7FFFFFFF, v48;
	vm11 =	vlt.s32 v33, v36;
	vm10 =	vmand vm12, vm10  }
0x2b4: {  	v51 =	vld [tilespmem:s2+$0xE8E0];
	vm12 =	veq.f32 v38, v32;
	v36 =	vsel vm11, v33, v36;
	vm11 =	vlt.s32 v35, v34  }
0x2b5: {  	v50 =	vld [tilespmem:s2+$0xDCE0];
	v34 =	vsel vm11, v35, v34;
	vm11 =	veq.f32 v40, v28;
	v28 =	vimm.s32 $0x0  }
0x2b6: {  	v52 =	vld [tilespmem:s2+$0xE4E0];
	vm4 =	vne.s32 v24, $0xFFFFFFFF;
	v28 =	vsel vm11, $0xFFFFFFFF, v28;
	vm11 =	vmand vm12, vm10  }
0x2b7: {  	v54 =	vld [tilespmem:s2+$0xE8D0];
	vm7 =	vne.s32 v20, $0xFFFFFFFF;
	vm5 =	vmand vm5, vm2;
	v34 =	vsel vm11, v34, v35  }
0x2b8: {  	v53 =	vsel vm5, v36, v33;
	vm5 =	vmand vm7, vm10;
	[tilespmem:$0x1FFB0] =	vst v28;
	v28 =	vld [tilespmem:s2+$0xDCD0];
	vm7 =	vlt.s32 v34, v20  }
0x2b9: {  	v32 =	vand.u32 $0x7FFFFFFF, v51;
	vm6 =	vmand vm6, vm5;
	v20 =	vsel vm7, v34, v20  }
0x2ba: {  	v55 =	vld [tilespmem:s2+$0xE4D0];
	vm10 =	vne.s32 v50, $0xFFFFFFFF;
	vm7 =	vgt.s32 v51, $0xFFFFFFFF;
	v34 =	vsel vm6, v20, v34  }
0x2bb: {  	v56 =	vld [tilespmem:s2+$0xE4A0];
	vm6 =	veq.f32 v52, v31;
	vm7 =	vmand vm10, vm7;
	vm10 =	vlt.s32 v32, v50  }
0x2bc: {  	v62 =	vld [tilespmem:s2+$0xE8B0];
	v31 =	vsel vm10, v32, v50;
	vm11 =	vmand vm6, vm7;
	vm6 =	vmand vm4, vm7  }
0x2bd: {  	v20 =	vld [tilespmem:s2+$0xDEA0];
	vm4 =	vgt.s32 v54, $0xFFFFFFFF;
	vm10 =	vne.s32 v28, $0xFFFFFFFF;
	v31 =	vsel vm11, v31, v32  }
0x2be: {  	v18 =	vld [tilespmem:s2+$0xDEB0];
	v33 =	vand.u32 $0x7FFFFFFF, v54;
	vm7 =	vlt.s32 v31, v24;
	vm4 =	vmand vm10, vm4  }
0x2bf: {  	v57 =	vld [tilespmem:s2+$0xDCC0];
	vm10 =	veq.f32 v55, v30;
	v30 =	vsel vm7, v31, v24;
	vm7 =	vlt.s32 v33, v28  }
0x2c0: {  	v58 =	vld [tilespmem:s2+$0xE8C0];
	v24 =	vsel vm7, v33, v28;
	vm7 =	veq.f32 v56, v25;
	v25 =	vimm.s32 $0x0  }
0x2c1: {  	v37 =	vand.u32 $0x7FFFFFFF, v62;
	v25 =	vsel vm7, $0xFFFFFFFF, v25;
	vm7 =	vmand vm10, vm4  }
0x2c2: {  	v59 =	vld [tilespmem:s2+$0xE4C0];
	v33 =	vsel vm7, v24, v33;
	vm7 =	vne.s32 v20, $0xFFFFFFFF;
	v24 =	vimm.s32 $0x0  }
0x2c3: {  	v60 =	vld [tilespmem:s2+$0xE4B0];
	vm13 =	vne.s32 v18, $0xFFFFFFFF;
	v24 =	vsel vm7, $0xFFFFFFFF, v24;
	vm7 =	vmand vm8, vm6  }
0x2c4: {  	vm9 =	vmand vm9, vm4;
	vm4 =	vlt.s32 v33, v27;
	v61 =	vsel vm7, v30, v31  }
0x2c5: {  	vm7 =	vne.s32 v57, $0xFFFFFFFF;
	v27 =	vsel vm4, v33, v27;
	vm4 =	vgt.s32 v58, $0xFFFFFFFF  }
0x2c6: {  	vm3 =	vmand vm3, vm9;
	[tilespmem:$0x1FFC0] =	vst v25;
	v25 =	vld [tilespmem:s2+$0xDCA0];
	v30 =	vand.u32 $0x7FFFFFFF, v58;
	vm4 =	vmand vm7, vm4  }
0x2c7: {  	[tilespmem:$0x1FFD0] =	vst v24;
	v24 =	vld [tilespmem:s2+$0xDE90];
	vm7 =	veq.f32 v59, v29;
	v27 =	vsel vm3, v27, v33;
	vm3 =	vlt.s32 v30, v57  }
0x2c8: {  	v29 =	vsel vm3, v30, v57;
	vm3 =	veq.f32 v60, v26;
	v26 =	vimm.s32 $0x0  }
0x2c9: {  	v28 =	vld [tilespmem:s2+$0xDCB0];
	v31 =	vimm.s32 $0x0;
	v33 =	vsel vm2, $0x1, v2;
	v26 =	vsel vm3, $0xFFFFFFFF, v26  }
0x2ca: {  	v63 =	vor.u32 $0x80000000, v61;
	vm11 =	vmand vm1, vm4;
	v32 =	vor.u32 $0x80000000, v27;
	[tilespmem:$0x1FFE0] =	vst v26;
	v26 =	vld [tilespmem:s2+$0xDC90]  }
0x2cb: {  	vm3 =	vmand vm7, vm4;
	vm10 =	vne.s32 v25, $0xFFFFFFFF;
	vm4 =	vmand vm0, vm11  }
0x2cc: {  	vm0 =	vgt.s32 v62, $0xFFFFFFFF;
	v36 =	vsel vm3, v29, v30;
	vm1 =	vne.s32 v24, $0xFFFFFFFF  }
0x2cd: {  	v29 =	vor.u32 $0x80000000, v53;
	vm8 =	vlt.s32 v36, v9;
	v31 =	vsel vm1, $0xFFFFFFFF, v31  }
0x2ce: {  	vm1 =	vne.s32 v28, $0xFFFFFFFF;
	[tilespmem:$0x1FFF0] =	vst v31;
	v31 =	vsel vm2, v53, v29;
	v29 =	vor.u32 $0x80000000, v34  }
0x2cf: {  	s26 =	simm.s32 $0x200;
	v30 =	vsel vm5, v34, v29;
	v29 =	vsel vm6, v61, v63;
	v34 =	vld [tilespmem:s2+$0xE8A0];
	vm15 =	vne.s32 v26, $0xFFFFFFFF  }
.LBB2_20:
0x2d0: {  	v9 =	vsel vm8, v36, v9;
	v38 =	vld [tilespmem:$0x1FFE0]  }
0x2d1: {  	v9 =	vsel vm4, v9, v36  }
0x2d2: {  	v47 =	vor.u32 $0x80000000, v9  }
0x2d3: {  	v42 =	vsel vm11, v9, v47;
	v9 =	vld [tilespmem:$0x1FFA0];
	_ =	sdelay $0x1  }
0x2d4: {  	vm0 =	vmand vm1, vm0;
	vm1 =	vlt.s32 v37, v28;
	vm3 =	vnez.u8 v38  }
0x2d5: {  	v28 =	vsel vm1, v37, v28;
	vm3 =	vmand vm3, vm0  }
0x2d6: {  	v28 =	vsel vm3, v28, v37  }
0x2d7: {  	vm0 =	vmand vm13, vm0;
	vm1 =	vlt.s32 v28, v18;
	vm4 =	vnez.u8 v9  }
0x2d8: {  	vm4 =	vmand vm4, vm0;
	v9 =	vsel vm1, v28, v18  }
0x2d9: {  	v28 =	vsel vm4, v9, v28;
	v9 =	vld [tilespmem:$0x1FFC0];
	_ =	sdelay $0x2  }
0x2da: {  	v18 =	vand.u32 $0x7FFFFFFF, v34  }
0x2db: {  	vm3 =	vgt.s32 v34, $0xFFFFFFFF;
	vm4 =	vlt.s32 v18, v25  }
0x2dc: {  	vm1 =	vmand vm10, vm3;
	vm3 =	vnez.u8 v9;
	v9 =	vsel vm4, v18, v25;
	v25 =	vld [tilespmem:$0x1FFD0];
	_ =	sdelay $0x2  }
0x2dd: {  	v41 =	vld [tilespmem:s2+$0xE890];
	_ =	sdelay $0x1  }
0x2de: {  	vm8 =	vnez.u8 v25;
	v25 =	vld [tilespmem:$0x1FFB0];
	_ =	sdelay $0x2  }
0x2df: {  	v32 =	vsel vm9, v27, v32;
	vm7 =	vgt.s32 v41, $0xFFFFFFFF;
	v27 =	vand.u32 $0x7FFFFFFF, v41  }
0x2e0: {  	vm4 =	vmand vm15, vm7;
	vm7 =	vlt.s32 v27, v26;
	vm3 =	vmand vm3, vm1  }
0x2e1: {  	s9 =	sshra.s32 s26, $0x2;
	vm1 =	vmand vm8, vm1;
	vm8 =	vnez.u8 v25;
	v25 =	vsel vm7, v27, v26;
	v26 =	vld [tilespmem:$0x1FF90]  }
0x2e2: {  	v35 =	vld [tilespmem:s9+$0xE680]  }
0x2e3: {  	v48 =	vld [tilespmem:s9+$0xE690]  }
0x2e4: {  	v49 =	vld [tilespmem:s9+$0xE6A0]  }
0x2e5: {  	v50 =	vld [tilespmem:s9+$0xE6B0]  }
0x2e6: {  	v18 =	vsel vm3, v9, v18;
	vm3 =	vnez.u8 v26;
	v26 =	vld [tilespmem:$0x1FFF0]  }
0x2e7: {  	v39 =	vld [tilespmem:s9+$0xE6C0]  }
0x2e8: {  	v40 =	vld [tilespmem:s9+$0xE6D0]  }
0x2e9: {  	v52 =	vld [tilespmem:s9+$0xE6E0];
	vm8 =	vmand vm8, vm4  }
0x2ea: {  	v43 =	vld [tilespmem:s9+$0xE6F0];
	[tilespmem:s2+$0xE880] =	vst v31;
	v51 =	vor.u32 $0x80000000, v28;
	v25 =	vsel vm8, v25, v27  }
0x2eb: {  	v9 =	vld [tilespmem:s9+$0xDEC0];
	[tilespmem:s2+$0xE8F0] =	vst v30;
	vm8 =	vlt.s32 v18, v20;
	vm7 =	vmand vm3, vm1;
	vm3 =	vnez.u8 v26  }
0x2ec: {  	v27 =	vld [tilespmem:s9+$0xDED0];
	[tilespmem:s2+$0xE8E0] =	vst v29;
	v20 =	vsel vm8, v18, v20;
	vm3 =	vmand vm3, vm4;
	vm4 =	vlt.s32 v25, v24  }
0x2ed: {  	v29 =	vld [tilespmem:s9+$0xDEE0];
	[tilespmem:s2+$0xE8D0] =	vst v32;
	v20 =	vsel vm7, v20, v18;
	vm8 =	vmand vm14, vm3;
	v24 =	vsel vm4, v25, v24  }
0x2ee: {  	v30 =	vld [tilespmem:s9+$0xDEF0];
	[tilespmem:s2+$0xE8C0] =	vst v42;
	v26 =	vsel vm0, v28, v51;
	v24 =	vsel vm8, v24, v25;
	v25 =	vor.u32 $0x80000000, v20  }
0x2ef: {  	v18 =	vld [tilespmem:s9+$0xDEB0];
	[tilespmem:s2+$0xE8B0] =	vst v26;
	v28 =	vor.u32 $0x80000000, v24;
	v20 =	vsel vm1, v20, v25  }
0x2f0: {  	v31 =	vld [tilespmem:s9+$0xE480];
	v24 =	vsel vm3, v24, v28;
	[tilespmem:s2+$0xE8A0] =	vst v20  }
0x2f1: {  	v53 =	vld [tilespmem:s9+$0xD480];
	[tilespmem:s2+$0xE890] =	vst v24  }
0x2f2: {  	v14 =	vadd.s32 v33, v14;
	v25 =	vsel vm3, $0x1, v2;
	v42 =	vld [tilespmem:s9+$0xE490]  }
0x2f3: {  	v17 =	vsel vm5, v23, v17;
	v20 =	vsel vm1, $0x1, v2;
	v14 =	vadd.s32 v25, v14;
	v44 =	vld [tilespmem:s9+$0xD490]  }
0x2f4: {  	v15 =	vsel vm6, v22, v15;
	v14 =	vadd.s32 v20, v14;
	v20 =	vld [tilespmem:s9+$0xDEA0];
	[tilespmem:s2+$0xD6F0] =	vst v17  }
0x2f5: {  	v12 =	vsel vm9, v21, v12;
	v17 =	vld [tilespmem:s9+$0xE4A0];
	[tilespmem:s2+$0xD6E0] =	vst v15  }
0x2f6: {  	v10 =	vsel vm11, v19, v10;
	v15 =	vld [tilespmem:s9+$0xD4A0];
	[tilespmem:s2+$0xD6D0] =	vst v12  }
0x2f7: {  	v4 =	vsel vm2, v7, v4;
	v8 =	vsel vm0, v16, v8;
	v24 =	vsel vm0, $0x1, v2;
	v12 =	vld [tilespmem:s9+$0xE4B0];
	[tilespmem:s2+$0xD6C0] =	vst v10  }
0x2f8: {  	v6 =	vsel vm1, v13, v6;
	v25 =	vsel vm11, $0x1, v2;
	v14 =	vadd.s32 v24, v14;
	v7 =	vld [tilespmem:s9+$0xD4B0];
	[tilespmem:s2+$0xD6B0] =	vst v8  }
0x2f9: {  	v26 =	vsel vm9, $0x1, v2;
	v5 =	vsel vm3, v11, v5;
	v14 =	vadd.s32 v25, v14;
	v8 =	vld [tilespmem:s9+$0xE4C0];
	[tilespmem:s2+$0xD6A0] =	vst v6  }
0x2fa: {  	v23 =	vsel vm5, $0x1, v2;
	v28 =	vsel vm6, $0x1, v2;
	v14 =	vadd.s32 v26, v14;
	v6 =	vld [tilespmem:s9+$0xD4C0];
	[tilespmem:s2+$0xD690] =	vst v5  }
0x2fb: {  	v11 =	vadd.s32 v28, v14;
	v10 =	vld [tilespmem:s9+$0xE4D0];
	[tilespmem:s2+$0xD680] =	vst v4;
	s2 =	smov.u32 s9;
	vm0 =	veq.f32 v49, v15;
	v4 =	vimm.s32 $0x0  }
0x2fc: {  	v14 =	vadd.s32 v23, v11;
	v11 =	vld [tilespmem:s2+$0xD4D0];
	v4 =	vsel vm0, $0xFFFFFFFF, v4  }
0x2fd: {  	[tilespmem:$0x1FF90] =	vst v4;
	vm0 =	veq.f32 v50, v7;
	v4 =	vimm.s32 $0x0  }
0x2fe: {  	v4 =	vsel vm0, $0xFFFFFFFF, v4  }
0x2ff: {  	[tilespmem:$0x1FFA0] =	vst v4;
	vm0 =	veq.f32 v39, v6;
	v4 =	vimm.s32 $0x0  }
0x300: {  	v16 =	vld [tilespmem:s2+$0xD4E0];
	v4 =	vsel vm0, $0xFFFFFFFF, v4  }
0x301: {  	[tilespmem:$0x1FF80] =	vst v4;
	vm0 =	veq.f32 v40, v11;
	v4 =	vimm.s32 $0x0  }
0x302: {  	v21 =	vld [tilespmem:s2+$0xD4F0];
	v4 =	vsel vm0, $0xFFFFFFFF, v4  }
0x303: {  	vm0 =	vne.s32 v9, $0xFFFFFFFF;
	[tilespmem:$0x1FF40] =	vst v4;
	v4 =	vimm.s32 $0x0  }
0x304: {  	v4 =	vsel vm0, $0xFFFFFFFF, v4  }
0x305: {  	vm0 =	veq.f32 v52, v16;
	[tilespmem:$0x1FF70] =	vst v4;
	v4 =	vimm.s32 $0x0  }
0x306: {  	v4 =	vsel vm0, $0xFFFFFFFF, v4  }
0x307: {  	v13 =	vld [tilespmem:s2+$0xE4E0];
	vm0 =	veq.f32 v43, v21;
	[tilespmem:$0x1FF00] =	vst v4;
	v4 =	vimm.s32 $0x0  }
0x308: {  	v19 =	vld [tilespmem:s2+$0xE4F0];
	v4 =	vsel vm0, $0xFFFFFFFF, v4  }
0x309: {  	v24 =	vld [tilespmem:s2+$0xDE90];
	vm0 =	vne.s32 v27, $0xFFFFFFFF;
	[tilespmem:$0x1FED0] =	vst v4;
	v4 =	vimm.s32 $0x0  }
0x30a: {  	v25 =	vld [tilespmem:s2+$0xDCA0];
	v4 =	vsel vm0, $0xFFFFFFFF, v4  }
0x30b: {  	v28 =	vld [tilespmem:s2+$0xDCB0];
	vm0 =	vne.s32 v29, $0xFFFFFFFF;
	[tilespmem:$0x1FF30] =	vst v4;
	v4 =	vimm.s32 $0x0  }
0x30c: {  	v5 =	vimm.s32 $0x0;
	v32 =	vld [tilespmem:s2+$0xDCC0];
	v4 =	vsel vm0, $0xFFFFFFFF, v4;
	vm0 =	veq.f32 v42, v44  }
0x30d: {  	v34 =	vld [tilespmem:s2+$0xDCD0];
	v5 =	vsel vm0, $0xFFFFFFFF, v5  }
0x30e: {  	v54 =	vld [tilespmem:s2+$0xDCE0];
	vm0 =	veq.f32 v17, v15;
	[tilespmem:$0x1FFB0] =	vst v5;
	v5 =	vimm.s32 $0x0  }
0x30f: {  	vm4 =	vne.s32 v18, $0xFFFFFFFF;
	vm11 =	vne.s32 v30, $0xFFFFFFFF;
	v55 =	vld [tilespmem:s2+$0xDCF0];
	v5 =	vsel vm0, $0xFFFFFFFF, v5  }
0x310: {  	vm9 =	veq.f32 v35, v53;
	v56 =	vld [tilespmem:s2+$0xDE80];
	vm0 =	vne.s32 v20, $0xFFFFFFFF;
	[tilespmem:$0x1FFC0] =	vst v5;
	v5 =	vimm.s32 $0x0  }
0x311: {  	vm10 =	veq.f32 v31, v53;
	vm6 =	veq.f32 v48, v44;
	v31 =	vld [tilespmem:s2+$0xDC80];
	v5 =	vsel vm0, $0xFFFFFFFF, v5  }
0x312: {  	v23 =	vld [tilespmem:s2+$0xE880];
	vm5 =	vne.s32 v25, $0xFFFFFFFF;
	vm0 =	veq.f32 v12, v7;
	[tilespmem:$0x1FFD0] =	vst v5;
	v5 =	vimm.s32 $0x0  }
0x313: {  	v46 =	vld [tilespmem:s2+$0xE8D0];
	v5 =	vsel vm0, $0xFFFFFFFF, v5;
	vm0 =	veq.f32 v8, v6;
	v6 =	vimm.s32 $0x0  }
0x314: {  	vm7 =	veq.f32 v19, v21;
	vm1 =	vne.s32 v28, $0xFFFFFFFF;
	v43 =	vld [tilespmem:s2+$0xE8E0];
	v6 =	vsel vm0, $0xFFFFFFFF, v6  }
0x315: {  	v60 =	vld [tilespmem:s2+$0xE8F0];
	vm8 =	vne.s32 v54, $0xFFFFFFFF;
	vm0 =	veq.f32 v10, v11;
	[tilespmem:$0x1FF60] =	vst v6;
	v6 =	vimm.s32 $0x0  }
0x316: {  	vm12 =	vne.s32 v55, $0xFFFFFFFF;
	vm2 =	vne.s32 v56, $0xFFFFFFFF;
	[tilespmem:$0x1FEF0] =	vst v4;
	v15 =	vld [tilespmem:s2+$0xD6E0];
	v6 =	vsel vm0, $0xFFFFFFFF, v6  }
0x317: {  	vm3 =	vne.s32 v31, $0xFFFFFFFF;
	v4 =	vld [tilespmem:s2+$0xD680];
	vm0 =	veq.f32 v13, v16;
	[tilespmem:$0x1FF20] =	vst v6;
	v6 =	vimm.s32 $0x0  }
0x318: {  	v63 =	vand.u32 $0x7FFFFFFF, v23;
	v37 =	vand.u32 $0x7FFFFFFF, v46;
	v12 =	vld [tilespmem:s2+$0xD6D0];
	v6 =	vsel vm0, $0xFFFFFFFF, v6  }
0x319: {  	v48 =	vand.u32 $0x7FFFFFFF, v43;
	v8 =	vld [tilespmem:s2+$0xD6B0];
	vm0 =	vne.s32 v24, $0xFFFFFFFF;
	[tilespmem:$0x1FEE0] =	vst v6;
	v6 =	vimm.s32 $0x0  }
0x31a: {  	v7 =	vimm.s32 $0x0;
	[tilespmem:$0x1FFE0] =	vst v5;
	v5 =	vld [tilespmem:s2+$0xD690];
	v6 =	vsel vm0, $0xFFFFFFFF, v6;
	vm0 =	vne.s32 v32, $0xFFFFFFFF  }
0x31b: {  	v42 =	vand.u32 $0x7FFFFFFF, v60;
	v58 =	vadd.s32 $0x2, v15;
	[tilespmem:$0x1FFF0] =	vst v6;
	v6 =	vld [tilespmem:s2+$0xD6A0];
	v7 =	vsel vm0, $0xFFFFFFFF, v7  }
0x31c: {  	v59 =	vadd.s32 $0xFFF00002, v15;
	vm0 =	vne.s32 v34, $0xFFFFFFFF;
	[tilespmem:$0x1FF50] =	vst v7;
	v7 =	vimm.s32 $0x0  }
0x31d: {  	vm14 =	vgt.s32 v58, $0xFFFFF;
	v11 =	vadd.s32 $0xFFF00002, v4;
	v7 =	vsel vm0, $0xFFFFFFFF, v7  }
0x31e: {  	v10 =	vld [tilespmem:s2+$0xD6C0];
	v22 =	vadd.s32 $0x2, v12;
	v57 =	vadd.s32 $0xFFF00002, v12;
	[tilespmem:$0x1FF10] =	vst v7;
	v7 =	vadd.s32 $0x2, v4  }
0x31f: {  	v19 =	vadd.s32 $0xFFF00002, v8;
	v13 =	vadd.s32 $0xFFF00002, v5;
	vm15 =	vgt.s32 v7, $0xFFFFF  }
0x320: {  	v26 =	vld [tilespmem:s2+$0xDC90];
	v7 =	vsel vm15, v11, v7;
	v11 =	vadd.s32 $0x2, v5;
	v16 =	vadd.s32 $0x2, v6  }
0x321: {  	v17 =	vadd.s32 $0xFFF00002, v6;
	vm0 =	vgt.s32 v11, $0xFFFFF;
	vm13 =	vgt.s32 v16, $0xFFFFF  }
0x322: {  	v52 =	vld [tilespmem:s2+$0xE8C0];
	v11 =	vsel vm0, v13, v11;
	v13 =	vsel vm13, v17, v16;
	v16 =	vadd.s32 $0x2, v8  }
0x323: {  	v21 =	vadd.s32 $0x2, v10;
	v17 =	vld [tilespmem:s2+$0xD6F0];
	vm13 =	vgt.s32 v22, $0xFFFFF;
	vm0 =	vgt.s32 v16, $0xFFFFF  }
0x324: {  	v16 =	vsel vm0, v19, v16;
	vm0 =	vgt.s32 v21, $0xFFFFF;
	v19 =	vadd.s32 $0xFFF00002, v10  }
0x325: {  	vm15 =	vne.s32 v26, $0xFFFFFFFF;
	v19 =	vsel vm0, v19, v21;
	v21 =	vsel vm13, v57, v22  }
0x326: {  	v22 =	vsel vm14, v59, v58;
	vm14 =	vmmov vm6;
	vm0 =	vgt.s32 v23, $0xFFFFFFFF  }
0x327: {  	vm13 =	vlt.s32 v63, v31;
	v59 =	vand.u32 $0x7FFFFFFF, v52;
	vm0 =	vmand vm3, vm0  }
0x328: {  	v31 =	vsel vm13, v63, v31;
	vm13 =	vmmov vm4;
	v61 =	vadd.s32 $0x2, v17  }
0x329: {  	v53 =	vld [tilespmem:$0x1FF10];
	v62 =	vadd.s32 $0xFFF00002, v17;
	vm2 =	vmand vm2, vm0;
	vm0 =	vmand vm10, vm0  }
0x32a: {  	v47 =	vld [tilespmem:$0x1FED0];
	vm10 =	vlt.s32 v42, v55;
	vm3 =	vgt.s32 v61, $0xFFFFF;
	v31 =	vsel vm0, v31, v63  }
0x32b: {  	v49 =	vld [tilespmem:$0x1FEE0];
	vm0 =	vgt.s32 v60, $0xFFFFFFFF;
	v36 =	vsel vm10, v42, v55;
	vm10 =	vmmov vm5  }
0x32c: {  	v33 =	vsel vm2, $0x1, v2;
	v23 =	vsel vm3, v62, v61;
	vm4 =	vlt.s32 v31, v56  }
0x32d: {  	vm3 =	vmand vm9, vm2;
	vm0 =	vmand vm12, vm0;
	v44 =	vsel vm4, v31, v56  }
0x32e: {  	v50 =	vld [tilespmem:$0x1FEF0];
	vm4 =	vmand vm7, vm0;
	vm5 =	vmand vm11, vm0;
	vm7 =	vnez.u8 v53  }
0x32f: {  	v31 =	vsel vm3, v44, v31;
	v36 =	vsel vm4, v36, v42;
	vm3 =	vnez.u8 v47  }
0x330: {  	v51 =	vld [tilespmem:$0x1FF00];
	vm4 =	vnez.u8 v49;
	v45 =	vor.u32 $0x80000000, v31;
	vm0 =	vlt.s32 v36, v30  }
0x331: {  	vm3 =	vmand vm3, vm5;
	v31 =	vsel vm2, v31, v45;
	v30 =	vsel vm0, v36, v30  }
0x332: {  	v55 =	vld [tilespmem:$0x1FF30];
	vm0 =	vgt.s32 v43, $0xFFFFFFFF;
	v30 =	vsel vm3, v30, v36;
	vm3 =	vlt.s32 v48, v54  }
0x333: {  	vm0 =	vmand vm8, vm0;
	v35 =	vsel vm3, v48, v54;
	vm3 =	vnez.u8 v50;
	v54 =	vld [tilespmem:$0x1FF20]  }
0x334: {  	v36 =	vor.u32 $0x80000000, v30;
	vm4 =	vmand vm4, vm0;
	vm6 =	vmand vm3, vm0  }
0x335: {  	v58 =	vld [tilespmem:$0x1FF40];
	v35 =	vsel vm4, v35, v48;
	vm0 =	vnez.u8 v51;
	v30 =	vsel vm5, v30, v36  }
0x336: {  	vm3 =	vgt.s32 v46, $0xFFFFFFFF;
	vm0 =	vmand vm0, vm6;
	vm4 =	vlt.s32 v35, v29  }
0x337: {  	v60 =	vld [tilespmem:$0x1FF50];
	vm3 =	vmand vm7, vm3;
	vm7 =	vlt.s32 v37, v34;
	v29 =	vsel vm4, v35, v29  }
0x338: {  	v61 =	vld [tilespmem:$0x1FF60];
	v29 =	vsel vm0, v29, v35;
	vm0 =	vnez.u8 v55;
	vm4 =	vnez.u8 v54  }
0x339: {  	v62 =	vld [tilespmem:$0x1FF70];
	v34 =	vsel vm7, v37, v34;
	vm9 =	vmand vm0, vm3;
	vm4 =	vmand vm4, vm3  }
0x33a: {  	v57 =	vld [tilespmem:s2+$0xE8B0];
	v56 =	vor.u32 $0x80000000, v29;
	vm0 =	vnez.u8 v58;
	v34 =	vsel vm4, v34, v37  }
0x33b: {  	v63 =	vld [tilespmem:$0x1FF80];
	vm0 =	vmand vm0, vm9;
	v29 =	vsel vm6, v29, v56;
	vm3 =	vlt.s32 v34, v27  }
0x33c: {  	p0 =	sne.s32 s26, $0x600;
	vm4 =	vgt.s32 v52, $0xFFFFFFFF;
	v27 =	vsel vm3, v34, v27;
	vm3 =	vnez.u8 v60  }
.Ltmp13:
0x33d: {  	vm3 =	vmand vm3, vm4;
	vm4 =	vlt.s32 v59, v32;
	v27 =	vsel vm0, v27, v34;
	(pc) =	sbr.rel @p0 .LBB2_20-.Ltmp13, $4  }
0x33e: {  	vm0 =	vnez.u8 v61;
	v32 =	vsel vm4, v59, v32;
	vm4 =	vnez.u8 v62  }
0x33f: {  	v37 =	vand.u32 $0x7FFFFFFF, v57;
	vm0 =	vmand vm0, vm3;
	vm11 =	vmand vm4, vm3  }
0x340: {  	v36 =	vsel vm0, v32, v59;
	vm0 =	vnez.u8 v63;
	v32 =	vor.u32 $0x80000000, v27  }
0x341: {  	s26 =	sadd.s32 $0x200, s26;
	v34 =	vld [tilespmem:s2+$0xE8A0];
	vm4 =	vmand vm0, vm11;
	vm0 =	vgt.s32 v57, $0xFFFFFFFF;
	vm8 =	vlt.s32 v36, v9  }
0x342: {  	v35 =	vld [tilespmem:s2+$0xE890]  }
0x343: {  	v38 =	vld [tilespmem:$0x1FFF0]  }
0x344: {  	v63 =	vld [tilespmem:$0x1FFD0];
	_ =	sdelay $0x2  }
0x345: {  	vm12 =	vmand vm1, vm0;
	vm3 =	vgt.s32 v35, $0xFFFFFFFF  }
0x346: {  	vm7 =	vmand vm15, vm3;
	vm3 =	vgt.s32 v34, $0xFFFFFFFF;
	vm15 =	vnez.u8 v38  }
0x347: {  	vm10 =	vmand vm10, vm3;
	vm0 =	vmand vm15, vm7;
	vm15 =	vnez.u8 v63  }
0x348: {  	v14 =	vadd.s32 v33, v14;
	vm1 =	vmand vm15, vm10;
	v39 =	vsel vm0, $0x1, v2  }
0x349: {  	vm3 =	vmand vm13, vm12;
	v14 =	vadd.s32 v39, v14;
	v40 =	vsel vm1, $0x1, v2  }
0x34a: {  	v41 =	vsel vm3, $0x1, v2;
	v14 =	vadd.s32 v40, v14  }
0x34b: {  	v42 =	vsel vm11, $0x1, v2;
	v14 =	vadd.s32 v41, v14  }
0x34c: {  	v43 =	vsel vm9, $0x1, v2;
	v14 =	vadd.s32 v42, v14  }
0x34d: {  	v44 =	vsel vm6, $0x1, v2;
	v14 =	vadd.s32 v43, v14  }
0x34e: {  	v45 =	vsel vm5, $0x1, v2;
	v14 =	vadd.s32 v44, v14  }
0x34f: {  	v14 =	vadd.s32 v45, v14  }
0x350: {  	(v2sf) =	vpush v14, $0x0  }
0x351: {  	(v2sf) =	vpush v14, $0x1  }
0x352: {  	(v2sf) =	vpush v14, $0x2  }
0x353: {  	(v2sf) =	vpush v14, $0x3  }
0x354: {  	(v2sf) =	vpush v14, $0x4  }
0x355: {  	(v2sf) =	vpush v14, $0x5  }
0x356: {  	(v2sf) =	vpush v14, $0x6  }
0x357: {  	(v2sf) =	vpush v14, $0x7  }
0x358: {  	(v2sf) =	vpush v14, $0x8  }
0x359: {  	(v2sf) =	vpush v14, $0x9  }
0x35a: {  	(v2sf) =	vpush v14, $0xA  }
0x35b: {  	v9 =	vsel vm8, v36, v9;
	v48 =	vld [tilespmem:$0x1FFC0];
	(v2sf) =	vpush v14, $0xB  }
0x35c: {  	v46 =	vld [tilespmem:$0x1FFE0];
	v57 =	vsel vm9, v27, v32;
	v61 =	vsel vm5, v23, v17;
	(v2sf) =	vpush v14, $0xC  }
0x35d: {  	v50 =	vld [tilespmem:$0x1FFB0];
	v62 =	vsel vm6, v22, v15;
	v9 =	vsel vm4, v9, v36;
	(v2sf) =	vpush v14, $0xD  }
0x35e: {  	v51 =	vld [tilespmem:$0x1FFA0];
	v12 =	vsel vm9, v21, v12;
	v56 =	vor.u32 $0x80000000, v9;
	(v2sf) =	vpush v14, $0xE  }
0x35f: {  	v4 =	vsel vm2, v7, v4;
	v9 =	vsel vm11, v9, v56;
	s7 =	spop (v2sf);
	(v2sf) =	vpush v14, $0xF  }
0x360: {  	[tilespmem:s2+$0xE880] =	vst v31;
	v55 =	vld [tilespmem:$0x1FF90];
	v47 =	vand.u32 $0x7FFFFFFF, v34;
	vm8 =	vnez.u8 v48;
	v49 =	vand.u32 $0x7FFFFFFF, v35;
	s9 =	spop (v2sf)  }
0x361: {  	[tilespmem:s2+$0xE8F0] =	vst v30;
	vm13 =	vlt.s32 v37, v28;
	v63 =	vsel vm11, v19, v10;
	vm15 =	vnez.u8 v46;
	s7 =	sadd.s32 s9, s7;
	s12 =	spop (v2sf)  }
0x362: {  	[tilespmem:s2+$0xE8E0] =	vst v29;
	v28 =	vsel vm13, v37, v28;
	vm4 =	vmand vm8, vm10;
	vm13 =	vnez.u8 v50;
	s7 =	sadd.s32 s12, s7;
	s14 =	spop (v2sf)  }
0x363: {  	[tilespmem:s2+$0xE8D0] =	vst v57;
	vm10 =	vnez.u8 v51;
	v8 =	vsel vm3, v16, v8;
	vm12 =	vmand vm15, vm12;
	s7 =	sadd.s32 s14, s7;
	s15 =	spop (v2sf)  }
0x364: {  	[tilespmem:s2+$0xD6F0] =	vst v61;
	v5 =	vsel vm0, v11, v5;
	vm7 =	vmand vm13, vm7;
	v28 =	vsel vm12, v28, v37;
	s7 =	sadd.s32 s15, s7;
	s16 =	spop (v2sf)  }
0x365: {  	[tilespmem:s2+$0xD6E0] =	vst v62;
	vm13 =	vnez.u8 v55;
	vm12 =	vlt.s32 v47, v25;
	vm15 =	vlt.s32 v28, v18;
	s7 =	sadd.s32 s16, s7;
	s18 =	spop (v2sf)  }
0x366: {  	[tilespmem:s2+$0xD6D0] =	vst v12;
	v25 =	vsel vm12, v47, v25;
	v18 =	vsel vm15, v28, v18;
	vm15 =	vlt.s32 v49, v26;
	s7 =	sadd.s32 s18, s7;
	s26 =	spop (v2sf)  }
0x367: {  	[tilespmem:s2+$0xD680] =	vst v4;
	v25 =	vsel vm4, v25, v47;
	vm4 =	vmand vm10, vm3;
	v26 =	vsel vm15, v49, v26;
	s7 =	sadd.s32 s26, s7;
	s10 =	spop (v2sf)  }
0x368: {  	[tilespmem:s2+$0xE8C0] =	vst v9;
	v52 =	vsel vm4, v18, v28;
	vm12 =	vlt.s32 v25, v20;
	v26 =	vsel vm7, v26, v49;
	s7 =	sadd.s32 s10, s7;
	s11 =	spop (v2sf)  }
0x369: {  	[tilespmem:s2+$0xD6C0] =	vst v63;
	vm4 =	vmand vm13, vm1;
	v53 =	vsel vm12, v25, v20;
	vm7 =	vlt.s32 v26, v24;
	s7 =	sadd.s32 s11, s7;
	s12 =	spop (v2sf)  }
0x36a: {  	[tilespmem:s2+$0xD6B0] =	vst v8;
	vm15 =	vmand vm14, vm0;
	v18 =	vsel vm4, v53, v25;
	v54 =	vsel vm7, v26, v24;
	s7 =	sadd.s32 s12, s7;
	s14 =	spop (v2sf)  }
.Ltmp14:
0x36b: {  	v6 =	vsel vm1, v13, v6;
	[tilespmem:s2+$0xD690] =	vst v5;
	v59 =	vor.u32 $0x80000000, v18;
	v20 =	vsel vm15, v54, v26;
	s7 =	sadd.s32 s14, s7;
	s15 =	spop (v2sf);
	(pc) =	sbr.rel .LBB2_22-.Ltmp14, $4  }
0x36c: {  	[tilespmem:s2+$0xD6A0] =	vst v6;
	v18 =	vsel vm1, v18, v59;
	v60 =	vor.u32 $0x80000000, v20;
	s7 =	sadd.s32 s15, s7;
	s16 =	spop (v2sf)  }
0x36d: {  	v58 =	vor.u32 $0x80000000, v52;
	[tilespmem:s2+$0xE8A0] =	vst v18;
	v9 =	vsel vm0, v20, v60;
	s7 =	sadd.s32 s16, s7;
	s18 =	spop (v2sf)  }
0x36e: {  	[tilespmem:s2+$0xE890] =	vst v9;
	v14 =	vsel vm3, v52, v58;
	s7 =	sadd.s32 s18, s7;
	s26 =	spop (v2sf)  }
0x36f: {  	[tilespmem:s2+$0xE8B0] =	vst v14;
	s2 =	sadd.s32 s26, s7  }
.LBB2_23:
0x370: {  	s2 =	simm.s32 $0x0;
	s5 =	simm.s32 $0x40  }
.LBB2_24:
0x371: {  	p0 =	sne.s32 s5, $0x7C0;
	v4 =	vld [tilespmem:s2+$0xE880];
	_ =	sdelay $0x2  }
.Ltmp15:
0x372: {  	(pc) =	sbr.rel @p0 .LBB2_24-.Ltmp15, $4  }
0x373: {  	_ = 	snop  }
0x374: {  	v4 =	vand.u32 $0x7FFFFFFF, v4  }
0x375: {  	v4 =	vmin.u32 v4, $0x1869F  }
0x376: {  	[tilespmem:s2+$0xE880] =	vst v4;
	s2 =	sshra.s32 s5, $0x2;
	s5 =	sadd.s32 $0x40, s5  }
0x377: {  	v4 =	vld [tilespmem:s2+$0xE880];
	_ =	sdelay $0x4  }
0x378: {  	v4 =	vand.u32 $0x7FFFFFFF, v4  }
0x379: {  	s15 =	rddreg [dreg:$0x2];
	v4 =	vmin.u32 v4, $0x1869F  }
0x37a: {  	s5 =	simm.s32 $0x200;
	s7 =	simm.s32 $0xE880;
	s9 =	simm.s32 $0xEA80;
	[tilespmem:s2+$0xE880] =	vst v4  }
0x37b: {  	[tilespmem:s9], [sflag:$0x1] =	stream.indirect.gather [hbm4b:s15+s5], $0x1, s7, s5, $0xb8;
	[tilespmem:$0x1EC98] =	vst v63  }
0x37c: {  	_ =	swait.ge [sflag:s17], $0x200  }
0x37d: {  	[sflag:s17] =	ssyncset.done $0x0  }
0x37e: {  	s18 =	simm.s32 $0x80;
	s16 =	rddreg [dreg:$0xd];
	[sflag:s17] =	ssyncadd.s32 $0xFFFFFE00  }
0x37f: {  	[hbm4b:s16+s18] =	stream.strided.scatter [tilespmem:s9], [sflag:$0x1], $0x200, s28, s18, $0x38;
	[tilespmem:$0x1EC98] =	vst v63  }
0x380: {  	_ =	swait.ge [sflag:s17], $0x200  }
0x381: {  	s6 =	sadd.s32 $0x1, s6;
	s26 =	rddreg [dreg:$0xe]  }
0x382: {  	p0 =	sne.s32 s6, s26  }
.Ltmp16:
0x383: {  	_ = 	snop;
	(pc) =	sbr.rel @p0 .LBB2_1-.Ltmp16, $3  }
0x384: {  	_ =	sdelay $0x1  }
0x385: {  	[sflag:s17] =	ssyncset.done $0x0  }
0x386: {  	[sflag:s17] =	ssyncadd.s32 $0xFFFFFE00  }
0x387: {  	_ =	sfence.sel $0x180000  }
0x388: {  	[bflag:$0x0] =	sbarrier.arrive $0xFFFF  }
0x389: {  	_ =	strace $0x90000047  }
0x38a: {  	s0 =	stileid.u32;
	[bflag:$0x2] =	sbarrier.arrive $0xFFFF  }
0x38b: {  	p0 =	sne.s32 s0, $0x0;
	s0 =	rddreg [dreg:$0x6]  }
0x38c: {  	s0 =	sadd.s32 @!p0 $0x100000, s0  }
0x38d: {  	[sflag:s0] =	ssyncadd.tile.s32 @!p0 $0x1;
	_ =	shalt  }
.Lfunc_end2:
_tile_overlayer_lowered:
.L_overlay_start_2:
0x38e: {  	(tag) =	ssettag $0x2  }
0x38f: {  	s0 =	rddreg [dreg:$0x0];
	s2 =	stileid.u32  }
0x390: {  	s1 =	rddreg [dreg:$0x1];
	p0 =	sne.s32 s2, $0x0  }
0x391: {  	s3 =	rddreg [dreg:$0x2];
	[bflag:$0x3] =	sbarrier.arrive $0xFFFF;
	s2 =	simm.s32 @!p0 $0x1C01  }
0x392: {  	[timem:s3], [sflag:s2] =	dma.local @!p0 [hbm:s0], s1  }
0x393: {  	s0 =	simm.s32 @!p0 $0x1  }
0x394: {  	_ =	swait.ge @!p0 [sflag:s0], s1  }
0x395: {  	s1 =	ssub.s32 @!p0 $0x0, s1;
	[sflag:s0] =	ssyncset.done @!p0 $0x0  }
0x396: {  	[sflag:s0] =	ssyncadd.s32 @!p0 s1  }
0x397: {  	[bflag:$0x3] =	sbarrier.arrive $0xFFFF  }
0x398: {  	_ =	shalt  }

</sc_bundles>
